<compile_context>
chip_gen: v7x
topology: tpu7x:2x2x1
jax: 0.10.2.dev20260603
libtpu: 0.0.44.dev20260713+nightly
codegen_flags: <defaults>
</compile_context>

<pallas_src>
import functools

import jax
import jax.numpy as jnp
from jax import lax
from jax.experimental import pallas as pl
from jax.experimental.pallas import tpu as pltpu
from jax.experimental.pallas import tpu_sc as plsc

N = 10000
E = 320000
D = 128
R = 8

NC = 2
NS = 16
NW = NC * NS
EP = E // NW
CK = 40
UNPACK_OFFS = tuple(range(0, CK - 15, 16)) + ((CK - 16,) if CK % 16 else ())
NCHUNK = EP // CK
NBUF = 8
NBLK = NCHUNK // NBUF
NREM = NCHUNK - NBLK * NBUF
NP = 10112
RPS = NP // NS
ZR = 8

BN = 2000
NB = N // BN


def _gidx_body(et_ref, src_ref, dst_ref, o_ref):
    gidx = et_ref[...] * N + src_ref[...]
    o_ref[...] = jnp.bitwise_or(jnp.left_shift(gidx, 14), dst_ref[...])


def _gidx(edge_type, src, dst):
    et2 = edge_type.reshape(E // D, D)
    src2 = src.reshape(E // D, D)
    dst2 = dst.reshape(E // D, D)
    out = pl.pallas_call(
        _gidx_body,
        out_shape=jax.ShapeDtypeStruct((E // D, D), jnp.int32),
    )(et2, src2, dst2)
    return out.reshape(NW, NCHUNK, 1, CK)


def _xw_body(h_ref, w_ref, o_ref):
    h = h_ref[...]
    for r in range(R):
        o_ref[r] = jnp.dot(h, w_ref[r], preferred_element_type=jnp.float32)


def _xw(h, W):
    return pl.pallas_call(
        _xw_body,
        grid=(NB,),
        in_specs=[
            pl.BlockSpec((BN, D), lambda i: (i, 0)),
            pl.BlockSpec((R, D, D), lambda i: (0, 0, 0)),
        ],
        out_specs=pl.BlockSpec((R, BN, D), lambda i: (0, i, 0)),
        out_shape=jax.ShapeDtypeStruct((R, N, D), jnp.float32),
    )(h, W)


def _combine_body(p_ref, h_ref, wr_ref, b_ref, wn_ref, oh_ref, oxw_ref):
    agg = (p_ref[0] + p_ref[1] + b_ref[...]
           + jnp.dot(h_ref[...], wr_ref[...], preferred_element_type=jnp.float32))
    hb = jnp.maximum(agg, 0.0)
    oh_ref[...] = hb
    for r in range(R):
        oxw_ref[r] = jnp.dot(hb, wn_ref[r], preferred_element_type=jnp.float32)


def _combine(p, h, Wr, b, Wn):
    return pl.pallas_call(
        _combine_body,
        grid=(NB,),
        in_specs=[
            pl.BlockSpec((2, BN, D), lambda i: (0, i, 0)),
            pl.BlockSpec((BN, D), lambda i: (i, 0)),
            pl.BlockSpec((D, D), lambda i: (0, 0)),
            pl.BlockSpec((1, D), lambda i: (0, 0)),
            pl.BlockSpec((R, D, D), lambda i: (0, 0, 0)),
        ],
        out_specs=[
            pl.BlockSpec((BN, D), lambda i: (i, 0)),
            pl.BlockSpec((R, BN, D), lambda i: (0, i, 0)),
        ],
        out_shape=[
            jax.ShapeDtypeStruct((N, D), jnp.float32),
            jax.ShapeDtypeStruct((R, N, D), jnp.float32),
        ],
    )(p, h, Wr, b.reshape(1, D), Wn)


def _final_body(p_ref, h_ref, wr_ref, b_ref, o_ref):
    o_ref[...] = (p_ref[0] + p_ref[1] + b_ref[...]
                  + jnp.dot(h_ref[...], wr_ref[...],
                            preferred_element_type=jnp.float32))


def _final(p, h, Wr, b):
    return pl.pallas_call(
        _final_body,
        grid=(NB,),
        in_specs=[
            pl.BlockSpec((2, BN, D), lambda i: (0, i, 0)),
            pl.BlockSpec((BN, D), lambda i: (i, 0)),
            pl.BlockSpec((D, D), lambda i: (0, 0)),
            pl.BlockSpec((1, D), lambda i: (0, 0)),
        ],
        out_specs=pl.BlockSpec((BN, D), lambda i: (i, 0)),
        out_shape=jax.ShapeDtypeStruct((N, D), jnp.float32),
    )(p, h, Wr, b.reshape(1, D))


def _sc_body(xw_hbm, cmb_hbm, out_hbm,
             cmbv, idxv, dstv, rows, zbuf, acc,
             cs0, cs1, cs2, cs3, cs4, cs5, cs6, cs7, gs0, gs1, gs2, gs3, gs4, gs5, gs6, gs7, ss0, ss1, ss2, ss3, ss4, ss5, ss6, ss7):
    c = lax.axis_index("c")
    s = lax.axis_index("s")
    wid = c * NS + s
    csems = (cs0, cs1, cs2, cs3, cs4, cs5, cs6, cs7)
    gsems = (gs0, gs1, gs2, gs3, gs4, gs5, gs6, gs7)
    ssems = (ss0, ss1, ss2, ss3, ss4, ss5, ss6, ss7)

    zero16 = jnp.zeros((16,), jnp.float32)

    def zrow(i, carry):
        for j in range(D // 16):
            zbuf[i, pl.ds(j * 16, 16)] = zero16
        return carry

    lax.fori_loop(0, ZR, zrow, 0)

    def zcopy(k, carry):
        pltpu.sync_copy(zbuf, acc.at[pl.ds(s * RPS + k * ZR, ZR)])
        return carry

    lax.fori_loop(0, RPS // ZR, zcopy, 0)
    plsc.subcore_barrier()

    def c_start(i, b):
        pltpu.async_copy(cmb_hbm.at[wid, i], cmbv.at[b], csems[b])

    def c_wait(i, b):
        pltpu.make_async_copy(cmb_hbm.at[wid, i], cmbv.at[b], csems[b]).wait()

    def unpack(b):
        for off in UNPACK_OFFS:
            v = cmbv[b, 0, pl.ds(off, 16)]
            idxv[b, pl.ds(off, 16)] = lax.shift_right_logical(v, 14)
            dstv[b, pl.ds(off, 16)] = jnp.bitwise_and(v, (1 << 14) - 1)

    H = CK // 2

    def g_start(i, b):
        pltpu.async_copy(xw_hbm.at[idxv.at[b, pl.ds(0, H)]],
                         rows.at[b, pl.ds(0, H)], gsems[b])
        pltpu.async_copy(xw_hbm.at[idxv.at[b, pl.ds(H, H)]],
                         rows.at[b, pl.ds(H, H)], gsems[b])

    def g_wait(i, b):
        pltpu.make_async_copy(xw_hbm.at[idxv.at[b, pl.ds(0, H)]],
                              rows.at[b, pl.ds(0, H)], gsems[b]).wait()
        pltpu.make_async_copy(xw_hbm.at[idxv.at[b, pl.ds(H, H)]],
                              rows.at[b, pl.ds(H, H)], gsems[b]).wait()

    def s_start(i, b):
        pltpu.async_copy(rows.at[b], acc.at[dstv.at[b]], ssems[b], add=True)

    def s_wait(i, b):
        pltpu.make_async_copy(rows.at[b], acc.at[dstv.at[b]], ssems[b]).wait()

    for b in range(NBUF):
        c_start(b, b)
    for b in range(NBUF):
        c_wait(b, b)
        unpack(b)
        g_start(b, b)

    def block(k, carry):
        i0 = k * NBUF
        for b in range(NBUF):
            g_wait(i0 + b, b)
            s_start(i0 + b, b)
            c_start(i0 + NBUF + b, b)
        for b in range(NBUF):
            s_wait(i0 + b, b)
            c_wait(i0 + NBUF + b, b)
            unpack(b)
            g_start(i0 + NBUF + b, b)
        return carry

    lax.fori_loop(0, NBLK - 1, block, 0)
    i0 = (NBLK - 1) * NBUF
    for b in range(NBUF):
        g_wait(i0 + b, b)
        s_start(i0 + b, b)
        if b < NREM:
            c_start(i0 + NBUF + b, b)
    for b in range(NBUF):
        s_wait(i0 + b, b)
        if b < NREM:
            c_wait(i0 + NBUF + b, b)
            unpack(b)
            g_start(i0 + NBUF + b, b)
    for b in range(NREM):
        g_wait(i0 + NBUF + b, b)
        s_start(i0 + NBUF + b, b)
    for b in range(NREM):
        s_wait(i0 + NBUF + b, b)
    plsc.subcore_barrier()

    pltpu.sync_copy(acc.at[pl.ds(s * RPS, RPS)],
                    out_hbm.at[c, pl.ds(s * RPS, RPS)])


@functools.partial(jax.jit, static_argnames=())
def _sc_aggregate(xw_flat, cmb):
    mesh = plsc.VectorSubcoreMesh(core_axis_name="c", subcore_axis_name="s",
                                  num_cores=NC, num_subcores=NS)
    p = pl.kernel(
        _sc_body,
        out_type=jax.ShapeDtypeStruct((NC, NP, D), jnp.float32),
        mesh=mesh,
        scratch_types=[
            pltpu.VMEM((NBUF, 1, CK), jnp.int32),
            pltpu.VMEM((NBUF, CK), jnp.int32),
            pltpu.VMEM((NBUF, CK), jnp.int32),
            pltpu.VMEM((NBUF, CK, D), jnp.float32),
            pltpu.VMEM((ZR, D), jnp.float32),
            pltpu.VMEM_SHARED((NP, D), jnp.float32),
        ] + [pltpu.SemaphoreType.DMA] * (3 * NBUF),
    )(xw_flat, cmb)
    return p


def kernel(x, edge_index, edge_type, W1, Wr1, b1, W2, Wr2, b2, W3, Wr3, b3):
    assert x.shape == (N, D) and edge_type.shape == (E,)
    src = edge_index[0]
    dst = edge_index[1]
    cmb = _gidx(edge_type, src, dst)

    xw = _xw(x, W1)
    p = _sc_aggregate(xw.reshape(R * N, D), cmb)
    h, xw = _combine(p, x, Wr1, b1, W2)

    p = _sc_aggregate(xw.reshape(R * N, D), cmb)
    h, xw = _combine(p, h, Wr2, b2, W3)

    p = _sc_aggregate(xw.reshape(R * N, D), cmb)
    return _final(p, h, Wr3, b3)

# --- scband reference (transcript-rebuilt; emitter-appended) ---
"""Pipeline reference for scband-rgcn-240518168950 (READ-ONLY COPY).

The authoritative reference and input builder live on the scoring server;
editing this copy changes nothing except your own understanding.
"""

import jax, jax.numpy as jnp
import numpy as np

N = 10000
E = 320000
D = 128
R = 8


def _rgcn_conv(x, src, dst, etype, W, Wr, b):
    # Per-relation transform of all node features: [R, N, O]
    xw = jnp.einsum('nd,rdo->rno', x, W)
    # Gather transformed source features per edge by (relation, src): [E, O]
    msgs = xw[etype, src]
    # Scatter-add into destination nodes
    agg = jax.ops.segment_sum(msgs, dst, num_segments=x.shape[0])
    # Root (self) transform + bias
    return agg + x @ Wr + b


def setup_inputs(seed: int = 0) -> dict:
    key = jax.random.key(seed)
    ks = jax.random.split(key, 12)
    scale = 1.0 / np.sqrt(D)
    x = jax.random.normal(ks[0], (N, D), dtype=jnp.float32)
    edge_index = jax.random.randint(ks[1], (2, E), 0, N, dtype=jnp.int32)
    edge_type = jax.random.randint(ks[2], (E,), 0, R, dtype=jnp.int32)
    inp = {
        'x': x,
        'edge_index': edge_index,
        'edge_type': edge_type,
        'W1': jax.random.normal(ks[3], (R, D, D), dtype=jnp.float32) * scale,
        'Wr1': jax.random.normal(ks[4], (D, D), dtype=jnp.float32) * scale,
        'b1': jnp.zeros((D,), dtype=jnp.float32),
        'W2': jax.random.normal(ks[5], (R, D, D), dtype=jnp.float32) * scale,
        'Wr2': jax.random.normal(ks[6], (D, D), dtype=jnp.float32) * scale,
        'b2': jnp.zeros((D,), dtype=jnp.float32),
        'W3': jax.random.normal(ks[7], (R, D, D), dtype=jnp.float32) * scale,
        'Wr3': jax.random.normal(ks[8], (D, D), dtype=jnp.float32) * scale,
        'b3': jnp.zeros((D,), dtype=jnp.float32),
    }
    return inp


def reference(x, edge_index, edge_type, W1, Wr1, b1, W2, Wr2, b2, W3, Wr3, b3):
    src = edge_index[0]
    dst = edge_index[1]
    # conv 1 (+ relu; dropout p=0.0 is identity)
    h = _rgcn_conv(x, src, dst, edge_type, W1, Wr1, b1)
    h = jax.nn.relu(h)
    # conv 2 (+ relu)
    h = _rgcn_conv(h, src, dst, edge_type, W2, Wr2, b2)
    h = jax.nn.relu(h)
    # final conv; if_auc=True -> return raw logits (no log_softmax)
    h = _rgcn_conv(h, src, dst, edge_type, W3, Wr3, b3)
    return h

if __name__ == "__main__":
    import jax
    _d = setup_inputs()
    print(jax.jit(kernel)(*tuple(_d.values())))

</pallas_src>

<mosaic_0001>
#map = affine_map<(d0, d1) -> (0, 0)>
#map1 = affine_map<(d0, d1) -> (0, 0, 0, 0)>
#map2 = affine_map<(d0, d1) -> (0, 0, 0)>
module attributes {stable_mosaic.version = 14 : i64} {
  func.func @_sc_body(%arg0: i32, %arg1: i32, %arg2: memref<80000x128xf32, #tpu.memory_space<hbm>>, %arg3: memref<32x250x1x40xi32, #tpu.memory_space<hbm>>, %arg4: memref<2x10112x128xf32, #tpu.memory_space<hbm>>, %arg5: memref<8x1x40xi32, #tpu.memory_space<vmem>>, %arg6: memref<8x40xi32, #tpu.memory_space<vmem>>, %arg7: memref<8x40xi32, #tpu.memory_space<vmem>>, %arg8: memref<8x40x128xf32, #tpu.memory_space<vmem>>, %arg9: memref<8x128xf32, #tpu.memory_space<vmem>>, %arg10: memref<10112x128xf32, #tpu.memory_space<vmem_shared>>, %arg11: memref<!tpu.dma_semaphore, #tpu.memory_space<semaphore_mem>>, %arg12: memref<!tpu.dma_semaphore, #tpu.memory_space<semaphore_mem>>, %arg13: memref<!tpu.dma_semaphore, #tpu.memory_space<semaphore_mem>>, %arg14: memref<!tpu.dma_semaphore, #tpu.memory_space<semaphore_mem>>, %arg15: memref<!tpu.dma_semaphore, #tpu.memory_space<semaphore_mem>>, %arg16: memref<!tpu.dma_semaphore, #tpu.memory_space<semaphore_mem>>, %arg17: memref<!tpu.dma_semaphore, #tpu.memory_space<semaphore_mem>>, %arg18: memref<!tpu.dma_semaphore, #tpu.memory_space<semaphore_mem>>, %arg19: memref<!tpu.dma_semaphore, #tpu.memory_space<semaphore_mem>>, %arg20: memref<!tpu.dma_semaphore, #tpu.memory_space<semaphore_mem>>, %arg21: memref<!tpu.dma_semaphore, #tpu.memory_space<semaphore_mem>>, %arg22: memref<!tpu.dma_semaphore, #tpu.memory_space<semaphore_mem>>, %arg23: memref<!tpu.dma_semaphore, #tpu.memory_space<semaphore_mem>>, %arg24: memref<!tpu.dma_semaphore, #tpu.memory_space<semaphore_mem>>, %arg25: memref<!tpu.dma_semaphore, #tpu.memory_space<semaphore_mem>>, %arg26: memref<!tpu.dma_semaphore, #tpu.memory_space<semaphore_mem>>, %arg27: memref<!tpu.dma_semaphore, #tpu.memory_space<semaphore_mem>>, %arg28: memref<!tpu.dma_semaphore, #tpu.memory_space<semaphore_mem>>, %arg29: memref<!tpu.dma_semaphore, #tpu.memory_space<semaphore_mem>>, %arg30: memref<!tpu.dma_semaphore, #tpu.memory_space<semaphore_mem>>, %arg31: memref<!tpu.dma_semaphore, #tpu.memory_space<semaphore_mem>>, %arg32: memref<!tpu.dma_semaphore, #tpu.memory_space<semaphore_mem>>, %arg33: memref<!tpu.dma_semaphore, #tpu.memory_space<semaphore_mem>>, %arg34: memref<!tpu.dma_semaphore, #tpu.memory_space<semaphore_mem>>) attributes {dimension_semantics = [#tpu.dimension_semantics<core_parallel>, #tpu.dimension_semantics<subcore_parallel>], iteration_bounds = array<i64: 2, 16>, scalar_prefetch = 0 : i64, scratch_operands = 30 : i64, tpu.core_type = #tpu.core_type<sc_vector_subcore>, window_params = [{transform_indices = #map}, {transform_indices = #map1}, {transform_indices = #map2}]} {
    %mul3A = arith.constant 16 : i32
    %mul3A_0 = arith.muli %arg0, %mul3A : i32
    %add3A = arith.addi %mul3A_0, %arg1 : i32
    %broadcast_in_dim3A = arith.constant 0.000000e+00 : f32
    %broadcast_in_dim3A_1 = vector.broadcast %broadcast_in_dim3A : f32 to vector<16xf32>
    %scan3A = arith.constant 0 : i32
    %scan3A_2 = arith.constant 0 : i32
    %scan3A_3 = arith.constant 8 : i32
    %scan3A_4 = arith.addi %scan3A_2, %scan3A_3 : i32
    %scan3A_5 = arith.constant 1 : i32
    scf.for %scan3A_1848 = %scan3A_2 to %scan3A_4 step %scan3A_5  : i32 {
      %swap3A_1849 = arith.index_cast %scan3A_1848 : i32 to index
      %swap3A_1850 = arith.constant 0 : index
      %swap3A_1851 = tpu.vector_load %arg9[%swap3A_1849, %swap3A_1850] {strides = array<i32>} : memref<8x128xf32, #tpu.memory_space<vmem>>, vector<1x16xf32>,
      %swap3A_1852 = vector.shape_cast %swap3A_1851 : vector<1x16xf32> to vector<16xf32>
      %swap3A_1853 = vector.shape_cast %broadcast_in_dim3A_1 : vector<16xf32> to vector<1x16xf32>
      tpu.vector_store %arg9[%swap3A_1849, %swap3A_1850], %swap3A_1853 {strides = array<i32>} : memref<8x128xf32, #tpu.memory_space<vmem>>, vector<1x16xf32>,
      %swap3A_1854 = arith.index_cast %scan3A_1848 : i32 to index
      %swap3A_1855 = arith.constant 16 : index
      %swap3A_1856 = tpu.vector_load %arg9[%swap3A_1854, %swap3A_1855] {strides = array<i32>} : memref<8x128xf32, #tpu.memory_space<vmem>>, vector<1x16xf32>,
      %swap3A_1857 = vector.shape_cast %swap3A_1856 : vector<1x16xf32> to vector<16xf32>
      %swap3A_1858 = vector.shape_cast %broadcast_in_dim3A_1 : vector<16xf32> to vector<1x16xf32>
      tpu.vector_store %arg9[%swap3A_1854, %swap3A_1855], %swap3A_1858 {strides = array<i32>} : memref<8x128xf32, #tpu.memory_space<vmem>>, vector<1x16xf32>,
      %swap3A_1859 = arith.index_cast %scan3A_1848 : i32 to index
      %swap3A_1860 = arith.constant 32 : index
      %swap3A_1861 = tpu.vector_load %arg9[%swap3A_1859, %swap3A_1860] {strides = array<i32>} : memref<8x128xf32, #tpu.memory_space<vmem>>, vector<1x16xf32>,
      %swap3A_1862 = vector.shape_cast %swap3A_1861 : vector<1x16xf32> to vector<16xf32>
      %swap3A_1863 = vector.shape_cast %broadcast_in_dim3A_1 : vector<16xf32> to vector<1x16xf32>
      tpu.vector_store %arg9[%swap3A_1859, %swap3A_1860], %swap3A_1863 {strides = array<i32>} : memref<8x128xf32, #tpu.memory_space<vmem>>, vector<1x16xf32>,
      %swap3A_1864 = arith.index_cast %scan3A_1848 : i32 to index
      %swap3A_1865 = arith.constant 48 : index
      %swap3A_1866 = tpu.vector_load %arg9[%swap3A_1864, %swap3A_1865] {strides = array<i32>} : memref<8x128xf32, #tpu.memory_space<vmem>>, vector<1x16xf32>,
      %swap3A_1867 = vector.shape_cast %swap3A_1866 : vector<1x16xf32> to vector<16xf32>
      %swap3A_1868 = vector.shape_cast %broadcast_in_dim3A_1 : vector<16xf32> to vector<1x16xf32>
      tpu.vector_store %arg9[%swap3A_1864, %swap3A_1865], %swap3A_1868 {strides = array<i32>} : memref<8x128xf32, #tpu.memory_space<vmem>>, vector<1x16xf32>,
      %swap3A_1869 = arith.index_cast %scan3A_1848 : i32 to index
      %swap3A_1870 = arith.constant 64 : index
      %swap3A_1871 = tpu.vector_load %arg9[%swap3A_1869, %swap3A_1870] {strides = array<i32>} : memref<8x128xf32, #tpu.memory_space<vmem>>, vector<1x16xf32>,
      %swap3A_1872 = vector.shape_cast %swap3A_1871 : vector<1x16xf32> to vector<16xf32>
      %swap3A_1873 = vector.shape_cast %broadcast_in_dim3A_1 : vector<16xf32> to vector<1x16xf32>
      tpu.vector_store %arg9[%swap3A_1869, %swap3A_1870], %swap3A_1873 {strides = array<i32>} : memref<8x128xf32, #tpu.memory_space<vmem>>, vector<1x16xf32>,
      %swap3A_1874 = arith.index_cast %scan3A_1848 : i32 to index
      %swap3A_1875 = arith.constant 80 : index
      %swap3A_1876 = tpu.vector_load %arg9[%swap3A_1874, %swap3A_1875] {strides = array<i32>} : memref<8x128xf32, #tpu.memory_space<vmem>>, vector<1x16xf32>,
      %swap3A_1877 = vector.shape_cast %swap3A_1876 : vector<1x16xf32> to vector<16xf32>
      %swap3A_1878 = vector.shape_cast %broadcast_in_dim3A_1 : vector<16xf32> to vector<1x16xf32>
      tpu.vector_store %arg9[%swap3A_1874, %swap3A_1875], %swap3A_1878 {strides = array<i32>} : memref<8x128xf32, #tpu.memory_space<vmem>>, vector<1x16xf32>,
      %swap3A_1879 = arith.index_cast %scan3A_1848 : i32 to index
      %swap3A_1880 = arith.constant 96 : index
      %swap3A_1881 = tpu.vector_load %arg9[%swap3A_1879, %swap3A_1880] {strides = array<i32>} : memref<8x128xf32, #tpu.memory_space<vmem>>, vector<1x16xf32>,
      %swap3A_1882 = vector.shape_cast %swap3A_1881 : vector<1x16xf32> to vector<16xf32>
      %swap3A_1883 = vector.shape_cast %broadcast_in_dim3A_1 : vector<16xf32> to vector<1x16xf32>
      tpu.vector_store %arg9[%swap3A_1879, %swap3A_1880], %swap3A_1883 {strides = array<i32>} : memref<8x128xf32, #tpu.memory_space<vmem>>, vector<1x16xf32>,
      %swap3A_1884 = arith.index_cast %scan3A_1848 : i32 to index
      %swap3A_1885 = arith.constant 112 : index
      %swap3A_1886 = tpu.vector_load %arg9[%swap3A_1884, %swap3A_1885] {strides = array<i32>} : memref<8x128xf32, #tpu.memory_space<vmem>>, vector<1x16xf32>,
      %swap3A_1887 = vector.shape_cast %swap3A_1886 : vector<1x16xf32> to vector<16xf32>
      %swap3A_1888 = vector.shape_cast %broadcast_in_dim3A_1 : vector<16xf32> to vector<1x16xf32>
      tpu.vector_store %arg9[%swap3A_1884, %swap3A_1885], %swap3A_1888 {strides = array<i32>} : memref<8x128xf32, #tpu.memory_space<vmem>>, vector<1x16xf32>,
    }
    %scan3A_6 = arith.constant 8 : i32
    %scan3A_7 = arith.constant 0 : i32
    %scan3A_8 = arith.constant 0 : i32
    %scan3A_9 = arith.constant 79 : i32
    %scan3A_10 = arith.addi %scan3A_8, %scan3A_9 : i32
    %scan3A_11 = arith.constant 1 : i32
    scf.for %scan3A_1848 = %scan3A_8 to %scan3A_10 step %scan3A_11  : i32 {
      %mul3A_1849 = arith.constant 632 : i32
      %mul3A_1850 = arith.muli %arg1, %mul3A_1849 : i32
      %mul3A_1851 = arith.constant 8 : i32
      %mul3A_1852 = arith.muli %scan3A_1848, %mul3A_1851 : i32
      %add3A_1853 = arith.addi %mul3A_1850, %mul3A_1852 : i32
      "tpu.region"() ({
        %run_scoped3A = tpu.sem_alloc : memref<!tpu.dma_semaphore, #tpu.memory_space<semaphore_mem>>
        %dma_start3A_1854 = arith.constant 0 : i32
        %dma_start3A_1855 = tpu.memref_slice %arg10[%add3A_1853, %dma_start3A_1854] : memref<10112x128xf32, #tpu.memory_space<vmem_shared>> -> memref<8x128xf32, #tpu.memory_space<vmem_shared>>
        %dma_start3A_1856 = arith.constant 0 : i32
        %dma_start3A_1857 = tpu.memref_slice %arg10[%add3A_1853, %dma_start3A_1856] : memref<10112x128xf32, #tpu.memory_space<vmem_shared>> -> memref<8x128xf32, #tpu.memory_space<vmem_shared>>
        tpu.enqueue_dma source(%arg9 : memref<8x128xf32, #tpu.memory_space<vmem>>) target(%dma_start3A_1857 : memref<8x128xf32, #tpu.memory_space<vmem_shared>>) target_semaphore(%run_scoped3A : memref<!tpu.dma_semaphore, #tpu.memory_space<semaphore_mem>>)
        %dma_wait3A_1858 = arith.constant 0 : i32
        %dma_wait3A_1859 = tpu.memref_slice %arg10[%add3A_1853, %dma_wait3A_1858] : memref<10112x128xf32, #tpu.memory_space<vmem_shared>> -> memref<8x128xf32, #tpu.memory_space<vmem_shared>>
        %dma_wait3A_1860 = arith.constant 0 : i32
        %dma_wait3A_1861 = tpu.memref_slice %arg10[%add3A_1853, %dma_wait3A_1860] : memref<10112x128xf32, #tpu.memory_space<vmem_shared>> -> memref<8x128xf32, #tpu.memory_space<vmem_shared>>
        tpu.wait_dma2 semaphore(%run_scoped3A : memref<!tpu.dma_semaphore, #tpu.memory_space<semaphore_mem>>) src(%arg9 : memref<8x128xf32, #tpu.memory_space<vmem>>) dst(%dma_wait3A_1861 : memref<8x128xf32, #tpu.memory_space<vmem_shared>>)
        tpu.yield
      }) : () -> ()
    }
    %scan3A_12 = arith.constant 79 : i32
    %barrier3A = arith.constant 0 : index
    tpu.barrier barrier_id(%barrier3A)
    %dma_start3A = arith.constant 0 : i32
    %dma_start3A_13 = arith.constant 0 : i32
    %dma_start3A_14 = arith.constant 0 : i32
    %dma_start3A_15 = arith.constant 0 : i32
    %dma_start3A_16 = tpu.memref_slice %arg5[%dma_start3A_13, %dma_start3A_14, %dma_start3A_15] : memref<8x1x40xi32, #tpu.memory_space<vmem>> -> memref<1x1x40xi32, #tpu.memory_space<vmem>>
    %dma_start3A_17 = tpu.memref_squeeze %dma_start3A_16 : memref<1x1x40xi32, #tpu.memory_space<vmem>> -> memref<1x40xi32, #tpu.memory_space<vmem>>
    %dma_start3A_18 = arith.constant 0 : i32
    %dma_start3A_19 = arith.constant 0 : i32
    %dma_start3A_20 = tpu.memref_slice %arg3[%add3A, %dma_start3A, %dma_start3A_18, %dma_start3A_19] : memref<32x250x1x40xi32, #tpu.memory_space<hbm>> -> memref<1x1x1x40xi32, #tpu.memory_space<hbm>>
    %dma_start3A_21 = tpu.memref_squeeze %dma_start3A_20 : memref<1x1x1x40xi32, #tpu.memory_space<hbm>> -> memref<1x40xi32, #tpu.memory_space<hbm>>
    %dma_start3A_22 = arith.constant 0 : i32
    %dma_start3A_23 = arith.constant 0 : i32
    %dma_start3A_24 = tpu.memref_slice %arg5[%dma_start3A_13, %dma_start3A_22, %dma_start3A_23] : memref<8x1x40xi32, #tpu.memory_space<vmem>> -> memref<1x1x40xi32, #tpu.memory_space<vmem>>
    %dma_start3A_25 = tpu.memref_squeeze %dma_start3A_24 : memref<1x1x40xi32, #tpu.memory_space<vmem>> -> memref<1x40xi32, #tpu.memory_space<vmem>>
    %dma_start3A_26 = arith.constant 0 : i32
    %dma_start3A_27 = arith.constant 0 : i32
    %dma_start3A_28 = tpu.memref_slice %arg3[%add3A, %dma_start3A, %dma_start3A_26, %dma_start3A_27] : memref<32x250x1x40xi32, #tpu.memory_space<hbm>> -> memref<1x1x1x40xi32, #tpu.memory_space<hbm>>
    %dma_start3A_29 = tpu.memref_squeeze %dma_start3A_28 : memref<1x1x1x40xi32, #tpu.memory_space<hbm>> -> memref<1x40xi32, #tpu.memory_space<hbm>>
    tpu.enqueue_dma source(%dma_start3A_29 : memref<1x40xi32, #tpu.memory_space<hbm>>) target(%dma_start3A_25 : memref<1x40xi32, #tpu.memory_space<vmem>>) target_semaphore(%arg11 : memref<!tpu.dma_semaphore, #tpu.memory_space<semaphore_mem>>)
    %dma_start3A_30 = arith.constant 1 : i32
    %dma_start3A_31 = arith.constant 1 : i32
    %dma_start3A_32 = arith.constant 0 : i32
    %dma_start3A_33 = arith.constant 0 : i32
    %dma_start3A_34 = tpu.memref_slice %arg5[%dma_start3A_31, %dma_start3A_32, %dma_start3A_33] : memref<8x1x40xi32, #tpu.memory_space<vmem>> -> memref<1x1x40xi32, #tpu.memory_space<vmem>>
    %dma_start3A_35 = tpu.memref_squeeze %dma_start3A_34 : memref<1x1x40xi32, #tpu.memory_space<vmem>> -> memref<1x40xi32, #tpu.memory_space<vmem>>
    %dma_start3A_36 = arith.constant 0 : i32
    %dma_start3A_37 = arith.constant 0 : i32
    %dma_start3A_38 = tpu.memref_slice %arg3[%add3A, %dma_start3A_30, %dma_start3A_36, %dma_start3A_37] : memref<32x250x1x40xi32, #tpu.memory_space<hbm>> -> memref<1x1x1x40xi32, #tpu.memory_space<hbm>>
    %dma_start3A_39 = tpu.memref_squeeze %dma_start3A_38 : memref<1x1x1x40xi32, #tpu.memory_space<hbm>> -> memref<1x40xi32, #tpu.memory_space<hbm>>
    %dma_start3A_40 = arith.constant 0 : i32
    %dma_start3A_41 = arith.constant 0 : i32
    %dma_start3A_42 = tpu.memref_slice %arg5[%dma_start3A_31, %dma_start3A_40, %dma_start3A_41] : memref<8x1x40xi32, #tpu.memory_space<vmem>> -> memref<1x1x40xi32, #tpu.memory_space<vmem>>
    %dma_start3A_43 = tpu.memref_squeeze %dma_start3A_42 : memref<1x1x40xi32, #tpu.memory_space<vmem>> -> memref<1x40xi32, #tpu.memory_space<vmem>>
    %dma_start3A_44 = arith.constant 0 : i32
    %dma_start3A_45 = arith.constant 0 : i32
    %dma_start3A_46 = tpu.memref_slice %arg3[%add3A, %dma_start3A_30, %dma_start3A_44, %dma_start3A_45] : memref<32x250x1x40xi32, #tpu.memory_space<hbm>> -> memref<1x1x1x40xi32, #tpu.memory_space<hbm>>
    %dma_start3A_47 = tpu.memref_squeeze %dma_start3A_46 : memref<1x1x1x40xi32, #tpu.memory_space<hbm>> -> memref<1x40xi32, #tpu.memory_space<hbm>>
    tpu.enqueue_dma source(%dma_start3A_47 : memref<1x40xi32, #tpu.memory_space<hbm>>) target(%dma_start3A_43 : memref<1x40xi32, #tpu.memory_space<vmem>>) target_semaphore(%arg12 : memref<!tpu.dma_semaphore, #tpu.memory_space<semaphore_mem>>)
    %dma_start3A_48 = arith.constant 2 : i32
    %dma_start3A_49 = arith.constant 2 : i32
    %dma_start3A_50 = arith.constant 0 : i32
    %dma_start3A_51 = arith.constant 0 : i32
    %dma_start3A_52 = tpu.memref_slice %arg5[%dma_start3A_49, %dma_start3A_50, %dma_start3A_51] : memref<8x1x40xi32, #tpu.memory_space<vmem>> -> memref<1x1x40xi32, #tpu.memory_space<vmem>>
    %dma_start3A_53 = tpu.memref_squeeze %dma_start3A_52 : memref<1x1x40xi32, #tpu.memory_space<vmem>> -> memref<1x40xi32, #tpu.memory_space<vmem>>
    %dma_start3A_54 = arith.constant 0 : i32
    %dma_start3A_55 = arith.constant 0 : i32
    %dma_start3A_56 = tpu.memref_slice %arg3[%add3A, %dma_start3A_48, %dma_start3A_54, %dma_start3A_55] : memref<32x250x1x40xi32, #tpu.memory_space<hbm>> -> memref<1x1x1x40xi32, #tpu.memory_space<hbm>>
    %dma_start3A_57 = tpu.memref_squeeze %dma_start3A_56 : memref<1x1x1x40xi32, #tpu.memory_space<hbm>> -> memref<1x40xi32, #tpu.memory_space<hbm>>
    %dma_start3A_58 = arith.constant 0 : i32
    %dma_start3A_59 = arith.constant 0 : i32
    %dma_start3A_60 = tpu.memref_slice %arg5[%dma_start3A_49, %dma_start3A_58, %dma_start3A_59] : memref<8x1x40xi32, #tpu.memory_space<vmem>> -> memref<1x1x40xi32, #tpu.memory_space<vmem>>
    %dma_start3A_61 = tpu.memref_squeeze %dma_start3A_60 : memref<1x1x40xi32, #tpu.memory_space<vmem>> -> memref<1x40xi32, #tpu.memory_space<vmem>>
    %dma_start3A_62 = arith.constant 0 : i32
    %dma_start3A_63 = arith.constant 0 : i32
    %dma_start3A_64 = tpu.memref_slice %arg3[%add3A, %dma_start3A_48, %dma_start3A_62, %dma_start3A_63] : memref<32x250x1x40xi32, #tpu.memory_space<hbm>> -> memref<1x1x1x40xi32, #tpu.memory_space<hbm>>
    %dma_start3A_65 = tpu.memref_squeeze %dma_start3A_64 : memref<1x1x1x40xi32, #tpu.memory_space<hbm>> -> memref<1x40xi32, #tpu.memory_space<hbm>>
    tpu.enqueue_dma source(%dma_start3A_65 : memref<1x40xi32, #tpu.memory_space<hbm>>) target(%dma_start3A_61 : memref<1x40xi32, #tpu.memory_space<vmem>>) target_semaphore(%arg13 : memref<!tpu.dma_semaphore, #tpu.memory_space<semaphore_mem>>)
    %dma_start3A_66 = arith.constant 3 : i32
    %dma_start3A_67 = arith.constant 3 : i32
    %dma_start3A_68 = arith.constant 0 : i32
    %dma_start3A_69 = arith.constant 0 : i32
    %dma_start3A_70 = tpu.memref_slice %arg5[%dma_start3A_67, %dma_start3A_68, %dma_start3A_69] : memref<8x1x40xi32, #tpu.memory_space<vmem>> -> memref<1x1x40xi32, #tpu.memory_space<vmem>>
    %dma_start3A_71 = tpu.memref_squeeze %dma_start3A_70 : memref<1x1x40xi32, #tpu.memory_space<vmem>> -> memref<1x40xi32, #tpu.memory_space<vmem>>
    %dma_start3A_72 = arith.constant 0 : i32
    %dma_start3A_73 = arith.constant 0 : i32
    %dma_start3A_74 = tpu.memref_slice %arg3[%add3A, %dma_start3A_66, %dma_start3A_72, %dma_start3A_73] : memref<32x250x1x40xi32, #tpu.memory_space<hbm>> -> memref<1x1x1x40xi32, #tpu.memory_space<hbm>>
    %dma_start3A_75 = tpu.memref_squeeze %dma_start3A_74 : memref<1x1x1x40xi32, #tpu.memory_space<hbm>> -> memref<1x40xi32, #tpu.memory_space<hbm>>
    %dma_start3A_76 = arith.constant 0 : i32
    %dma_start3A_77 = arith.constant 0 : i32
    %dma_start3A_78 = tpu.memref_slice %arg5[%dma_start3A_67, %dma_start3A_76, %dma_start3A_77] : memref<8x1x40xi32, #tpu.memory_space<vmem>> -> memref<1x1x40xi32, #tpu.memory_space<vmem>>
    %dma_start3A_79 = tpu.memref_squeeze %dma_start3A_78 : memref<1x1x40xi32, #tpu.memory_space<vmem>> -> memref<1x40xi32, #tpu.memory_space<vmem>>
    %dma_start3A_80 = arith.constant 0 : i32
    %dma_start3A_81 = arith.constant 0 : i32
    %dma_start3A_82 = tpu.memref_slice %arg3[%add3A, %dma_start3A_66, %dma_start3A_80, %dma_start3A_81] : memref<32x250x1x40xi32, #tpu.memory_space<hbm>> -> memref<1x1x1x40xi32, #tpu.memory_space<hbm>>
    %dma_start3A_83 = tpu.memref_squeeze %dma_start3A_82 : memref<1x1x1x40xi32, #tpu.memory_space<hbm>> -> memref<1x40xi32, #tpu.memory_space<hbm>>
    tpu.enqueue_dma source(%dma_start3A_83 : memref<1x40xi32, #tpu.memory_space<hbm>>) target(%dma_start3A_79 : memref<1x40xi32, #tpu.memory_space<vmem>>) target_semaphore(%arg14 : memref<!tpu.dma_semaphore, #tpu.memory_space<semaphore_mem>>)
    %dma_start3A_84 = arith.constant 4 : i32
    %dma_start3A_85 = arith.constant 4 : i32
    %dma_start3A_86 = arith.constant 0 : i32
    %dma_start3A_87 = arith.constant 0 : i32
    %dma_start3A_88 = tpu.memref_slice %arg5[%dma_start3A_85, %dma_start3A_86, %dma_start3A_87] : memref<8x1x40xi32, #tpu.memory_space<vmem>> -> memref<1x1x40xi32, #tpu.memory_space<vmem>>
    %dma_start3A_89 = tpu.memref_squeeze %dma_start3A_88 : memref<1x1x40xi32, #tpu.memory_space<vmem>> -> memref<1x40xi32, #tpu.memory_space<vmem>>
    %dma_start3A_90 = arith.constant 0 : i32
    %dma_start3A_91 = arith.constant 0 : i32
    %dma_start3A_92 = tpu.memref_slice %arg3[%add3A, %dma_start3A_84, %dma_start3A_90, %dma_start3A_91] : memref<32x250x1x40xi32, #tpu.memory_space<hbm>> -> memref<1x1x1x40xi32, #tpu.memory_space<hbm>>
    %dma_start3A_93 = tpu.memref_squeeze %dma_start3A_92 : memref<1x1x1x40xi32, #tpu.memory_space<hbm>> -> memref<1x40xi32, #tpu.memory_space<hbm>>
    %dma_start3A_94 = arith.constant 0 : i32
    %dma_start3A_95 = arith.constant 0 : i32
    %dma_start3A_96 = tpu.memref_slice %arg5[%dma_start3A_85, %dma_start3A_94, %dma_start3A_95] : memref<8x1x40xi32, #tpu.memory_space<vmem>> -> memref<1x1x40xi32, #tpu.memory_space<vmem>>
    %dma_start3A_97 = tpu.memref_squeeze %dma_start3A_96 : memref<1x1x40xi32, #tpu.memory_space<vmem>> -> memref<1x40xi32, #tpu.memory_space<vmem>>
    %dma_start3A_98 = arith.constant 0 : i32
    %dma_start3A_99 = arith.constant 0 : i32
    %dma_start3A_100 = tpu.memref_slice %arg3[%add3A, %dma_start3A_84, %dma_start3A_98, %dma_start3A_99] : memref<32x250x1x40xi32, #tpu.memory_space<hbm>> -> memref<1x1x1x40xi32, #tpu.memory_space<hbm>>
    %dma_start3A_101 = tpu.memref_squeeze %dma_start3A_100 : memref<1x1x1x40xi32, #tpu.memory_space<hbm>> -> memref<1x40xi32, #tpu.memory_space<hbm>>
    tpu.enqueue_dma source(%dma_start3A_101 : memref<1x40xi32, #tpu.memory_space<hbm>>) target(%dma_start3A_97 : memref<1x40xi32, #tpu.memory_space<vmem>>) target_semaphore(%arg15 : memref<!tpu.dma_semaphore, #tpu.memory_space<semaphore_mem>>)
    %dma_start3A_102 = arith.constant 5 : i32
    %dma_start3A_103 = arith.constant 5 : i32
    %dma_start3A_104 = arith.constant 0 : i32
    %dma_start3A_105 = arith.constant 0 : i32
    %dma_start3A_106 = tpu.memref_slice %arg5[%dma_start3A_103, %dma_start3A_104, %dma_start3A_105] : memref<8x1x40xi32, #tpu.memory_space<vmem>> -> memref<1x1x40xi32, #tpu.memory_space<vmem>>
    %dma_start3A_107 = tpu.memref_squeeze %dma_start3A_106 : memref<1x1x40xi32, #tpu.memory_space<vmem>> -> memref<1x40xi32, #tpu.memory_space<vmem>>
    %dma_start3A_108 = arith.constant 0 : i32
    %dma_start3A_109 = arith.constant 0 : i32
    %dma_start3A_110 = tpu.memref_slice %arg3[%add3A, %dma_start3A_102, %dma_start3A_108, %dma_start3A_109] : memref<32x250x1x40xi32, #tpu.memory_space<hbm>> -> memref<1x1x1x40xi32, #tpu.memory_space<hbm>>
    %dma_start3A_111 = tpu.memref_squeeze %dma_start3A_110 : memref<1x1x1x40xi32, #tpu.memory_space<hbm>> -> memref<1x40xi32, #tpu.memory_space<hbm>>
    %dma_start3A_112 = arith.constant 0 : i32
    %dma_start3A_113 = arith.constant 0 : i32
    %dma_start3A_114 = tpu.memref_slice %arg5[%dma_start3A_103, %dma_start3A_112, %dma_start3A_113] : memref<8x1x40xi32, #tpu.memory_space<vmem>> -> memref<1x1x40xi32, #tpu.memory_space<vmem>>
    %dma_start3A_115 = tpu.memref_squeeze %dma_start3A_114 : memref<1x1x40xi32, #tpu.memory_space<vmem>> -> memref<1x40xi32, #tpu.memory_space<vmem>>
    %dma_start3A_116 = arith.constant 0 : i32
    %dma_start3A_117 = arith.constant 0 : i32
    %dma_start3A_118 = tpu.memref_slice %arg3[%add3A, %dma_start3A_102, %dma_start3A_116, %dma_start3A_117] : memref<32x250x1x40xi32, #tpu.memory_space<hbm>> -> memref<1x1x1x40xi32, #tpu.memory_space<hbm>>
    %dma_start3A_119 = tpu.memref_squeeze %dma_start3A_118 : memref<1x1x1x40xi32, #tpu.memory_space<hbm>> -> memref<1x40xi32, #tpu.memory_space<hbm>>
    tpu.enqueue_dma source(%dma_start3A_119 : memref<1x40xi32, #tpu.memory_space<hbm>>) target(%dma_start3A_115 : memref<1x40xi32, #tpu.memory_space<vmem>>) target_semaphore(%arg16 : memref<!tpu.dma_semaphore, #tpu.memory_space<semaphore_mem>>)
    %dma_start3A_120 = arith.constant 6 : i32
    %dma_start3A_121 = arith.constant 6 : i32
    %dma_start3A_122 = arith.constant 0 : i32
    %dma_start3A_123 = arith.constant 0 : i32
    %dma_start3A_124 = tpu.memref_slice %arg5[%dma_start3A_121, %dma_start3A_122, %dma_start3A_123] : memref<8x1x40xi32, #tpu.memory_space<vmem>> -> memref<1x1x40xi32, #tpu.memory_space<vmem>>
    %dma_start3A_125 = tpu.memref_squeeze %dma_start3A_124 : memref<1x1x40xi32, #tpu.memory_space<vmem>> -> memref<1x40xi32, #tpu.memory_space<vmem>>
    %dma_start3A_126 = arith.constant 0 : i32
    %dma_start3A_127 = arith.constant 0 : i32
    %dma_start3A_128 = tpu.memref_slice %arg3[%add3A, %dma_start3A_120, %dma_start3A_126, %dma_start3A_127] : memref<32x250x1x40xi32, #tpu.memory_space<hbm>> -> memref<1x1x1x40xi32, #tpu.memory_space<hbm>>
    %dma_start3A_129 = tpu.memref_squeeze %dma_start3A_128 : memref<1x1x1x40xi32, #tpu.memory_space<hbm>> -> memref<1x40xi32, #tpu.memory_space<hbm>>
    %dma_start3A_130 = arith.constant 0 : i32
    %dma_start3A_131 = arith.constant 0 : i32
    %dma_start3A_132 = tpu.memref_slice %arg5[%dma_start3A_121, %dma_start3A_130, %dma_start3A_131] : memref<8x1x40xi32, #tpu.memory_space<vmem>> -> memref<1x1x40xi32, #tpu.memory_space<vmem>>
    %dma_start3A_133 = tpu.memref_squeeze %dma_start3A_132 : memref<1x1x40xi32, #tpu.memory_space<vmem>> -> memref<1x40xi32, #tpu.memory_space<vmem>>
    %dma_start3A_134 = arith.constant 0 : i32
    %dma_start3A_135 = arith.constant 0 : i32
    %dma_start3A_136 = tpu.memref_slice %arg3[%add3A, %dma_start3A_120, %dma_start3A_134, %dma_start3A_135] : memref<32x250x1x40xi32, #tpu.memory_space<hbm>> -> memref<1x1x1x40xi32, #tpu.memory_space<hbm>>
    %dma_start3A_137 = tpu.memref_squeeze %dma_start3A_136 : memref<1x1x1x40xi32, #tpu.memory_space<hbm>> -> memref<1x40xi32, #tpu.memory_space<hbm>>
    tpu.enqueue_dma source(%dma_start3A_137 : memref<1x40xi32, #tpu.memory_space<hbm>>) target(%dma_start3A_133 : memref<1x40xi32, #tpu.memory_space<vmem>>) target_semaphore(%arg17 : memref<!tpu.dma_semaphore, #tpu.memory_space<semaphore_mem>>)
    %dma_start3A_138 = arith.constant 7 : i32
    %dma_start3A_139 = arith.constant 7 : i32
    %dma_start3A_140 = arith.constant 0 : i32
    %dma_start3A_141 = arith.constant 0 : i32
    %dma_start3A_142 = tpu.memref_slice %arg5[%dma_start3A_139, %dma_start3A_140, %dma_start3A_141] : memref<8x1x40xi32, #tpu.memory_space<vmem>> -> memref<1x1x40xi32, #tpu.memory_space<vmem>>
    %dma_start3A_143 = tpu.memref_squeeze %dma_start3A_142 : memref<1x1x40xi32, #tpu.memory_space<vmem>> -> memref<1x40xi32, #tpu.memory_space<vmem>>
    %dma_start3A_144 = arith.constant 0 : i32
    %dma_start3A_145 = arith.constant 0 : i32
    %dma_start3A_146 = tpu.memref_slice %arg3[%add3A, %dma_start3A_138, %dma_start3A_144, %dma_start3A_145] : memref<32x250x1x40xi32, #tpu.memory_space<hbm>> -> memref<1x1x1x40xi32, #tpu.memory_space<hbm>>
    %dma_start3A_147 = tpu.memref_squeeze %dma_start3A_146 : memref<1x1x1x40xi32, #tpu.memory_space<hbm>> -> memref<1x40xi32, #tpu.memory_space<hbm>>
    %dma_start3A_148 = arith.constant 0 : i32
    %dma_start3A_149 = arith.constant 0 : i32
    %dma_start3A_150 = tpu.memref_slice %arg5[%dma_start3A_139, %dma_start3A_148, %dma_start3A_149] : memref<8x1x40xi32, #tpu.memory_space<vmem>> -> memref<1x1x40xi32, #tpu.memory_space<vmem>>
    %dma_start3A_151 = tpu.memref_squeeze %dma_start3A_150 : memref<1x1x40xi32, #tpu.memory_space<vmem>> -> memref<1x40xi32, #tpu.memory_space<vmem>>
    %dma_start3A_152 = arith.constant 0 : i32
    %dma_start3A_153 = arith.constant 0 : i32
    %dma_start3A_154 = tpu.memref_slice %arg3[%add3A, %dma_start3A_138, %dma_start3A_152, %dma_start3A_153] : memref<32x250x1x40xi32, #tpu.memory_space<hbm>> -> memref<1x1x1x40xi32, #tpu.memory_space<hbm>>
    %dma_start3A_155 = tpu.memref_squeeze %dma_start3A_154 : memref<1x1x1x40xi32, #tpu.memory_space<hbm>> -> memref<1x40xi32, #tpu.memory_space<hbm>>
    tpu.enqueue_dma source(%dma_start3A_155 : memref<1x40xi32, #tpu.memory_space<hbm>>) target(%dma_start3A_151 : memref<1x40xi32, #tpu.memory_space<vmem>>) target_semaphore(%arg18 : memref<!tpu.dma_semaphore, #tpu.memory_space<semaphore_mem>>)
    %dma_wait3A = arith.constant 0 : i32
    %dma_wait3A_156 = arith.constant 0 : i32
    %dma_wait3A_157 = arith.constant 0 : i32
    %dma_wait3A_158 = arith.constant 0 : i32
    %dma_wait3A_159 = tpu.memref_slice %arg5[%dma_wait3A_156, %dma_wait3A_157, %dma_wait3A_158] : memref<8x1x40xi32, #tpu.memory_space<vmem>> -> memref<1x1x40xi32, #tpu.memory_space<vmem>>
    %dma_wait3A_160 = tpu.memref_squeeze %dma_wait3A_159 : memref<1x1x40xi32, #tpu.memory_space<vmem>> -> memref<1x40xi32, #tpu.memory_space<vmem>>
    %dma_wait3A_161 = arith.constant 0 : i32
    %dma_wait3A_162 = arith.constant 0 : i32
    %dma_wait3A_163 = tpu.memref_slice %arg3[%add3A, %dma_wait3A, %dma_wait3A_161, %dma_wait3A_162] : memref<32x250x1x40xi32, #tpu.memory_space<hbm>> -> memref<1x1x1x40xi32, #tpu.memory_space<hbm>>
    %dma_wait3A_164 = tpu.memref_squeeze %dma_wait3A_163 : memref<1x1x1x40xi32, #tpu.memory_space<hbm>> -> memref<1x40xi32, #tpu.memory_space<hbm>>
    %dma_wait3A_165 = arith.constant 0 : i32
    %dma_wait3A_166 = arith.constant 0 : i32
    %dma_wait3A_167 = tpu.memref_slice %arg5[%dma_wait3A_156, %dma_wait3A_165, %dma_wait3A_166] : memref<8x1x40xi32, #tpu.memory_space<vmem>> -> memref<1x1x40xi32, #tpu.memory_space<vmem>>
    %dma_wait3A_168 = tpu.memref_squeeze %dma_wait3A_167 : memref<1x1x40xi32, #tpu.memory_space<vmem>> -> memref<1x40xi32, #tpu.memory_space<vmem>>
    %dma_wait3A_169 = arith.constant 0 : i32
    %dma_wait3A_170 = arith.constant 0 : i32
    %dma_wait3A_171 = tpu.memref_slice %arg3[%add3A, %dma_wait3A, %dma_wait3A_169, %dma_wait3A_170] : memref<32x250x1x40xi32, #tpu.memory_space<hbm>> -> memref<1x1x1x40xi32, #tpu.memory_space<hbm>>
    %dma_wait3A_172 = tpu.memref_squeeze %dma_wait3A_171 : memref<1x1x1x40xi32, #tpu.memory_space<hbm>> -> memref<1x40xi32, #tpu.memory_space<hbm>>
    tpu.wait_dma2 semaphore(%arg11 : memref<!tpu.dma_semaphore, #tpu.memory_space<semaphore_mem>>) src(%dma_wait3A_172 : memref<1x40xi32, #tpu.memory_space<hbm>>) dst(%dma_wait3A_168 : memref<1x40xi32, #tpu.memory_space<vmem>>)
    %get3A = arith.constant 0 : i32
    %get3A_173 = arith.constant 0 : i32
    %get3A_174 = arith.index_cast %get3A : i32 to index
    %get3A_175 = arith.index_cast %get3A_173 : i32 to index
    %get3A_176 = arith.constant 0 : index
    %get3A_177 = tpu.vector_load %arg5[%get3A_174, %get3A_175, %get3A_176] {strides = array<i32>} : memref<8x1x40xi32, #tpu.memory_space<vmem>>, vector<1x1x16xi32>,
    %get3A_178 = vector.shape_cast %get3A_177 : vector<1x1x16xi32> to vector<16xi32>
    %shift_right_logical3A = arith.constant 14 : i32
    %shift_right_logical3A_179 = vector.broadcast %shift_right_logical3A : i32 to vector<16xi32>
    %shift_right_logical3A_180 = arith.shrui %get3A_178, %shift_right_logical3A_179 : vector<16xi32>
    %swap3A = arith.constant 0 : i32
    %swap3A_181 = arith.index_cast %swap3A : i32 to index
    %swap3A_182 = arith.constant 0 : index
    %swap3A_183 = tpu.vector_load %arg6[%swap3A_181, %swap3A_182] {strides = array<i32>} : memref<8x40xi32, #tpu.memory_space<vmem>>, vector<1x16xi32>,
    %swap3A_184 = vector.shape_cast %swap3A_183 : vector<1x16xi32> to vector<16xi32>
    %swap3A_185 = vector.shape_cast %shift_right_logical3A_180 : vector<16xi32> to vector<1x16xi32>
    tpu.vector_store %arg6[%swap3A_181, %swap3A_182], %swap3A_185 {strides = array<i32>} : memref<8x40xi32, #tpu.memory_space<vmem>>, vector<1x16xi32>,
    %and3A = arith.constant 16383 : i32
    %and3A_186 = vector.broadcast %and3A : i32 to vector<16xi32>
    %and3A_187 = arith.andi %get3A_178, %and3A_186 : vector<16xi32>
    %swap3A_188 = arith.constant 0 : i32
    %swap3A_189 = arith.index_cast %swap3A_188 : i32 to index
    %swap3A_190 = arith.constant 0 : index
    %swap3A_191 = tpu.vector_load %arg7[%swap3A_189, %swap3A_190] {strides = array<i32>} : memref<8x40xi32, #tpu.memory_space<vmem>>, vector<1x16xi32>,
    %swap3A_192 = vector.shape_cast %swap3A_191 : vector<1x16xi32> to vector<16xi32>
    %swap3A_193 = vector.shape_cast %and3A_187 : vector<16xi32> to vector<1x16xi32>
    tpu.vector_store %arg7[%swap3A_189, %swap3A_190], %swap3A_193 {strides = array<i32>} : memref<8x40xi32, #tpu.memory_space<vmem>>, vector<1x16xi32>,
    %get3A_194 = arith.constant 0 : i32
    %get3A_195 = arith.constant 0 : i32
    %get3A_196 = arith.index_cast %get3A_194 : i32 to index
    %get3A_197 = arith.index_cast %get3A_195 : i32 to index
    %get3A_198 = arith.constant 16 : index
    %get3A_199 = tpu.vector_load %arg5[%get3A_196, %get3A_197, %get3A_198] {strides = array<i32>} : memref<8x1x40xi32, #tpu.memory_space<vmem>>, vector<1x1x16xi32>,
    %get3A_200 = vector.shape_cast %get3A_199 : vector<1x1x16xi32> to vector<16xi32>
    %shift_right_logical3A_201 = arith.constant 14 : i32
    %shift_right_logical3A_202 = vector.broadcast %shift_right_logical3A_201 : i32 to vector<16xi32>
    %shift_right_logical3A_203 = arith.shrui %get3A_200, %shift_right_logical3A_202 : vector<16xi32>
    %swap3A_204 = arith.constant 0 : i32
    %swap3A_205 = arith.index_cast %swap3A_204 : i32 to index
    %swap3A_206 = arith.constant 16 : index
    %swap3A_207 = tpu.vector_load %arg6[%swap3A_205, %swap3A_206] {strides = array<i32>} : memref<8x40xi32, #tpu.memory_space<vmem>>, vector<1x16xi32>,
    %swap3A_208 = vector.shape_cast %swap3A_207 : vector<1x16xi32> to vector<16xi32>
    %swap3A_209 = vector.shape_cast %shift_right_logical3A_203 : vector<16xi32> to vector<1x16xi32>
    tpu.vector_store %arg6[%swap3A_205, %swap3A_206], %swap3A_209 {strides = array<i32>} : memref<8x40xi32, #tpu.memory_space<vmem>>, vector<1x16xi32>,
    %and3A_210 = arith.constant 16383 : i32
    %and3A_211 = vector.broadcast %and3A_210 : i32 to vector<16xi32>
    %and3A_212 = arith.andi %get3A_200, %and3A_211 : vector<16xi32>
    %swap3A_213 = arith.constant 0 : i32
    %swap3A_214 = arith.index_cast %swap3A_213 : i32 to index
    %swap3A_215 = arith.constant 16 : index
    %swap3A_216 = tpu.vector_load %arg7[%swap3A_214, %swap3A_215] {strides = array<i32>} : memref<8x40xi32, #tpu.memory_space<vmem>>, vector<1x16xi32>,
    %swap3A_217 = vector.shape_cast %swap3A_216 : vector<1x16xi32> to vector<16xi32>
    %swap3A_218 = vector.shape_cast %and3A_212 : vector<16xi32> to vector<1x16xi32>
    tpu.vector_store %arg7[%swap3A_214, %swap3A_215], %swap3A_218 {strides = array<i32>} : memref<8x40xi32, #tpu.memory_space<vmem>>, vector<1x16xi32>,
    %get3A_219 = arith.constant 0 : i32
    %get3A_220 = arith.constant 0 : i32
    %get3A_221 = arith.index_cast %get3A_219 : i32 to index
    %get3A_222 = arith.index_cast %get3A_220 : i32 to index
    %get3A_223 = arith.constant 24 : index
    %get3A_224 = tpu.vector_load %arg5[%get3A_221, %get3A_222, %get3A_223] {strides = array<i32>} : memref<8x1x40xi32, #tpu.memory_space<vmem>>, vector<1x1x16xi32>,
    %get3A_225 = vector.shape_cast %get3A_224 : vector<1x1x16xi32> to vector<16xi32>
    %shift_right_logical3A_226 = arith.constant 14 : i32
    %shift_right_logical3A_227 = vector.broadcast %shift_right_logical3A_226 : i32 to vector<16xi32>
    %shift_right_logical3A_228 = arith.shrui %get3A_225, %shift_right_logical3A_227 : vector<16xi32>
    %swap3A_229 = arith.constant 0 : i32
    %swap3A_230 = arith.index_cast %swap3A_229 : i32 to index
    %swap3A_231 = arith.constant 24 : index
    %swap3A_232 = tpu.vector_load %arg6[%swap3A_230, %swap3A_231] {strides = array<i32>} : memref<8x40xi32, #tpu.memory_space<vmem>>, vector<1x16xi32>,
    %swap3A_233 = vector.shape_cast %swap3A_232 : vector<1x16xi32> to vector<16xi32>
    %swap3A_234 = vector.shape_cast %shift_right_logical3A_228 : vector<16xi32> to vector<1x16xi32>
    tpu.vector_store %arg6[%swap3A_230, %swap3A_231], %swap3A_234 {strides = array<i32>} : memref<8x40xi32, #tpu.memory_space<vmem>>, vector<1x16xi32>,
    %and3A_235 = arith.constant 16383 : i32
    %and3A_236 = vector.broadcast %and3A_235 : i32 to vector<16xi32>
    %and3A_237 = arith.andi %get3A_225, %and3A_236 : vector<16xi32>
    %swap3A_238 = arith.constant 0 : i32
    %swap3A_239 = arith.index_cast %swap3A_238 : i32 to index
    %swap3A_240 = arith.constant 24 : index
    %swap3A_241 = tpu.vector_load %arg7[%swap3A_239, %swap3A_240] {strides = array<i32>} : memref<8x40xi32, #tpu.memory_space<vmem>>, vector<1x16xi32>,
    %swap3A_242 = vector.shape_cast %swap3A_241 : vector<1x16xi32> to vector<16xi32>
    %swap3A_243 = vector.shape_cast %and3A_237 : vector<16xi32> to vector<1x16xi32>
    tpu.vector_store %arg7[%swap3A_239, %swap3A_240], %swap3A_243 {strides = array<i32>} : memref<8x40xi32, #tpu.memory_space<vmem>>, vector<1x16xi32>,
    %dma_start3A_244 = arith.constant 0 : i32
    %dma_start3A_245 = arith.constant 0 : i32
    %dma_start3A_246 = arith.constant 0 : i32
    %dma_start3A_247 = arith.constant 0 : i32
    %dma_start3A_248 = tpu.memref_slice %arg8[%dma_start3A_245, %dma_start3A_246, %dma_start3A_247] : memref<8x40x128xf32, #tpu.memory_space<vmem>> -> memref<1x20x128xf32, #tpu.memory_space<vmem>>
    %dma_start3A_249 = tpu.memref_squeeze %dma_start3A_248 : memref<1x20x128xf32, #tpu.memory_space<vmem>> -> memref<20x128xf32, #tpu.memory_space<vmem>>
    %dma_start3A_250 = arith.constant 0 : i32
    %dma_start3A_251 = tpu.memref_slice %arg6[%dma_start3A_244, %dma_start3A_250] : memref<8x40xi32, #tpu.memory_space<vmem>> -> memref<1x20xi32, #tpu.memory_space<vmem>>
    %dma_start3A_252 = tpu.memref_squeeze %dma_start3A_251 : memref<1x20xi32, #tpu.memory_space<vmem>> -> memref<20xi32, #tpu.memory_space<vmem>>
    %dma_start3A_253 = arith.constant 0 : i32
    %dma_start3A_254 = arith.constant 0 : i32
    %dma_start3A_255 = tpu.memref_slice %arg2[%dma_start3A_253, %dma_start3A_254] : memref<80000x128xf32, #tpu.memory_space<hbm>> -> memref<80000x128xf32, #tpu.memory_space<hbm>>
    tpu.enqueue_indirect_dma source(%dma_start3A_255 : memref<80000x128xf32, #tpu.memory_space<hbm>>) target(%dma_start3A_249 : memref<20x128xf32, #tpu.memory_space<vmem>>) offsets(%dma_start3A_252 : memref<20xi32, #tpu.memory_space<vmem>>) semaphore(%arg19 : memref<!tpu.dma_semaphore, #tpu.memory_space<semaphore_mem>>)
    %dma_start3A_256 = arith.constant 0 : i32
    %dma_start3A_257 = arith.constant 0 : i32
    %dma_start3A_258 = arith.constant 20 : i32
    %dma_start3A_259 = arith.constant 0 : i32
    %dma_start3A_260 = tpu.memref_slice %arg8[%dma_start3A_257, %dma_start3A_258, %dma_start3A_259] : memref<8x40x128xf32, #tpu.memory_space<vmem>> -> memref<1x20x128xf32, #tpu.memory_space<vmem>>
    %dma_start3A_261 = tpu.memref_squeeze %dma_start3A_260 : memref<1x20x128xf32, #tpu.memory_space<vmem>> -> memref<20x128xf32, #tpu.memory_space<vmem>>
    %dma_start3A_262 = arith.constant 20 : i32
    %dma_start3A_263 = tpu.memref_slice %arg6[%dma_start3A_256, %dma_start3A_262] : memref<8x40xi32, #tpu.memory_space<vmem>> -> memref<1x20xi32, #tpu.memory_space<vmem>>
    %dma_start3A_264 = tpu.memref_squeeze %dma_start3A_263 : memref<1x20xi32, #tpu.memory_space<vmem>> -> memref<20xi32, #tpu.memory_space<vmem>>
    %dma_start3A_265 = arith.constant 0 : i32
    %dma_start3A_266 = arith.constant 0 : i32
    %dma_start3A_267 = tpu.memref_slice %arg2[%dma_start3A_265, %dma_start3A_266] : memref<80000x128xf32, #tpu.memory_space<hbm>> -> memref<80000x128xf32, #tpu.memory_space<hbm>>
    tpu.enqueue_indirect_dma source(%dma_start3A_267 : memref<80000x128xf32, #tpu.memory_space<hbm>>) target(%dma_start3A_261 : memref<20x128xf32, #tpu.memory_space<vmem>>) offsets(%dma_start3A_264 : memref<20xi32, #tpu.memory_space<vmem>>) semaphore(%arg19 : memref<!tpu.dma_semaphore, #tpu.memory_space<semaphore_mem>>)
    %dma_wait3A_268 = arith.constant 1 : i32
    %dma_wait3A_269 = arith.constant 1 : i32
    %dma_wait3A_270 = arith.constant 0 : i32
    %dma_wait3A_271 = arith.constant 0 : i32
    %dma_wait3A_272 = tpu.memref_slice %arg5[%dma_wait3A_269, %dma_wait3A_270, %dma_wait3A_271] : memref<8x1x40xi32, #tpu.memory_space<vmem>> -> memref<1x1x40xi32, #tpu.memory_space<vmem>>
    %dma_wait3A_273 = tpu.memref_squeeze %dma_wait3A_272 : memref<1x1x40xi32, #tpu.memory_space<vmem>> -> memref<1x40xi32, #tpu.memory_space<vmem>>
    %dma_wait3A_274 = arith.constant 0 : i32
    %dma_wait3A_275 = arith.constant 0 : i32
    %dma_wait3A_276 = tpu.memref_slice %arg3[%add3A, %dma_wait3A_268, %dma_wait3A_274, %dma_wait3A_275] : memref<32x250x1x40xi32, #tpu.memory_space<hbm>> -> memref<1x1x1x40xi32, #tpu.memory_space<hbm>>
    %dma_wait3A_277 = tpu.memref_squeeze %dma_wait3A_276 : memref<1x1x1x40xi32, #tpu.memory_space<hbm>> -> memref<1x40xi32, #tpu.memory_space<hbm>>
    %dma_wait3A_278 = arith.constant 0 : i32
    %dma_wait3A_279 = arith.constant 0 : i32
    %dma_wait3A_280 = tpu.memref_slice %arg5[%dma_wait3A_269, %dma_wait3A_278, %dma_wait3A_279] : memref<8x1x40xi32, #tpu.memory_space<vmem>> -> memref<1x1x40xi32, #tpu.memory_space<vmem>>
    %dma_wait3A_281 = tpu.memref_squeeze %dma_wait3A_280 : memref<1x1x40xi32, #tpu.memory_space<vmem>> -> memref<1x40xi32, #tpu.memory_space<vmem>>
    %dma_wait3A_282 = arith.constant 0 : i32
    %dma_wait3A_283 = arith.constant 0 : i32
    %dma_wait3A_284 = tpu.memref_slice %arg3[%add3A, %dma_wait3A_268, %dma_wait3A_282, %dma_wait3A_283] : memref<32x250x1x40xi32, #tpu.memory_space<hbm>> -> memref<1x1x1x40xi32, #tpu.memory_space<hbm>>
    %dma_wait3A_285 = tpu.memref_squeeze %dma_wait3A_284 : memref<1x1x1x40xi32, #tpu.memory_space<hbm>> -> memref<1x40xi32, #tpu.memory_space<hbm>>
    tpu.wait_dma2 semaphore(%arg12 : memref<!tpu.dma_semaphore, #tpu.memory_space<semaphore_mem>>) src(%dma_wait3A_285 : memref<1x40xi32, #tpu.memory_space<hbm>>) dst(%dma_wait3A_281 : memref<1x40xi32, #tpu.memory_space<vmem>>)
    %get3A_286 = arith.constant 1 : i32
    %get3A_287 = arith.constant 0 : i32
    %get3A_288 = arith.index_cast %get3A_286 : i32 to index
    %get3A_289 = arith.index_cast %get3A_287 : i32 to index
    %get3A_290 = arith.constant 0 : index
    %get3A_291 = tpu.vector_load %arg5[%get3A_288, %get3A_289, %get3A_290] {strides = array<i32>} : memref<8x1x40xi32, #tpu.memory_space<vmem>>, vector<1x1x16xi32>,
    %get3A_292 = vector.shape_cast %get3A_291 : vector<1x1x16xi32> to vector<16xi32>
    %shift_right_logical3A_293 = arith.constant 14 : i32
    %shift_right_logical3A_294 = vector.broadcast %shift_right_logical3A_293 : i32 to vector<16xi32>
    %shift_right_logical3A_295 = arith.shrui %get3A_292, %shift_right_logical3A_294 : vector<16xi32>
    %swap3A_296 = arith.constant 1 : i32
    %swap3A_297 = arith.index_cast %swap3A_296 : i32 to index
    %swap3A_298 = arith.constant 0 : index
    %swap3A_299 = tpu.vector_load %arg6[%swap3A_297, %swap3A_298] {strides = array<i32>} : memref<8x40xi32, #tpu.memory_space<vmem>>, vector<1x16xi32>,
    %swap3A_300 = vector.shape_cast %swap3A_299 : vector<1x16xi32> to vector<16xi32>
    %swap3A_301 = vector.shape_cast %shift_right_logical3A_295 : vector<16xi32> to vector<1x16xi32>
    tpu.vector_store %arg6[%swap3A_297, %swap3A_298], %swap3A_301 {strides = array<i32>} : memref<8x40xi32, #tpu.memory_space<vmem>>, vector<1x16xi32>,
    %and3A_302 = arith.constant 16383 : i32
    %and3A_303 = vector.broadcast %and3A_302 : i32 to vector<16xi32>
    %and3A_304 = arith.andi %get3A_292, %and3A_303 : vector<16xi32>
    %swap3A_305 = arith.constant 1 : i32
    %swap3A_306 = arith.index_cast %swap3A_305 : i32 to index
    %swap3A_307 = arith.constant 0 : index
    %swap3A_308 = tpu.vector_load %arg7[%swap3A_306, %swap3A_307] {strides = array<i32>} : memref<8x40xi32, #tpu.memory_space<vmem>>, vector<1x16xi32>,
    %swap3A_309 = vector.shape_cast %swap3A_308 : vector<1x16xi32> to vector<16xi32>
    %swap3A_310 = vector.shape_cast %and3A_304 : vector<16xi32> to vector<1x16xi32>
    tpu.vector_store %arg7[%swap3A_306, %swap3A_307], %swap3A_310 {strides = array<i32>} : memref<8x40xi32, #tpu.memory_space<vmem>>, vector<1x16xi32>,
    %get3A_311 = arith.constant 1 : i32
    %get3A_312 = arith.constant 0 : i32
    %get3A_313 = arith.index_cast %get3A_311 : i32 to index
    %get3A_314 = arith.index_cast %get3A_312 : i32 to index
    %get3A_315 = arith.constant 16 : index
    %get3A_316 = tpu.vector_load %arg5[%get3A_313, %get3A_314, %get3A_315] {strides = array<i32>} : memref<8x1x40xi32, #tpu.memory_space<vmem>>, vector<1x1x16xi32>,
    %get3A_317 = vector.shape_cast %get3A_316 : vector<1x1x16xi32> to vector<16xi32>
    %shift_right_logical3A_318 = arith.constant 14 : i32
    %shift_right_logical3A_319 = vector.broadcast %shift_right_logical3A_318 : i32 to vector<16xi32>
    %shift_right_logical3A_320 = arith.shrui %get3A_317, %shift_right_logical3A_319 : vector<16xi32>
    %swap3A_321 = arith.constant 1 : i32
    %swap3A_322 = arith.index_cast %swap3A_321 : i32 to index
    %swap3A_323 = arith.constant 16 : index
    %swap3A_324 = tpu.vector_load %arg6[%swap3A_322, %swap3A_323] {strides = array<i32>} : memref<8x40xi32, #tpu.memory_space<vmem>>, vector<1x16xi32>,
    %swap3A_325 = vector.shape_cast %swap3A_324 : vector<1x16xi32> to vector<16xi32>
    %swap3A_326 = vector.shape_cast %shift_right_logical3A_320 : vector<16xi32> to vector<1x16xi32>
    tpu.vector_store %arg6[%swap3A_322, %swap3A_323], %swap3A_326 {strides = array<i32>} : memref<8x40xi32, #tpu.memory_space<vmem>>, vector<1x16xi32>,
    %and3A_327 = arith.constant 16383 : i32
    %and3A_328 = vector.broadcast %and3A_327 : i32 to vector<16xi32>
    %and3A_329 = arith.andi %get3A_317, %and3A_328 : vector<16xi32>
    %swap3A_330 = arith.constant 1 : i32
    %swap3A_331 = arith.index_cast %swap3A_330 : i32 to index
    %swap3A_332 = arith.constant 16 : index
    %swap3A_333 = tpu.vector_load %arg7[%swap3A_331, %swap3A_332] {strides = array<i32>} : memref<8x40xi32, #tpu.memory_space<vmem>>, vector<1x16xi32>,
    %swap3A_334 = vector.shape_cast %swap3A_333 : vector<1x16xi32> to vector<16xi32>
    %swap3A_335 = vector.shape_cast %and3A_329 : vector<16xi32> to vector<1x16xi32>
    tpu.vector_store %arg7[%swap3A_331, %swap3A_332], %swap3A_335 {strides = array<i32>} : memref<8x40xi32, #tpu.memory_space<vmem>>, vector<1x16xi32>,
    %get3A_336 = arith.constant 1 : i32
    %get3A_337 = arith.constant 0 : i32
    %get3A_338 = arith.index_cast %get3A_336 : i32 to index
    %get3A_339 = arith.index_cast %get3A_337 : i32 to index
    %get3A_340 = arith.constant 24 : index
    %get3A_341 = tpu.vector_load %arg5[%get3A_338, %get3A_339, %get3A_340] {strides = array<i32>} : memref<8x1x40xi32, #tpu.memory_space<vmem>>, vector<1x1x16xi32>,
    %get3A_342 = vector.shape_cast %get3A_341 : vector<1x1x16xi32> to vector<16xi32>
    %shift_right_logical3A_343 = arith.constant 14 : i32
    %shift_right_logical3A_344 = vector.broadcast %shift_right_logical3A_343 : i32 to vector<16xi32>
    %shift_right_logical3A_345 = arith.shrui %get3A_342, %shift_right_logical3A_344 : vector<16xi32>
    %swap3A_346 = arith.constant 1 : i32
    %swap3A_347 = arith.index_cast %swap3A_346 : i32 to index
    %swap3A_348 = arith.constant 24 : index
    %swap3A_349 = tpu.vector_load %arg6[%swap3A_347, %swap3A_348] {strides = array<i32>} : memref<8x40xi32, #tpu.memory_space<vmem>>, vector<1x16xi32>,
    %swap3A_350 = vector.shape_cast %swap3A_349 : vector<1x16xi32> to vector<16xi32>
    %swap3A_351 = vector.shape_cast %shift_right_logical3A_345 : vector<16xi32> to vector<1x16xi32>
    tpu.vector_store %arg6[%swap3A_347, %swap3A_348], %swap3A_351 {strides = array<i32>} : memref<8x40xi32, #tpu.memory_space<vmem>>, vector<1x16xi32>,
    %and3A_352 = arith.constant 16383 : i32
    %and3A_353 = vector.broadcast %and3A_352 : i32 to vector<16xi32>
    %and3A_354 = arith.andi %get3A_342, %and3A_353 : vector<16xi32>
    %swap3A_355 = arith.constant 1 : i32
    %swap3A_356 = arith.index_cast %swap3A_355 : i32 to index
    %swap3A_357 = arith.constant 24 : index
    %swap3A_358 = tpu.vector_load %arg7[%swap3A_356, %swap3A_357] {strides = array<i32>} : memref<8x40xi32, #tpu.memory_space<vmem>>, vector<1x16xi32>,
    %swap3A_359 = vector.shape_cast %swap3A_358 : vector<1x16xi32> to vector<16xi32>
    %swap3A_360 = vector.shape_cast %and3A_354 : vector<16xi32> to vector<1x16xi32>
    tpu.vector_store %arg7[%swap3A_356, %swap3A_357], %swap3A_360 {strides = array<i32>} : memref<8x40xi32, #tpu.memory_space<vmem>>, vector<1x16xi32>,
    %dma_start3A_361 = arith.constant 1 : i32
    %dma_start3A_362 = arith.constant 1 : i32
    %dma_start3A_363 = arith.constant 0 : i32
    %dma_start3A_364 = arith.constant 0 : i32
    %dma_start3A_365 = tpu.memref_slice %arg8[%dma_start3A_362, %dma_start3A_363, %dma_start3A_364] : memref<8x40x128xf32, #tpu.memory_space<vmem>> -> memref<1x20x128xf32, #tpu.memory_space<vmem>>
    %dma_start3A_366 = tpu.memref_squeeze %dma_start3A_365 : memref<1x20x128xf32, #tpu.memory_space<vmem>> -> memref<20x128xf32, #tpu.memory_space<vmem>>
    %dma_start3A_367 = arith.constant 0 : i32
    %dma_start3A_368 = tpu.memref_slice %arg6[%dma_start3A_361, %dma_start3A_367] : memref<8x40xi32, #tpu.memory_space<vmem>> -> memref<1x20xi32, #tpu.memory_space<vmem>>
    %dma_start3A_369 = tpu.memref_squeeze %dma_start3A_368 : memref<1x20xi32, #tpu.memory_space<vmem>> -> memref<20xi32, #tpu.memory_space<vmem>>
    %dma_start3A_370 = arith.constant 0 : i32
    %dma_start3A_371 = arith.constant 0 : i32
    %dma_start3A_372 = tpu.memref_slice %arg2[%dma_start3A_370, %dma_start3A_371] : memref<80000x128xf32, #tpu.memory_space<hbm>> -> memref<80000x128xf32, #tpu.memory_space<hbm>>
    tpu.enqueue_indirect_dma source(%dma_start3A_372 : memref<80000x128xf32, #tpu.memory_space<hbm>>) target(%dma_start3A_366 : memref<20x128xf32, #tpu.memory_space<vmem>>) offsets(%dma_start3A_369 : memref<20xi32, #tpu.memory_space<vmem>>) semaphore(%arg20 : memref<!tpu.dma_semaphore, #tpu.memory_space<semaphore_mem>>)
    %dma_start3A_373 = arith.constant 1 : i32
    %dma_start3A_374 = arith.constant 1 : i32
    %dma_start3A_375 = arith.constant 20 : i32
    %dma_start3A_376 = arith.constant 0 : i32
    %dma_start3A_377 = tpu.memref_slice %arg8[%dma_start3A_374, %dma_start3A_375, %dma_start3A_376] : memref<8x40x128xf32, #tpu.memory_space<vmem>> -> memref<1x20x128xf32, #tpu.memory_space<vmem>>
    %dma_start3A_378 = tpu.memref_squeeze %dma_start3A_377 : memref<1x20x128xf32, #tpu.memory_space<vmem>> -> memref<20x128xf32, #tpu.memory_space<vmem>>
    %dma_start3A_379 = arith.constant 20 : i32
    %dma_start3A_380 = tpu.memref_slice %arg6[%dma_start3A_373, %dma_start3A_379] : memref<8x40xi32, #tpu.memory_space<vmem>> -> memref<1x20xi32, #tpu.memory_space<vmem>>
    %dma_start3A_381 = tpu.memref_squeeze %dma_start3A_380 : memref<1x20xi32, #tpu.memory_space<vmem>> -> memref<20xi32, #tpu.memory_space<vmem>>
    %dma_start3A_382 = arith.constant 0 : i32
    %dma_start3A_383 = arith.constant 0 : i32
    %dma_start3A_384 = tpu.memref_slice %arg2[%dma_start3A_382, %dma_start3A_383] : memref<80000x128xf32, #tpu.memory_space<hbm>> -> memref<80000x128xf32, #tpu.memory_space<hbm>>
    tpu.enqueue_indirect_dma source(%dma_start3A_384 : memref<80000x128xf32, #tpu.memory_space<hbm>>) target(%dma_start3A_378 : memref<20x128xf32, #tpu.memory_space<vmem>>) offsets(%dma_start3A_381 : memref<20xi32, #tpu.memory_space<vmem>>) semaphore(%arg20 : memref<!tpu.dma_semaphore, #tpu.memory_space<semaphore_mem>>)
    %dma_wait3A_385 = arith.constant 2 : i32
    %dma_wait3A_386 = arith.constant 2 : i32
    %dma_wait3A_387 = arith.constant 0 : i32
    %dma_wait3A_388 = arith.constant 0 : i32
    %dma_wait3A_389 = tpu.memref_slice %arg5[%dma_wait3A_386, %dma_wait3A_387, %dma_wait3A_388] : memref<8x1x40xi32, #tpu.memory_space<vmem>> -> memref<1x1x40xi32, #tpu.memory_space<vmem>>
    %dma_wait3A_390 = tpu.memref_squeeze %dma_wait3A_389 : memref<1x1x40xi32, #tpu.memory_space<vmem>> -> memref<1x40xi32, #tpu.memory_space<vmem>>
    %dma_wait3A_391 = arith.constant 0 : i32
    %dma_wait3A_392 = arith.constant 0 : i32
    %dma_wait3A_393 = tpu.memref_slice %arg3[%add3A, %dma_wait3A_385, %dma_wait3A_391, %dma_wait3A_392] : memref<32x250x1x40xi32, #tpu.memory_space<hbm>> -> memref<1x1x1x40xi32, #tpu.memory_space<hbm>>
    %dma_wait3A_394 = tpu.memref_squeeze %dma_wait3A_393 : memref<1x1x1x40xi32, #tpu.memory_space<hbm>> -> memref<1x40xi32, #tpu.memory_space<hbm>>
    %dma_wait3A_395 = arith.constant 0 : i32
    %dma_wait3A_396 = arith.constant 0 : i32
    %dma_wait3A_397 = tpu.memref_slice %arg5[%dma_wait3A_386, %dma_wait3A_395, %dma_wait3A_396] : memref<8x1x40xi32, #tpu.memory_space<vmem>> -> memref<1x1x40xi32, #tpu.memory_space<vmem>>
    %dma_wait3A_398 = tpu.memref_squeeze %dma_wait3A_397 : memref<1x1x40xi32, #tpu.memory_space<vmem>> -> memref<1x40xi32, #tpu.memory_space<vmem>>
    %dma_wait3A_399 = arith.constant 0 : i32
    %dma_wait3A_400 = arith.constant 0 : i32
    %dma_wait3A_401 = tpu.memref_slice %arg3[%add3A, %dma_wait3A_385, %dma_wait3A_399, %dma_wait3A_400] : memref<32x250x1x40xi32, #tpu.memory_space<hbm>> -> memref<1x1x1x40xi32, #tpu.memory_space<hbm>>
    %dma_wait3A_402 = tpu.memref_squeeze %dma_wait3A_401 : memref<1x1x1x40xi32, #tpu.memory_space<hbm>> -> memref<1x40xi32, #tpu.memory_space<hbm>>
    tpu.wait_dma2 semaphore(%arg13 : memref<!tpu.dma_semaphore, #tpu.memory_space<semaphore_mem>>) src(%dma_wait3A_402 : memref<1x40xi32, #tpu.memory_space<hbm>>) dst(%dma_wait3A_398 : memref<1x40xi32, #tpu.memory_space<vmem>>)
    %get3A_403 = arith.constant 2 : i32
    %get3A_404 = arith.constant 0 : i32
    %get3A_405 = arith.index_cast %get3A_403 : i32 to index
    %get3A_406 = arith.index_cast %get3A_404 : i32 to index
    %get3A_407 = arith.constant 0 : index
    %get3A_408 = tpu.vector_load %arg5[%get3A_405, %get3A_406, %get3A_407] {strides = array<i32>} : memref<8x1x40xi32, #tpu.memory_space<vmem>>, vector<1x1x16xi32>,
    %get3A_409 = vector.shape_cast %get3A_408 : vector<1x1x16xi32> to vector<16xi32>
    %shift_right_logical3A_410 = arith.constant 14 : i32
    %shift_right_logical3A_411 = vector.broadcast %shift_right_logical3A_410 : i32 to vector<16xi32>
    %shift_right_logical3A_412 = arith.shrui %get3A_409, %shift_right_logical3A_411 : vector<16xi32>
    %swap3A_413 = arith.constant 2 : i32
    %swap3A_414 = arith.index_cast %swap3A_413 : i32 to index
    %swap3A_415 = arith.constant 0 : index
    %swap3A_416 = tpu.vector_load %arg6[%swap3A_414, %swap3A_415] {strides = array<i32>} : memref<8x40xi32, #tpu.memory_space<vmem>>, vector<1x16xi32>,
    %swap3A_417 = vector.shape_cast %swap3A_416 : vector<1x16xi32> to vector<16xi32>
    %swap3A_418 = vector.shape_cast %shift_right_logical3A_412 : vector<16xi32> to vector<1x16xi32>
    tpu.vector_store %arg6[%swap3A_414, %swap3A_415], %swap3A_418 {strides = array<i32>} : memref<8x40xi32, #tpu.memory_space<vmem>>, vector<1x16xi32>,
    %and3A_419 = arith.constant 16383 : i32
    %and3A_420 = vector.broadcast %and3A_419 : i32 to vector<16xi32>
    %and3A_421 = arith.andi %get3A_409, %and3A_420 : vector<16xi32>
    %swap3A_422 = arith.constant 2 : i32
    %swap3A_423 = arith.index_cast %swap3A_422 : i32 to index
    %swap3A_424 = arith.constant 0 : index
    %swap3A_425 = tpu.vector_load %arg7[%swap3A_423, %swap3A_424] {strides = array<i32>} : memref<8x40xi32, #tpu.memory_space<vmem>>, vector<1x16xi32>,
    %swap3A_426 = vector.shape_cast %swap3A_425 : vector<1x16xi32> to vector<16xi32>
    %swap3A_427 = vector.shape_cast %and3A_421 : vector<16xi32> to vector<1x16xi32>
    tpu.vector_store %arg7[%swap3A_423, %swap3A_424], %swap3A_427 {strides = array<i32>} : memref<8x40xi32, #tpu.memory_space<vmem>>, vector<1x16xi32>,
    %get3A_428 = arith.constant 2 : i32
    %get3A_429 = arith.constant 0 : i32
    %get3A_430 = arith.index_cast %get3A_428 : i32 to index
    %get3A_431 = arith.index_cast %get3A_429 : i32 to index
    %get3A_432 = arith.constant 16 : index
    %get3A_433 = tpu.vector_load %arg5[%get3A_430, %get3A_431, %get3A_432] {strides = array<i32>} : memref<8x1x40xi32, #tpu.memory_space<vmem>>, vector<1x1x16xi32>,
    %get3A_434 = vector.shape_cast %get3A_433 : vector<1x1x16xi32> to vector<16xi32>
    %shift_right_logical3A_435 = arith.constant 14 : i32
    %shift_right_logical3A_436 = vector.broadcast %shift_right_logical3A_435 : i32 to vector<16xi32>
    %shift_right_logical3A_437 = arith.shrui %get3A_434, %shift_right_logical3A_436 : vector<16xi32>
    %swap3A_438 = arith.constant 2 : i32
    %swap3A_439 = arith.index_cast %swap3A_438 : i32 to index
    %swap3A_440 = arith.constant 16 : index
    %swap3A_441 = tpu.vector_load %arg6[%swap3A_439, %swap3A_440] {strides = array<i32>} : memref<8x40xi32, #tpu.memory_space<vmem>>, vector<1x16xi32>,
    %swap3A_442 = vector.shape_cast %swap3A_441 : vector<1x16xi32> to vector<16xi32>
    %swap3A_443 = vector.shape_cast %shift_right_logical3A_437 : vector<16xi32> to vector<1x16xi32>
    tpu.vector_store %arg6[%swap3A_439, %swap3A_440], %swap3A_443 {strides = array<i32>} : memref<8x40xi32, #tpu.memory_space<vmem>>, vector<1x16xi32>,
    %and3A_444 = arith.constant 16383 : i32
    %and3A_445 = vector.broadcast %and3A_444 : i32 to vector<16xi32>
    %and3A_446 = arith.andi %get3A_434, %and3A_445 : vector<16xi32>
    %swap3A_447 = arith.constant 2 : i32
    %swap3A_448 = arith.index_cast %swap3A_447 : i32 to index
    %swap3A_449 = arith.constant 16 : index
    %swap3A_450 = tpu.vector_load %arg7[%swap3A_448, %swap3A_449] {strides = array<i32>} : memref<8x40xi32, #tpu.memory_space<vmem>>, vector<1x16xi32>,
    %swap3A_451 = vector.shape_cast %swap3A_450 : vector<1x16xi32> to vector<16xi32>
    %swap3A_452 = vector.shape_cast %and3A_446 : vector<16xi32> to vector<1x16xi32>
    tpu.vector_store %arg7[%swap3A_448, %swap3A_449], %swap3A_452 {strides = array<i32>} : memref<8x40xi32, #tpu.memory_space<vmem>>, vector<1x16xi32>,
    %get3A_453 = arith.constant 2 : i32
    %get3A_454 = arith.constant 0 : i32
    %get3A_455 = arith.index_cast %get3A_453 : i32 to index
    %get3A_456 = arith.index_cast %get3A_454 : i32 to index
    %get3A_457 = arith.constant 24 : index
    %get3A_458 = tpu.vector_load %arg5[%get3A_455, %get3A_456, %get3A_457] {strides = array<i32>} : memref<8x1x40xi32, #tpu.memory_space<vmem>>, vector<1x1x16xi32>,
    %get3A_459 = vector.shape_cast %get3A_458 : vector<1x1x16xi32> to vector<16xi32>
    %shift_right_logical3A_460 = arith.constant 14 : i32
    %shift_right_logical3A_461 = vector.broadcast %shift_right_logical3A_460 : i32 to vector<16xi32>
    %shift_right_logical3A_462 = arith.shrui %get3A_459, %shift_right_logical3A_461 : vector<16xi32>
    %swap3A_463 = arith.constant 2 : i32
    %swap3A_464 = arith.index_cast %swap3A_463 : i32 to index
    %swap3A_465 = arith.constant 24 : index
    %swap3A_466 = tpu.vector_load %arg6[%swap3A_464, %swap3A_465] {strides = array<i32>} : memref<8x40xi32, #tpu.memory_space<vmem>>, vector<1x16xi32>,
    %swap3A_467 = vector.shape_cast %swap3A_466 : vector<1x16xi32> to vector<16xi32>
    %swap3A_468 = vector.shape_cast %shift_right_logical3A_462 : vector<16xi32> to vector<1x16xi32>
    tpu.vector_store %arg6[%swap3A_464, %swap3A_465], %swap3A_468 {strides = array<i32>} : memref<8x40xi32, #tpu.memory_space<vmem>>, vector<1x16xi32>,
    %and3A_469 = arith.constant 16383 : i32
    %and3A_470 = vector.broadcast %and3A_469 : i32 to vector<16xi32>
    %and3A_471 = arith.andi %get3A_459, %and3A_470 : vector<16xi32>
    %swap3A_472 = arith.constant 2 : i32
    %swap3A_473 = arith.index_cast %swap3A_472 : i32 to index
    %swap3A_474 = arith.constant 24 : index
    %swap3A_475 = tpu.vector_load %arg7[%swap3A_473, %swap3A_474] {strides = array<i32>} : memref<8x40xi32, #tpu.memory_space<vmem>>, vector<1x16xi32>,
    %swap3A_476 = vector.shape_cast %swap3A_475 : vector<1x16xi32> to vector<16xi32>
    %swap3A_477 = vector.shape_cast %and3A_471 : vector<16xi32> to vector<1x16xi32>
    tpu.vector_store %arg7[%swap3A_473, %swap3A_474], %swap3A_477 {strides = array<i32>} : memref<8x40xi32, #tpu.memory_space<vmem>>, vector<1x16xi32>,
    %dma_start3A_478 = arith.constant 2 : i32
    %dma_start3A_479 = arith.constant 2 : i32
    %dma_start3A_480 = arith.constant 0 : i32
    %dma_start3A_481 = arith.constant 0 : i32
    %dma_start3A_482 = tpu.memref_slice %arg8[%dma_start3A_479, %dma_start3A_480, %dma_start3A_481] : memref<8x40x128xf32, #tpu.memory_space<vmem>> -> memref<1x20x128xf32, #tpu.memory_space<vmem>>
    %dma_start3A_483 = tpu.memref_squeeze %dma_start3A_482 : memref<1x20x128xf32, #tpu.memory_space<vmem>> -> memref<20x128xf32, #tpu.memory_space<vmem>>
    %dma_start3A_484 = arith.constant 0 : i32
    %dma_start3A_485 = tpu.memref_slice %arg6[%dma_start3A_478, %dma_start3A_484] : memref<8x40xi32, #tpu.memory_space<vmem>> -> memref<1x20xi32, #tpu.memory_space<vmem>>
    %dma_start3A_486 = tpu.memref_squeeze %dma_start3A_485 : memref<1x20xi32, #tpu.memory_space<vmem>> -> memref<20xi32, #tpu.memory_space<vmem>>
    %dma_start3A_487 = arith.constant 0 : i32
    %dma_start3A_488 = arith.constant 0 : i32
    %dma_start3A_489 = tpu.memref_slice %arg2[%dma_start3A_487, %dma_start3A_488] : memref<80000x128xf32, #tpu.memory_space<hbm>> -> memref<80000x128xf32, #tpu.memory_space<hbm>>
    tpu.enqueue_indirect_dma source(%dma_start3A_489 : memref<80000x128xf32, #tpu.memory_space<hbm>>) target(%dma_start3A_483 : memref<20x128xf32, #tpu.memory_space<vmem>>) offsets(%dma_start3A_486 : memref<20xi32, #tpu.memory_space<vmem>>) semaphore(%arg21 : memref<!tpu.dma_semaphore, #tpu.memory_space<semaphore_mem>>)
    %dma_start3A_490 = arith.constant 2 : i32
    %dma_start3A_491 = arith.constant 2 : i32
    %dma_start3A_492 = arith.constant 20 : i32
    %dma_start3A_493 = arith.constant 0 : i32
    %dma_start3A_494 = tpu.memref_slice %arg8[%dma_start3A_491, %dma_start3A_492, %dma_start3A_493] : memref<8x40x128xf32, #tpu.memory_space<vmem>> -> memref<1x20x128xf32, #tpu.memory_space<vmem>>
    %dma_start3A_495 = tpu.memref_squeeze %dma_start3A_494 : memref<1x20x128xf32, #tpu.memory_space<vmem>> -> memref<20x128xf32, #tpu.memory_space<vmem>>
    %dma_start3A_496 = arith.constant 20 : i32
    %dma_start3A_497 = tpu.memref_slice %arg6[%dma_start3A_490, %dma_start3A_496] : memref<8x40xi32, #tpu.memory_space<vmem>> -> memref<1x20xi32, #tpu.memory_space<vmem>>
    %dma_start3A_498 = tpu.memref_squeeze %dma_start3A_497 : memref<1x20xi32, #tpu.memory_space<vmem>> -> memref<20xi32, #tpu.memory_space<vmem>>
    %dma_start3A_499 = arith.constant 0 : i32
    %dma_start3A_500 = arith.constant 0 : i32
    %dma_start3A_501 = tpu.memref_slice %arg2[%dma_start3A_499, %dma_start3A_500] : memref<80000x128xf32, #tpu.memory_space<hbm>> -> memref<80000x128xf32, #tpu.memory_space<hbm>>
    tpu.enqueue_indirect_dma source(%dma_start3A_501 : memref<80000x128xf32, #tpu.memory_space<hbm>>) target(%dma_start3A_495 : memref<20x128xf32, #tpu.memory_space<vmem>>) offsets(%dma_start3A_498 : memref<20xi32, #tpu.memory_space<vmem>>) semaphore(%arg21 : memref<!tpu.dma_semaphore, #tpu.memory_space<semaphore_mem>>)
    %dma_wait3A_502 = arith.constant 3 : i32
    %dma_wait3A_503 = arith.constant 3 : i32
    %dma_wait3A_504 = arith.constant 0 : i32
    %dma_wait3A_505 = arith.constant 0 : i32
    %dma_wait3A_506 = tpu.memref_slice %arg5[%dma_wait3A_503, %dma_wait3A_504, %dma_wait3A_505] : memref<8x1x40xi32, #tpu.memory_space<vmem>> -> memref<1x1x40xi32, #tpu.memory_space<vmem>>
    %dma_wait3A_507 = tpu.memref_squeeze %dma_wait3A_506 : memref<1x1x40xi32, #tpu.memory_space<vmem>> -> memref<1x40xi32, #tpu.memory_space<vmem>>
    %dma_wait3A_508 = arith.constant 0 : i32
    %dma_wait3A_509 = arith.constant 0 : i32
    %dma_wait3A_510 = tpu.memref_slice %arg3[%add3A, %dma_wait3A_502, %dma_wait3A_508, %dma_wait3A_509] : memref<32x250x1x40xi32, #tpu.memory_space<hbm>> -> memref<1x1x1x40xi32, #tpu.memory_space<hbm>>
    %dma_wait3A_511 = tpu.memref_squeeze %dma_wait3A_510 : memref<1x1x1x40xi32, #tpu.memory_space<hbm>> -> memref<1x40xi32, #tpu.memory_space<hbm>>
    %dma_wait3A_512 = arith.constant 0 : i32
    %dma_wait3A_513 = arith.constant 0 : i32
    %dma_wait3A_514 = tpu.memref_slice %arg5[%dma_wait3A_503, %dma_wait3A_512, %dma_wait3A_513] : memref<8x1x40xi32, #tpu.memory_space<vmem>> -> memref<1x1x40xi32, #tpu.memory_space<vmem>>
    %dma_wait3A_515 = tpu.memref_squeeze %dma_wait3A_514 : memref<1x1x40xi32, #tpu.memory_space<vmem>> -> memref<1x40xi32, #tpu.memory_space<vmem>>
    %dma_wait3A_516 = arith.constant 0 : i32
    %dma_wait3A_517 = arith.constant 0 : i32
    %dma_wait3A_518 = tpu.memref_slice %arg3[%add3A, %dma_wait3A_502, %dma_wait3A_516, %dma_wait3A_517] : memref<32x250x1x40xi32, #tpu.memory_space<hbm>> -> memref<1x1x1x40xi32, #tpu.memory_space<hbm>>
    %dma_wait3A_519 = tpu.memref_squeeze %dma_wait3A_518 : memref<1x1x1x40xi32, #tpu.memory_space<hbm>> -> memref<1x40xi32, #tpu.memory_space<hbm>>
    tpu.wait_dma2 semaphore(%arg14 : memref<!tpu.dma_semaphore, #tpu.memory_space<semaphore_mem>>) src(%dma_wait3A_519 : memref<1x40xi32, #tpu.memory_space<hbm>>) dst(%dma_wait3A_515 : memref<1x40xi32, #tpu.memory_space<vmem>>)
    %get3A_520 = arith.constant 3 : i32
    %get3A_521 = arith.constant 0 : i32
    %get3A_522 = arith.index_cast %get3A_520 : i32 to index
    %get3A_523 = arith.index_cast %get3A_521 : i32 to index
    %get3A_524 = arith.constant 0 : index
    %get3A_525 = tpu.vector_load %arg5[%get3A_522, %get3A_523, %get3A_524] {strides = array<i32>} : memref<8x1x40xi32, #tpu.memory_space<vmem>>, vector<1x1x16xi32>,
    %get3A_526 = vector.shape_cast %get3A_525 : vector<1x1x16xi32> to vector<16xi32>
    %shift_right_logical3A_527 = arith.constant 14 : i32
    %shift_right_logical3A_528 = vector.broadcast %shift_right_logical3A_527 : i32 to vector<16xi32>
    %shift_right_logical3A_529 = arith.shrui %get3A_526, %shift_right_logical3A_528 : vector<16xi32>
    %swap3A_530 = arith.constant 3 : i32
    %swap3A_531 = arith.index_cast %swap3A_530 : i32 to index
    %swap3A_532 = arith.constant 0 : index
    %swap3A_533 = tpu.vector_load %arg6[%swap3A_531, %swap3A_532] {strides = array<i32>} : memref<8x40xi32, #tpu.memory_space<vmem>>, vector<1x16xi32>,
    %swap3A_534 = vector.shape_cast %swap3A_533 : vector<1x16xi32> to vector<16xi32>
    %swap3A_535 = vector.shape_cast %shift_right_logical3A_529 : vector<16xi32> to vector<1x16xi32>
    tpu.vector_store %arg6[%swap3A_531, %swap3A_532], %swap3A_535 {strides = array<i32>} : memref<8x40xi32, #tpu.memory_space<vmem>>, vector<1x16xi32>,
    %and3A_536 = arith.constant 16383 : i32
    %and3A_537 = vector.broadcast %and3A_536 : i32 to vector<16xi32>
    %and3A_538 = arith.andi %get3A_526, %and3A_537 : vector<16xi32>
    %swap3A_539 = arith.constant 3 : i32
    %swap3A_540 = arith.index_cast %swap3A_539 : i32 to index
    %swap3A_541 = arith.constant 0 : index
    %swap3A_542 = tpu.vector_load %arg7[%swap3A_540, %swap3A_541] {strides = array<i32>} : memref<8x40xi32, #tpu.memory_space<vmem>>, vector<1x16xi32>,
    %swap3A_543 = vector.shape_cast %swap3A_542 : vector<1x16xi32> to vector<16xi32>
    %swap3A_544 = vector.shape_cast %and3A_538 : vector<16xi32> to vector<1x16xi32>
    tpu.vector_store %arg7[%swap3A_540, %swap3A_541], %swap3A_544 {strides = array<i32>} : memref<8x40xi32, #tpu.memory_space<vmem>>, vector<1x16xi32>,
    %get3A_545 = arith.constant 3 : i32
    %get3A_546 = arith.constant 0 : i32
    %get3A_547 = arith.index_cast %get3A_545 : i32 to index
    %get3A_548 = arith.index_cast %get3A_546 : i32 to index
    %get3A_549 = arith.constant 16 : index
    %get3A_550 = tpu.vector_load %arg5[%get3A_547, %get3A_548, %get3A_549] {strides = array<i32>} : memref<8x1x40xi32, #tpu.memory_space<vmem>>, vector<1x1x16xi32>,
    %get3A_551 = vector.shape_cast %get3A_550 : vector<1x1x16xi32> to vector<16xi32>
    %shift_right_logical3A_552 = arith.constant 14 : i32
    %shift_right_logical3A_553 = vector.broadcast %shift_right_logical3A_552 : i32 to vector<16xi32>
    %shift_right_logical3A_554 = arith.shrui %get3A_551, %shift_right_logical3A_553 : vector<16xi32>
    %swap3A_555 = arith.constant 3 : i32
    %swap3A_556 = arith.index_cast %swap3A_555 : i32 to index
    %swap3A_557 = arith.constant 16 : index
    %swap3A_558 = tpu.vector_load %arg6[%swap3A_556, %swap3A_557] {strides = array<i32>} : memref<8x40xi32, #tpu.memory_space<vmem>>, vector<1x16xi32>,
    %swap3A_559 = vector.shape_cast %swap3A_558 : vector<1x16xi32> to vector<16xi32>
    %swap3A_560 = vector.shape_cast %shift_right_logical3A_554 : vector<16xi32> to vector<1x16xi32>
    tpu.vector_store %arg6[%swap3A_556, %swap3A_557], %swap3A_560 {strides = array<i32>} : memref<8x40xi32, #tpu.memory_space<vmem>>, vector<1x16xi32>,
    %and3A_561 = arith.constant 16383 : i32
    %and3A_562 = vector.broadcast %and3A_561 : i32 to vector<16xi32>
    %and3A_563 = arith.andi %get3A_551, %and3A_562 : vector<16xi32>
    %swap3A_564 = arith.constant 3 : i32
    %swap3A_565 = arith.index_cast %swap3A_564 : i32 to index
    %swap3A_566 = arith.constant 16 : index
    %swap3A_567 = tpu.vector_load %arg7[%swap3A_565, %swap3A_566] {strides = array<i32>} : memref<8x40xi32, #tpu.memory_space<vmem>>, vector<1x16xi32>,
    %swap3A_568 = vector.shape_cast %swap3A_567 : vector<1x16xi32> to vector<16xi32>
    %swap3A_569 = vector.shape_cast %and3A_563 : vector<16xi32> to vector<1x16xi32>
    tpu.vector_store %arg7[%swap3A_565, %swap3A_566], %swap3A_569 {strides = array<i32>} : memref<8x40xi32, #tpu.memory_space<vmem>>, vector<1x16xi32>,
    %get3A_570 = arith.constant 3 : i32
    %get3A_571 = arith.constant 0 : i32
    %get3A_572 = arith.index_cast %get3A_570 : i32 to index
    %get3A_573 = arith.index_cast %get3A_571 : i32 to index
    %get3A_574 = arith.constant 24 : index
    %get3A_575 = tpu.vector_load %arg5[%get3A_572, %get3A_573, %get3A_574] {strides = array<i32>} : memref<8x1x40xi32, #tpu.memory_space<vmem>>, vector<1x1x16xi32>,
    %get3A_576 = vector.shape_cast %get3A_575 : vector<1x1x16xi32> to vector<16xi32>
    %shift_right_logical3A_577 = arith.constant 14 : i32
    %shift_right_logical3A_578 = vector.broadcast %shift_right_logical3A_577 : i32 to vector<16xi32>
    %shift_right_logical3A_579 = arith.shrui %get3A_576, %shift_right_logical3A_578 : vector<16xi32>
    %swap3A_580 = arith.constant 3 : i32
    %swap3A_581 = arith.index_cast %swap3A_580 : i32 to index
    %swap3A_582 = arith.constant 24 : index
    %swap3A_583 = tpu.vector_load %arg6[%swap3A_581, %swap3A_582] {strides = array<i32>} : memref<8x40xi32, #tpu.memory_space<vmem>>, vector<1x16xi32>,
    %swap3A_584 = vector.shape_cast %swap3A_583 : vector<1x16xi32> to vector<16xi32>
    %swap3A_585 = vector.shape_cast %shift_right_logical3A_579 : vector<16xi32> to vector<1x16xi32>
    tpu.vector_store %arg6[%swap3A_581, %swap3A_582], %swap3A_585 {strides = array<i32>} : memref<8x40xi32, #tpu.memory_space<vmem>>, vector<1x16xi32>,
    %and3A_586 = arith.constant 16383 : i32
    %and3A_587 = vector.broadcast %and3A_586 : i32 to vector<16xi32>
    %and3A_588 = arith.andi %get3A_576, %and3A_587 : vector<16xi32>
    %swap3A_589 = arith.constant 3 : i32
    %swap3A_590 = arith.index_cast %swap3A_589 : i32 to index
    %swap3A_591 = arith.constant 24 : index
    %swap3A_592 = tpu.vector_load %arg7[%swap3A_590, %swap3A_591] {strides = array<i32>} : memref<8x40xi32, #tpu.memory_space<vmem>>, vector<1x16xi32>,
    %swap3A_593 = vector.shape_cast %swap3A_592 : vector<1x16xi32> to vector<16xi32>
    %swap3A_594 = vector.shape_cast %and3A_588 : vector<16xi32> to vector<1x16xi32>
    tpu.vector_store %arg7[%swap3A_590, %swap3A_591], %swap3A_594 {strides = array<i32>} : memref<8x40xi32, #tpu.memory_space<vmem>>, vector<1x16xi32>,
    %dma_start3A_595 = arith.constant 3 : i32
    %dma_start3A_596 = arith.constant 3 : i32
    %dma_start3A_597 = arith.constant 0 : i32
    %dma_start3A_598 = arith.constant 0 : i32
    %dma_start3A_599 = tpu.memref_slice %arg8[%dma_start3A_596, %dma_start3A_597, %dma_start3A_598] : memref<8x40x128xf32, #tpu.memory_space<vmem>> -> memref<1x20x128xf32, #tpu.memory_space<vmem>>
    %dma_start3A_600 = tpu.memref_squeeze %dma_start3A_599 : memref<1x20x128xf32, #tpu.memory_space<vmem>> -> memref<20x128xf32, #tpu.memory_space<vmem>>
    %dma_start3A_601 = arith.constant 0 : i32
    %dma_start3A_602 = tpu.memref_slice %arg6[%dma_start3A_595, %dma_start3A_601] : memref<8x40xi32, #tpu.memory_space<vmem>> -> memref<1x20xi32, #tpu.memory_space<vmem>>
    %dma_start3A_603 = tpu.memref_squeeze %dma_start3A_602 : memref<1x20xi32, #tpu.memory_space<vmem>> -> memref<20xi32, #tpu.memory_space<vmem>>
    %dma_start3A_604 = arith.constant 0 : i32
    %dma_start3A_605 = arith.constant 0 : i32
    %dma_start3A_606 = tpu.memref_slice %arg2[%dma_start3A_604, %dma_start3A_605] : memref<80000x128xf32, #tpu.memory_space<hbm>> -> memref<80000x128xf32, #tpu.memory_space<hbm>>
    tpu.enqueue_indirect_dma source(%dma_start3A_606 : memref<80000x128xf32, #tpu.memory_space<hbm>>) target(%dma_start3A_600 : memref<20x128xf32, #tpu.memory_space<vmem>>) offsets(%dma_start3A_603 : memref<20xi32, #tpu.memory_space<vmem>>) semaphore(%arg22 : memref<!tpu.dma_semaphore, #tpu.memory_space<semaphore_mem>>)
    %dma_start3A_607 = arith.constant 3 : i32
    %dma_start3A_608 = arith.constant 3 : i32
    %dma_start3A_609 = arith.constant 20 : i32
    %dma_start3A_610 = arith.constant 0 : i32
    %dma_start3A_611 = tpu.memref_slice %arg8[%dma_start3A_608, %dma_start3A_609, %dma_start3A_610] : memref<8x40x128xf32, #tpu.memory_space<vmem>> -> memref<1x20x128xf32, #tpu.memory_space<vmem>>
    %dma_start3A_612 = tpu.memref_squeeze %dma_start3A_611 : memref<1x20x128xf32, #tpu.memory_space<vmem>> -> memref<20x128xf32, #tpu.memory_space<vmem>>
    %dma_start3A_613 = arith.constant 20 : i32
    %dma_start3A_614 = tpu.memref_slice %arg6[%dma_start3A_607, %dma_start3A_613] : memref<8x40xi32, #tpu.memory_space<vmem>> -> memref<1x20xi32, #tpu.memory_space<vmem>>
    %dma_start3A_615 = tpu.memref_squeeze %dma_start3A_614 : memref<1x20xi32, #tpu.memory_space<vmem>> -> memref<20xi32, #tpu.memory_space<vmem>>
    %dma_start3A_616 = arith.constant 0 : i32
    %dma_start3A_617 = arith.constant 0 : i32
    %dma_start3A_618 = tpu.memref_slice %arg2[%dma_start3A_616, %dma_start3A_617] : memref<80000x128xf32, #tpu.memory_space<hbm>> -> memref<80000x128xf32, #tpu.memory_space<hbm>>
    tpu.enqueue_indirect_dma source(%dma_start3A_618 : memref<80000x128xf32, #tpu.memory_space<hbm>>) target(%dma_start3A_612 : memref<20x128xf32, #tpu.memory_space<vmem>>) offsets(%dma_start3A_615 : memref<20xi32, #tpu.memory_space<vmem>>) semaphore(%arg22 : memref<!tpu.dma_semaphore, #tpu.memory_space<semaphore_mem>>)
    %dma_wait3A_619 = arith.constant 4 : i32
    %dma_wait3A_620 = arith.constant 4 : i32
    %dma_wait3A_621 = arith.constant 0 : i32
    %dma_wait3A_622 = arith.constant 0 : i32
    %dma_wait3A_623 = tpu.memref_slice %arg5[%dma_wait3A_620, %dma_wait3A_621, %dma_wait3A_622] : memref<8x1x40xi32, #tpu.memory_space<vmem>> -> memref<1x1x40xi32, #tpu.memory_space<vmem>>
    %dma_wait3A_624 = tpu.memref_squeeze %dma_wait3A_623 : memref<1x1x40xi32, #tpu.memory_space<vmem>> -> memref<1x40xi32, #tpu.memory_space<vmem>>
    %dma_wait3A_625 = arith.constant 0 : i32
    %dma_wait3A_626 = arith.constant 0 : i32
    %dma_wait3A_627 = tpu.memref_slice %arg3[%add3A, %dma_wait3A_619, %dma_wait3A_625, %dma_wait3A_626] : memref<32x250x1x40xi32, #tpu.memory_space<hbm>> -> memref<1x1x1x40xi32, #tpu.memory_space<hbm>>
    %dma_wait3A_628 = tpu.memref_squeeze %dma_wait3A_627 : memref<1x1x1x40xi32, #tpu.memory_space<hbm>> -> memref<1x40xi32, #tpu.memory_space<hbm>>
    %dma_wait3A_629 = arith.constant 0 : i32
    %dma_wait3A_630 = arith.constant 0 : i32
    %dma_wait3A_631 = tpu.memref_slice %arg5[%dma_wait3A_620, %dma_wait3A_629, %dma_wait3A_630] : memref<8x1x40xi32, #tpu.memory_space<vmem>> -> memref<1x1x40xi32, #tpu.memory_space<vmem>>
    %dma_wait3A_632 = tpu.memref_squeeze %dma_wait3A_631 : memref<1x1x40xi32, #tpu.memory_space<vmem>> -> memref<1x40xi32, #tpu.memory_space<vmem>>
    %dma_wait3A_633 = arith.constant 0 : i32
    %dma_wait3A_634 = arith.constant 0 : i32
    %dma_wait3A_635 = tpu.memref_slice %arg3[%add3A, %dma_wait3A_619, %dma_wait3A_633, %dma_wait3A_634] : memref<32x250x1x40xi32, #tpu.memory_space<hbm>> -> memref<1x1x1x40xi32, #tpu.memory_space<hbm>>
    %dma_wait3A_636 = tpu.memref_squeeze %dma_wait3A_635 : memref<1x1x1x40xi32, #tpu.memory_space<hbm>> -> memref<1x40xi32, #tpu.memory_space<hbm>>
    tpu.wait_dma2 semaphore(%arg15 : memref<!tpu.dma_semaphore, #tpu.memory_space<semaphore_mem>>) src(%dma_wait3A_636 : memref<1x40xi32, #tpu.memory_space<hbm>>) dst(%dma_wait3A_632 : memref<1x40xi32, #tpu.memory_space<vmem>>)
    %get3A_637 = arith.constant 4 : i32
    %get3A_638 = arith.constant 0 : i32
    %get3A_639 = arith.index_cast %get3A_637 : i32 to index
    %get3A_640 = arith.index_cast %get3A_638 : i32 to index
    %get3A_641 = arith.constant 0 : index
    %get3A_642 = tpu.vector_load %arg5[%get3A_639, %get3A_640, %get3A_641] {strides = array<i32>} : memref<8x1x40xi32, #tpu.memory_space<vmem>>, vector<1x1x16xi32>,
    %get3A_643 = vector.shape_cast %get3A_642 : vector<1x1x16xi32> to vector<16xi32>
    %shift_right_logical3A_644 = arith.constant 14 : i32
    %shift_right_logical3A_645 = vector.broadcast %shift_right_logical3A_644 : i32 to vector<16xi32>
    %shift_right_logical3A_646 = arith.shrui %get3A_643, %shift_right_logical3A_645 : vector<16xi32>
    %swap3A_647 = arith.constant 4 : i32
    %swap3A_648 = arith.index_cast %swap3A_647 : i32 to index
    %swap3A_649 = arith.constant 0 : index
    %swap3A_650 = tpu.vector_load %arg6[%swap3A_648, %swap3A_649] {strides = array<i32>} : memref<8x40xi32, #tpu.memory_space<vmem>>, vector<1x16xi32>,
    %swap3A_651 = vector.shape_cast %swap3A_650 : vector<1x16xi32> to vector<16xi32>
    %swap3A_652 = vector.shape_cast %shift_right_logical3A_646 : vector<16xi32> to vector<1x16xi32>
    tpu.vector_store %arg6[%swap3A_648, %swap3A_649], %swap3A_652 {strides = array<i32>} : memref<8x40xi32, #tpu.memory_space<vmem>>, vector<1x16xi32>,
    %and3A_653 = arith.constant 16383 : i32
    %and3A_654 = vector.broadcast %and3A_653 : i32 to vector<16xi32>
    %and3A_655 = arith.andi %get3A_643, %and3A_654 : vector<16xi32>
    %swap3A_656 = arith.constant 4 : i32
    %swap3A_657 = arith.index_cast %swap3A_656 : i32 to index
    %swap3A_658 = arith.constant 0 : index
    %swap3A_659 = tpu.vector_load %arg7[%swap3A_657, %swap3A_658] {strides = array<i32>} : memref<8x40xi32, #tpu.memory_space<vmem>>, vector<1x16xi32>,
    %swap3A_660 = vector.shape_cast %swap3A_659 : vector<1x16xi32> to vector<16xi32>
    %swap3A_661 = vector.shape_cast %and3A_655 : vector<16xi32> to vector<1x16xi32>
    tpu.vector_store %arg7[%swap3A_657, %swap3A_658], %swap3A_661 {strides = array<i32>} : memref<8x40xi32, #tpu.memory_space<vmem>>, vector<1x16xi32>,
    %get3A_662 = arith.constant 4 : i32
    %get3A_663 = arith.constant 0 : i32
    %get3A_664 = arith.index_cast %get3A_662 : i32 to index
    %get3A_665 = arith.index_cast %get3A_663 : i32 to index
    %get3A_666 = arith.constant 16 : index
    %get3A_667 = tpu.vector_load %arg5[%get3A_664, %get3A_665, %get3A_666] {strides = array<i32>} : memref<8x1x40xi32, #tpu.memory_space<vmem>>, vector<1x1x16xi32>,
    %get3A_668 = vector.shape_cast %get3A_667 : vector<1x1x16xi32> to vector<16xi32>
    %shift_right_logical3A_669 = arith.constant 14 : i32
    %shift_right_logical3A_670 = vector.broadcast %shift_right_logical3A_669 : i32 to vector<16xi32>
    %shift_right_logical3A_671 = arith.shrui %get3A_668, %shift_right_logical3A_670 : vector<16xi32>
    %swap3A_672 = arith.constant 4 : i32
    %swap3A_673 = arith.index_cast %swap3A_672 : i32 to index
    %swap3A_674 = arith.constant 16 : index
    %swap3A_675 = tpu.vector_load %arg6[%swap3A_673, %swap3A_674] {strides = array<i32>} : memref<8x40xi32, #tpu.memory_space<vmem>>, vector<1x16xi32>,
    %swap3A_676 = vector.shape_cast %swap3A_675 : vector<1x16xi32> to vector<16xi32>
    %swap3A_677 = vector.shape_cast %shift_right_logical3A_671 : vector<16xi32> to vector<1x16xi32>
    tpu.vector_store %arg6[%swap3A_673, %swap3A_674], %swap3A_677 {strides = array<i32>} : memref<8x40xi32, #tpu.memory_space<vmem>>, vector<1x16xi32>,
    %and3A_678 = arith.constant 16383 : i32
    %and3A_679 = vector.broadcast %and3A_678 : i32 to vector<16xi32>
    %and3A_680 = arith.andi %get3A_668, %and3A_679 : vector<16xi32>
    %swap3A_681 = arith.constant 4 : i32
    %swap3A_682 = arith.index_cast %swap3A_681 : i32 to index
    %swap3A_683 = arith.constant 16 : index
    %swap3A_684 = tpu.vector_load %arg7[%swap3A_682, %swap3A_683] {strides = array<i32>} : memref<8x40xi32, #tpu.memory_space<vmem>>, vector<1x16xi32>,
    %swap3A_685 = vector.shape_cast %swap3A_684 : vector<1x16xi32> to vector<16xi32>
    %swap3A_686 = vector.shape_cast %and3A_680 : vector<16xi32> to vector<1x16xi32>
    tpu.vector_store %arg7[%swap3A_682, %swap3A_683], %swap3A_686 {strides = array<i32>} : memref<8x40xi32, #tpu.memory_space<vmem>>, vector<1x16xi32>,
    %get3A_687 = arith.constant 4 : i32
    %get3A_688 = arith.constant 0 : i32
    %get3A_689 = arith.index_cast %get3A_687 : i32 to index
    %get3A_690 = arith.index_cast %get3A_688 : i32 to index
    %get3A_691 = arith.constant 24 : index
    %get3A_692 = tpu.vector_load %arg5[%get3A_689, %get3A_690, %get3A_691] {strides = array<i32>} : memref<8x1x40xi32, #tpu.memory_space<vmem>>, vector<1x1x16xi32>,
    %get3A_693 = vector.shape_cast %get3A_692 : vector<1x1x16xi32> to vector<16xi32>
    %shift_right_logical3A_694 = arith.constant 14 : i32
    %shift_right_logical3A_695 = vector.broadcast %shift_right_logical3A_694 : i32 to vector<16xi32>
    %shift_right_logical3A_696 = arith.shrui %get3A_693, %shift_right_logical3A_695 : vector<16xi32>
    %swap3A_697 = arith.constant 4 : i32
    %swap3A_698 = arith.index_cast %swap3A_697 : i32 to index
    %swap3A_699 = arith.constant 24 : index
    %swap3A_700 = tpu.vector_load %arg6[%swap3A_698, %swap3A_699] {strides = array<i32>} : memref<8x40xi32, #tpu.memory_space<vmem>>, vector<1x16xi32>,
    %swap3A_701 = vector.shape_cast %swap3A_700 : vector<1x16xi32> to vector<16xi32>
    %swap3A_702 = vector.shape_cast %shift_right_logical3A_696 : vector<16xi32> to vector<1x16xi32>
    tpu.vector_store %arg6[%swap3A_698, %swap3A_699], %swap3A_702 {strides = array<i32>} : memref<8x40xi32, #tpu.memory_space<vmem>>, vector<1x16xi32>,
    %and3A_703 = arith.constant 16383 : i32
    %and3A_704 = vector.broadcast %and3A_703 : i32 to vector<16xi32>
    %and3A_705 = arith.andi %get3A_693, %and3A_704 : vector<16xi32>
    %swap3A_706 = arith.constant 4 : i32
    %swap3A_707 = arith.index_cast %swap3A_706 : i32 to index
    %swap3A_708 = arith.constant 24 : index
    %swap3A_709 = tpu.vector_load %arg7[%swap3A_707, %swap3A_708] {strides = array<i32>} : memref<8x40xi32, #tpu.memory_space<vmem>>, vector<1x16xi32>,
    %swap3A_710 = vector.shape_cast %swap3A_709 : vector<1x16xi32> to vector<16xi32>
    %swap3A_711 = vector.shape_cast %and3A_705 : vector<16xi32> to vector<1x16xi32>
    tpu.vector_store %arg7[%swap3A_707, %swap3A_708], %swap3A_711 {strides = array<i32>} : memref<8x40xi32, #tpu.memory_space<vmem>>, vector<1x16xi32>,
    %dma_start3A_712 = arith.constant 4 : i32
    %dma_start3A_713 = arith.constant 4 : i32
    %dma_start3A_714 = arith.constant 0 : i32
    %dma_start3A_715 = arith.constant 0 : i32
    %dma_start3A_716 = tpu.memref_slice %arg8[%dma_start3A_713, %dma_start3A_714, %dma_start3A_715] : memref<8x40x128xf32, #tpu.memory_space<vmem>> -> memref<1x20x128xf32, #tpu.memory_space<vmem>>
    %dma_start3A_717 = tpu.memref_squeeze %dma_start3A_716 : memref<1x20x128xf32, #tpu.memory_space<vmem>> -> memref<20x128xf32, #tpu.memory_space<vmem>>
    %dma_start3A_718 = arith.constant 0 : i32
    %dma_start3A_719 = tpu.memref_slice %arg6[%dma_start3A_712, %dma_start3A_718] : memref<8x40xi32, #tpu.memory_space<vmem>> -> memref<1x20xi32, #tpu.memory_space<vmem>>
    %dma_start3A_720 = tpu.memref_squeeze %dma_start3A_719 : memref<1x20xi32, #tpu.memory_space<vmem>> -> memref<20xi32, #tpu.memory_space<vmem>>
    %dma_start3A_721 = arith.constant 0 : i32
    %dma_start3A_722 = arith.constant 0 : i32
    %dma_start3A_723 = tpu.memref_slice %arg2[%dma_start3A_721, %dma_start3A_722] : memref<80000x128xf32, #tpu.memory_space<hbm>> -> memref<80000x128xf32, #tpu.memory_space<hbm>>
    tpu.enqueue_indirect_dma source(%dma_start3A_723 : memref<80000x128xf32, #tpu.memory_space<hbm>>) target(%dma_start3A_717 : memref<20x128xf32, #tpu.memory_space<vmem>>) offsets(%dma_start3A_720 : memref<20xi32, #tpu.memory_space<vmem>>) semaphore(%arg23 : memref<!tpu.dma_semaphore, #tpu.memory_space<semaphore_mem>>)
    %dma_start3A_724 = arith.constant 4 : i32
    %dma_start3A_725 = arith.constant 4 : i32
    %dma_start3A_726 = arith.constant 20 : i32
    %dma_start3A_727 = arith.constant 0 : i32
    %dma_start3A_728 = tpu.memref_slice %arg8[%dma_start3A_725, %dma_start3A_726, %dma_start3A_727] : memref<8x40x128xf32, #tpu.memory_space<vmem>> -> memref<1x20x128xf32, #tpu.memory_space<vmem>>
    %dma_start3A_729 = tpu.memref_squeeze %dma_start3A_728 : memref<1x20x128xf32, #tpu.memory_space<vmem>> -> memref<20x128xf32, #tpu.memory_space<vmem>>
    %dma_start3A_730 = arith.constant 20 : i32
    %dma_start3A_731 = tpu.memref_slice %arg6[%dma_start3A_724, %dma_start3A_730] : memref<8x40xi32, #tpu.memory_space<vmem>> -> memref<1x20xi32, #tpu.memory_space<vmem>>
    %dma_start3A_732 = tpu.memref_squeeze %dma_start3A_731 : memref<1x20xi32, #tpu.memory_space<vmem>> -> memref<20xi32, #tpu.memory_space<vmem>>
    %dma_start3A_733 = arith.constant 0 : i32
    %dma_start3A_734 = arith.constant 0 : i32
    %dma_start3A_735 = tpu.memref_slice %arg2[%dma_start3A_733, %dma_start3A_734] : memref<80000x128xf32, #tpu.memory_space<hbm>> -> memref<80000x128xf32, #tpu.memory_space<hbm>>
    tpu.enqueue_indirect_dma source(%dma_start3A_735 : memref<80000x128xf32, #tpu.memory_space<hbm>>) target(%dma_start3A_729 : memref<20x128xf32, #tpu.memory_space<vmem>>) offsets(%dma_start3A_732 : memref<20xi32, #tpu.memory_space<vmem>>) semaphore(%arg23 : memref<!tpu.dma_semaphore, #tpu.memory_space<semaphore_mem>>)
    %dma_wait3A_736 = arith.constant 5 : i32
    %dma_wait3A_737 = arith.constant 5 : i32
    %dma_wait3A_738 = arith.constant 0 : i32
    %dma_wait3A_739 = arith.constant 0 : i32
    %dma_wait3A_740 = tpu.memref_slice %arg5[%dma_wait3A_737, %dma_wait3A_738, %dma_wait3A_739] : memref<8x1x40xi32, #tpu.memory_space<vmem>> -> memref<1x1x40xi32, #tpu.memory_space<vmem>>
    %dma_wait3A_741 = tpu.memref_squeeze %dma_wait3A_740 : memref<1x1x40xi32, #tpu.memory_space<vmem>> -> memref<1x40xi32, #tpu.memory_space<vmem>>
    %dma_wait3A_742 = arith.constant 0 : i32
    %dma_wait3A_743 = arith.constant 0 : i32
    %dma_wait3A_744 = tpu.memref_slice %arg3[%add3A, %dma_wait3A_736, %dma_wait3A_742, %dma_wait3A_743] : memref<32x250x1x40xi32, #tpu.memory_space<hbm>> -> memref<1x1x1x40xi32, #tpu.memory_space<hbm>>
    %dma_wait3A_745 = tpu.memref_squeeze %dma_wait3A_744 : memref<1x1x1x40xi32, #tpu.memory_space<hbm>> -> memref<1x40xi32, #tpu.memory_space<hbm>>
    %dma_wait3A_746 = arith.constant 0 : i32
    %dma_wait3A_747 = arith.constant 0 : i32
    %dma_wait3A_748 = tpu.memref_slice %arg5[%dma_wait3A_737, %dma_wait3A_746, %dma_wait3A_747] : memref<8x1x40xi32, #tpu.memory_space<vmem>> -> memref<1x1x40xi32, #tpu.memory_space<vmem>>
    %dma_wait3A_749 = tpu.memref_squeeze %dma_wait3A_748 : memref<1x1x40xi32, #tpu.memory_space<vmem>> -> memref<1x40xi32, #tpu.memory_space<vmem>>
    %dma_wait3A_750 = arith.constant 0 : i32
    %dma_wait3A_751 = arith.constant 0 : i32
    %dma_wait3A_752 = tpu.memref_slice %arg3[%add3A, %dma_wait3A_736, %dma_wait3A_750, %dma_wait3A_751] : memref<32x250x1x40xi32, #tpu.memory_space<hbm>> -> memref<1x1x1x40xi32, #tpu.memory_space<hbm>>
    %dma_wait3A_753 = tpu.memref_squeeze %dma_wait3A_752 : memref<1x1x1x40xi32, #tpu.memory_space<hbm>> -> memref<1x40xi32, #tpu.memory_space<hbm>>
    tpu.wait_dma2 semaphore(%arg16 : memref<!tpu.dma_semaphore, #tpu.memory_space<semaphore_mem>>) src(%dma_wait3A_753 : memref<1x40xi32, #tpu.memory_space<hbm>>) dst(%dma_wait3A_749 : memref<1x40xi32, #tpu.memory_space<vmem>>)
    %get3A_754 = arith.constant 5 : i32
    %get3A_755 = arith.constant 0 : i32
    %get3A_756 = arith.index_cast %get3A_754 : i32 to index
    %get3A_757 = arith.index_cast %get3A_755 : i32 to index
    %get3A_758 = arith.constant 0 : index
    %get3A_759 = tpu.vector_load %arg5[%get3A_756, %get3A_757, %get3A_758] {strides = array<i32>} : memref<8x1x40xi32, #tpu.memory_space<vmem>>, vector<1x1x16xi32>,
    %get3A_760 = vector.shape_cast %get3A_759 : vector<1x1x16xi32> to vector<16xi32>
    %shift_right_logical3A_761 = arith.constant 14 : i32
    %shift_right_logical3A_762 = vector.broadcast %shift_right_logical3A_761 : i32 to vector<16xi32>
    %shift_right_logical3A_763 = arith.shrui %get3A_760, %shift_right_logical3A_762 : vector<16xi32>
    %swap3A_764 = arith.constant 5 : i32
    %swap3A_765 = arith.index_cast %swap3A_764 : i32 to index
    %swap3A_766 = arith.constant 0 : index
    %swap3A_767 = tpu.vector_load %arg6[%swap3A_765, %swap3A_766] {strides = array<i32>} : memref<8x40xi32, #tpu.memory_space<vmem>>, vector<1x16xi32>,
    %swap3A_768 = vector.shape_cast %swap3A_767 : vector<1x16xi32> to vector<16xi32>
    %swap3A_769 = vector.shape_cast %shift_right_logical3A_763 : vector<16xi32> to vector<1x16xi32>
    tpu.vector_store %arg6[%swap3A_765, %swap3A_766], %swap3A_769 {strides = array<i32>} : memref<8x40xi32, #tpu.memory_space<vmem>>, vector<1x16xi32>,
    %and3A_770 = arith.constant 16383 : i32
    %and3A_771 = vector.broadcast %and3A_770 : i32 to vector<16xi32>
    %and3A_772 = arith.andi %get3A_760, %and3A_771 : vector<16xi32>
    %swap3A_773 = arith.constant 5 : i32
    %swap3A_774 = arith.index_cast %swap3A_773 : i32 to index
    %swap3A_775 = arith.constant 0 : index
    %swap3A_776 = tpu.vector_load %arg7[%swap3A_774, %swap3A_775] {strides = array<i32>} : memref<8x40xi32, #tpu.memory_space<vmem>>, vector<1x16xi32>,
    %swap3A_777 = vector.shape_cast %swap3A_776 : vector<1x16xi32> to vector<16xi32>
    %swap3A_778 = vector.shape_cast %and3A_772 : vector<16xi32> to vector<1x16xi32>
    tpu.vector_store %arg7[%swap3A_774, %swap3A_775], %swap3A_778 {strides = array<i32>} : memref<8x40xi32, #tpu.memory_space<vmem>>, vector<1x16xi32>,
    %get3A_779 = arith.constant 5 : i32
    %get3A_780 = arith.constant 0 : i32
    %get3A_781 = arith.index_cast %get3A_779 : i32 to index
    %get3A_782 = arith.index_cast %get3A_780 : i32 to index
    %get3A_783 = arith.constant 16 : index
    %get3A_784 = tpu.vector_load %arg5[%get3A_781, %get3A_782, %get3A_783] {strides = array<i32>} : memref<8x1x40xi32, #tpu.memory_space<vmem>>, vector<1x1x16xi32>,
    %get3A_785 = vector.shape_cast %get3A_784 : vector<1x1x16xi32> to vector<16xi32>
    %shift_right_logical3A_786 = arith.constant 14 : i32
    %shift_right_logical3A_787 = vector.broadcast %shift_right_logical3A_786 : i32 to vector<16xi32>
    %shift_right_logical3A_788 = arith.shrui %get3A_785, %shift_right_logical3A_787 : vector<16xi32>
    %swap3A_789 = arith.constant 5 : i32
    %swap3A_790 = arith.index_cast %swap3A_789 : i32 to index
    %swap3A_791 = arith.constant 16 : index
    %swap3A_792 = tpu.vector_load %arg6[%swap3A_790, %swap3A_791] {strides = array<i32>} : memref<8x40xi32, #tpu.memory_space<vmem>>, vector<1x16xi32>,
    %swap3A_793 = vector.shape_cast %swap3A_792 : vector<1x16xi32> to vector<16xi32>
    %swap3A_794 = vector.shape_cast %shift_right_logical3A_788 : vector<16xi32> to vector<1x16xi32>
    tpu.vector_store %arg6[%swap3A_790, %swap3A_791], %swap3A_794 {strides = array<i32>} : memref<8x40xi32, #tpu.memory_space<vmem>>, vector<1x16xi32>,
    %and3A_795 = arith.constant 16383 : i32
    %and3A_796 = vector.broadcast %and3A_795 : i32 to vector<16xi32>
    %and3A_797 = arith.andi %get3A_785, %and3A_796 : vector<16xi32>
    %swap3A_798 = arith.constant 5 : i32
    %swap3A_799 = arith.index_cast %swap3A_798 : i32 to index
    %swap3A_800 = arith.constant 16 : index
    %swap3A_801 = tpu.vector_load %arg7[%swap3A_799, %swap3A_800] {strides = array<i32>} : memref<8x40xi32, #tpu.memory_space<vmem>>, vector<1x16xi32>,
    %swap3A_802 = vector.shape_cast %swap3A_801 : vector<1x16xi32> to vector<16xi32>
    %swap3A_803 = vector.shape_cast %and3A_797 : vector<16xi32> to vector<1x16xi32>
    tpu.vector_store %arg7[%swap3A_799, %swap3A_800], %swap3A_803 {strides = array<i32>} : memref<8x40xi32, #tpu.memory_space<vmem>>, vector<1x16xi32>,
    %get3A_804 = arith.constant 5 : i32
    %get3A_805 = arith.constant 0 : i32
    %get3A_806 = arith.index_cast %get3A_804 : i32 to index
    %get3A_807 = arith.index_cast %get3A_805 : i32 to index
    %get3A_808 = arith.constant 24 : index
    %get3A_809 = tpu.vector_load %arg5[%get3A_806, %get3A_807, %get3A_808] {strides = array<i32>} : memref<8x1x40xi32, #tpu.memory_space<vmem>>, vector<1x1x16xi32>,
    %get3A_810 = vector.shape_cast %get3A_809 : vector<1x1x16xi32> to vector<16xi32>
    %shift_right_logical3A_811 = arith.constant 14 : i32
    %shift_right_logical3A_812 = vector.broadcast %shift_right_logical3A_811 : i32 to vector<16xi32>
    %shift_right_logical3A_813 = arith.shrui %get3A_810, %shift_right_logical3A_812 : vector<16xi32>
    %swap3A_814 = arith.constant 5 : i32
    %swap3A_815 = arith.index_cast %swap3A_814 : i32 to index
    %swap3A_816 = arith.constant 24 : index
    %swap3A_817 = tpu.vector_load %arg6[%swap3A_815, %swap3A_816] {strides = array<i32>} : memref<8x40xi32, #tpu.memory_space<vmem>>, vector<1x16xi32>,
    %swap3A_818 = vector.shape_cast %swap3A_817 : vector<1x16xi32> to vector<16xi32>
    %swap3A_819 = vector.shape_cast %shift_right_logical3A_813 : vector<16xi32> to vector<1x16xi32>
    tpu.vector_store %arg6[%swap3A_815, %swap3A_816], %swap3A_819 {strides = array<i32>} : memref<8x40xi32, #tpu.memory_space<vmem>>, vector<1x16xi32>,
    %and3A_820 = arith.constant 16383 : i32
    %and3A_821 = vector.broadcast %and3A_820 : i32 to vector<16xi32>
    %and3A_822 = arith.andi %get3A_810, %and3A_821 : vector<16xi32>
    %swap3A_823 = arith.constant 5 : i32
    %swap3A_824 = arith.index_cast %swap3A_823 : i32 to index
    %swap3A_825 = arith.constant 24 : index
    %swap3A_826 = tpu.vector_load %arg7[%swap3A_824, %swap3A_825] {strides = array<i32>} : memref<8x40xi32, #tpu.memory_space<vmem>>, vector<1x16xi32>,
    %swap3A_827 = vector.shape_cast %swap3A_826 : vector<1x16xi32> to vector<16xi32>
    %swap3A_828 = vector.shape_cast %and3A_822 : vector<16xi32> to vector<1x16xi32>
    tpu.vector_store %arg7[%swap3A_824, %swap3A_825], %swap3A_828 {strides = array<i32>} : memref<8x40xi32, #tpu.memory_space<vmem>>, vector<1x16xi32>,
    %dma_start3A_829 = arith.constant 5 : i32
    %dma_start3A_830 = arith.constant 5 : i32
    %dma_start3A_831 = arith.constant 0 : i32
    %dma_start3A_832 = arith.constant 0 : i32
    %dma_start3A_833 = tpu.memref_slice %arg8[%dma_start3A_830, %dma_start3A_831, %dma_start3A_832] : memref<8x40x128xf32, #tpu.memory_space<vmem>> -> memref<1x20x128xf32, #tpu.memory_space<vmem>>
    %dma_start3A_834 = tpu.memref_squeeze %dma_start3A_833 : memref<1x20x128xf32, #tpu.memory_space<vmem>> -> memref<20x128xf32, #tpu.memory_space<vmem>>
    %dma_start3A_835 = arith.constant 0 : i32
    %dma_start3A_836 = tpu.memref_slice %arg6[%dma_start3A_829, %dma_start3A_835] : memref<8x40xi32, #tpu.memory_space<vmem>> -> memref<1x20xi32, #tpu.memory_space<vmem>>
    %dma_start3A_837 = tpu.memref_squeeze %dma_start3A_836 : memref<1x20xi32, #tpu.memory_space<vmem>> -> memref<20xi32, #tpu.memory_space<vmem>>
    %dma_start3A_838 = arith.constant 0 : i32
    %dma_start3A_839 = arith.constant 0 : i32
    %dma_start3A_840 = tpu.memref_slice %arg2[%dma_start3A_838, %dma_start3A_839] : memref<80000x128xf32, #tpu.memory_space<hbm>> -> memref<80000x128xf32, #tpu.memory_space<hbm>>
    tpu.enqueue_indirect_dma source(%dma_start3A_840 : memref<80000x128xf32, #tpu.memory_space<hbm>>) target(%dma_start3A_834 : memref<20x128xf32, #tpu.memory_space<vmem>>) offsets(%dma_start3A_837 : memref<20xi32, #tpu.memory_space<vmem>>) semaphore(%arg24 : memref<!tpu.dma_semaphore, #tpu.memory_space<semaphore_mem>>)
    %dma_start3A_841 = arith.constant 5 : i32
    %dma_start3A_842 = arith.constant 5 : i32
    %dma_start3A_843 = arith.constant 20 : i32
    %dma_start3A_844 = arith.constant 0 : i32
    %dma_start3A_845 = tpu.memref_slice %arg8[%dma_start3A_842, %dma_start3A_843, %dma_start3A_844] : memref<8x40x128xf32, #tpu.memory_space<vmem>> -> memref<1x20x128xf32, #tpu.memory_space<vmem>>
    %dma_start3A_846 = tpu.memref_squeeze %dma_start3A_845 : memref<1x20x128xf32, #tpu.memory_space<vmem>> -> memref<20x128xf32, #tpu.memory_space<vmem>>
    %dma_start3A_847 = arith.constant 20 : i32
    %dma_start3A_848 = tpu.memref_slice %arg6[%dma_start3A_841, %dma_start3A_847] : memref<8x40xi32, #tpu.memory_space<vmem>> -> memref<1x20xi32, #tpu.memory_space<vmem>>
    %dma_start3A_849 = tpu.memref_squeeze %dma_start3A_848 : memref<1x20xi32, #tpu.memory_space<vmem>> -> memref<20xi32, #tpu.memory_space<vmem>>
    %dma_start3A_850 = arith.constant 0 : i32
    %dma_start3A_851 = arith.constant 0 : i32
    %dma_start3A_852 = tpu.memref_slice %arg2[%dma_start3A_850, %dma_start3A_851] : memref<80000x128xf32, #tpu.memory_space<hbm>> -> memref<80000x128xf32, #tpu.memory_space<hbm>>
    tpu.enqueue_indirect_dma source(%dma_start3A_852 : memref<80000x128xf32, #tpu.memory_space<hbm>>) target(%dma_start3A_846 : memref<20x128xf32, #tpu.memory_space<vmem>>) offsets(%dma_start3A_849 : memref<20xi32, #tpu.memory_space<vmem>>) semaphore(%arg24 : memref<!tpu.dma_semaphore, #tpu.memory_space<semaphore_mem>>)
    %dma_wait3A_853 = arith.constant 6 : i32
    %dma_wait3A_854 = arith.constant 6 : i32
    %dma_wait3A_855 = arith.constant 0 : i32
    %dma_wait3A_856 = arith.constant 0 : i32
    %dma_wait3A_857 = tpu.memref_slice %arg5[%dma_wait3A_854, %dma_wait3A_855, %dma_wait3A_856] : memref<8x1x40xi32, #tpu.memory_space<vmem>> -> memref<1x1x40xi32, #tpu.memory_space<vmem>>
    %dma_wait3A_858 = tpu.memref_squeeze %dma_wait3A_857 : memref<1x1x40xi32, #tpu.memory_space<vmem>> -> memref<1x40xi32, #tpu.memory_space<vmem>>
    %dma_wait3A_859 = arith.constant 0 : i32
    %dma_wait3A_860 = arith.constant 0 : i32
    %dma_wait3A_861 = tpu.memref_slice %arg3[%add3A, %dma_wait3A_853, %dma_wait3A_859, %dma_wait3A_860] : memref<32x250x1x40xi32, #tpu.memory_space<hbm>> -> memref<1x1x1x40xi32, #tpu.memory_space<hbm>>
    %dma_wait3A_862 = tpu.memref_squeeze %dma_wait3A_861 : memref<1x1x1x40xi32, #tpu.memory_space<hbm>> -> memref<1x40xi32, #tpu.memory_space<hbm>>
    %dma_wait3A_863 = arith.constant 0 : i32
    %dma_wait3A_864 = arith.constant 0 : i32
    %dma_wait3A_865 = tpu.memref_slice %arg5[%dma_wait3A_854, %dma_wait3A_863, %dma_wait3A_864] : memref<8x1x40xi32, #tpu.memory_space<vmem>> -> memref<1x1x40xi32, #tpu.memory_space<vmem>>
    %dma_wait3A_866 = tpu.memref_squeeze %dma_wait3A_865 : memref<1x1x40xi32, #tpu.memory_space<vmem>> -> memref<1x40xi32, #tpu.memory_space<vmem>>
    %dma_wait3A_867 = arith.constant 0 : i32
    %dma_wait3A_868 = arith.constant 0 : i32
    %dma_wait3A_869 = tpu.memref_slice %arg3[%add3A, %dma_wait3A_853, %dma_wait3A_867, %dma_wait3A_868] : memref<32x250x1x40xi32, #tpu.memory_space<hbm>> -> memref<1x1x1x40xi32, #tpu.memory_space<hbm>>
    %dma_wait3A_870 = tpu.memref_squeeze %dma_wait3A_869 : memref<1x1x1x40xi32, #tpu.memory_space<hbm>> -> memref<1x40xi32, #tpu.memory_space<hbm>>
    tpu.wait_dma2 semaphore(%arg17 : memref<!tpu.dma_semaphore, #tpu.memory_space<semaphore_mem>>) src(%dma_wait3A_870 : memref<1x40xi32, #tpu.memory_space<hbm>>) dst(%dma_wait3A_866 : memref<1x40xi32, #tpu.memory_space<vmem>>)
    %get3A_871 = arith.constant 6 : i32
    %get3A_872 = arith.constant 0 : i32
    %get3A_873 = arith.index_cast %get3A_871 : i32 to index
    %get3A_874 = arith.index_cast %get3A_872 : i32 to index
    %get3A_875 = arith.constant 0 : index
    %get3A_876 = tpu.vector_load %arg5[%get3A_873, %get3A_874, %get3A_875] {strides = array<i32>} : memref<8x1x40xi32, #tpu.memory_space<vmem>>, vector<1x1x16xi32>,
    %get3A_877 = vector.shape_cast %get3A_876 : vector<1x1x16xi32> to vector<16xi32>
    %shift_right_logical3A_878 = arith.constant 14 : i32
    %shift_right_logical3A_879 = vector.broadcast %shift_right_logical3A_878 : i32 to vector<16xi32>
    %shift_right_logical3A_880 = arith.shrui %get3A_877, %shift_right_logical3A_879 : vector<16xi32>
    %swap3A_881 = arith.constant 6 : i32
    %swap3A_882 = arith.index_cast %swap3A_881 : i32 to index
    %swap3A_883 = arith.constant 0 : index
    %swap3A_884 = tpu.vector_load %arg6[%swap3A_882, %swap3A_883] {strides = array<i32>} : memref<8x40xi32, #tpu.memory_space<vmem>>, vector<1x16xi32>,
    %swap3A_885 = vector.shape_cast %swap3A_884 : vector<1x16xi32> to vector<16xi32>
    %swap3A_886 = vector.shape_cast %shift_right_logical3A_880 : vector<16xi32> to vector<1x16xi32>
    tpu.vector_store %arg6[%swap3A_882, %swap3A_883], %swap3A_886 {strides = array<i32>} : memref<8x40xi32, #tpu.memory_space<vmem>>, vector<1x16xi32>,
    %and3A_887 = arith.constant 16383 : i32
    %and3A_888 = vector.broadcast %and3A_887 : i32 to vector<16xi32>
    %and3A_889 = arith.andi %get3A_877, %and3A_888 : vector<16xi32>
    %swap3A_890 = arith.constant 6 : i32
    %swap3A_891 = arith.index_cast %swap3A_890 : i32 to index
    %swap3A_892 = arith.constant 0 : index
    %swap3A_893 = tpu.vector_load %arg7[%swap3A_891, %swap3A_892] {strides = array<i32>} : memref<8x40xi32, #tpu.memory_space<vmem>>, vector<1x16xi32>,
    %swap3A_894 = vector.shape_cast %swap3A_893 : vector<1x16xi32> to vector<16xi32>
    %swap3A_895 = vector.shape_cast %and3A_889 : vector<16xi32> to vector<1x16xi32>
    tpu.vector_store %arg7[%swap3A_891, %swap3A_892], %swap3A_895 {strides = array<i32>} : memref<8x40xi32, #tpu.memory_space<vmem>>, vector<1x16xi32>,
    %get3A_896 = arith.constant 6 : i32
    %get3A_897 = arith.constant 0 : i32
    %get3A_898 = arith.index_cast %get3A_896 : i32 to index
    %get3A_899 = arith.index_cast %get3A_897 : i32 to index
    %get3A_900 = arith.constant 16 : index
    %get3A_901 = tpu.vector_load %arg5[%get3A_898, %get3A_899, %get3A_900] {strides = array<i32>} : memref<8x1x40xi32, #tpu.memory_space<vmem>>, vector<1x1x16xi32>,
    %get3A_902 = vector.shape_cast %get3A_901 : vector<1x1x16xi32> to vector<16xi32>
    %shift_right_logical3A_903 = arith.constant 14 : i32
    %shift_right_logical3A_904 = vector.broadcast %shift_right_logical3A_903 : i32 to vector<16xi32>
    %shift_right_logical3A_905 = arith.shrui %get3A_902, %shift_right_logical3A_904 : vector<16xi32>
    %swap3A_906 = arith.constant 6 : i32
    %swap3A_907 = arith.index_cast %swap3A_906 : i32 to index
    %swap3A_908 = arith.constant 16 : index
    %swap3A_909 = tpu.vector_load %arg6[%swap3A_907, %swap3A_908] {strides = array<i32>} : memref<8x40xi32, #tpu.memory_space<vmem>>, vector<1x16xi32>,
    %swap3A_910 = vector.shape_cast %swap3A_909 : vector<1x16xi32> to vector<16xi32>
    %swap3A_911 = vector.shape_cast %shift_right_logical3A_905 : vector<16xi32> to vector<1x16xi32>
    tpu.vector_store %arg6[%swap3A_907, %swap3A_908], %swap3A_911 {strides = array<i32>} : memref<8x40xi32, #tpu.memory_space<vmem>>, vector<1x16xi32>,
    %and3A_912 = arith.constant 16383 : i32
    %and3A_913 = vector.broadcast %and3A_912 : i32 to vector<16xi32>
    %and3A_914 = arith.andi %get3A_902, %and3A_913 : vector<16xi32>
    %swap3A_915 = arith.constant 6 : i32
    %swap3A_916 = arith.index_cast %swap3A_915 : i32 to index
    %swap3A_917 = arith.constant 16 : index
    %swap3A_918 = tpu.vector_load %arg7[%swap3A_916, %swap3A_917] {strides = array<i32>} : memref<8x40xi32, #tpu.memory_space<vmem>>, vector<1x16xi32>,
    %swap3A_919 = vector.shape_cast %swap3A_918 : vector<1x16xi32> to vector<16xi32>
    %swap3A_920 = vector.shape_cast %and3A_914 : vector<16xi32> to vector<1x16xi32>
    tpu.vector_store %arg7[%swap3A_916, %swap3A_917], %swap3A_920 {strides = array<i32>} : memref<8x40xi32, #tpu.memory_space<vmem>>, vector<1x16xi32>,
    %get3A_921 = arith.constant 6 : i32
    %get3A_922 = arith.constant 0 : i32
    %get3A_923 = arith.index_cast %get3A_921 : i32 to index
    %get3A_924 = arith.index_cast %get3A_922 : i32 to index
    %get3A_925 = arith.constant 24 : index
    %get3A_926 = tpu.vector_load %arg5[%get3A_923, %get3A_924, %get3A_925] {strides = array<i32>} : memref<8x1x40xi32, #tpu.memory_space<vmem>>, vector<1x1x16xi32>,
    %get3A_927 = vector.shape_cast %get3A_926 : vector<1x1x16xi32> to vector<16xi32>
    %shift_right_logical3A_928 = arith.constant 14 : i32
    %shift_right_logical3A_929 = vector.broadcast %shift_right_logical3A_928 : i32 to vector<16xi32>
    %shift_right_logical3A_930 = arith.shrui %get3A_927, %shift_right_logical3A_929 : vector<16xi32>
    %swap3A_931 = arith.constant 6 : i32
    %swap3A_932 = arith.index_cast %swap3A_931 : i32 to index
    %swap3A_933 = arith.constant 24 : index
    %swap3A_934 = tpu.vector_load %arg6[%swap3A_932, %swap3A_933] {strides = array<i32>} : memref<8x40xi32, #tpu.memory_space<vmem>>, vector<1x16xi32>,
    %swap3A_935 = vector.shape_cast %swap3A_934 : vector<1x16xi32> to vector<16xi32>
    %swap3A_936 = vector.shape_cast %shift_right_logical3A_930 : vector<16xi32> to vector<1x16xi32>
    tpu.vector_store %arg6[%swap3A_932, %swap3A_933], %swap3A_936 {strides = array<i32>} : memref<8x40xi32, #tpu.memory_space<vmem>>, vector<1x16xi32>,
    %and3A_937 = arith.constant 16383 : i32
    %and3A_938 = vector.broadcast %and3A_937 : i32 to vector<16xi32>
    %and3A_939 = arith.andi %get3A_927, %and3A_938 : vector<16xi32>
    %swap3A_940 = arith.constant 6 : i32
    %swap3A_941 = arith.index_cast %swap3A_940 : i32 to index
    %swap3A_942 = arith.constant 24 : index
    %swap3A_943 = tpu.vector_load %arg7[%swap3A_941, %swap3A_942] {strides = array<i32>} : memref<8x40xi32, #tpu.memory_space<vmem>>, vector<1x16xi32>,
    %swap3A_944 = vector.shape_cast %swap3A_943 : vector<1x16xi32> to vector<16xi32>
    %swap3A_945 = vector.shape_cast %and3A_939 : vector<16xi32> to vector<1x16xi32>
    tpu.vector_store %arg7[%swap3A_941, %swap3A_942], %swap3A_945 {strides = array<i32>} : memref<8x40xi32, #tpu.memory_space<vmem>>, vector<1x16xi32>,
    %dma_start3A_946 = arith.constant 6 : i32
    %dma_start3A_947 = arith.constant 6 : i32
    %dma_start3A_948 = arith.constant 0 : i32
    %dma_start3A_949 = arith.constant 0 : i32
    %dma_start3A_950 = tpu.memref_slice %arg8[%dma_start3A_947, %dma_start3A_948, %dma_start3A_949] : memref<8x40x128xf32, #tpu.memory_space<vmem>> -> memref<1x20x128xf32, #tpu.memory_space<vmem>>
    %dma_start3A_951 = tpu.memref_squeeze %dma_start3A_950 : memref<1x20x128xf32, #tpu.memory_space<vmem>> -> memref<20x128xf32, #tpu.memory_space<vmem>>
    %dma_start3A_952 = arith.constant 0 : i32
    %dma_start3A_953 = tpu.memref_slice %arg6[%dma_start3A_946, %dma_start3A_952] : memref<8x40xi32, #tpu.memory_space<vmem>> -> memref<1x20xi32, #tpu.memory_space<vmem>>
    %dma_start3A_954 = tpu.memref_squeeze %dma_start3A_953 : memref<1x20xi32, #tpu.memory_space<vmem>> -> memref<20xi32, #tpu.memory_space<vmem>>
    %dma_start3A_955 = arith.constant 0 : i32
    %dma_start3A_956 = arith.constant 0 : i32
    %dma_start3A_957 = tpu.memref_slice %arg2[%dma_start3A_955, %dma_start3A_956] : memref<80000x128xf32, #tpu.memory_space<hbm>> -> memref<80000x128xf32, #tpu.memory_space<hbm>>
    tpu.enqueue_indirect_dma source(%dma_start3A_957 : memref<80000x128xf32, #tpu.memory_space<hbm>>) target(%dma_start3A_951 : memref<20x128xf32, #tpu.memory_space<vmem>>) offsets(%dma_start3A_954 : memref<20xi32, #tpu.memory_space<vmem>>) semaphore(%arg25 : memref<!tpu.dma_semaphore, #tpu.memory_space<semaphore_mem>>)
    %dma_start3A_958 = arith.constant 6 : i32
    %dma_start3A_959 = arith.constant 6 : i32
    %dma_start3A_960 = arith.constant 20 : i32
    %dma_start3A_961 = arith.constant 0 : i32
    %dma_start3A_962 = tpu.memref_slice %arg8[%dma_start3A_959, %dma_start3A_960, %dma_start3A_961] : memref<8x40x128xf32, #tpu.memory_space<vmem>> -> memref<1x20x128xf32, #tpu.memory_space<vmem>>
    %dma_start3A_963 = tpu.memref_squeeze %dma_start3A_962 : memref<1x20x128xf32, #tpu.memory_space<vmem>> -> memref<20x128xf32, #tpu.memory_space<vmem>>
    %dma_start3A_964 = arith.constant 20 : i32
    %dma_start3A_965 = tpu.memref_slice %arg6[%dma_start3A_958, %dma_start3A_964] : memref<8x40xi32, #tpu.memory_space<vmem>> -> memref<1x20xi32, #tpu.memory_space<vmem>>
    %dma_start3A_966 = tpu.memref_squeeze %dma_start3A_965 : memref<1x20xi32, #tpu.memory_space<vmem>> -> memref<20xi32, #tpu.memory_space<vmem>>
    %dma_start3A_967 = arith.constant 0 : i32
    %dma_start3A_968 = arith.constant 0 : i32
    %dma_start3A_969 = tpu.memref_slice %arg2[%dma_start3A_967, %dma_start3A_968] : memref<80000x128xf32, #tpu.memory_space<hbm>> -> memref<80000x128xf32, #tpu.memory_space<hbm>>
    tpu.enqueue_indirect_dma source(%dma_start3A_969 : memref<80000x128xf32, #tpu.memory_space<hbm>>) target(%dma_start3A_963 : memref<20x128xf32, #tpu.memory_space<vmem>>) offsets(%dma_start3A_966 : memref<20xi32, #tpu.memory_space<vmem>>) semaphore(%arg25 : memref<!tpu.dma_semaphore, #tpu.memory_space<semaphore_mem>>)
    %dma_wait3A_970 = arith.constant 7 : i32
    %dma_wait3A_971 = arith.constant 7 : i32
    %dma_wait3A_972 = arith.constant 0 : i32
    %dma_wait3A_973 = arith.constant 0 : i32
    %dma_wait3A_974 = tpu.memref_slice %arg5[%dma_wait3A_971, %dma_wait3A_972, %dma_wait3A_973] : memref<8x1x40xi32, #tpu.memory_space<vmem>> -> memref<1x1x40xi32, #tpu.memory_space<vmem>>
    %dma_wait3A_975 = tpu.memref_squeeze %dma_wait3A_974 : memref<1x1x40xi32, #tpu.memory_space<vmem>> -> memref<1x40xi32, #tpu.memory_space<vmem>>
    %dma_wait3A_976 = arith.constant 0 : i32
    %dma_wait3A_977 = arith.constant 0 : i32
    %dma_wait3A_978 = tpu.memref_slice %arg3[%add3A, %dma_wait3A_970, %dma_wait3A_976, %dma_wait3A_977] : memref<32x250x1x40xi32, #tpu.memory_space<hbm>> -> memref<1x1x1x40xi32, #tpu.memory_space<hbm>>
    %dma_wait3A_979 = tpu.memref_squeeze %dma_wait3A_978 : memref<1x1x1x40xi32, #tpu.memory_space<hbm>> -> memref<1x40xi32, #tpu.memory_space<hbm>>
    %dma_wait3A_980 = arith.constant 0 : i32
    %dma_wait3A_981 = arith.constant 0 : i32
    %dma_wait3A_982 = tpu.memref_slice %arg5[%dma_wait3A_971, %dma_wait3A_980, %dma_wait3A_981] : memref<8x1x40xi32, #tpu.memory_space<vmem>> -> memref<1x1x40xi32, #tpu.memory_space<vmem>>
    %dma_wait3A_983 = tpu.memref_squeeze %dma_wait3A_982 : memref<1x1x40xi32, #tpu.memory_space<vmem>> -> memref<1x40xi32, #tpu.memory_space<vmem>>
    %dma_wait3A_984 = arith.constant 0 : i32
    %dma_wait3A_985 = arith.constant 0 : i32
    %dma_wait3A_986 = tpu.memref_slice %arg3[%add3A, %dma_wait3A_970, %dma_wait3A_984, %dma_wait3A_985] : memref<32x250x1x40xi32, #tpu.memory_space<hbm>> -> memref<1x1x1x40xi32, #tpu.memory_space<hbm>>
    %dma_wait3A_987 = tpu.memref_squeeze %dma_wait3A_986 : memref<1x1x1x40xi32, #tpu.memory_space<hbm>> -> memref<1x40xi32, #tpu.memory_space<hbm>>
    tpu.wait_dma2 semaphore(%arg18 : memref<!tpu.dma_semaphore, #tpu.memory_space<semaphore_mem>>) src(%dma_wait3A_987 : memref<1x40xi32, #tpu.memory_space<hbm>>) dst(%dma_wait3A_983 : memref<1x40xi32, #tpu.memory_space<vmem>>)
    %get3A_988 = arith.constant 7 : i32
    %get3A_989 = arith.constant 0 : i32
    %get3A_990 = arith.index_cast %get3A_988 : i32 to index
    %get3A_991 = arith.index_cast %get3A_989 : i32 to index
    %get3A_992 = arith.constant 0 : index
    %get3A_993 = tpu.vector_load %arg5[%get3A_990, %get3A_991, %get3A_992] {strides = array<i32>} : memref<8x1x40xi32, #tpu.memory_space<vmem>>, vector<1x1x16xi32>,
    %get3A_994 = vector.shape_cast %get3A_993 : vector<1x1x16xi32> to vector<16xi32>
    %shift_right_logical3A_995 = arith.constant 14 : i32
    %shift_right_logical3A_996 = vector.broadcast %shift_right_logical3A_995 : i32 to vector<16xi32>
    %shift_right_logical3A_997 = arith.shrui %get3A_994, %shift_right_logical3A_996 : vector<16xi32>
    %swap3A_998 = arith.constant 7 : i32
    %swap3A_999 = arith.index_cast %swap3A_998 : i32 to index
    %swap3A_1000 = arith.constant 0 : index
    %swap3A_1001 = tpu.vector_load %arg6[%swap3A_999, %swap3A_1000] {strides = array<i32>} : memref<8x40xi32, #tpu.memory_space<vmem>>, vector<1x16xi32>,
    %swap3A_1002 = vector.shape_cast %swap3A_1001 : vector<1x16xi32> to vector<16xi32>
    %swap3A_1003 = vector.shape_cast %shift_right_logical3A_997 : vector<16xi32> to vector<1x16xi32>
    tpu.vector_store %arg6[%swap3A_999, %swap3A_1000], %swap3A_1003 {strides = array<i32>} : memref<8x40xi32, #tpu.memory_space<vmem>>, vector<1x16xi32>,
    %and3A_1004 = arith.constant 16383 : i32
    %and3A_1005 = vector.broadcast %and3A_1004 : i32 to vector<16xi32>
    %and3A_1006 = arith.andi %get3A_994, %and3A_1005 : vector<16xi32>
    %swap3A_1007 = arith.constant 7 : i32
    %swap3A_1008 = arith.index_cast %swap3A_1007 : i32 to index
    %swap3A_1009 = arith.constant 0 : index
    %swap3A_1010 = tpu.vector_load %arg7[%swap3A_1008, %swap3A_1009] {strides = array<i32>} : memref<8x40xi32, #tpu.memory_space<vmem>>, vector<1x16xi32>,
    %swap3A_1011 = vector.shape_cast %swap3A_1010 : vector<1x16xi32> to vector<16xi32>
    %swap3A_1012 = vector.shape_cast %and3A_1006 : vector<16xi32> to vector<1x16xi32>
    tpu.vector_store %arg7[%swap3A_1008, %swap3A_1009], %swap3A_1012 {strides = array<i32>} : memref<8x40xi32, #tpu.memory_space<vmem>>, vector<1x16xi32>,
    %get3A_1013 = arith.constant 7 : i32
    %get3A_1014 = arith.constant 0 : i32
    %get3A_1015 = arith.index_cast %get3A_1013 : i32 to index
    %get3A_1016 = arith.index_cast %get3A_1014 : i32 to index
    %get3A_1017 = arith.constant 16 : index
    %get3A_1018 = tpu.vector_load %arg5[%get3A_1015, %get3A_1016, %get3A_1017] {strides = array<i32>} : memref<8x1x40xi32, #tpu.memory_space<vmem>>, vector<1x1x16xi32>,
    %get3A_1019 = vector.shape_cast %get3A_1018 : vector<1x1x16xi32> to vector<16xi32>
    %shift_right_logical3A_1020 = arith.constant 14 : i32
    %shift_right_logical3A_1021 = vector.broadcast %shift_right_logical3A_1020 : i32 to vector<16xi32>
    %shift_right_logical3A_1022 = arith.shrui %get3A_1019, %shift_right_logical3A_1021 : vector<16xi32>
    %swap3A_1023 = arith.constant 7 : i32
    %swap3A_1024 = arith.index_cast %swap3A_1023 : i32 to index
    %swap3A_1025 = arith.constant 16 : index
    %swap3A_1026 = tpu.vector_load %arg6[%swap3A_1024, %swap3A_1025] {strides = array<i32>} : memref<8x40xi32, #tpu.memory_space<vmem>>, vector<1x16xi32>,
    %swap3A_1027 = vector.shape_cast %swap3A_1026 : vector<1x16xi32> to vector<16xi32>
    %swap3A_1028 = vector.shape_cast %shift_right_logical3A_1022 : vector<16xi32> to vector<1x16xi32>
    tpu.vector_store %arg6[%swap3A_1024, %swap3A_1025], %swap3A_1028 {strides = array<i32>} : memref<8x40xi32, #tpu.memory_space<vmem>>, vector<1x16xi32>,
    %and3A_1029 = arith.constant 16383 : i32
    %and3A_1030 = vector.broadcast %and3A_1029 : i32 to vector<16xi32>
    %and3A_1031 = arith.andi %get3A_1019, %and3A_1030 : vector<16xi32>
    %swap3A_1032 = arith.constant 7 : i32
    %swap3A_1033 = arith.index_cast %swap3A_1032 : i32 to index
    %swap3A_1034 = arith.constant 16 : index
    %swap3A_1035 = tpu.vector_load %arg7[%swap3A_1033, %swap3A_1034] {strides = array<i32>} : memref<8x40xi32, #tpu.memory_space<vmem>>, vector<1x16xi32>,
    %swap3A_1036 = vector.shape_cast %swap3A_1035 : vector<1x16xi32> to vector<16xi32>
    %swap3A_1037 = vector.shape_cast %and3A_1031 : vector<16xi32> to vector<1x16xi32>
    tpu.vector_store %arg7[%swap3A_1033, %swap3A_1034], %swap3A_1037 {strides = array<i32>} : memref<8x40xi32, #tpu.memory_space<vmem>>, vector<1x16xi32>,
    %get3A_1038 = arith.constant 7 : i32
    %get3A_1039 = arith.constant 0 : i32
    %get3A_1040 = arith.index_cast %get3A_1038 : i32 to index
    %get3A_1041 = arith.index_cast %get3A_1039 : i32 to index
    %get3A_1042 = arith.constant 24 : index
    %get3A_1043 = tpu.vector_load %arg5[%get3A_1040, %get3A_1041, %get3A_1042] {strides = array<i32>} : memref<8x1x40xi32, #tpu.memory_space<vmem>>, vector<1x1x16xi32>,
    %get3A_1044 = vector.shape_cast %get3A_1043 : vector<1x1x16xi32> to vector<16xi32>
    %shift_right_logical3A_1045 = arith.constant 14 : i32
    %shift_right_logical3A_1046 = vector.broadcast %shift_right_logical3A_1045 : i32 to vector<16xi32>
    %shift_right_logical3A_1047 = arith.shrui %get3A_1044, %shift_right_logical3A_1046 : vector<16xi32>
    %swap3A_1048 = arith.constant 7 : i32
    %swap3A_1049 = arith.index_cast %swap3A_1048 : i32 to index
    %swap3A_1050 = arith.constant 24 : index
    %swap3A_1051 = tpu.vector_load %arg6[%swap3A_1049, %swap3A_1050] {strides = array<i32>} : memref<8x40xi32, #tpu.memory_space<vmem>>, vector<1x16xi32>,
    %swap3A_1052 = vector.shape_cast %swap3A_1051 : vector<1x16xi32> to vector<16xi32>
    %swap3A_1053 = vector.shape_cast %shift_right_logical3A_1047 : vector<16xi32> to vector<1x16xi32>
    tpu.vector_store %arg6[%swap3A_1049, %swap3A_1050], %swap3A_1053 {strides = array<i32>} : memref<8x40xi32, #tpu.memory_space<vmem>>, vector<1x16xi32>,
    %and3A_1054 = arith.constant 16383 : i32
    %and3A_1055 = vector.broadcast %and3A_1054 : i32 to vector<16xi32>
    %and3A_1056 = arith.andi %get3A_1044, %and3A_1055 : vector<16xi32>
    %swap3A_1057 = arith.constant 7 : i32
    %swap3A_1058 = arith.index_cast %swap3A_1057 : i32 to index
    %swap3A_1059 = arith.constant 24 : index
    %swap3A_1060 = tpu.vector_load %arg7[%swap3A_1058, %swap3A_1059] {strides = array<i32>} : memref<8x40xi32, #tpu.memory_space<vmem>>, vector<1x16xi32>,
    %swap3A_1061 = vector.shape_cast %swap3A_1060 : vector<1x16xi32> to vector<16xi32>
    %swap3A_1062 = vector.shape_cast %and3A_1056 : vector<16xi32> to vector<1x16xi32>
    tpu.vector_store %arg7[%swap3A_1058, %swap3A_1059], %swap3A_1062 {strides = array<i32>} : memref<8x40xi32, #tpu.memory_space<vmem>>, vector<1x16xi32>,
    %dma_start3A_1063 = arith.constant 7 : i32
    %dma_start3A_1064 = arith.constant 7 : i32
    %dma_start3A_1065 = arith.constant 0 : i32
    %dma_start3A_1066 = arith.constant 0 : i32
    %dma_start3A_1067 = tpu.memref_slice %arg8[%dma_start3A_1064, %dma_start3A_1065, %dma_start3A_1066] : memref<8x40x128xf32, #tpu.memory_space<vmem>> -> memref<1x20x128xf32, #tpu.memory_space<vmem>>
    %dma_start3A_1068 = tpu.memref_squeeze %dma_start3A_1067 : memref<1x20x128xf32, #tpu.memory_space<vmem>> -> memref<20x128xf32, #tpu.memory_space<vmem>>
    %dma_start3A_1069 = arith.constant 0 : i32
    %dma_start3A_1070 = tpu.memref_slice %arg6[%dma_start3A_1063, %dma_start3A_1069] : memref<8x40xi32, #tpu.memory_space<vmem>> -> memref<1x20xi32, #tpu.memory_space<vmem>>
    %dma_start3A_1071 = tpu.memref_squeeze %dma_start3A_1070 : memref<1x20xi32, #tpu.memory_space<vmem>> -> memref<20xi32, #tpu.memory_space<vmem>>
    %dma_start3A_1072 = arith.constant 0 : i32
    %dma_start3A_1073 = arith.constant 0 : i32
    %dma_start3A_1074 = tpu.memref_slice %arg2[%dma_start3A_1072, %dma_start3A_1073] : memref<80000x128xf32, #tpu.memory_space<hbm>> -> memref<80000x128xf32, #tpu.memory_space<hbm>>
    tpu.enqueue_indirect_dma source(%dma_start3A_1074 : memref<80000x128xf32, #tpu.memory_space<hbm>>) target(%dma_start3A_1068 : memref<20x128xf32, #tpu.memory_space<vmem>>) offsets(%dma_start3A_1071 : memref<20xi32, #tpu.memory_space<vmem>>) semaphore(%arg26 : memref<!tpu.dma_semaphore, #tpu.memory_space<semaphore_mem>>)
    %dma_start3A_1075 = arith.constant 7 : i32
    %dma_start3A_1076 = arith.constant 7 : i32
    %dma_start3A_1077 = arith.constant 20 : i32
    %dma_start3A_1078 = arith.constant 0 : i32
    %dma_start3A_1079 = tpu.memref_slice %arg8[%dma_start3A_1076, %dma_start3A_1077, %dma_start3A_1078] : memref<8x40x128xf32, #tpu.memory_space<vmem>> -> memref<1x20x128xf32, #tpu.memory_space<vmem>>
    %dma_start3A_1080 = tpu.memref_squeeze %dma_start3A_1079 : memref<1x20x128xf32, #tpu.memory_space<vmem>> -> memref<20x128xf32, #tpu.memory_space<vmem>>
    %dma_start3A_1081 = arith.constant 20 : i32
    %dma_start3A_1082 = tpu.memref_slice %arg6[%dma_start3A_1075, %dma_start3A_1081] : memref<8x40xi32, #tpu.memory_space<vmem>> -> memref<1x20xi32, #tpu.memory_space<vmem>>
    %dma_start3A_1083 = tpu.memref_squeeze %dma_start3A_1082 : memref<1x20xi32, #tpu.memory_space<vmem>> -> memref<20xi32, #tpu.memory_space<vmem>>
    %dma_start3A_1084 = arith.constant 0 : i32
    %dma_start3A_1085 = arith.constant 0 : i32
    %dma_start3A_1086 = tpu.memref_slice %arg2[%dma_start3A_1084, %dma_start3A_1085] : memref<80000x128xf32, #tpu.memory_space<hbm>> -> memref<80000x128xf32, #tpu.memory_space<hbm>>
    tpu.enqueue_indirect_dma source(%dma_start3A_1086 : memref<80000x128xf32, #tpu.memory_space<hbm>>) target(%dma_start3A_1080 : memref<20x128xf32, #tpu.memory_space<vmem>>) offsets(%dma_start3A_1083 : memref<20xi32, #tpu.memory_space<vmem>>) semaphore(%arg26 : memref<!tpu.dma_semaphore, #tpu.memory_space<semaphore_mem>>)
    %scan3A_1087 = arith.constant 0 : i32
    %scan3A_1088 = arith.constant 0 : i32
    %scan3A_1089 = arith.constant 30 : i32
    %scan3A_1090 = arith.addi %scan3A_1088, %scan3A_1089 : i32
    %scan3A_1091 = arith.constant 1 : i32
    scf.for %scan3A_1848 = %scan3A_1088 to %scan3A_1090 step %scan3A_1091  : i32 {
      %mul3A_1849 = arith.constant 8 : i32
      %mul3A_1850 = arith.muli %scan3A_1848, %mul3A_1849 : i32
      %add3A_1851 = arith.constant 0 : i32
      %add3A_1852 = arith.addi %mul3A_1850, %add3A_1851 : i32
      %dma_wait3A_1853 = arith.constant 0 : i32
      %dma_wait3A_1854 = arith.constant 0 : i32
      %dma_wait3A_1855 = arith.constant 0 : i32
      %dma_wait3A_1856 = arith.constant 0 : i32
      %dma_wait3A_1857 = tpu.memref_slice %arg8[%dma_wait3A_1854, %dma_wait3A_1855, %dma_wait3A_1856] : memref<8x40x128xf32, #tpu.memory_space<vmem>> -> memref<1x20x128xf32, #tpu.memory_space<vmem>>
      %dma_wait3A_1858 = tpu.memref_squeeze %dma_wait3A_1857 : memref<1x20x128xf32, #tpu.memory_space<vmem>> -> memref<20x128xf32, #tpu.memory_space<vmem>>
      %dma_wait3A_1859 = arith.constant 0 : i32
      %dma_wait3A_1860 = tpu.memref_slice %arg6[%dma_wait3A_1853, %dma_wait3A_1859] : memref<8x40xi32, #tpu.memory_space<vmem>> -> memref<1x20xi32, #tpu.memory_space<vmem>>
      %dma_wait3A_1861 = tpu.memref_squeeze %dma_wait3A_1860 : memref<1x20xi32, #tpu.memory_space<vmem>> -> memref<20xi32, #tpu.memory_space<vmem>>
      %dma_wait3A_1862 = arith.constant 0 : i32
      %dma_wait3A_1863 = arith.constant 0 : i32
      %dma_wait3A_1864 = tpu.memref_slice %arg2[%dma_wait3A_1862, %dma_wait3A_1863] : memref<80000x128xf32, #tpu.memory_space<hbm>> -> memref<80000x128xf32, #tpu.memory_space<hbm>>
      tpu.wait_indirect_dma semaphore(%arg19 : memref<!tpu.dma_semaphore, #tpu.memory_space<semaphore_mem>>) src(%dma_wait3A_1864 : memref<80000x128xf32, #tpu.memory_space<hbm>>) dst(%dma_wait3A_1858 : memref<20x128xf32, #tpu.memory_space<vmem>>)
      %dma_wait3A_1865 = arith.constant 0 : i32
      %dma_wait3A_1866 = arith.constant 0 : i32
      %dma_wait3A_1867 = arith.constant 20 : i32
      %dma_wait3A_1868 = arith.constant 0 : i32
      %dma_wait3A_1869 = tpu.memref_slice %arg8[%dma_wait3A_1866, %dma_wait3A_1867, %dma_wait3A_1868] : memref<8x40x128xf32, #tpu.memory_space<vmem>> -> memref<1x20x128xf32, #tpu.memory_space<vmem>>
      %dma_wait3A_1870 = tpu.memref_squeeze %dma_wait3A_1869 : memref<1x20x128xf32, #tpu.memory_space<vmem>> -> memref<20x128xf32, #tpu.memory_space<vmem>>
      %dma_wait3A_1871 = arith.constant 20 : i32
      %dma_wait3A_1872 = tpu.memref_slice %arg6[%dma_wait3A_1865, %dma_wait3A_1871] : memref<8x40xi32, #tpu.memory_space<vmem>> -> memref<1x20xi32, #tpu.memory_space<vmem>>
      %dma_wait3A_1873 = tpu.memref_squeeze %dma_wait3A_1872 : memref<1x20xi32, #tpu.memory_space<vmem>> -> memref<20xi32, #tpu.memory_space<vmem>>
      %dma_wait3A_1874 = arith.constant 0 : i32
      %dma_wait3A_1875 = arith.constant 0 : i32
      %dma_wait3A_1876 = tpu.memref_slice %arg2[%dma_wait3A_1874, %dma_wait3A_1875] : memref<80000x128xf32, #tpu.memory_space<hbm>> -> memref<80000x128xf32, #tpu.memory_space<hbm>>
      tpu.wait_indirect_dma semaphore(%arg19 : memref<!tpu.dma_semaphore, #tpu.memory_space<semaphore_mem>>) src(%dma_wait3A_1876 : memref<80000x128xf32, #tpu.memory_space<hbm>>) dst(%dma_wait3A_1870 : memref<20x128xf32, #tpu.memory_space<vmem>>)
      %add3A_1877 = arith.constant 0 : i32
      %add3A_1878 = arith.addi %mul3A_1850, %add3A_1877 : i32
      %dma_start3A_1879 = arith.constant 0 : i32
      %dma_start3A_1880 = arith.constant 0 : i32
      %dma_start3A_1881 = arith.constant 0 : i32
      %dma_start3A_1882 = arith.constant 0 : i32
      %dma_start3A_1883 = tpu.memref_slice %arg8[%dma_start3A_1879, %dma_start3A_1881, %dma_start3A_1882] : memref<8x40x128xf32, #tpu.memory_space<vmem>> -> memref<1x40x128xf32, #tpu.memory_space<vmem>>
      %dma_start3A_1884 = tpu.memref_squeeze %dma_start3A_1883 : memref<1x40x128xf32, #tpu.memory_space<vmem>> -> memref<40x128xf32, #tpu.memory_space<vmem>>
      %dma_start3A_1885 = arith.constant 0 : i32
      %dma_start3A_1886 = tpu.memref_slice %arg7[%dma_start3A_1880, %dma_start3A_1885] : memref<8x40xi32, #tpu.memory_space<vmem>> -> memref<1x40xi32, #tpu.memory_space<vmem>>
      %dma_start3A_1887 = tpu.memref_squeeze %dma_start3A_1886 : memref<1x40xi32, #tpu.memory_space<vmem>> -> memref<40xi32, #tpu.memory_space<vmem>>
      %dma_start3A_1888 = arith.constant 0 : i32
      %dma_start3A_1889 = arith.constant 0 : i32
      %dma_start3A_1890 = tpu.memref_slice %arg10[%dma_start3A_1888, %dma_start3A_1889] : memref<10112x128xf32, #tpu.memory_space<vmem_shared>> -> memref<10112x128xf32, #tpu.memory_space<vmem_shared>>
      tpu.enqueue_indirect_dma source(%dma_start3A_1884 : memref<40x128xf32, #tpu.memory_space<vmem>>) target(%dma_start3A_1890 : memref<10112x128xf32, #tpu.memory_space<vmem_shared>>) offsets(%dma_start3A_1887 : memref<40xi32, #tpu.memory_space<vmem>>) semaphore(%arg27 : memref<!tpu.dma_semaphore, #tpu.memory_space<semaphore_mem>>) {add = true}
      %add3A_1891 = arith.constant 8 : i32
      %add3A_1892 = arith.addi %mul3A_1850, %add3A_1891 : i32
      %add3A_1893 = arith.constant 0 : i32
      %add3A_1894 = arith.addi %add3A_1892, %add3A_1893 : i32
      %dma_start3A_1895 = arith.constant 0 : i32
      %dma_start3A_1896 = arith.constant 0 : i32
      %dma_start3A_1897 = arith.constant 0 : i32
      %dma_start3A_1898 = tpu.memref_slice %arg5[%dma_start3A_1895, %dma_start3A_1896, %dma_start3A_1897] : memref<8x1x40xi32, #tpu.memory_space<vmem>> -> memref<1x1x40xi32, #tpu.memory_space<vmem>>
      %dma_start3A_1899 = tpu.memref_squeeze %dma_start3A_1898 : memref<1x1x40xi32, #tpu.memory_space<vmem>> -> memref<1x40xi32, #tpu.memory_space<vmem>>
      %dma_start3A_1900 = arith.constant 0 : i32
      %dma_start3A_1901 = arith.constant 0 : i32
      %dma_start3A_1902 = tpu.memref_slice %arg3[%add3A, %add3A_1894, %dma_start3A_1900, %dma_start3A_1901] : memref<32x250x1x40xi32, #tpu.memory_space<hbm>> -> memref<1x1x1x40xi32, #tpu.memory_space<hbm>>
      %dma_start3A_1903 = tpu.memref_squeeze %dma_start3A_1902 : memref<1x1x1x40xi32, #tpu.memory_space<hbm>> -> memref<1x40xi32, #tpu.memory_space<hbm>>
      %dma_start3A_1904 = arith.constant 0 : i32
      %dma_start3A_1905 = arith.constant 0 : i32
      %dma_start3A_1906 = tpu.memref_slice %arg5[%dma_start3A_1895, %dma_start3A_1904, %dma_start3A_1905] : memref<8x1x40xi32, #tpu.memory_space<vmem>> -> memref<1x1x40xi32, #tpu.memory_space<vmem>>
      %dma_start3A_1907 = tpu.memref_squeeze %dma_start3A_1906 : memref<1x1x40xi32, #tpu.memory_space<vmem>> -> memref<1x40xi32, #tpu.memory_space<vmem>>
      %dma_start3A_1908 = arith.constant 0 : i32
      %dma_start3A_1909 = arith.constant 0 : i32
      %dma_start3A_1910 = tpu.memref_slice %arg3[%add3A, %add3A_1894, %dma_start3A_1908, %dma_start3A_1909] : memref<32x250x1x40xi32, #tpu.memory_space<hbm>> -> memref<1x1x1x40xi32, #tpu.memory_space<hbm>>
      %dma_start3A_1911 = tpu.memref_squeeze %dma_start3A_1910 : memref<1x1x1x40xi32, #tpu.memory_space<hbm>> -> memref<1x40xi32, #tpu.memory_space<hbm>>
      tpu.enqueue_dma source(%dma_start3A_1911 : memref<1x40xi32, #tpu.memory_space<hbm>>) target(%dma_start3A_1907 : memref<1x40xi32, #tpu.memory_space<vmem>>) target_semaphore(%arg11 : memref<!tpu.dma_semaphore, #tpu.memory_space<semaphore_mem>>)
      %add3A_1912 = arith.constant 1 : i32
      %add3A_1913 = arith.addi %mul3A_1850, %add3A_1912 : i32
      %dma_wait3A_1914 = arith.constant 1 : i32
      %dma_wait3A_1915 = arith.constant 1 : i32
      %dma_wait3A_1916 = arith.constant 0 : i32
      %dma_wait3A_1917 = arith.constant 0 : i32
      %dma_wait3A_1918 = tpu.memref_slice %arg8[%dma_wait3A_1915, %dma_wait3A_1916, %dma_wait3A_1917] : memref<8x40x128xf32, #tpu.memory_space<vmem>> -> memref<1x20x128xf32, #tpu.memory_space<vmem>>
      %dma_wait3A_1919 = tpu.memref_squeeze %dma_wait3A_1918 : memref<1x20x128xf32, #tpu.memory_space<vmem>> -> memref<20x128xf32, #tpu.memory_space<vmem>>
      %dma_wait3A_1920 = arith.constant 0 : i32
      %dma_wait3A_1921 = tpu.memref_slice %arg6[%dma_wait3A_1914, %dma_wait3A_1920] : memref<8x40xi32, #tpu.memory_space<vmem>> -> memref<1x20xi32, #tpu.memory_space<vmem>>
      %dma_wait3A_1922 = tpu.memref_squeeze %dma_wait3A_1921 : memref<1x20xi32, #tpu.memory_space<vmem>> -> memref<20xi32, #tpu.memory_space<vmem>>
      %dma_wait3A_1923 = arith.constant 0 : i32
      %dma_wait3A_1924 = arith.constant 0 : i32
      %dma_wait3A_1925 = tpu.memref_slice %arg2[%dma_wait3A_1923, %dma_wait3A_1924] : memref<80000x128xf32, #tpu.memory_space<hbm>> -> memref<80000x128xf32, #tpu.memory_space<hbm>>
      tpu.wait_indirect_dma semaphore(%arg20 : memref<!tpu.dma_semaphore, #tpu.memory_space<semaphore_mem>>) src(%dma_wait3A_1925 : memref<80000x128xf32, #tpu.memory_space<hbm>>) dst(%dma_wait3A_1919 : memref<20x128xf32, #tpu.memory_space<vmem>>)
      %dma_wait3A_1926 = arith.constant 1 : i32
      %dma_wait3A_1927 = arith.constant 1 : i32
      %dma_wait3A_1928 = arith.constant 20 : i32
      %dma_wait3A_1929 = arith.constant 0 : i32
      %dma_wait3A_1930 = tpu.memref_slice %arg8[%dma_wait3A_1927, %dma_wait3A_1928, %dma_wait3A_1929] : memref<8x40x128xf32, #tpu.memory_space<vmem>> -> memref<1x20x128xf32, #tpu.memory_space<vmem>>
      %dma_wait3A_1931 = tpu.memref_squeeze %dma_wait3A_1930 : memref<1x20x128xf32, #tpu.memory_space<vmem>> -> memref<20x128xf32, #tpu.memory_space<vmem>>
      %dma_wait3A_1932 = arith.constant 20 : i32
      %dma_wait3A_1933 = tpu.memref_slice %arg6[%dma_wait3A_1926, %dma_wait3A_1932] : memref<8x40xi32, #tpu.memory_space<vmem>> -> memref<1x20xi32, #tpu.memory_space<vmem>>
      %dma_wait3A_1934 = tpu.memref_squeeze %dma_wait3A_1933 : memref<1x20xi32, #tpu.memory_space<vmem>> -> memref<20xi32, #tpu.memory_space<vmem>>
      %dma_wait3A_1935 = arith.constant 0 : i32
      %dma_wait3A_1936 = arith.constant 0 : i32
      %dma_wait3A_1937 = tpu.memref_slice %arg2[%dma_wait3A_1935, %dma_wait3A_1936] : memref<80000x128xf32, #tpu.memory_space<hbm>> -> memref<80000x128xf32, #tpu.memory_space<hbm>>
      tpu.wait_indirect_dma semaphore(%arg20 : memref<!tpu.dma_semaphore, #tpu.memory_space<semaphore_mem>>) src(%dma_wait3A_1937 : memref<80000x128xf32, #tpu.memory_space<hbm>>) dst(%dma_wait3A_1931 : memref<20x128xf32, #tpu.memory_space<vmem>>)
      %add3A_1938 = arith.constant 1 : i32
      %add3A_1939 = arith.addi %mul3A_1850, %add3A_1938 : i32
      %dma_start3A_1940 = arith.constant 1 : i32
      %dma_start3A_1941 = arith.constant 1 : i32
      %dma_start3A_1942 = arith.constant 0 : i32
      %dma_start3A_1943 = arith.constant 0 : i32
      %dma_start3A_1944 = tpu.memref_slice %arg8[%dma_start3A_1940, %dma_start3A_1942, %dma_start3A_1943] : memref<8x40x128xf32, #tpu.memory_space<vmem>> -> memref<1x40x128xf32, #tpu.memory_space<vmem>>
      %dma_start3A_1945 = tpu.memref_squeeze %dma_start3A_1944 : memref<1x40x128xf32, #tpu.memory_space<vmem>> -> memref<40x128xf32, #tpu.memory_space<vmem>>
      %dma_start3A_1946 = arith.constant 0 : i32
      %dma_start3A_1947 = tpu.memref_slice %arg7[%dma_start3A_1941, %dma_start3A_1946] : memref<8x40xi32, #tpu.memory_space<vmem>> -> memref<1x40xi32, #tpu.memory_space<vmem>>
      %dma_start3A_1948 = tpu.memref_squeeze %dma_start3A_1947 : memref<1x40xi32, #tpu.memory_space<vmem>> -> memref<40xi32, #tpu.memory_space<vmem>>
      %dma_start3A_1949 = arith.constant 0 : i32
      %dma_start3A_1950 = arith.constant 0 : i32
      %dma_start3A_1951 = tpu.memref_slice %arg10[%dma_start3A_1949, %dma_start3A_1950] : memref<10112x128xf32, #tpu.memory_space<vmem_shared>> -> memref<10112x128xf32, #tpu.memory_space<vmem_shared>>
      tpu.enqueue_indirect_dma source(%dma_start3A_1945 : memref<40x128xf32, #tpu.memory_space<vmem>>) target(%dma_start3A_1951 : memref<10112x128xf32, #tpu.memory_space<vmem_shared>>) offsets(%dma_start3A_1948 : memref<40xi32, #tpu.memory_space<vmem>>) semaphore(%arg28 : memref<!tpu.dma_semaphore, #tpu.memory_space<semaphore_mem>>) {add = true}
      %add3A_1952 = arith.constant 8 : i32
      %add3A_1953 = arith.addi %mul3A_1850, %add3A_1952 : i32
      %add3A_1954 = arith.constant 1 : i32
      %add3A_1955 = arith.addi %add3A_1953, %add3A_1954 : i32
      %dma_start3A_1956 = arith.constant 1 : i32
      %dma_start3A_1957 = arith.constant 0 : i32
      %dma_start3A_1958 = arith.constant 0 : i32
      %dma_start3A_1959 = tpu.memref_slice %arg5[%dma_start3A_1956, %dma_start3A_1957, %dma_start3A_1958] : memref<8x1x40xi32, #tpu.memory_space<vmem>> -> memref<1x1x40xi32, #tpu.memory_space<vmem>>
      %dma_start3A_1960 = tpu.memref_squeeze %dma_start3A_1959 : memref<1x1x40xi32, #tpu.memory_space<vmem>> -> memref<1x40xi32, #tpu.memory_space<vmem>>
      %dma_start3A_1961 = arith.constant 0 : i32
      %dma_start3A_1962 = arith.constant 0 : i32
      %dma_start3A_1963 = tpu.memref_slice %arg3[%add3A, %add3A_1955, %dma_start3A_1961, %dma_start3A_1962] : memref<32x250x1x40xi32, #tpu.memory_space<hbm>> -> memref<1x1x1x40xi32, #tpu.memory_space<hbm>>
      %dma_start3A_1964 = tpu.memref_squeeze %dma_start3A_1963 : memref<1x1x1x40xi32, #tpu.memory_space<hbm>> -> memref<1x40xi32, #tpu.memory_space<hbm>>
      %dma_start3A_1965 = arith.constant 0 : i32
      %dma_start3A_1966 = arith.constant 0 : i32
      %dma_start3A_1967 = tpu.memref_slice %arg5[%dma_start3A_1956, %dma_start3A_1965, %dma_start3A_1966] : memref<8x1x40xi32, #tpu.memory_space<vmem>> -> memref<1x1x40xi32, #tpu.memory_space<vmem>>
      %dma_start3A_1968 = tpu.memref_squeeze %dma_start3A_1967 : memref<1x1x40xi32, #tpu.memory_space<vmem>> -> memref<1x40xi32, #tpu.memory_space<vmem>>
      %dma_start3A_1969 = arith.constant 0 : i32
      %dma_start3A_1970 = arith.constant 0 : i32
      %dma_start3A_1971 = tpu.memref_slice %arg3[%add3A, %add3A_1955, %dma_start3A_1969, %dma_start3A_1970] : memref<32x250x1x40xi32, #tpu.memory_space<hbm>> -> memref<1x1x1x40xi32, #tpu.memory_space<hbm>>
      %dma_start3A_1972 = tpu.memref_squeeze %dma_start3A_1971 : memref<1x1x1x40xi32, #tpu.memory_space<hbm>> -> memref<1x40xi32, #tpu.memory_space<hbm>>
      tpu.enqueue_dma source(%dma_start3A_1972 : memref<1x40xi32, #tpu.memory_space<hbm>>) target(%dma_start3A_1968 : memref<1x40xi32, #tpu.memory_space<vmem>>) target_semaphore(%arg12 : memref<!tpu.dma_semaphore, #tpu.memory_space<semaphore_mem>>)
      %add3A_1973 = arith.constant 2 : i32
      %add3A_1974 = arith.addi %mul3A_1850, %add3A_1973 : i32
      %dma_wait3A_1975 = arith.constant 2 : i32
      %dma_wait3A_1976 = arith.constant 2 : i32
      %dma_wait3A_1977 = arith.constant 0 : i32
      %dma_wait3A_1978 = arith.constant 0 : i32
      %dma_wait3A_1979 = tpu.memref_slice %arg8[%dma_wait3A_1976, %dma_wait3A_1977, %dma_wait3A_1978] : memref<8x40x128xf32, #tpu.memory_space<vmem>> -> memref<1x20x128xf32, #tpu.memory_space<vmem>>
      %dma_wait3A_1980 = tpu.memref_squeeze %dma_wait3A_1979 : memref<1x20x128xf32, #tpu.memory_space<vmem>> -> memref<20x128xf32, #tpu.memory_space<vmem>>
      %dma_wait3A_1981 = arith.constant 0 : i32
      %dma_wait3A_1982 = tpu.memref_slice %arg6[%dma_wait3A_1975, %dma_wait3A_1981] : memref<8x40xi32, #tpu.memory_space<vmem>> -> memref<1x20xi32, #tpu.memory_space<vmem>>
      %dma_wait3A_1983 = tpu.memref_squeeze %dma_wait3A_1982 : memref<1x20xi32, #tpu.memory_space<vmem>> -> memref<20xi32, #tpu.memory_space<vmem>>
      %dma_wait3A_1984 = arith.constant 0 : i32
      %dma_wait3A_1985 = arith.constant 0 : i32
      %dma_wait3A_1986 = tpu.memref_slice %arg2[%dma_wait3A_1984, %dma_wait3A_1985] : memref<80000x128xf32, #tpu.memory_space<hbm>> -> memref<80000x128xf32, #tpu.memory_space<hbm>>
      tpu.wait_indirect_dma semaphore(%arg21 : memref<!tpu.dma_semaphore, #tpu.memory_space<semaphore_mem>>) src(%dma_wait3A_1986 : memref<80000x128xf32, #tpu.memory_space<hbm>>) dst(%dma_wait3A_1980 : memref<20x128xf32, #tpu.memory_space<vmem>>)
      %dma_wait3A_1987 = arith.constant 2 : i32
      %dma_wait3A_1988 = arith.constant 2 : i32
      %dma_wait3A_1989 = arith.constant 20 : i32
      %dma_wait3A_1990 = arith.constant 0 : i32
      %dma_wait3A_1991 = tpu.memref_slice %arg8[%dma_wait3A_1988, %dma_wait3A_1989, %dma_wait3A_1990] : memref<8x40x128xf32, #tpu.memory_space<vmem>> -> memref<1x20x128xf32, #tpu.memory_space<vmem>>
      %dma_wait3A_1992 = tpu.memref_squeeze %dma_wait3A_1991 : memref<1x20x128xf32, #tpu.memory_space<vmem>> -> memref<20x128xf32, #tpu.memory_space<vmem>>
      %dma_wait3A_1993 = arith.constant 20 : i32
      %dma_wait3A_1994 = tpu.memref_slice %arg6[%dma_wait3A_1987, %dma_wait3A_1993] : memref<8x40xi32, #tpu.memory_space<vmem>> -> memref<1x20xi32, #tpu.memory_space<vmem>>
      %dma_wait3A_1995 = tpu.memref_squeeze %dma_wait3A_1994 : memref<1x20xi32, #tpu.memory_space<vmem>> -> memref<20xi32, #tpu.memory_space<vmem>>
      %dma_wait3A_1996 = arith.constant 0 : i32
      %dma_wait3A_1997 = arith.constant 0 : i32
      %dma_wait3A_1998 = tpu.memref_slice %arg2[%dma_wait3A_1996, %dma_wait3A_1997] : memref<80000x128xf32, #tpu.memory_space<hbm>> -> memref<80000x128xf32, #tpu.memory_space<hbm>>
      tpu.wait_indirect_dma semaphore(%arg21 : memref<!tpu.dma_semaphore, #tpu.memory_space<semaphore_mem>>) src(%dma_wait3A_1998 : memref<80000x128xf32, #tpu.memory_space<hbm>>) dst(%dma_wait3A_1992 : memref<20x128xf32, #tpu.memory_space<vmem>>)
      %add3A_1999 = arith.constant 2 : i32
      %add3A_2000 = arith.addi %mul3A_1850, %add3A_1999 : i32
      %dma_start3A_2001 = arith.constant 2 : i32
      %dma_start3A_2002 = arith.constant 2 : i32
      %dma_start3A_2003 = arith.constant 0 : i32
      %dma_start3A_2004 = arith.constant 0 : i32
      %dma_start3A_2005 = tpu.memref_slice %arg8[%dma_start3A_2001, %dma_start3A_2003, %dma_start3A_2004] : memref<8x40x128xf32, #tpu.memory_space<vmem>> -> memref<1x40x128xf32, #tpu.memory_space<vmem>>
      %dma_start3A_2006 = tpu.memref_squeeze %dma_start3A_2005 : memref<1x40x128xf32, #tpu.memory_space<vmem>> -> memref<40x128xf32, #tpu.memory_space<vmem>>
      %dma_start3A_2007 = arith.constant 0 : i32
      %dma_start3A_2008 = tpu.memref_slice %arg7[%dma_start3A_2002, %dma_start3A_2007] : memref<8x40xi32, #tpu.memory_space<vmem>> -> memref<1x40xi32, #tpu.memory_space<vmem>>
      %dma_start3A_2009 = tpu.memref_squeeze %dma_start3A_2008 : memref<1x40xi32, #tpu.memory_space<vmem>> -> memref<40xi32, #tpu.memory_space<vmem>>
      %dma_start3A_2010 = arith.constant 0 : i32
      %dma_start3A_2011 = arith.constant 0 : i32
      %dma_start3A_2012 = tpu.memref_slice %arg10[%dma_start3A_2010, %dma_start3A_2011] : memref<10112x128xf32, #tpu.memory_space<vmem_shared>> -> memref<10112x128xf32, #tpu.memory_space<vmem_shared>>
      tpu.enqueue_indirect_dma source(%dma_start3A_2006 : memref<40x128xf32, #tpu.memory_space<vmem>>) target(%dma_start3A_2012 : memref<10112x128xf32, #tpu.memory_space<vmem_shared>>) offsets(%dma_start3A_2009 : memref<40xi32, #tpu.memory_space<vmem>>) semaphore(%arg29 : memref<!tpu.dma_semaphore, #tpu.memory_space<semaphore_mem>>) {add = true}
      %add3A_2013 = arith.constant 8 : i32
      %add3A_2014 = arith.addi %mul3A_1850, %add3A_2013 : i32
      %add3A_2015 = arith.constant 2 : i32
      %add3A_2016 = arith.addi %add3A_2014, %add3A_2015 : i32
      %dma_start3A_2017 = arith.constant 2 : i32
      %dma_start3A_2018 = arith.constant 0 : i32
      %dma_start3A_2019 = arith.constant 0 : i32
      %dma_start3A_2020 = tpu.memref_slice %arg5[%dma_start3A_2017, %dma_start3A_2018, %dma_start3A_2019] : memref<8x1x40xi32, #tpu.memory_space<vmem>> -> memref<1x1x40xi32, #tpu.memory_space<vmem>>
      %dma_start3A_2021 = tpu.memref_squeeze %dma_start3A_2020 : memref<1x1x40xi32, #tpu.memory_space<vmem>> -> memref<1x40xi32, #tpu.memory_space<vmem>>
      %dma_start3A_2022 = arith.constant 0 : i32
      %dma_start3A_2023 = arith.constant 0 : i32
      %dma_start3A_2024 = tpu.memref_slice %arg3[%add3A, %add3A_2016, %dma_start3A_2022, %dma_start3A_2023] : memref<32x250x1x40xi32, #tpu.memory_space<hbm>> -> memref<1x1x1x40xi32, #tpu.memory_space<hbm>>
      %dma_start3A_2025 = tpu.memref_squeeze %dma_start3A_2024 : memref<1x1x1x40xi32, #tpu.memory_space<hbm>> -> memref<1x40xi32, #tpu.memory_space<hbm>>
      %dma_start3A_2026 = arith.constant 0 : i32
      %dma_start3A_2027 = arith.constant 0 : i32
      %dma_start3A_2028 = tpu.memref_slice %arg5[%dma_start3A_2017, %dma_start3A_2026, %dma_start3A_2027] : memref<8x1x40xi32, #tpu.memory_space<vmem>> -> memref<1x1x40xi32, #tpu.memory_space<vmem>>
      %dma_start3A_2029 = tpu.memref_squeeze %dma_start3A_2028 : memref<1x1x40xi32, #tpu.memory_space<vmem>> -> memref<1x40xi32, #tpu.memory_space<vmem>>
      %dma_start3A_2030 = arith.constant 0 : i32
      %dma_start3A_2031 = arith.constant 0 : i32
      %dma_start3A_2032 = tpu.memref_slice %arg3[%add3A, %add3A_2016, %dma_start3A_2030, %dma_start3A_2031] : memref<32x250x1x40xi32, #tpu.memory_space<hbm>> -> memref<1x1x1x40xi32, #tpu.memory_space<hbm>>
      %dma_start3A_2033 = tpu.memref_squeeze %dma_start3A_2032 : memref<1x1x1x40xi32, #tpu.memory_space<hbm>> -> memref<1x40xi32, #tpu.memory_space<hbm>>
      tpu.enqueue_dma source(%dma_start3A_2033 : memref<1x40xi32, #tpu.memory_space<hbm>>) target(%dma_start3A_2029 : memref<1x40xi32, #tpu.memory_space<vmem>>) target_semaphore(%arg13 : memref<!tpu.dma_semaphore, #tpu.memory_space<semaphore_mem>>)
      %add3A_2034 = arith.constant 3 : i32
      %add3A_2035 = arith.addi %mul3A_1850, %add3A_2034 : i32
      %dma_wait3A_2036 = arith.constant 3 : i32
      %dma_wait3A_2037 = arith.constant 3 : i32
      %dma_wait3A_2038 = arith.constant 0 : i32
      %dma_wait3A_2039 = arith.constant 0 : i32
      %dma_wait3A_2040 = tpu.memref_slice %arg8[%dma_wait3A_2037, %dma_wait3A_2038, %dma_wait3A_2039] : memref<8x40x128xf32, #tpu.memory_space<vmem>> -> memref<1x20x128xf32, #tpu.memory_space<vmem>>
      %dma_wait3A_2041 = tpu.memref_squeeze %dma_wait3A_2040 : memref<1x20x128xf32, #tpu.memory_space<vmem>> -> memref<20x128xf32, #tpu.memory_space<vmem>>
      %dma_wait3A_2042 = arith.constant 0 : i32
      %dma_wait3A_2043 = tpu.memref_slice %arg6[%dma_wait3A_2036, %dma_wait3A_2042] : memref<8x40xi32, #tpu.memory_space<vmem>> -> memref<1x20xi32, #tpu.memory_space<vmem>>
      %dma_wait3A_2044 = tpu.memref_squeeze %dma_wait3A_2043 : memref<1x20xi32, #tpu.memory_space<vmem>> -> memref<20xi32, #tpu.memory_space<vmem>>
      %dma_wait3A_2045 = arith.constant 0 : i32
      %dma_wait3A_2046 = arith.constant 0 : i32
      %dma_wait3A_2047 = tpu.memref_slice %arg2[%dma_wait3A_2045, %dma_wait3A_2046] : memref<80000x128xf32, #tpu.memory_space<hbm>> -> memref<80000x128xf32, #tpu.memory_space<hbm>>
      tpu.wait_indirect_dma semaphore(%arg22 : memref<!tpu.dma_semaphore, #tpu.memory_space<semaphore_mem>>) src(%dma_wait3A_2047 : memref<80000x128xf32, #tpu.memory_space<hbm>>) dst(%dma_wait3A_2041 : memref<20x128xf32, #tpu.memory_space<vmem>>)
      %dma_wait3A_2048 = arith.constant 3 : i32
      %dma_wait3A_2049 = arith.constant 3 : i32
      %dma_wait3A_2050 = arith.constant 20 : i32
      %dma_wait3A_2051 = arith.constant 0 : i32
      %dma_wait3A_2052 = tpu.memref_slice %arg8[%dma_wait3A_2049, %dma_wait3A_2050, %dma_wait3A_2051] : memref<8x40x128xf32, #tpu.memory_space<vmem>> -> memref<1x20x128xf32, #tpu.memory_space<vmem>>
      %dma_wait3A_2053 = tpu.memref_squeeze %dma_wait3A_2052 : memref<1x20x128xf32, #tpu.memory_space<vmem>> -> memref<20x128xf32, #tpu.memory_space<vmem>>
      %dma_wait3A_2054 = arith.constant 20 : i32
      %dma_wait3A_2055 = tpu.memref_slice %arg6[%dma_wait3A_2048, %dma_wait3A_2054] : memref<8x40xi32, #tpu.memory_space<vmem>> -> memref<1x20xi32, #tpu.memory_space<vmem>>
      %dma_wait3A_2056 = tpu.memref_squeeze %dma_wait3A_2055 : memref<1x20xi32, #tpu.memory_space<vmem>> -> memref<20xi32, #tpu.memory_space<vmem>>
      %dma_wait3A_2057 = arith.constant 0 : i32
      %dma_wait3A_2058 = arith.constant 0 : i32
      %dma_wait3A_2059 = tpu.memref_slice %arg2[%dma_wait3A_2057, %dma_wait3A_2058] : memref<80000x128xf32, #tpu.memory_space<hbm>> -> memref<80000x128xf32, #tpu.memory_space<hbm>>
      tpu.wait_indirect_dma semaphore(%arg22 : memref<!tpu.dma_semaphore, #tpu.memory_space<semaphore_mem>>) src(%dma_wait3A_2059 : memref<80000x128xf32, #tpu.memory_space<hbm>>) dst(%dma_wait3A_2053 : memref<20x128xf32, #tpu.memory_space<vmem>>)
      %add3A_2060 = arith.constant 3 : i32
      %add3A_2061 = arith.addi %mul3A_1850, %add3A_2060 : i32
      %dma_start3A_2062 = arith.constant 3 : i32
      %dma_start3A_2063 = arith.constant 3 : i32
      %dma_start3A_2064 = arith.constant 0 : i32
      %dma_start3A_2065 = arith.constant 0 : i32
      %dma_start3A_2066 = tpu.memref_slice %arg8[%dma_start3A_2062, %dma_start3A_2064, %dma_start3A_2065] : memref<8x40x128xf32, #tpu.memory_space<vmem>> -> memref<1x40x128xf32, #tpu.memory_space<vmem>>
      %dma_start3A_2067 = tpu.memref_squeeze %dma_start3A_2066 : memref<1x40x128xf32, #tpu.memory_space<vmem>> -> memref<40x128xf32, #tpu.memory_space<vmem>>
      %dma_start3A_2068 = arith.constant 0 : i32
      %dma_start3A_2069 = tpu.memref_slice %arg7[%dma_start3A_2063, %dma_start3A_2068] : memref<8x40xi32, #tpu.memory_space<vmem>> -> memref<1x40xi32, #tpu.memory_space<vmem>>
      %dma_start3A_2070 = tpu.memref_squeeze %dma_start3A_2069 : memref<1x40xi32, #tpu.memory_space<vmem>> -> memref<40xi32, #tpu.memory_space<vmem>>
      %dma_start3A_2071 = arith.constant 0 : i32
      %dma_start3A_2072 = arith.constant 0 : i32
      %dma_start3A_2073 = tpu.memref_slice %arg10[%dma_start3A_2071, %dma_start3A_2072] : memref<10112x128xf32, #tpu.memory_space<vmem_shared>> -> memref<10112x128xf32, #tpu.memory_space<vmem_shared>>
      tpu.enqueue_indirect_dma source(%dma_start3A_2067 : memref<40x128xf32, #tpu.memory_space<vmem>>) target(%dma_start3A_2073 : memref<10112x128xf32, #tpu.memory_space<vmem_shared>>) offsets(%dma_start3A_2070 : memref<40xi32, #tpu.memory_space<vmem>>) semaphore(%arg30 : memref<!tpu.dma_semaphore, #tpu.memory_space<semaphore_mem>>) {add = true}
      %add3A_2074 = arith.constant 8 : i32
      %add3A_2075 = arith.addi %mul3A_1850, %add3A_2074 : i32
      %add3A_2076 = arith.constant 3 : i32
      %add3A_2077 = arith.addi %add3A_2075, %add3A_2076 : i32
      %dma_start3A_2078 = arith.constant 3 : i32
      %dma_start3A_2079 = arith.constant 0 : i32
      %dma_start3A_2080 = arith.constant 0 : i32
      %dma_start3A_2081 = tpu.memref_slice %arg5[%dma_start3A_2078, %dma_start3A_2079, %dma_start3A_2080] : memref<8x1x40xi32, #tpu.memory_space<vmem>> -> memref<1x1x40xi32, #tpu.memory_space<vmem>>
      %dma_start3A_2082 = tpu.memref_squeeze %dma_start3A_2081 : memref<1x1x40xi32, #tpu.memory_space<vmem>> -> memref<1x40xi32, #tpu.memory_space<vmem>>
      %dma_start3A_2083 = arith.constant 0 : i32
      %dma_start3A_2084 = arith.constant 0 : i32
      %dma_start3A_2085 = tpu.memref_slice %arg3[%add3A, %add3A_2077, %dma_start3A_2083, %dma_start3A_2084] : memref<32x250x1x40xi32, #tpu.memory_space<hbm>> -> memref<1x1x1x40xi32, #tpu.memory_space<hbm>>
      %dma_start3A_2086 = tpu.memref_squeeze %dma_start3A_2085 : memref<1x1x1x40xi32, #tpu.memory_space<hbm>> -> memref<1x40xi32, #tpu.memory_space<hbm>>
      %dma_start3A_2087 = arith.constant 0 : i32
      %dma_start3A_2088 = arith.constant 0 : i32
      %dma_start3A_2089 = tpu.memref_slice %arg5[%dma_start3A_2078, %dma_start3A_2087, %dma_start3A_2088] : memref<8x1x40xi32, #tpu.memory_space<vmem>> -> memref<1x1x40xi32, #tpu.memory_space<vmem>>
      %dma_start3A_2090 = tpu.memref_squeeze %dma_start3A_2089 : memref<1x1x40xi32, #tpu.memory_space<vmem>> -> memref<1x40xi32, #tpu.memory_space<vmem>>
      %dma_start3A_2091 = arith.constant 0 : i32
      %dma_start3A_2092 = arith.constant 0 : i32
      %dma_start3A_2093 = tpu.memref_slice %arg3[%add3A, %add3A_2077, %dma_start3A_2091, %dma_start3A_2092] : memref<32x250x1x40xi32, #tpu.memory_space<hbm>> -> memref<1x1x1x40xi32, #tpu.memory_space<hbm>>
      %dma_start3A_2094 = tpu.memref_squeeze %dma_start3A_2093 : memref<1x1x1x40xi32, #tpu.memory_space<hbm>> -> memref<1x40xi32, #tpu.memory_space<hbm>>
      tpu.enqueue_dma source(%dma_start3A_2094 : memref<1x40xi32, #tpu.memory_space<hbm>>) target(%dma_start3A_2090 : memref<1x40xi32, #tpu.memory_space<vmem>>) target_semaphore(%arg14 : memref<!tpu.dma_semaphore, #tpu.memory_space<semaphore_mem>>)
      %add3A_2095 = arith.constant 4 : i32
      %add3A_2096 = arith.addi %mul3A_1850, %add3A_2095 : i32
      %dma_wait3A_2097 = arith.constant 4 : i32
      %dma_wait3A_2098 = arith.constant 4 : i32
      %dma_wait3A_2099 = arith.constant 0 : i32
      %dma_wait3A_2100 = arith.constant 0 : i32
      %dma_wait3A_2101 = tpu.memref_slice %arg8[%dma_wait3A_2098, %dma_wait3A_2099, %dma_wait3A_2100] : memref<8x40x128xf32, #tpu.memory_space<vmem>> -> memref<1x20x128xf32, #tpu.memory_space<vmem>>
      %dma_wait3A_2102 = tpu.memref_squeeze %dma_wait3A_2101 : memref<1x20x128xf32, #tpu.memory_space<vmem>> -> memref<20x128xf32, #tpu.memory_space<vmem>>
      %dma_wait3A_2103 = arith.constant 0 : i32
      %dma_wait3A_2104 = tpu.memref_slice %arg6[%dma_wait3A_2097, %dma_wait3A_2103] : memref<8x40xi32, #tpu.memory_space<vmem>> -> memref<1x20xi32, #tpu.memory_space<vmem>>
      %dma_wait3A_2105 = tpu.memref_squeeze %dma_wait3A_2104 : memref<1x20xi32, #tpu.memory_space<vmem>> -> memref<20xi32, #tpu.memory_space<vmem>>
      %dma_wait3A_2106 = arith.constant 0 : i32
      %dma_wait3A_2107 = arith.constant 0 : i32
      %dma_wait3A_2108 = tpu.memref_slice %arg2[%dma_wait3A_2106, %dma_wait3A_2107] : memref<80000x128xf32, #tpu.memory_space<hbm>> -> memref<80000x128xf32, #tpu.memory_space<hbm>>
      tpu.wait_indirect_dma semaphore(%arg23 : memref<!tpu.dma_semaphore, #tpu.memory_space<semaphore_mem>>) src(%dma_wait3A_2108 : memref<80000x128xf32, #tpu.memory_space<hbm>>) dst(%dma_wait3A_2102 : memref<20x128xf32, #tpu.memory_space<vmem>>)
      %dma_wait3A_2109 = arith.constant 4 : i32
      %dma_wait3A_2110 = arith.constant 4 : i32
      %dma_wait3A_2111 = arith.constant 20 : i32
      %dma_wait3A_2112 = arith.constant 0 : i32
      %dma_wait3A_2113 = tpu.memref_slice %arg8[%dma_wait3A_2110, %dma_wait3A_2111, %dma_wait3A_2112] : memref<8x40x128xf32, #tpu.memory_space<vmem>> -> memref<1x20x128xf32, #tpu.memory_space<vmem>>
      %dma_wait3A_2114 = tpu.memref_squeeze %dma_wait3A_2113 : memref<1x20x128xf32, #tpu.memory_space<vmem>> -> memref<20x128xf32, #tpu.memory_space<vmem>>
      %dma_wait3A_2115 = arith.constant 20 : i32
      %dma_wait3A_2116 = tpu.memref_slice %arg6[%dma_wait3A_2109, %dma_wait3A_2115] : memref<8x40xi32, #tpu.memory_space<vmem>> -> memref<1x20xi32, #tpu.memory_space<vmem>>
      %dma_wait3A_2117 = tpu.memref_squeeze %dma_wait3A_2116 : memref<1x20xi32, #tpu.memory_space<vmem>> -> memref<20xi32, #tpu.memory_space<vmem>>
      %dma_wait3A_2118 = arith.constant 0 : i32
      %dma_wait3A_2119 = arith.constant 0 : i32
      %dma_wait3A_2120 = tpu.memref_slice %arg2[%dma_wait3A_2118, %dma_wait3A_2119] : memref<80000x128xf32, #tpu.memory_space<hbm>> -> memref<80000x128xf32, #tpu.memory_space<hbm>>
      tpu.wait_indirect_dma semaphore(%arg23 : memref<!tpu.dma_semaphore, #tpu.memory_space<semaphore_mem>>) src(%dma_wait3A_2120 : memref<80000x128xf32, #tpu.memory_space<hbm>>) dst(%dma_wait3A_2114 : memref<20x128xf32, #tpu.memory_space<vmem>>)
      %add3A_2121 = arith.constant 4 : i32
      %add3A_2122 = arith.addi %mul3A_1850, %add3A_2121 : i32
      %dma_start3A_2123 = arith.constant 4 : i32
      %dma_start3A_2124 = arith.constant 4 : i32
      %dma_start3A_2125 = arith.constant 0 : i32
      %dma_start3A_2126 = arith.constant 0 : i32
      %dma_start3A_2127 = tpu.memref_slice %arg8[%dma_start3A_2123, %dma_start3A_2125, %dma_start3A_2126] : memref<8x40x128xf32, #tpu.memory_space<vmem>> -> memref<1x40x128xf32, #tpu.memory_space<vmem>>
      %dma_start3A_2128 = tpu.memref_squeeze %dma_start3A_2127 : memref<1x40x128xf32, #tpu.memory_space<vmem>> -> memref<40x128xf32, #tpu.memory_space<vmem>>
      %dma_start3A_2129 = arith.constant 0 : i32
      %dma_start3A_2130 = tpu.memref_slice %arg7[%dma_start3A_2124, %dma_start3A_2129] : memref<8x40xi32, #tpu.memory_space<vmem>> -> memref<1x40xi32, #tpu.memory_space<vmem>>
      %dma_start3A_2131 = tpu.memref_squeeze %dma_start3A_2130 : memref<1x40xi32, #tpu.memory_space<vmem>> -> memref<40xi32, #tpu.memory_space<vmem>>
      %dma_start3A_2132 = arith.constant 0 : i32
      %dma_start3A_2133 = arith.constant 0 : i32
      %dma_start3A_2134 = tpu.memref_slice %arg10[%dma_start3A_2132, %dma_start3A_2133] : memref<10112x128xf32, #tpu.memory_space<vmem_shared>> -> memref<10112x128xf32, #tpu.memory_space<vmem_shared>>
      tpu.enqueue_indirect_dma source(%dma_start3A_2128 : memref<40x128xf32, #tpu.memory_space<vmem>>) target(%dma_start3A_2134 : memref<10112x128xf32, #tpu.memory_space<vmem_shared>>) offsets(%dma_start3A_2131 : memref<40xi32, #tpu.memory_space<vmem>>) semaphore(%arg31 : memref<!tpu.dma_semaphore, #tpu.memory_space<semaphore_mem>>) {add = true}
      %add3A_2135 = arith.constant 8 : i32
      %add3A_2136 = arith.addi %mul3A_1850, %add3A_2135 : i32
      %add3A_2137 = arith.constant 4 : i32
      %add3A_2138 = arith.addi %add3A_2136, %add3A_2137 : i32
      %dma_start3A_2139 = arith.constant 4 : i32
      %dma_start3A_2140 = arith.constant 0 : i32
      %dma_start3A_2141 = arith.constant 0 : i32
      %dma_start3A_2142 = tpu.memref_slice %arg5[%dma_start3A_2139, %dma_start3A_2140, %dma_start3A_2141] : memref<8x1x40xi32, #tpu.memory_space<vmem>> -> memref<1x1x40xi32, #tpu.memory_space<vmem>>
      %dma_start3A_2143 = tpu.memref_squeeze %dma_start3A_2142 : memref<1x1x40xi32, #tpu.memory_space<vmem>> -> memref<1x40xi32, #tpu.memory_space<vmem>>
      %dma_start3A_2144 = arith.constant 0 : i32
      %dma_start3A_2145 = arith.constant 0 : i32
      %dma_start3A_2146 = tpu.memref_slice %arg3[%add3A, %add3A_2138, %dma_start3A_2144, %dma_start3A_2145] : memref<32x250x1x40xi32, #tpu.memory_space<hbm>> -> memref<1x1x1x40xi32, #tpu.memory_space<hbm>>
      %dma_start3A_2147 = tpu.memref_squeeze %dma_start3A_2146 : memref<1x1x1x40xi32, #tpu.memory_space<hbm>> -> memref<1x40xi32, #tpu.memory_space<hbm>>
      %dma_start3A_2148 = arith.constant 0 : i32
      %dma_start3A_2149 = arith.constant 0 : i32
      %dma_start3A_2150 = tpu.memref_slice %arg5[%dma_start3A_2139, %dma_start3A_2148, %dma_start3A_2149] : memref<8x1x40xi32, #tpu.memory_space<vmem>> -> memref<1x1x40xi32, #tpu.memory_space<vmem>>
      %dma_start3A_2151 = tpu.memref_squeeze %dma_start3A_2150 : memref<1x1x40xi32, #tpu.memory_space<vmem>> -> memref<1x40xi32, #tpu.memory_space<vmem>>
      %dma_start3A_2152 = arith.constant 0 : i32
      %dma_start3A_2153 = arith.constant 0 : i32
      %dma_start3A_2154 = tpu.memref_slice %arg3[%add3A, %add3A_2138, %dma_start3A_2152, %dma_start3A_2153] : memref<32x250x1x40xi32, #tpu.memory_space<hbm>> -> memref<1x1x1x40xi32, #tpu.memory_space<hbm>>
      %dma_start3A_2155 = tpu.memref_squeeze %dma_start3A_2154 : memref<1x1x1x40xi32, #tpu.memory_space<hbm>> -> memref<1x40xi32, #tpu.memory_space<hbm>>
      tpu.enqueue_dma source(%dma_start3A_2155 : memref<1x40xi32, #tpu.memory_space<hbm>>) target(%dma_start3A_2151 : memref<1x40xi32, #tpu.memory_space<vmem>>) target_semaphore(%arg15 : memref<!tpu.dma_semaphore, #tpu.memory_space<semaphore_mem>>)
      %add3A_2156 = arith.constant 5 : i32
      %add3A_2157 = arith.addi %mul3A_1850, %add3A_2156 : i32
      %dma_wait3A_2158 = arith.constant 5 : i32
      %dma_wait3A_2159 = arith.constant 5 : i32
      %dma_wait3A_2160 = arith.constant 0 : i32
      %dma_wait3A_2161 = arith.constant 0 : i32
      %dma_wait3A_2162 = tpu.memref_slice %arg8[%dma_wait3A_2159, %dma_wait3A_2160, %dma_wait3A_2161] : memref<8x40x128xf32, #tpu.memory_space<vmem>> -> memref<1x20x128xf32, #tpu.memory_space<vmem>>
      %dma_wait3A_2163 = tpu.memref_squeeze %dma_wait3A_2162 : memref<1x20x128xf32, #tpu.memory_space<vmem>> -> memref<20x128xf32, #tpu.memory_space<vmem>>
      %dma_wait3A_2164 = arith.constant 0 : i32
      %dma_wait3A_2165 = tpu.memref_slice %arg6[%dma_wait3A_2158, %dma_wait3A_2164] : memref<8x40xi32, #tpu.memory_space<vmem>> -> memref<1x20xi32, #tpu.memory_space<vmem>>
      %dma_wait3A_2166 = tpu.memref_squeeze %dma_wait3A_2165 : memref<1x20xi32, #tpu.memory_space<vmem>> -> memref<20xi32, #tpu.memory_space<vmem>>
      %dma_wait3A_2167 = arith.constant 0 : i32
      %dma_wait3A_2168 = arith.constant 0 : i32
      %dma_wait3A_2169 = tpu.memref_slice %arg2[%dma_wait3A_2167, %dma_wait3A_2168] : memref<80000x128xf32, #tpu.memory_space<hbm>> -> memref<80000x128xf32, #tpu.memory_space<hbm>>
      tpu.wait_indirect_dma semaphore(%arg24 : memref<!tpu.dma_semaphore, #tpu.memory_space<semaphore_mem>>) src(%dma_wait3A_2169 : memref<80000x128xf32, #tpu.memory_space<hbm>>) dst(%dma_wait3A_2163 : memref<20x128xf32, #tpu.memory_space<vmem>>)
      %dma_wait3A_2170 = arith.constant 5 : i32
      %dma_wait3A_2171 = arith.constant 5 : i32
      %dma_wait3A_2172 = arith.constant 20 : i32
      %dma_wait3A_2173 = arith.constant 0 : i32
      %dma_wait3A_2174 = tpu.memref_slice %arg8[%dma_wait3A_2171, %dma_wait3A_2172, %dma_wait3A_2173] : memref<8x40x128xf32, #tpu.memory_space<vmem>> -> memref<1x20x128xf32, #tpu.memory_space<vmem>>
      %dma_wait3A_2175 = tpu.memref_squeeze %dma_wait3A_2174 : memref<1x20x128xf32, #tpu.memory_space<vmem>> -> memref<20x128xf32, #tpu.memory_space<vmem>>
      %dma_wait3A_2176 = arith.constant 20 : i32
      %dma_wait3A_2177 = tpu.memref_slice %arg6[%dma_wait3A_2170, %dma_wait3A_2176] : memref<8x40xi32, #tpu.memory_space<vmem>> -> memref<1x20xi32, #tpu.memory_space<vmem>>
      %dma_wait3A_2178 = tpu.memref_squeeze %dma_wait3A_2177 : memref<1x20xi32, #tpu.memory_space<vmem>> -> memref<20xi32, #tpu.memory_space<vmem>>
      %dma_wait3A_2179 = arith.constant 0 : i32
      %dma_wait3A_2180 = arith.constant 0 : i32
      %dma_wait3A_2181 = tpu.memref_slice %arg2[%dma_wait3A_2179, %dma_wait3A_2180] : memref<80000x128xf32, #tpu.memory_space<hbm>> -> memref<80000x128xf32, #tpu.memory_space<hbm>>
      tpu.wait_indirect_dma semaphore(%arg24 : memref<!tpu.dma_semaphore, #tpu.memory_space<semaphore_mem>>) src(%dma_wait3A_2181 : memref<80000x128xf32, #tpu.memory_space<hbm>>) dst(%dma_wait3A_2175 : memref<20x128xf32, #tpu.memory_space<vmem>>)
      %add3A_2182 = arith.constant 5 : i32
      %add3A_2183 = arith.addi %mul3A_1850, %add3A_2182 : i32
      %dma_start3A_2184 = arith.constant 5 : i32
      %dma_start3A_2185 = arith.constant 5 : i32
      %dma_start3A_2186 = arith.constant 0 : i32
      %dma_start3A_2187 = arith.constant 0 : i32
      %dma_start3A_2188 = tpu.memref_slice %arg8[%dma_start3A_2184, %dma_start3A_2186, %dma_start3A_2187] : memref<8x40x128xf32, #tpu.memory_space<vmem>> -> memref<1x40x128xf32, #tpu.memory_space<vmem>>
      %dma_start3A_2189 = tpu.memref_squeeze %dma_start3A_2188 : memref<1x40x128xf32, #tpu.memory_space<vmem>> -> memref<40x128xf32, #tpu.memory_space<vmem>>
      %dma_start3A_2190 = arith.constant 0 : i32
      %dma_start3A_2191 = tpu.memref_slice %arg7[%dma_start3A_2185, %dma_start3A_2190] : memref<8x40xi32, #tpu.memory_space<vmem>> -> memref<1x40xi32, #tpu.memory_space<vmem>>
      %dma_start3A_2192 = tpu.memref_squeeze %dma_start3A_2191 : memref<1x40xi32, #tpu.memory_space<vmem>> -> memref<40xi32, #tpu.memory_space<vmem>>
      %dma_start3A_2193 = arith.constant 0 : i32
      %dma_start3A_2194 = arith.constant 0 : i32
      %dma_start3A_2195 = tpu.memref_slice %arg10[%dma_start3A_2193, %dma_start3A_2194] : memref<10112x128xf32, #tpu.memory_space<vmem_shared>> -> memref<10112x128xf32, #tpu.memory_space<vmem_shared>>
      tpu.enqueue_indirect_dma source(%dma_start3A_2189 : memref<40x128xf32, #tpu.memory_space<vmem>>) target(%dma_start3A_2195 : memref<10112x128xf32, #tpu.memory_space<vmem_shared>>) offsets(%dma_start3A_2192 : memref<40xi32, #tpu.memory_space<vmem>>) semaphore(%arg32 : memref<!tpu.dma_semaphore, #tpu.memory_space<semaphore_mem>>) {add = true}
      %add3A_2196 = arith.constant 8 : i32
      %add3A_2197 = arith.addi %mul3A_1850, %add3A_2196 : i32
      %add3A_2198 = arith.constant 5 : i32
      %add3A_2199 = arith.addi %add3A_2197, %add3A_2198 : i32
      %dma_start3A_2200 = arith.constant 5 : i32
      %dma_start3A_2201 = arith.constant 0 : i32
      %dma_start3A_2202 = arith.constant 0 : i32
      %dma_start3A_2203 = tpu.memref_slice %arg5[%dma_start3A_2200, %dma_start3A_2201, %dma_start3A_2202] : memref<8x1x40xi32, #tpu.memory_space<vmem>> -> memref<1x1x40xi32, #tpu.memory_space<vmem>>
      %dma_start3A_2204 = tpu.memref_squeeze %dma_start3A_2203 : memref<1x1x40xi32, #tpu.memory_space<vmem>> -> memref<1x40xi32, #tpu.memory_space<vmem>>
      %dma_start3A_2205 = arith.constant 0 : i32
      %dma_start3A_2206 = arith.constant 0 : i32
      %dma_start3A_2207 = tpu.memref_slice %arg3[%add3A, %add3A_2199, %dma_start3A_2205, %dma_start3A_2206] : memref<32x250x1x40xi32, #tpu.memory_space<hbm>> -> memref<1x1x1x40xi32, #tpu.memory_space<hbm>>
      %dma_start3A_2208 = tpu.memref_squeeze %dma_start3A_2207 : memref<1x1x1x40xi32, #tpu.memory_space<hbm>> -> memref<1x40xi32, #tpu.memory_space<hbm>>
      %dma_start3A_2209 = arith.constant 0 : i32
      %dma_start3A_2210 = arith.constant 0 : i32
      %dma_start3A_2211 = tpu.memref_slice %arg5[%dma_start3A_2200, %dma_start3A_2209, %dma_start3A_2210] : memref<8x1x40xi32, #tpu.memory_space<vmem>> -> memref<1x1x40xi32, #tpu.memory_space<vmem>>
      %dma_start3A_2212 = tpu.memref_squeeze %dma_start3A_2211 : memref<1x1x40xi32, #tpu.memory_space<vmem>> -> memref<1x40xi32, #tpu.memory_space<vmem>>
      %dma_start3A_2213 = arith.constant 0 : i32
      %dma_start3A_2214 = arith.constant 0 : i32
      %dma_start3A_2215 = tpu.memref_slice %arg3[%add3A, %add3A_2199, %dma_start3A_2213, %dma_start3A_2214] : memref<32x250x1x40xi32, #tpu.memory_space<hbm>> -> memref<1x1x1x40xi32, #tpu.memory_space<hbm>>
      %dma_start3A_2216 = tpu.memref_squeeze %dma_start3A_2215 : memref<1x1x1x40xi32, #tpu.memory_space<hbm>> -> memref<1x40xi32, #tpu.memory_space<hbm>>
      tpu.enqueue_dma source(%dma_start3A_2216 : memref<1x40xi32, #tpu.memory_space<hbm>>) target(%dma_start3A_2212 : memref<1x40xi32, #tpu.memory_space<vmem>>) target_semaphore(%arg16 : memref<!tpu.dma_semaphore, #tpu.memory_space<semaphore_mem>>)
      %add3A_2217 = arith.constant 6 : i32
      %add3A_2218 = arith.addi %mul3A_1850, %add3A_2217 : i32
      %dma_wait3A_2219 = arith.constant 6 : i32
      %dma_wait3A_2220 = arith.constant 6 : i32
      %dma_wait3A_2221 = arith.constant 0 : i32
      %dma_wait3A_2222 = arith.constant 0 : i32
      %dma_wait3A_2223 = tpu.memref_slice %arg8[%dma_wait3A_2220, %dma_wait3A_2221, %dma_wait3A_2222] : memref<8x40x128xf32, #tpu.memory_space<vmem>> -> memref<1x20x128xf32, #tpu.memory_space<vmem>>
      %dma_wait3A_2224 = tpu.memref_squeeze %dma_wait3A_2223 : memref<1x20x128xf32, #tpu.memory_space<vmem>> -> memref<20x128xf32, #tpu.memory_space<vmem>>
      %dma_wait3A_2225 = arith.constant 0 : i32
      %dma_wait3A_2226 = tpu.memref_slice %arg6[%dma_wait3A_2219, %dma_wait3A_2225] : memref<8x40xi32, #tpu.memory_space<vmem>> -> memref<1x20xi32, #tpu.memory_space<vmem>>
      %dma_wait3A_2227 = tpu.memref_squeeze %dma_wait3A_2226 : memref<1x20xi32, #tpu.memory_space<vmem>> -> memref<20xi32, #tpu.memory_space<vmem>>
      %dma_wait3A_2228 = arith.constant 0 : i32
      %dma_wait3A_2229 = arith.constant 0 : i32
      %dma_wait3A_2230 = tpu.memref_slice %arg2[%dma_wait3A_2228, %dma_wait3A_2229] : memref<80000x128xf32, #tpu.memory_space<hbm>> -> memref<80000x128xf32, #tpu.memory_space<hbm>>
      tpu.wait_indirect_dma semaphore(%arg25 : memref<!tpu.dma_semaphore, #tpu.memory_space<semaphore_mem>>) src(%dma_wait3A_2230 : memref<80000x128xf32, #tpu.memory_space<hbm>>) dst(%dma_wait3A_2224 : memref<20x128xf32, #tpu.memory_space<vmem>>)
      %dma_wait3A_2231 = arith.constant 6 : i32
      %dma_wait3A_2232 = arith.constant 6 : i32
      %dma_wait3A_2233 = arith.constant 20 : i32
      %dma_wait3A_2234 = arith.constant 0 : i32
      %dma_wait3A_2235 = tpu.memref_slice %arg8[%dma_wait3A_2232, %dma_wait3A_2233, %dma_wait3A_2234] : memref<8x40x128xf32, #tpu.memory_space<vmem>> -> memref<1x20x128xf32, #tpu.memory_space<vmem>>
      %dma_wait3A_2236 = tpu.memref_squeeze %dma_wait3A_2235 : memref<1x20x128xf32, #tpu.memory_space<vmem>> -> memref<20x128xf32, #tpu.memory_space<vmem>>
      %dma_wait3A_2237 = arith.constant 20 : i32
      %dma_wait3A_2238 = tpu.memref_slice %arg6[%dma_wait3A_2231, %dma_wait3A_2237] : memref<8x40xi32, #tpu.memory_space<vmem>> -> memref<1x20xi32, #tpu.memory_space<vmem>>
      %dma_wait3A_2239 = tpu.memref_squeeze %dma_wait3A_2238 : memref<1x20xi32, #tpu.memory_space<vmem>> -> memref<20xi32, #tpu.memory_space<vmem>>
      %dma_wait3A_2240 = arith.constant 0 : i32
      %dma_wait3A_2241 = arith.constant 0 : i32
      %dma_wait3A_2242 = tpu.memref_slice %arg2[%dma_wait3A_2240, %dma_wait3A_2241] : memref<80000x128xf32, #tpu.memory_space<hbm>> -> memref<80000x128xf32, #tpu.memory_space<hbm>>
      tpu.wait_indirect_dma semaphore(%arg25 : memref<!tpu.dma_semaphore, #tpu.memory_space<semaphore_mem>>) src(%dma_wait3A_2242 : memref<80000x128xf32, #tpu.memory_space<hbm>>) dst(%dma_wait3A_2236 : memref<20x128xf32, #tpu.memory_space<vmem>>)
      %add3A_2243 = arith.constant 6 : i32
      %add3A_2244 = arith.addi %mul3A_1850, %add3A_2243 : i32
      %dma_start3A_2245 = arith.constant 6 : i32
      %dma_start3A_2246 = arith.constant 6 : i32
      %dma_start3A_2247 = arith.constant 0 : i32
      %dma_start3A_2248 = arith.constant 0 : i32
      %dma_start3A_2249 = tpu.memref_slice %arg8[%dma_start3A_2245, %dma_start3A_2247, %dma_start3A_2248] : memref<8x40x128xf32, #tpu.memory_space<vmem>> -> memref<1x40x128xf32, #tpu.memory_space<vmem>>
      %dma_start3A_2250 = tpu.memref_squeeze %dma_start3A_2249 : memref<1x40x128xf32, #tpu.memory_space<vmem>> -> memref<40x128xf32, #tpu.memory_space<vmem>>
      %dma_start3A_2251 = arith.constant 0 : i32
      %dma_start3A_2252 = tpu.memref_slice %arg7[%dma_start3A_2246, %dma_start3A_2251] : memref<8x40xi32, #tpu.memory_space<vmem>> -> memref<1x40xi32, #tpu.memory_space<vmem>>
      %dma_start3A_2253 = tpu.memref_squeeze %dma_start3A_2252 : memref<1x40xi32, #tpu.memory_space<vmem>> -> memref<40xi32, #tpu.memory_space<vmem>>
      %dma_start3A_2254 = arith.constant 0 : i32
      %dma_start3A_2255 = arith.constant 0 : i32
      %dma_start3A_2256 = tpu.memref_slice %arg10[%dma_start3A_2254, %dma_start3A_2255] : memref<10112x128xf32, #tpu.memory_space<vmem_shared>> -> memref<10112x128xf32, #tpu.memory_space<vmem_shared>>
      tpu.enqueue_indirect_dma source(%dma_start3A_2250 : memref<40x128xf32, #tpu.memory_space<vmem>>) target(%dma_start3A_2256 : memref<10112x128xf32, #tpu.memory_space<vmem_shared>>) offsets(%dma_start3A_2253 : memref<40xi32, #tpu.memory_space<vmem>>) semaphore(%arg33 : memref<!tpu.dma_semaphore, #tpu.memory_space<semaphore_mem>>) {add = true}
      %add3A_2257 = arith.constant 8 : i32
      %add3A_2258 = arith.addi %mul3A_1850, %add3A_2257 : i32
      %add3A_2259 = arith.constant 6 : i32
      %add3A_2260 = arith.addi %add3A_2258, %add3A_2259 : i32
      %dma_start3A_2261 = arith.constant 6 : i32
      %dma_start3A_2262 = arith.constant 0 : i32
      %dma_start3A_2263 = arith.constant 0 : i32
      %dma_start3A_2264 = tpu.memref_slice %arg5[%dma_start3A_2261, %dma_start3A_2262, %dma_start3A_2263] : memref<8x1x40xi32, #tpu.memory_space<vmem>> -> memref<1x1x40xi32, #tpu.memory_space<vmem>>
      %dma_start3A_2265 = tpu.memref_squeeze %dma_start3A_2264 : memref<1x1x40xi32, #tpu.memory_space<vmem>> -> memref<1x40xi32, #tpu.memory_space<vmem>>
      %dma_start3A_2266 = arith.constant 0 : i32
      %dma_start3A_2267 = arith.constant 0 : i32
      %dma_start3A_2268 = tpu.memref_slice %arg3[%add3A, %add3A_2260, %dma_start3A_2266, %dma_start3A_2267] : memref<32x250x1x40xi32, #tpu.memory_space<hbm>> -> memref<1x1x1x40xi32, #tpu.memory_space<hbm>>
      %dma_start3A_2269 = tpu.memref_squeeze %dma_start3A_2268 : memref<1x1x1x40xi32, #tpu.memory_space<hbm>> -> memref<1x40xi32, #tpu.memory_space<hbm>>
      %dma_start3A_2270 = arith.constant 0 : i32
      %dma_start3A_2271 = arith.constant 0 : i32
      %dma_start3A_2272 = tpu.memref_slice %arg5[%dma_start3A_2261, %dma_start3A_2270, %dma_start3A_2271] : memref<8x1x40xi32, #tpu.memory_space<vmem>> -> memref<1x1x40xi32, #tpu.memory_space<vmem>>
      %dma_start3A_2273 = tpu.memref_squeeze %dma_start3A_2272 : memref<1x1x40xi32, #tpu.memory_space<vmem>> -> memref<1x40xi32, #tpu.memory_space<vmem>>
      %dma_start3A_2274 = arith.constant 0 : i32
      %dma_start3A_2275 = arith.constant 0 : i32
      %dma_start3A_2276 = tpu.memref_slice %arg3[%add3A, %add3A_2260, %dma_start3A_2274, %dma_start3A_2275] : memref<32x250x1x40xi32, #tpu.memory_space<hbm>> -> memref<1x1x1x40xi32, #tpu.memory_space<hbm>>
      %dma_start3A_2277 = tpu.memref_squeeze %dma_start3A_2276 : memref<1x1x1x40xi32, #tpu.memory_space<hbm>> -> memref<1x40xi32, #tpu.memory_space<hbm>>
      tpu.enqueue_dma source(%dma_start3A_2277 : memref<1x40xi32, #tpu.memory_space<hbm>>) target(%dma_start3A_2273 : memref<1x40xi32, #tpu.memory_space<vmem>>) target_semaphore(%arg17 : memref<!tpu.dma_semaphore, #tpu.memory_space<semaphore_mem>>)
      %add3A_2278 = arith.constant 7 : i32
      %add3A_2279 = arith.addi %mul3A_1850, %add3A_2278 : i32
      %dma_wait3A_2280 = arith.constant 7 : i32
      %dma_wait3A_2281 = arith.constant 7 : i32
      %dma_wait3A_2282 = arith.constant 0 : i32
      %dma_wait3A_2283 = arith.constant 0 : i32
      %dma_wait3A_2284 = tpu.memref_slice %arg8[%dma_wait3A_2281, %dma_wait3A_2282, %dma_wait3A_2283] : memref<8x40x128xf32, #tpu.memory_space<vmem>> -> memref<1x20x128xf32, #tpu.memory_space<vmem>>
      %dma_wait3A_2285 = tpu.memref_squeeze %dma_wait3A_2284 : memref<1x20x128xf32, #tpu.memory_space<vmem>> -> memref<20x128xf32, #tpu.memory_space<vmem>>
      %dma_wait3A_2286 = arith.constant 0 : i32
      %dma_wait3A_2287 = tpu.memref_slice %arg6[%dma_wait3A_2280, %dma_wait3A_2286] : memref<8x40xi32, #tpu.memory_space<vmem>> -> memref<1x20xi32, #tpu.memory_space<vmem>>
      %dma_wait3A_2288 = tpu.memref_squeeze %dma_wait3A_2287 : memref<1x20xi32, #tpu.memory_space<vmem>> -> memref<20xi32, #tpu.memory_space<vmem>>
      %dma_wait3A_2289 = arith.constant 0 : i32
      %dma_wait3A_2290 = arith.constant 0 : i32
      %dma_wait3A_2291 = tpu.memref_slice %arg2[%dma_wait3A_2289, %dma_wait3A_2290] : memref<80000x128xf32, #tpu.memory_space<hbm>> -> memref<80000x128xf32, #tpu.memory_space<hbm>>
      tpu.wait_indirect_dma semaphore(%arg26 : memref<!tpu.dma_semaphore, #tpu.memory_space<semaphore_mem>>) src(%dma_wait3A_2291 : memref<80000x128xf32, #tpu.memory_space<hbm>>) dst(%dma_wait3A_2285 : memref<20x128xf32, #tpu.memory_space<vmem>>)
      %dma_wait3A_2292 = arith.constant 7 : i32
      %dma_wait3A_2293 = arith.constant 7 : i32
      %dma_wait3A_2294 = arith.constant 20 : i32
      %dma_wait3A_2295 = arith.constant 0 : i32
      %dma_wait3A_2296 = tpu.memref_slice %arg8[%dma_wait3A_2293, %dma_wait3A_2294, %dma_wait3A_2295] : memref<8x40x128xf32, #tpu.memory_space<vmem>> -> memref<1x20x128xf32, #tpu.memory_space<vmem>>
      %dma_wait3A_2297 = tpu.memref_squeeze %dma_wait3A_2296 : memref<1x20x128xf32, #tpu.memory_space<vmem>> -> memref<20x128xf32, #tpu.memory_space<vmem>>
      %dma_wait3A_2298 = arith.constant 20 : i32
      %dma_wait3A_2299 = tpu.memref_slice %arg6[%dma_wait3A_2292, %dma_wait3A_2298] : memref<8x40xi32, #tpu.memory_space<vmem>> -> memref<1x20xi32, #tpu.memory_space<vmem>>
      %dma_wait3A_2300 = tpu.memref_squeeze %dma_wait3A_2299 : memref<1x20xi32, #tpu.memory_space<vmem>> -> memref<20xi32, #tpu.memory_space<vmem>>
      %dma_wait3A_2301 = arith.constant 0 : i32
      %dma_wait3A_2302 = arith.constant 0 : i32
      %dma_wait3A_2303 = tpu.memref_slice %arg2[%dma_wait3A_2301, %dma_wait3A_2302] : memref<80000x128xf32, #tpu.memory_space<hbm>> -> memref<80000x128xf32, #tpu.memory_space<hbm>>
      tpu.wait_indirect_dma semaphore(%arg26 : memref<!tpu.dma_semaphore, #tpu.memory_space<semaphore_mem>>) src(%dma_wait3A_2303 : memref<80000x128xf32, #tpu.memory_space<hbm>>) dst(%dma_wait3A_2297 : memref<20x128xf32, #tpu.memory_space<vmem>>)
      %add3A_2304 = arith.constant 7 : i32
      %add3A_2305 = arith.addi %mul3A_1850, %add3A_2304 : i32
      %dma_start3A_2306 = arith.constant 7 : i32
      %dma_start3A_2307 = arith.constant 7 : i32
      %dma_start3A_2308 = arith.constant 0 : i32
      %dma_start3A_2309 = arith.constant 0 : i32
      %dma_start3A_2310 = tpu.memref_slice %arg8[%dma_start3A_2306, %dma_start3A_2308, %dma_start3A_2309] : memref<8x40x128xf32, #tpu.memory_space<vmem>> -> memref<1x40x128xf32, #tpu.memory_space<vmem>>
      %dma_start3A_2311 = tpu.memref_squeeze %dma_start3A_2310 : memref<1x40x128xf32, #tpu.memory_space<vmem>> -> memref<40x128xf32, #tpu.memory_space<vmem>>
      %dma_start3A_2312 = arith.constant 0 : i32
      %dma_start3A_2313 = tpu.memref_slice %arg7[%dma_start3A_2307, %dma_start3A_2312] : memref<8x40xi32, #tpu.memory_space<vmem>> -> memref<1x40xi32, #tpu.memory_space<vmem>>
      %dma_start3A_2314 = tpu.memref_squeeze %dma_start3A_2313 : memref<1x40xi32, #tpu.memory_space<vmem>> -> memref<40xi32, #tpu.memory_space<vmem>>
      %dma_start3A_2315 = arith.constant 0 : i32
      %dma_start3A_2316 = arith.constant 0 : i32
      %dma_start3A_2317 = tpu.memref_slice %arg10[%dma_start3A_2315, %dma_start3A_2316] : memref<10112x128xf32, #tpu.memory_space<vmem_shared>> -> memref<10112x128xf32, #tpu.memory_space<vmem_shared>>
      tpu.enqueue_indirect_dma source(%dma_start3A_2311 : memref<40x128xf32, #tpu.memory_space<vmem>>) target(%dma_start3A_2317 : memref<10112x128xf32, #tpu.memory_space<vmem_shared>>) offsets(%dma_start3A_2314 : memref<40xi32, #tpu.memory_space<vmem>>) semaphore(%arg34 : memref<!tpu.dma_semaphore, #tpu.memory_space<semaphore_mem>>) {add = true}
      %add3A_2318 = arith.constant 8 : i32
      %add3A_2319 = arith.addi %mul3A_1850, %add3A_2318 : i32
      %add3A_2320 = arith.constant 7 : i32
      %add3A_2321 = arith.addi %add3A_2319, %add3A_2320 : i32
      %dma_start3A_2322 = arith.constant 7 : i32
      %dma_start3A_2323 = arith.constant 0 : i32
      %dma_start3A_2324 = arith.constant 0 : i32
      %dma_start3A_2325 = tpu.memref_slice %arg5[%dma_start3A_2322, %dma_start3A_2323, %dma_start3A_2324] : memref<8x1x40xi32, #tpu.memory_space<vmem>> -> memref<1x1x40xi32, #tpu.memory_space<vmem>>
      %dma_start3A_2326 = tpu.memref_squeeze %dma_start3A_2325 : memref<1x1x40xi32, #tpu.memory_space<vmem>> -> memref<1x40xi32, #tpu.memory_space<vmem>>
      %dma_start3A_2327 = arith.constant 0 : i32
      %dma_start3A_2328 = arith.constant 0 : i32
      %dma_start3A_2329 = tpu.memref_slice %arg3[%add3A, %add3A_2321, %dma_start3A_2327, %dma_start3A_2328] : memref<32x250x1x40xi32, #tpu.memory_space<hbm>> -> memref<1x1x1x40xi32, #tpu.memory_space<hbm>>
      %dma_start3A_2330 = tpu.memref_squeeze %dma_start3A_2329 : memref<1x1x1x40xi32, #tpu.memory_space<hbm>> -> memref<1x40xi32, #tpu.memory_space<hbm>>
      %dma_start3A_2331 = arith.constant 0 : i32
      %dma_start3A_2332 = arith.constant 0 : i32
      %dma_start3A_2333 = tpu.memref_slice %arg5[%dma_start3A_2322, %dma_start3A_2331, %dma_start3A_2332] : memref<8x1x40xi32, #tpu.memory_space<vmem>> -> memref<1x1x40xi32, #tpu.memory_space<vmem>>
      %dma_start3A_2334 = tpu.memref_squeeze %dma_start3A_2333 : memref<1x1x40xi32, #tpu.memory_space<vmem>> -> memref<1x40xi32, #tpu.memory_space<vmem>>
      %dma_start3A_2335 = arith.constant 0 : i32
      %dma_start3A_2336 = arith.constant 0 : i32
      %dma_start3A_2337 = tpu.memref_slice %arg3[%add3A, %add3A_2321, %dma_start3A_2335, %dma_start3A_2336] : memref<32x250x1x40xi32, #tpu.memory_space<hbm>> -> memref<1x1x1x40xi32, #tpu.memory_space<hbm>>
      %dma_start3A_2338 = tpu.memref_squeeze %dma_start3A_2337 : memref<1x1x1x40xi32, #tpu.memory_space<hbm>> -> memref<1x40xi32, #tpu.memory_space<hbm>>
      tpu.enqueue_dma source(%dma_start3A_2338 : memref<1x40xi32, #tpu.memory_space<hbm>>) target(%dma_start3A_2334 : memref<1x40xi32, #tpu.memory_space<vmem>>) target_semaphore(%arg18 : memref<!tpu.dma_semaphore, #tpu.memory_space<semaphore_mem>>)
      %add3A_2339 = arith.constant 0 : i32
      %add3A_2340 = arith.addi %mul3A_1850, %add3A_2339 : i32
      %dma_wait3A_2341 = arith.constant 0 : i32
      %dma_wait3A_2342 = arith.constant 0 : i32
      %dma_wait3A_2343 = arith.constant 0 : i32
      %dma_wait3A_2344 = arith.constant 0 : i32
      %dma_wait3A_2345 = tpu.memref_slice %arg8[%dma_wait3A_2341, %dma_wait3A_2343, %dma_wait3A_2344] : memref<8x40x128xf32, #tpu.memory_space<vmem>> -> memref<1x40x128xf32, #tpu.memory_space<vmem>>
      %dma_wait3A_2346 = tpu.memref_squeeze %dma_wait3A_2345 : memref<1x40x128xf32, #tpu.memory_space<vmem>> -> memref<40x128xf32, #tpu.memory_space<vmem>>
      %dma_wait3A_2347 = arith.constant 0 : i32
      %dma_wait3A_2348 = tpu.memref_slice %arg7[%dma_wait3A_2342, %dma_wait3A_2347] : memref<8x40xi32, #tpu.memory_space<vmem>> -> memref<1x40xi32, #tpu.memory_space<vmem>>
      %dma_wait3A_2349 = tpu.memref_squeeze %dma_wait3A_2348 : memref<1x40xi32, #tpu.memory_space<vmem>> -> memref<40xi32, #tpu.memory_space<vmem>>
      %dma_wait3A_2350 = arith.constant 0 : i32
      %dma_wait3A_2351 = arith.constant 0 : i32
      %dma_wait3A_2352 = tpu.memref_slice %arg10[%dma_wait3A_2350, %dma_wait3A_2351] : memref<10112x128xf32, #tpu.memory_space<vmem_shared>> -> memref<10112x128xf32, #tpu.memory_space<vmem_shared>>
      tpu.wait_indirect_dma semaphore(%arg27 : memref<!tpu.dma_semaphore, #tpu.memory_space<semaphore_mem>>) src(%dma_wait3A_2346 : memref<40x128xf32, #tpu.memory_space<vmem>>) dst(%dma_wait3A_2352 : memref<10112x128xf32, #tpu.memory_space<vmem_shared>>)
      %add3A_2353 = arith.constant 8 : i32
      %add3A_2354 = arith.addi %mul3A_1850, %add3A_2353 : i32
      %add3A_2355 = arith.constant 0 : i32
      %add3A_2356 = arith.addi %add3A_2354, %add3A_2355 : i32
      %dma_wait3A_2357 = arith.constant 0 : i32
      %dma_wait3A_2358 = arith.constant 0 : i32
      %dma_wait3A_2359 = arith.constant 0 : i32
      %dma_wait3A_2360 = tpu.memref_slice %arg5[%dma_wait3A_2357, %dma_wait3A_2358, %dma_wait3A_2359] : memref<8x1x40xi32, #tpu.memory_space<vmem>> -> memref<1x1x40xi32, #tpu.memory_space<vmem>>
      %dma_wait3A_2361 = tpu.memref_squeeze %dma_wait3A_2360 : memref<1x1x40xi32, #tpu.memory_space<vmem>> -> memref<1x40xi32, #tpu.memory_space<vmem>>
      %dma_wait3A_2362 = arith.constant 0 : i32
      %dma_wait3A_2363 = arith.constant 0 : i32
      %dma_wait3A_2364 = tpu.memref_slice %arg3[%add3A, %add3A_2356, %dma_wait3A_2362, %dma_wait3A_2363] : memref<32x250x1x40xi32, #tpu.memory_space<hbm>> -> memref<1x1x1x40xi32, #tpu.memory_space<hbm>>
      %dma_wait3A_2365 = tpu.memref_squeeze %dma_wait3A_2364 : memref<1x1x1x40xi32, #tpu.memory_space<hbm>> -> memref<1x40xi32, #tpu.memory_space<hbm>>
      %dma_wait3A_2366 = arith.constant 0 : i32
      %dma_wait3A_2367 = arith.constant 0 : i32
      %dma_wait3A_2368 = tpu.memref_slice %arg5[%dma_wait3A_2357, %dma_wait3A_2366, %dma_wait3A_2367] : memref<8x1x40xi32, #tpu.memory_space<vmem>> -> memref<1x1x40xi32, #tpu.memory_space<vmem>>
      %dma_wait3A_2369 = tpu.memref_squeeze %dma_wait3A_2368 : memref<1x1x40xi32, #tpu.memory_space<vmem>> -> memref<1x40xi32, #tpu.memory_space<vmem>>
      %dma_wait3A_2370 = arith.constant 0 : i32
      %dma_wait3A_2371 = arith.constant 0 : i32
      %dma_wait3A_2372 = tpu.memref_slice %arg3[%add3A, %add3A_2356, %dma_wait3A_2370, %dma_wait3A_2371] : memref<32x250x1x40xi32, #tpu.memory_space<hbm>> -> memref<1x1x1x40xi32, #tpu.memory_space<hbm>>
      %dma_wait3A_2373 = tpu.memref_squeeze %dma_wait3A_2372 : memref<1x1x1x40xi32, #tpu.memory_space<hbm>> -> memref<1x40xi32, #tpu.memory_space<hbm>>
      tpu.wait_dma2 semaphore(%arg11 : memref<!tpu.dma_semaphore, #tpu.memory_space<semaphore_mem>>) src(%dma_wait3A_2373 : memref<1x40xi32, #tpu.memory_space<hbm>>) dst(%dma_wait3A_2369 : memref<1x40xi32, #tpu.memory_space<vmem>>)
      %get3A_2374 = arith.constant 0 : i32
      %get3A_2375 = arith.constant 0 : i32
      %get3A_2376 = arith.index_cast %get3A_2374 : i32 to index
      %get3A_2377 = arith.index_cast %get3A_2375 : i32 to index
      %get3A_2378 = arith.constant 0 : index
      %get3A_2379 = tpu.vector_load %arg5[%get3A_2376, %get3A_2377, %get3A_2378] {strides = array<i32>} : memref<8x1x40xi32, #tpu.memory_space<vmem>>, vector<1x1x16xi32>,
      %get3A_2380 = vector.shape_cast %get3A_2379 : vector<1x1x16xi32> to vector<16xi32>
      %shift_right_logical3A_2381 = arith.constant 14 : i32
      %shift_right_logical3A_2382 = vector.broadcast %shift_right_logical3A_2381 : i32 to vector<16xi32>
      %shift_right_logical3A_2383 = arith.shrui %get3A_2380, %shift_right_logical3A_2382 : vector<16xi32>
      %swap3A_2384 = arith.constant 0 : i32
      %swap3A_2385 = arith.index_cast %swap3A_2384 : i32 to index
      %swap3A_2386 = arith.constant 0 : index
      %swap3A_2387 = tpu.vector_load %arg6[%swap3A_2385, %swap3A_2386] {strides = array<i32>} : memref<8x40xi32, #tpu.memory_space<vmem>>, vector<1x16xi32>,
      %swap3A_2388 = vector.shape_cast %swap3A_2387 : vector<1x16xi32> to vector<16xi32>
      %swap3A_2389 = vector.shape_cast %shift_right_logical3A_2383 : vector<16xi32> to vector<1x16xi32>
      tpu.vector_store %arg6[%swap3A_2385, %swap3A_2386], %swap3A_2389 {strides = array<i32>} : memref<8x40xi32, #tpu.memory_space<vmem>>, vector<1x16xi32>,
      %and3A_2390 = arith.constant 16383 : i32
      %and3A_2391 = vector.broadcast %and3A_2390 : i32 to vector<16xi32>
      %and3A_2392 = arith.andi %get3A_2380, %and3A_2391 : vector<16xi32>
      %swap3A_2393 = arith.constant 0 : i32
      %swap3A_2394 = arith.index_cast %swap3A_2393 : i32 to index
      %swap3A_2395 = arith.constant 0 : index
      %swap3A_2396 = tpu.vector_load %arg7[%swap3A_2394, %swap3A_2395] {strides = array<i32>} : memref<8x40xi32, #tpu.memory_space<vmem>>, vector<1x16xi32>,
      %swap3A_2397 = vector.shape_cast %swap3A_2396 : vector<1x16xi32> to vector<16xi32>
      %swap3A_2398 = vector.shape_cast %and3A_2392 : vector<16xi32> to vector<1x16xi32>
      tpu.vector_store %arg7[%swap3A_2394, %swap3A_2395], %swap3A_2398 {strides = array<i32>} : memref<8x40xi32, #tpu.memory_space<vmem>>, vector<1x16xi32>,
      %get3A_2399 = arith.constant 0 : i32
      %get3A_2400 = arith.constant 0 : i32
      %get3A_2401 = arith.index_cast %get3A_2399 : i32 to index
      %get3A_2402 = arith.index_cast %get3A_2400 : i32 to index
      %get3A_2403 = arith.constant 16 : index
      %get3A_2404 = tpu.vector_load %arg5[%get3A_2401, %get3A_2402, %get3A_2403] {strides = array<i32>} : memref<8x1x40xi32, #tpu.memory_space<vmem>>, vector<1x1x16xi32>,
      %get3A_2405 = vector.shape_cast %get3A_2404 : vector<1x1x16xi32> to vector<16xi32>
      %shift_right_logical3A_2406 = arith.constant 14 : i32
      %shift_right_logical3A_2407 = vector.broadcast %shift_right_logical3A_2406 : i32 to vector<16xi32>
      %shift_right_logical3A_2408 = arith.shrui %get3A_2405, %shift_right_logical3A_2407 : vector<16xi32>
      %swap3A_2409 = arith.constant 0 : i32
      %swap3A_2410 = arith.index_cast %swap3A_2409 : i32 to index
      %swap3A_2411 = arith.constant 16 : index
      %swap3A_2412 = tpu.vector_load %arg6[%swap3A_2410, %swap3A_2411] {strides = array<i32>} : memref<8x40xi32, #tpu.memory_space<vmem>>, vector<1x16xi32>,
      %swap3A_2413 = vector.shape_cast %swap3A_2412 : vector<1x16xi32> to vector<16xi32>
      %swap3A_2414 = vector.shape_cast %shift_right_logical3A_2408 : vector<16xi32> to vector<1x16xi32>
      tpu.vector_store %arg6[%swap3A_2410, %swap3A_2411], %swap3A_2414 {strides = array<i32>} : memref<8x40xi32, #tpu.memory_space<vmem>>, vector<1x16xi32>,
      %and3A_2415 = arith.constant 16383 : i32
      %and3A_2416 = vector.broadcast %and3A_2415 : i32 to vector<16xi32>
      %and3A_2417 = arith.andi %get3A_2405, %and3A_2416 : vector<16xi32>
      %swap3A_2418 = arith.constant 0 : i32
      %swap3A_2419 = arith.index_cast %swap3A_2418 : i32 to index
      %swap3A_2420 = arith.constant 16 : index
      %swap3A_2421 = tpu.vector_load %arg7[%swap3A_2419, %swap3A_2420] {strides = array<i32>} : memref<8x40xi32, #tpu.memory_space<vmem>>, vector<1x16xi32>,
      %swap3A_2422 = vector.shape_cast %swap3A_2421 : vector<1x16xi32> to vector<16xi32>
      %swap3A_2423 = vector.shape_cast %and3A_2417 : vector<16xi32> to vector<1x16xi32>
      tpu.vector_store %arg7[%swap3A_2419, %swap3A_2420], %swap3A_2423 {strides = array<i32>} : memref<8x40xi32, #tpu.memory_space<vmem>>, vector<1x16xi32>,
      %get3A_2424 = arith.constant 0 : i32
      %get3A_2425 = arith.constant 0 : i32
      %get3A_2426 = arith.index_cast %get3A_2424 : i32 to index
      %get3A_2427 = arith.index_cast %get3A_2425 : i32 to index
      %get3A_2428 = arith.constant 24 : index
      %get3A_2429 = tpu.vector_load %arg5[%get3A_2426, %get3A_2427, %get3A_2428] {strides = array<i32>} : memref<8x1x40xi32, #tpu.memory_space<vmem>>, vector<1x1x16xi32>,
      %get3A_2430 = vector.shape_cast %get3A_2429 : vector<1x1x16xi32> to vector<16xi32>
      %shift_right_logical3A_2431 = arith.constant 14 : i32
      %shift_right_logical3A_2432 = vector.broadcast %shift_right_logical3A_2431 : i32 to vector<16xi32>
      %shift_right_logical3A_2433 = arith.shrui %get3A_2430, %shift_right_logical3A_2432 : vector<16xi32>
      %swap3A_2434 = arith.constant 0 : i32
      %swap3A_2435 = arith.index_cast %swap3A_2434 : i32 to index
      %swap3A_2436 = arith.constant 24 : index
      %swap3A_2437 = tpu.vector_load %arg6[%swap3A_2435, %swap3A_2436] {strides = array<i32>} : memref<8x40xi32, #tpu.memory_space<vmem>>, vector<1x16xi32>,
      %swap3A_2438 = vector.shape_cast %swap3A_2437 : vector<1x16xi32> to vector<16xi32>
      %swap3A_2439 = vector.shape_cast %shift_right_logical3A_2433 : vector<16xi32> to vector<1x16xi32>
      tpu.vector_store %arg6[%swap3A_2435, %swap3A_2436], %swap3A_2439 {strides = array<i32>} : memref<8x40xi32, #tpu.memory_space<vmem>>, vector<1x16xi32>,
      %and3A_2440 = arith.constant 16383 : i32
      %and3A_2441 = vector.broadcast %and3A_2440 : i32 to vector<16xi32>
      %and3A_2442 = arith.andi %get3A_2430, %and3A_2441 : vector<16xi32>
      %swap3A_2443 = arith.constant 0 : i32
      %swap3A_2444 = arith.index_cast %swap3A_2443 : i32 to index
      %swap3A_2445 = arith.constant 24 : index
      %swap3A_2446 = tpu.vector_load %arg7[%swap3A_2444, %swap3A_2445] {strides = array<i32>} : memref<8x40xi32, #tpu.memory_space<vmem>>, vector<1x16xi32>,
      %swap3A_2447 = vector.shape_cast %swap3A_2446 : vector<1x16xi32> to vector<16xi32>
      %swap3A_2448 = vector.shape_cast %and3A_2442 : vector<16xi32> to vector<1x16xi32>
      tpu.vector_store %arg7[%swap3A_2444, %swap3A_2445], %swap3A_2448 {strides = array<i32>} : memref<8x40xi32, #tpu.memory_space<vmem>>, vector<1x16xi32>,
      %add3A_2449 = arith.constant 8 : i32
      %add3A_2450 = arith.addi %mul3A_1850, %add3A_2449 : i32
      %add3A_2451 = arith.constant 0 : i32
      %add3A_2452 = arith.addi %add3A_2450, %add3A_2451 : i32
      %dma_start3A_2453 = arith.constant 0 : i32
      %dma_start3A_2454 = arith.constant 0 : i32
      %dma_start3A_2455 = arith.constant 0 : i32
      %dma_start3A_2456 = arith.constant 0 : i32
      %dma_start3A_2457 = tpu.memref_slice %arg8[%dma_start3A_2454, %dma_start3A_2455, %dma_start3A_2456] : memref<8x40x128xf32, #tpu.memory_space<vmem>> -> memref<1x20x128xf32, #tpu.memory_space<vmem>>
      %dma_start3A_2458 = tpu.memref_squeeze %dma_start3A_2457 : memref<1x20x128xf32, #tpu.memory_space<vmem>> -> memref<20x128xf32, #tpu.memory_space<vmem>>
      %dma_start3A_2459 = arith.constant 0 : i32
      %dma_start3A_2460 = tpu.memref_slice %arg6[%dma_start3A_2453, %dma_start3A_2459] : memref<8x40xi32, #tpu.memory_space<vmem>> -> memref<1x20xi32, #tpu.memory_space<vmem>>
      %dma_start3A_2461 = tpu.memref_squeeze %dma_start3A_2460 : memref<1x20xi32, #tpu.memory_space<vmem>> -> memref<20xi32, #tpu.memory_space<vmem>>
      %dma_start3A_2462 = arith.constant 0 : i32
      %dma_start3A_2463 = arith.constant 0 : i32
      %dma_start3A_2464 = tpu.memref_slice %arg2[%dma_start3A_2462, %dma_start3A_2463] : memref<80000x128xf32, #tpu.memory_space<hbm>> -> memref<80000x128xf32, #tpu.memory_space<hbm>>
      tpu.enqueue_indirect_dma source(%dma_start3A_2464 : memref<80000x128xf32, #tpu.memory_space<hbm>>) target(%dma_start3A_2458 : memref<20x128xf32, #tpu.memory_space<vmem>>) offsets(%dma_start3A_2461 : memref<20xi32, #tpu.memory_space<vmem>>) semaphore(%arg19 : memref<!tpu.dma_semaphore, #tpu.memory_space<semaphore_mem>>)
      %dma_start3A_2465 = arith.constant 0 : i32
      %dma_start3A_2466 = arith.constant 0 : i32
      %dma_start3A_2467 = arith.constant 20 : i32
      %dma_start3A_2468 = arith.constant 0 : i32
      %dma_start3A_2469 = tpu.memref_slice %arg8[%dma_start3A_2466, %dma_start3A_2467, %dma_start3A_2468] : memref<8x40x128xf32, #tpu.memory_space<vmem>> -> memref<1x20x128xf32, #tpu.memory_space<vmem>>
      %dma_start3A_2470 = tpu.memref_squeeze %dma_start3A_2469 : memref<1x20x128xf32, #tpu.memory_space<vmem>> -> memref<20x128xf32, #tpu.memory_space<vmem>>
      %dma_start3A_2471 = arith.constant 20 : i32
      %dma_start3A_2472 = tpu.memref_slice %arg6[%dma_start3A_2465, %dma_start3A_2471] : memref<8x40xi32, #tpu.memory_space<vmem>> -> memref<1x20xi32, #tpu.memory_space<vmem>>
      %dma_start3A_2473 = tpu.memref_squeeze %dma_start3A_2472 : memref<1x20xi32, #tpu.memory_space<vmem>> -> memref<20xi32, #tpu.memory_space<vmem>>
      %dma_start3A_2474 = arith.constant 0 : i32
      %dma_start3A_2475 = arith.constant 0 : i32
      %dma_start3A_2476 = tpu.memref_slice %arg2[%dma_start3A_2474, %dma_start3A_2475] : memref<80000x128xf32, #tpu.memory_space<hbm>> -> memref<80000x128xf32, #tpu.memory_space<hbm>>
      tpu.enqueue_indirect_dma source(%dma_start3A_2476 : memref<80000x128xf32, #tpu.memory_space<hbm>>) target(%dma_start3A_2470 : memref<20x128xf32, #tpu.memory_space<vmem>>) offsets(%dma_start3A_2473 : memref<20xi32, #tpu.memory_space<vmem>>) semaphore(%arg19 : memref<!tpu.dma_semaphore, #tpu.memory_space<semaphore_mem>>)
      %add3A_2477 = arith.constant 1 : i32
      %add3A_2478 = arith.addi %mul3A_1850, %add3A_2477 : i32
      %dma_wait3A_2479 = arith.constant 1 : i32
      %dma_wait3A_2480 = arith.constant 1 : i32
      %dma_wait3A_2481 = arith.constant 0 : i32
      %dma_wait3A_2482 = arith.constant 0 : i32
      %dma_wait3A_2483 = tpu.memref_slice %arg8[%dma_wait3A_2479, %dma_wait3A_2481, %dma_wait3A_2482] : memref<8x40x128xf32, #tpu.memory_space<vmem>> -> memref<1x40x128xf32, #tpu.memory_space<vmem>>
      %dma_wait3A_2484 = tpu.memref_squeeze %dma_wait3A_2483 : memref<1x40x128xf32, #tpu.memory_space<vmem>> -> memref<40x128xf32, #tpu.memory_space<vmem>>
      %dma_wait3A_2485 = arith.constant 0 : i32
      %dma_wait3A_2486 = tpu.memref_slice %arg7[%dma_wait3A_2480, %dma_wait3A_2485] : memref<8x40xi32, #tpu.memory_space<vmem>> -> memref<1x40xi32, #tpu.memory_space<vmem>>
      %dma_wait3A_2487 = tpu.memref_squeeze %dma_wait3A_2486 : memref<1x40xi32, #tpu.memory_space<vmem>> -> memref<40xi32, #tpu.memory_space<vmem>>
      %dma_wait3A_2488 = arith.constant 0 : i32
      %dma_wait3A_2489 = arith.constant 0 : i32
      %dma_wait3A_2490 = tpu.memref_slice %arg10[%dma_wait3A_2488, %dma_wait3A_2489] : memref<10112x128xf32, #tpu.memory_space<vmem_shared>> -> memref<10112x128xf32, #tpu.memory_space<vmem_shared>>
      tpu.wait_indirect_dma semaphore(%arg28 : memref<!tpu.dma_semaphore, #tpu.memory_space<semaphore_mem>>) src(%dma_wait3A_2484 : memref<40x128xf32, #tpu.memory_space<vmem>>) dst(%dma_wait3A_2490 : memref<10112x128xf32, #tpu.memory_space<vmem_shared>>)
      %add3A_2491 = arith.constant 8 : i32
      %add3A_2492 = arith.addi %mul3A_1850, %add3A_2491 : i32
      %add3A_2493 = arith.constant 1 : i32
      %add3A_2494 = arith.addi %add3A_2492, %add3A_2493 : i32
      %dma_wait3A_2495 = arith.constant 1 : i32
      %dma_wait3A_2496 = arith.constant 0 : i32
      %dma_wait3A_2497 = arith.constant 0 : i32
      %dma_wait3A_2498 = tpu.memref_slice %arg5[%dma_wait3A_2495, %dma_wait3A_2496, %dma_wait3A_2497] : memref<8x1x40xi32, #tpu.memory_space<vmem>> -> memref<1x1x40xi32, #tpu.memory_space<vmem>>
      %dma_wait3A_2499 = tpu.memref_squeeze %dma_wait3A_2498 : memref<1x1x40xi32, #tpu.memory_space<vmem>> -> memref<1x40xi32, #tpu.memory_space<vmem>>
      %dma_wait3A_2500 = arith.constant 0 : i32
      %dma_wait3A_2501 = arith.constant 0 : i32
      %dma_wait3A_2502 = tpu.memref_slice %arg3[%add3A, %add3A_2494, %dma_wait3A_2500, %dma_wait3A_2501] : memref<32x250x1x40xi32, #tpu.memory_space<hbm>> -> memref<1x1x1x40xi32, #tpu.memory_space<hbm>>
      %dma_wait3A_2503 = tpu.memref_squeeze %dma_wait3A_2502 : memref<1x1x1x40xi32, #tpu.memory_space<hbm>> -> memref<1x40xi32, #tpu.memory_space<hbm>>
      %dma_wait3A_2504 = arith.constant 0 : i32
      %dma_wait3A_2505 = arith.constant 0 : i32
      %dma_wait3A_2506 = tpu.memref_slice %arg5[%dma_wait3A_2495, %dma_wait3A_2504, %dma_wait3A_2505] : memref<8x1x40xi32, #tpu.memory_space<vmem>> -> memref<1x1x40xi32, #tpu.memory_space<vmem>>
      %dma_wait3A_2507 = tpu.memref_squeeze %dma_wait3A_2506 : memref<1x1x40xi32, #tpu.memory_space<vmem>> -> memref<1x40xi32, #tpu.memory_space<vmem>>
      %dma_wait3A_2508 = arith.constant 0 : i32
      %dma_wait3A_2509 = arith.constant 0 : i32
      %dma_wait3A_2510 = tpu.memref_slice %arg3[%add3A, %add3A_2494, %dma_wait3A_2508, %dma_wait3A_2509] : memref<32x250x1x40xi32, #tpu.memory_space<hbm>> -> memref<1x1x1x40xi32, #tpu.memory_space<hbm>>
      %dma_wait3A_2511 = tpu.memref_squeeze %dma_wait3A_2510 : memref<1x1x1x40xi32, #tpu.memory_space<hbm>> -> memref<1x40xi32, #tpu.memory_space<hbm>>
      tpu.wait_dma2 semaphore(%arg12 : memref<!tpu.dma_semaphore, #tpu.memory_space<semaphore_mem>>) src(%dma_wait3A_2511 : memref<1x40xi32, #tpu.memory_space<hbm>>) dst(%dma_wait3A_2507 : memref<1x40xi32, #tpu.memory_space<vmem>>)
      %get3A_2512 = arith.constant 1 : i32
      %get3A_2513 = arith.constant 0 : i32
      %get3A_2514 = arith.index_cast %get3A_2512 : i32 to index
      %get3A_2515 = arith.index_cast %get3A_2513 : i32 to index
      %get3A_2516 = arith.constant 0 : index
      %get3A_2517 = tpu.vector_load %arg5[%get3A_2514, %get3A_2515, %get3A_2516] {strides = array<i32>} : memref<8x1x40xi32, #tpu.memory_space<vmem>>, vector<1x1x16xi32>,
      %get3A_2518 = vector.shape_cast %get3A_2517 : vector<1x1x16xi32> to vector<16xi32>
      %shift_right_logical3A_2519 = arith.constant 14 : i32
      %shift_right_logical3A_2520 = vector.broadcast %shift_right_logical3A_2519 : i32 to vector<16xi32>
      %shift_right_logical3A_2521 = arith.shrui %get3A_2518, %shift_right_logical3A_2520 : vector<16xi32>
      %swap3A_2522 = arith.constant 1 : i32
      %swap3A_2523 = arith.index_cast %swap3A_2522 : i32 to index
      %swap3A_2524 = arith.constant 0 : index
      %swap3A_2525 = tpu.vector_load %arg6[%swap3A_2523, %swap3A_2524] {strides = array<i32>} : memref<8x40xi32, #tpu.memory_space<vmem>>, vector<1x16xi32>,
      %swap3A_2526 = vector.shape_cast %swap3A_2525 : vector<1x16xi32> to vector<16xi32>
      %swap3A_2527 = vector.shape_cast %shift_right_logical3A_2521 : vector<16xi32> to vector<1x16xi32>
      tpu.vector_store %arg6[%swap3A_2523, %swap3A_2524], %swap3A_2527 {strides = array<i32>} : memref<8x40xi32, #tpu.memory_space<vmem>>, vector<1x16xi32>,
      %and3A_2528 = arith.constant 16383 : i32
      %and3A_2529 = vector.broadcast %and3A_2528 : i32 to vector<16xi32>
      %and3A_2530 = arith.andi %get3A_2518, %and3A_2529 : vector<16xi32>
      %swap3A_2531 = arith.constant 1 : i32
      %swap3A_2532 = arith.index_cast %swap3A_2531 : i32 to index
      %swap3A_2533 = arith.constant 0 : index
      %swap3A_2534 = tpu.vector_load %arg7[%swap3A_2532, %swap3A_2533] {strides = array<i32>} : memref<8x40xi32, #tpu.memory_space<vmem>>, vector<1x16xi32>,
      %swap3A_2535 = vector.shape_cast %swap3A_2534 : vector<1x16xi32> to vector<16xi32>
      %swap3A_2536 = vector.shape_cast %and3A_2530 : vector<16xi32> to vector<1x16xi32>
      tpu.vector_store %arg7[%swap3A_2532, %swap3A_2533], %swap3A_2536 {strides = array<i32>} : memref<8x40xi32, #tpu.memory_space<vmem>>, vector<1x16xi32>,
      %get3A_2537 = arith.constant 1 : i32
      %get3A_2538 = arith.constant 0 : i32
      %get3A_2539 = arith.index_cast %get3A_2537 : i32 to index
      %get3A_2540 = arith.index_cast %get3A_2538 : i32 to index
      %get3A_2541 = arith.constant 16 : index
      %get3A_2542 = tpu.vector_load %arg5[%get3A_2539, %get3A_2540, %get3A_2541] {strides = array<i32>} : memref<8x1x40xi32, #tpu.memory_space<vmem>>, vector<1x1x16xi32>,
      %get3A_2543 = vector.shape_cast %get3A_2542 : vector<1x1x16xi32> to vector<16xi32>
      %shift_right_logical3A_2544 = arith.constant 14 : i32
      %shift_right_logical3A_2545 = vector.broadcast %shift_right_logical3A_2544 : i32 to vector<16xi32>
      %shift_right_logical3A_2546 = arith.shrui %get3A_2543, %shift_right_logical3A_2545 : vector<16xi32>
      %swap3A_2547 = arith.constant 1 : i32
      %swap3A_2548 = arith.index_cast %swap3A_2547 : i32 to index
      %swap3A_2549 = arith.constant 16 : index
      %swap3A_2550 = tpu.vector_load %arg6[%swap3A_2548, %swap3A_2549] {strides = array<i32>} : memref<8x40xi32, #tpu.memory_space<vmem>>, vector<1x16xi32>,
      %swap3A_2551 = vector.shape_cast %swap3A_2550 : vector<1x16xi32> to vector<16xi32>
      %swap3A_2552 = vector.shape_cast %shift_right_logical3A_2546 : vector<16xi32> to vector<1x16xi32>
      tpu.vector_store %arg6[%swap3A_2548, %swap3A_2549], %swap3A_2552 {strides = array<i32>} : memref<8x40xi32, #tpu.memory_space<vmem>>, vector<1x16xi32>,
      %and3A_2553 = arith.constant 16383 : i32
      %and3A_2554 = vector.broadcast %and3A_2553 : i32 to vector<16xi32>
      %and3A_2555 = arith.andi %get3A_2543, %and3A_2554 : vector<16xi32>
      %swap3A_2556 = arith.constant 1 : i32
      %swap3A_2557 = arith.index_cast %swap3A_2556 : i32 to index
      %swap3A_2558 = arith.constant 16 : index
      %swap3A_2559 = tpu.vector_load %arg7[%swap3A_2557, %swap3A_2558] {strides = array<i32>} : memref<8x40xi32, #tpu.memory_space<vmem>>, vector<1x16xi32>,
      %swap3A_2560 = vector.shape_cast %swap3A_2559 : vector<1x16xi32> to vector<16xi32>
      %swap3A_2561 = vector.shape_cast %and3A_2555 : vector<16xi32> to vector<1x16xi32>
      tpu.vector_store %arg7[%swap3A_2557, %swap3A_2558], %swap3A_2561 {strides = array<i32>} : memref<8x40xi32, #tpu.memory_space<vmem>>, vector<1x16xi32>,
      %get3A_2562 = arith.constant 1 : i32
      %get3A_2563 = arith.constant 0 : i32
      %get3A_2564 = arith.index_cast %get3A_2562 : i32 to index
      %get3A_2565 = arith.index_cast %get3A_2563 : i32 to index
      %get3A_2566 = arith.constant 24 : index
      %get3A_2567 = tpu.vector_load %arg5[%get3A_2564, %get3A_2565, %get3A_2566] {strides = array<i32>} : memref<8x1x40xi32, #tpu.memory_space<vmem>>, vector<1x1x16xi32>,
      %get3A_2568 = vector.shape_cast %get3A_2567 : vector<1x1x16xi32> to vector<16xi32>
      %shift_right_logical3A_2569 = arith.constant 14 : i32
      %shift_right_logical3A_2570 = vector.broadcast %shift_right_logical3A_2569 : i32 to vector<16xi32>
      %shift_right_logical3A_2571 = arith.shrui %get3A_2568, %shift_right_logical3A_2570 : vector<16xi32>
      %swap3A_2572 = arith.constant 1 : i32
      %swap3A_2573 = arith.index_cast %swap3A_2572 : i32 to index
      %swap3A_2574 = arith.constant 24 : index
      %swap3A_2575 = tpu.vector_load %arg6[%swap3A_2573, %swap3A_2574] {strides = array<i32>} : memref<8x40xi32, #tpu.memory_space<vmem>>, vector<1x16xi32>,
      %swap3A_2576 = vector.shape_cast %swap3A_2575 : vector<1x16xi32> to vector<16xi32>
      %swap3A_2577 = vector.shape_cast %shift_right_logical3A_2571 : vector<16xi32> to vector<1x16xi32>
      tpu.vector_store %arg6[%swap3A_2573, %swap3A_2574], %swap3A_2577 {strides = array<i32>} : memref<8x40xi32, #tpu.memory_space<vmem>>, vector<1x16xi32>,
      %and3A_2578 = arith.constant 16383 : i32
      %and3A_2579 = vector.broadcast %and3A_2578 : i32 to vector<16xi32>
      %and3A_2580 = arith.andi %get3A_2568, %and3A_2579 : vector<16xi32>
      %swap3A_2581 = arith.constant 1 : i32
      %swap3A_2582 = arith.index_cast %swap3A_2581 : i32 to index
      %swap3A_2583 = arith.constant 24 : index
      %swap3A_2584 = tpu.vector_load %arg7[%swap3A_2582, %swap3A_2583] {strides = array<i32>} : memref<8x40xi32, #tpu.memory_space<vmem>>, vector<1x16xi32>,
      %swap3A_2585 = vector.shape_cast %swap3A_2584 : vector<1x16xi32> to vector<16xi32>
      %swap3A_2586 = vector.shape_cast %and3A_2580 : vector<16xi32> to vector<1x16xi32>
      tpu.vector_store %arg7[%swap3A_2582, %swap3A_2583], %swap3A_2586 {strides = array<i32>} : memref<8x40xi32, #tpu.memory_space<vmem>>, vector<1x16xi32>,
      %add3A_2587 = arith.constant 8 : i32
      %add3A_2588 = arith.addi %mul3A_1850, %add3A_2587 : i32
      %add3A_2589 = arith.constant 1 : i32
      %add3A_2590 = arith.addi %add3A_2588, %add3A_2589 : i32
      %dma_start3A_2591 = arith.constant 1 : i32
      %dma_start3A_2592 = arith.constant 1 : i32
      %dma_start3A_2593 = arith.constant 0 : i32
      %dma_start3A_2594 = arith.constant 0 : i32
      %dma_start3A_2595 = tpu.memref_slice %arg8[%dma_start3A_2592, %dma_start3A_2593, %dma_start3A_2594] : memref<8x40x128xf32, #tpu.memory_space<vmem>> -> memref<1x20x128xf32, #tpu.memory_space<vmem>>
      %dma_start3A_2596 = tpu.memref_squeeze %dma_start3A_2595 : memref<1x20x128xf32, #tpu.memory_space<vmem>> -> memref<20x128xf32, #tpu.memory_space<vmem>>
      %dma_start3A_2597 = arith.constant 0 : i32
      %dma_start3A_2598 = tpu.memref_slice %arg6[%dma_start3A_2591, %dma_start3A_2597] : memref<8x40xi32, #tpu.memory_space<vmem>> -> memref<1x20xi32, #tpu.memory_space<vmem>>
      %dma_start3A_2599 = tpu.memref_squeeze %dma_start3A_2598 : memref<1x20xi32, #tpu.memory_space<vmem>> -> memref<20xi32, #tpu.memory_space<vmem>>
      %dma_start3A_2600 = arith.constant 0 : i32
      %dma_start3A_2601 = arith.constant 0 : i32
      %dma_start3A_2602 = tpu.memref_slice %arg2[%dma_start3A_2600, %dma_start3A_2601] : memref<80000x128xf32, #tpu.memory_space<hbm>> -> memref<80000x128xf32, #tpu.memory_space<hbm>>
      tpu.enqueue_indirect_dma source(%dma_start3A_2602 : memref<80000x128xf32, #tpu.memory_space<hbm>>) target(%dma_start3A_2596 : memref<20x128xf32, #tpu.memory_space<vmem>>) offsets(%dma_start3A_2599 : memref<20xi32, #tpu.memory_space<vmem>>) semaphore(%arg20 : memref<!tpu.dma_semaphore, #tpu.memory_space<semaphore_mem>>)
      %dma_start3A_2603 = arith.constant 1 : i32
      %dma_start3A_2604 = arith.constant 1 : i32
      %dma_start3A_2605 = arith.constant 20 : i32
      %dma_start3A_2606 = arith.constant 0 : i32
      %dma_start3A_2607 = tpu.memref_slice %arg8[%dma_start3A_2604, %dma_start3A_2605, %dma_start3A_2606] : memref<8x40x128xf32, #tpu.memory_space<vmem>> -> memref<1x20x128xf32, #tpu.memory_space<vmem>>
      %dma_start3A_2608 = tpu.memref_squeeze %dma_start3A_2607 : memref<1x20x128xf32, #tpu.memory_space<vmem>> -> memref<20x128xf32, #tpu.memory_space<vmem>>
      %dma_start3A_2609 = arith.constant 20 : i32
      %dma_start3A_2610 = tpu.memref_slice %arg6[%dma_start3A_2603, %dma_start3A_2609] : memref<8x40xi32, #tpu.memory_space<vmem>> -> memref<1x20xi32, #tpu.memory_space<vmem>>
      %dma_start3A_2611 = tpu.memref_squeeze %dma_start3A_2610 : memref<1x20xi32, #tpu.memory_space<vmem>> -> memref<20xi32, #tpu.memory_space<vmem>>
      %dma_start3A_2612 = arith.constant 0 : i32
      %dma_start3A_2613 = arith.constant 0 : i32
      %dma_start3A_2614 = tpu.memref_slice %arg2[%dma_start3A_2612, %dma_start3A_2613] : memref<80000x128xf32, #tpu.memory_space<hbm>> -> memref<80000x128xf32, #tpu.memory_space<hbm>>
      tpu.enqueue_indirect_dma source(%dma_start3A_2614 : memref<80000x128xf32, #tpu.memory_space<hbm>>) target(%dma_start3A_2608 : memref<20x128xf32, #tpu.memory_space<vmem>>) offsets(%dma_start3A_2611 : memref<20xi32, #tpu.memory_space<vmem>>) semaphore(%arg20 : memref<!tpu.dma_semaphore, #tpu.memory_space<semaphore_mem>>)
      %add3A_2615 = arith.constant 2 : i32
      %add3A_2616 = arith.addi %mul3A_1850, %add3A_2615 : i32
      %dma_wait3A_2617 = arith.constant 2 : i32
      %dma_wait3A_2618 = arith.constant 2 : i32
      %dma_wait3A_2619 = arith.constant 0 : i32
      %dma_wait3A_2620 = arith.constant 0 : i32
      %dma_wait3A_2621 = tpu.memref_slice %arg8[%dma_wait3A_2617, %dma_wait3A_2619, %dma_wait3A_2620] : memref<8x40x128xf32, #tpu.memory_space<vmem>> -> memref<1x40x128xf32, #tpu.memory_space<vmem>>
      %dma_wait3A_2622 = tpu.memref_squeeze %dma_wait3A_2621 : memref<1x40x128xf32, #tpu.memory_space<vmem>> -> memref<40x128xf32, #tpu.memory_space<vmem>>
      %dma_wait3A_2623 = arith.constant 0 : i32
      %dma_wait3A_2624 = tpu.memref_slice %arg7[%dma_wait3A_2618, %dma_wait3A_2623] : memref<8x40xi32, #tpu.memory_space<vmem>> -> memref<1x40xi32, #tpu.memory_space<vmem>>
      %dma_wait3A_2625 = tpu.memref_squeeze %dma_wait3A_2624 : memref<1x40xi32, #tpu.memory_space<vmem>> -> memref<40xi32, #tpu.memory_space<vmem>>
      %dma_wait3A_2626 = arith.constant 0 : i32
      %dma_wait3A_2627 = arith.constant 0 : i32
      %dma_wait3A_2628 = tpu.memref_slice %arg10[%dma_wait3A_2626, %dma_wait3A_2627] : memref<10112x128xf32, #tpu.memory_space<vmem_shared>> -> memref<10112x128xf32, #tpu.memory_space<vmem_shared>>
      tpu.wait_indirect_dma semaphore(%arg29 : memref<!tpu.dma_semaphore, #tpu.memory_space<semaphore_mem>>) src(%dma_wait3A_2622 : memref<40x128xf32, #tpu.memory_space<vmem>>) dst(%dma_wait3A_2628 : memref<10112x128xf32, #tpu.memory_space<vmem_shared>>)
      %add3A_2629 = arith.constant 8 : i32
      %add3A_2630 = arith.addi %mul3A_1850, %add3A_2629 : i32
      %add3A_2631 = arith.constant 2 : i32
      %add3A_2632 = arith.addi %add3A_2630, %add3A_2631 : i32
      %dma_wait3A_2633 = arith.constant 2 : i32
      %dma_wait3A_2634 = arith.constant 0 : i32
      %dma_wait3A_2635 = arith.constant 0 : i32
      %dma_wait3A_2636 = tpu.memref_slice %arg5[%dma_wait3A_2633, %dma_wait3A_2634, %dma_wait3A_2635] : memref<8x1x40xi32, #tpu.memory_space<vmem>> -> memref<1x1x40xi32, #tpu.memory_space<vmem>>
      %dma_wait3A_2637 = tpu.memref_squeeze %dma_wait3A_2636 : memref<1x1x40xi32, #tpu.memory_space<vmem>> -> memref<1x40xi32, #tpu.memory_space<vmem>>
      %dma_wait3A_2638 = arith.constant 0 : i32
      %dma_wait3A_2639 = arith.constant 0 : i32
      %dma_wait3A_2640 = tpu.memref_slice %arg3[%add3A, %add3A_2632, %dma_wait3A_2638, %dma_wait3A_2639] : memref<32x250x1x40xi32, #tpu.memory_space<hbm>> -> memref<1x1x1x40xi32, #tpu.memory_space<hbm>>
      %dma_wait3A_2641 = tpu.memref_squeeze %dma_wait3A_2640 : memref<1x1x1x40xi32, #tpu.memory_space<hbm>> -> memref<1x40xi32, #tpu.memory_space<hbm>>
      %dma_wait3A_2642 = arith.constant 0 : i32
      %dma_wait3A_2643 = arith.constant 0 : i32
      %dma_wait3A_2644 = tpu.memref_slice %arg5[%dma_wait3A_2633, %dma_wait3A_2642, %dma_wait3A_2643] : memref<8x1x40xi32, #tpu.memory_space<vmem>> -> memref<1x1x40xi32, #tpu.memory_space<vmem>>
      %dma_wait3A_2645 = tpu.memref_squeeze %dma_wait3A_2644 : memref<1x1x40xi32, #tpu.memory_space<vmem>> -> memref<1x40xi32, #tpu.memory_space<vmem>>
      %dma_wait3A_2646 = arith.constant 0 : i32
      %dma_wait3A_2647 = arith.constant 0 : i32
      %dma_wait3A_2648 = tpu.memref_slice %arg3[%add3A, %add3A_2632, %dma_wait3A_2646, %dma_wait3A_2647] : memref<32x250x1x40xi32, #tpu.memory_space<hbm>> -> memref<1x1x1x40xi32, #tpu.memory_space<hbm>>
      %dma_wait3A_2649 = tpu.memref_squeeze %dma_wait3A_2648 : memref<1x1x1x40xi32, #tpu.memory_space<hbm>> -> memref<1x40xi32, #tpu.memory_space<hbm>>
      tpu.wait_dma2 semaphore(%arg13 : memref<!tpu.dma_semaphore, #tpu.memory_space<semaphore_mem>>) src(%dma_wait3A_2649 : memref<1x40xi32, #tpu.memory_space<hbm>>) dst(%dma_wait3A_2645 : memref<1x40xi32, #tpu.memory_space<vmem>>)
      %get3A_2650 = arith.constant 2 : i32
      %get3A_2651 = arith.constant 0 : i32
      %get3A_2652 = arith.index_cast %get3A_2650 : i32 to index
      %get3A_2653 = arith.index_cast %get3A_2651 : i32 to index
      %get3A_2654 = arith.constant 0 : index
      %get3A_2655 = tpu.vector_load %arg5[%get3A_2652, %get3A_2653, %get3A_2654] {strides = array<i32>} : memref<8x1x40xi32, #tpu.memory_space<vmem>>, vector<1x1x16xi32>,
      %get3A_2656 = vector.shape_cast %get3A_2655 : vector<1x1x16xi32> to vector<16xi32>
      %shift_right_logical3A_2657 = arith.constant 14 : i32
      %shift_right_logical3A_2658 = vector.broadcast %shift_right_logical3A_2657 : i32 to vector<16xi32>
      %shift_right_logical3A_2659 = arith.shrui %get3A_2656, %shift_right_logical3A_2658 : vector<16xi32>
      %swap3A_2660 = arith.constant 2 : i32
      %swap3A_2661 = arith.index_cast %swap3A_2660 : i32 to index
      %swap3A_2662 = arith.constant 0 : index
      %swap3A_2663 = tpu.vector_load %arg6[%swap3A_2661, %swap3A_2662] {strides = array<i32>} : memref<8x40xi32, #tpu.memory_space<vmem>>, vector<1x16xi32>,
      %swap3A_2664 = vector.shape_cast %swap3A_2663 : vector<1x16xi32> to vector<16xi32>
      %swap3A_2665 = vector.shape_cast %shift_right_logical3A_2659 : vector<16xi32> to vector<1x16xi32>
      tpu.vector_store %arg6[%swap3A_2661, %swap3A_2662], %swap3A_2665 {strides = array<i32>} : memref<8x40xi32, #tpu.memory_space<vmem>>, vector<1x16xi32>,
      %and3A_2666 = arith.constant 16383 : i32
      %and3A_2667 = vector.broadcast %and3A_2666 : i32 to vector<16xi32>
      %and3A_2668 = arith.andi %get3A_2656, %and3A_2667 : vector<16xi32>
      %swap3A_2669 = arith.constant 2 : i32
      %swap3A_2670 = arith.index_cast %swap3A_2669 : i32 to index
      %swap3A_2671 = arith.constant 0 : index
      %swap3A_2672 = tpu.vector_load %arg7[%swap3A_2670, %swap3A_2671] {strides = array<i32>} : memref<8x40xi32, #tpu.memory_space<vmem>>, vector<1x16xi32>,
      %swap3A_2673 = vector.shape_cast %swap3A_2672 : vector<1x16xi32> to vector<16xi32>
      %swap3A_2674 = vector.shape_cast %and3A_2668 : vector<16xi32> to vector<1x16xi32>
      tpu.vector_store %arg7[%swap3A_2670, %swap3A_2671], %swap3A_2674 {strides = array<i32>} : memref<8x40xi32, #tpu.memory_space<vmem>>, vector<1x16xi32>,
      %get3A_2675 = arith.constant 2 : i32
      %get3A_2676 = arith.constant 0 : i32
      %get3A_2677 = arith.index_cast %get3A_2675 : i32 to index
      %get3A_2678 = arith.index_cast %get3A_2676 : i32 to index
      %get3A_2679 = arith.constant 16 : index
      %get3A_2680 = tpu.vector_load %arg5[%get3A_2677, %get3A_2678, %get3A_2679] {strides = array<i32>} : memref<8x1x40xi32, #tpu.memory_space<vmem>>, vector<1x1x16xi32>,
      %get3A_2681 = vector.shape_cast %get3A_2680 : vector<1x1x16xi32> to vector<16xi32>
      %shift_right_logical3A_2682 = arith.constant 14 : i32
      %shift_right_logical3A_2683 = vector.broadcast %shift_right_logical3A_2682 : i32 to vector<16xi32>
      %shift_right_logical3A_2684 = arith.shrui %get3A_2681, %shift_right_logical3A_2683 : vector<16xi32>
      %swap3A_2685 = arith.constant 2 : i32
      %swap3A_2686 = arith.index_cast %swap3A_2685 : i32 to index
      %swap3A_2687 = arith.constant 16 : index
      %swap3A_2688 = tpu.vector_load %arg6[%swap3A_2686, %swap3A_2687] {strides = array<i32>} : memref<8x40xi32, #tpu.memory_space<vmem>>, vector<1x16xi32>,
      %swap3A_2689 = vector.shape_cast %swap3A_2688 : vector<1x16xi32> to vector<16xi32>
      %swap3A_2690 = vector.shape_cast %shift_right_logical3A_2684 : vector<16xi32> to vector<1x16xi32>
      tpu.vector_store %arg6[%swap3A_2686, %swap3A_2687], %swap3A_2690 {strides = array<i32>} : memref<8x40xi32, #tpu.memory_space<vmem>>, vector<1x16xi32>,
      %and3A_2691 = arith.constant 16383 : i32
      %and3A_2692 = vector.broadcast %and3A_2691 : i32 to vector<16xi32>
      %and3A_2693 = arith.andi %get3A_2681, %and3A_2692 : vector<16xi32>
      %swap3A_2694 = arith.constant 2 : i32
      %swap3A_2695 = arith.index_cast %swap3A_2694 : i32 to index
      %swap3A_2696 = arith.constant 16 : index
      %swap3A_2697 = tpu.vector_load %arg7[%swap3A_2695, %swap3A_2696] {strides = array<i32>} : memref<8x40xi32, #tpu.memory_space<vmem>>, vector<1x16xi32>,
      %swap3A_2698 = vector.shape_cast %swap3A_2697 : vector<1x16xi32> to vector<16xi32>
      %swap3A_2699 = vector.shape_cast %and3A_2693 : vector<16xi32> to vector<1x16xi32>
      tpu.vector_store %arg7[%swap3A_2695, %swap3A_2696], %swap3A_2699 {strides = array<i32>} : memref<8x40xi32, #tpu.memory_space<vmem>>, vector<1x16xi32>,
      %get3A_2700 = arith.constant 2 : i32
      %get3A_2701 = arith.constant 0 : i32
      %get3A_2702 = arith.index_cast %get3A_2700 : i32 to index
      %get3A_2703 = arith.index_cast %get3A_2701 : i32 to index
      %get3A_2704 = arith.constant 24 : index
      %get3A_2705 = tpu.vector_load %arg5[%get3A_2702, %get3A_2703, %get3A_2704] {strides = array<i32>} : memref<8x1x40xi32, #tpu.memory_space<vmem>>, vector<1x1x16xi32>,
      %get3A_2706 = vector.shape_cast %get3A_2705 : vector<1x1x16xi32> to vector<16xi32>
      %shift_right_logical3A_2707 = arith.constant 14 : i32
      %shift_right_logical3A_2708 = vector.broadcast %shift_right_logical3A_2707 : i32 to vector<16xi32>
      %shift_right_logical3A_2709 = arith.shrui %get3A_2706, %shift_right_logical3A_2708 : vector<16xi32>
      %swap3A_2710 = arith.constant 2 : i32
      %swap3A_2711 = arith.index_cast %swap3A_2710 : i32 to index
      %swap3A_2712 = arith.constant 24 : index
      %swap3A_2713 = tpu.vector_load %arg6[%swap3A_2711, %swap3A_2712] {strides = array<i32>} : memref<8x40xi32, #tpu.memory_space<vmem>>, vector<1x16xi32>,
      %swap3A_2714 = vector.shape_cast %swap3A_2713 : vector<1x16xi32> to vector<16xi32>
      %swap3A_2715 = vector.shape_cast %shift_right_logical3A_2709 : vector<16xi32> to vector<1x16xi32>
      tpu.vector_store %arg6[%swap3A_2711, %swap3A_2712], %swap3A_2715 {strides = array<i32>} : memref<8x40xi32, #tpu.memory_space<vmem>>, vector<1x16xi32>,
      %and3A_2716 = arith.constant 16383 : i32
      %and3A_2717 = vector.broadcast %and3A_2716 : i32 to vector<16xi32>
      %and3A_2718 = arith.andi %get3A_2706, %and3A_2717 : vector<16xi32>
      %swap3A_2719 = arith.constant 2 : i32
      %swap3A_2720 = arith.index_cast %swap3A_2719 : i32 to index
      %swap3A_2721 = arith.constant 24 : index
      %swap3A_2722 = tpu.vector_load %arg7[%swap3A_2720, %swap3A_2721] {strides = array<i32>} : memref<8x40xi32, #tpu.memory_space<vmem>>, vector<1x16xi32>,
      %swap3A_2723 = vector.shape_cast %swap3A_2722 : vector<1x16xi32> to vector<16xi32>
      %swap3A_2724 = vector.shape_cast %and3A_2718 : vector<16xi32> to vector<1x16xi32>
      tpu.vector_store %arg7[%swap3A_2720, %swap3A_2721], %swap3A_2724 {strides = array<i32>} : memref<8x40xi32, #tpu.memory_space<vmem>>, vector<1x16xi32>,
      %add3A_2725 = arith.constant 8 : i32
      %add3A_2726 = arith.addi %mul3A_1850, %add3A_2725 : i32
      %add3A_2727 = arith.constant 2 : i32
      %add3A_2728 = arith.addi %add3A_2726, %add3A_2727 : i32
      %dma_start3A_2729 = arith.constant 2 : i32
      %dma_start3A_2730 = arith.constant 2 : i32
      %dma_start3A_2731 = arith.constant 0 : i32
      %dma_start3A_2732 = arith.constant 0 : i32
      %dma_start3A_2733 = tpu.memref_slice %arg8[%dma_start3A_2730, %dma_start3A_2731, %dma_start3A_2732] : memref<8x40x128xf32, #tpu.memory_space<vmem>> -> memref<1x20x128xf32, #tpu.memory_space<vmem>>
      %dma_start3A_2734 = tpu.memref_squeeze %dma_start3A_2733 : memref<1x20x128xf32, #tpu.memory_space<vmem>> -> memref<20x128xf32, #tpu.memory_space<vmem>>
      %dma_start3A_2735 = arith.constant 0 : i32
      %dma_start3A_2736 = tpu.memref_slice %arg6[%dma_start3A_2729, %dma_start3A_2735] : memref<8x40xi32, #tpu.memory_space<vmem>> -> memref<1x20xi32, #tpu.memory_space<vmem>>
      %dma_start3A_2737 = tpu.memref_squeeze %dma_start3A_2736 : memref<1x20xi32, #tpu.memory_space<vmem>> -> memref<20xi32, #tpu.memory_space<vmem>>
      %dma_start3A_2738 = arith.constant 0 : i32
      %dma_start3A_2739 = arith.constant 0 : i32
      %dma_start3A_2740 = tpu.memref_slice %arg2[%dma_start3A_2738, %dma_start3A_2739] : memref<80000x128xf32, #tpu.memory_space<hbm>> -> memref<80000x128xf32, #tpu.memory_space<hbm>>
      tpu.enqueue_indirect_dma source(%dma_start3A_2740 : memref<80000x128xf32, #tpu.memory_space<hbm>>) target(%dma_start3A_2734 : memref<20x128xf32, #tpu.memory_space<vmem>>) offsets(%dma_start3A_2737 : memref<20xi32, #tpu.memory_space<vmem>>) semaphore(%arg21 : memref<!tpu.dma_semaphore, #tpu.memory_space<semaphore_mem>>)
      %dma_start3A_2741 = arith.constant 2 : i32
      %dma_start3A_2742 = arith.constant 2 : i32
      %dma_start3A_2743 = arith.constant 20 : i32
      %dma_start3A_2744 = arith.constant 0 : i32
      %dma_start3A_2745 = tpu.memref_slice %arg8[%dma_start3A_2742, %dma_start3A_2743, %dma_start3A_2744] : memref<8x40x128xf32, #tpu.memory_space<vmem>> -> memref<1x20x128xf32, #tpu.memory_space<vmem>>
      %dma_start3A_2746 = tpu.memref_squeeze %dma_start3A_2745 : memref<1x20x128xf32, #tpu.memory_space<vmem>> -> memref<20x128xf32, #tpu.memory_space<vmem>>
      %dma_start3A_2747 = arith.constant 20 : i32
      %dma_start3A_2748 = tpu.memref_slice %arg6[%dma_start3A_2741, %dma_start3A_2747] : memref<8x40xi32, #tpu.memory_space<vmem>> -> memref<1x20xi32, #tpu.memory_space<vmem>>
      %dma_start3A_2749 = tpu.memref_squeeze %dma_start3A_2748 : memref<1x20xi32, #tpu.memory_space<vmem>> -> memref<20xi32, #tpu.memory_space<vmem>>
      %dma_start3A_2750 = arith.constant 0 : i32
      %dma_start3A_2751 = arith.constant 0 : i32
      %dma_start3A_2752 = tpu.memref_slice %arg2[%dma_start3A_2750, %dma_start3A_2751] : memref<80000x128xf32, #tpu.memory_space<hbm>> -> memref<80000x128xf32, #tpu.memory_space<hbm>>
      tpu.enqueue_indirect_dma source(%dma_start3A_2752 : memref<80000x128xf32, #tpu.memory_space<hbm>>) target(%dma_start3A_2746 : memref<20x128xf32, #tpu.memory_space<vmem>>) offsets(%dma_start3A_2749 : memref<20xi32, #tpu.memory_space<vmem>>) semaphore(%arg21 : memref<!tpu.dma_semaphore, #tpu.memory_space<semaphore_mem>>)
      %add3A_2753 = arith.constant 3 : i32
      %add3A_2754 = arith.addi %mul3A_1850, %add3A_2753 : i32
      %dma_wait3A_2755 = arith.constant 3 : i32
      %dma_wait3A_2756 = arith.constant 3 : i32
      %dma_wait3A_2757 = arith.constant 0 : i32
      %dma_wait3A_2758 = arith.constant 0 : i32
      %dma_wait3A_2759 = tpu.memref_slice %arg8[%dma_wait3A_2755, %dma_wait3A_2757, %dma_wait3A_2758] : memref<8x40x128xf32, #tpu.memory_space<vmem>> -> memref<1x40x128xf32, #tpu.memory_space<vmem>>
      %dma_wait3A_2760 = tpu.memref_squeeze %dma_wait3A_2759 : memref<1x40x128xf32, #tpu.memory_space<vmem>> -> memref<40x128xf32, #tpu.memory_space<vmem>>
      %dma_wait3A_2761 = arith.constant 0 : i32
      %dma_wait3A_2762 = tpu.memref_slice %arg7[%dma_wait3A_2756, %dma_wait3A_2761] : memref<8x40xi32, #tpu.memory_space<vmem>> -> memref<1x40xi32, #tpu.memory_space<vmem>>
      %dma_wait3A_2763 = tpu.memref_squeeze %dma_wait3A_2762 : memref<1x40xi32, #tpu.memory_space<vmem>> -> memref<40xi32, #tpu.memory_space<vmem>>
      %dma_wait3A_2764 = arith.constant 0 : i32
      %dma_wait3A_2765 = arith.constant 0 : i32
      %dma_wait3A_2766 = tpu.memref_slice %arg10[%dma_wait3A_2764, %dma_wait3A_2765] : memref<10112x128xf32, #tpu.memory_space<vmem_shared>> -> memref<10112x128xf32, #tpu.memory_space<vmem_shared>>
      tpu.wait_indirect_dma semaphore(%arg30 : memref<!tpu.dma_semaphore, #tpu.memory_space<semaphore_mem>>) src(%dma_wait3A_2760 : memref<40x128xf32, #tpu.memory_space<vmem>>) dst(%dma_wait3A_2766 : memref<10112x128xf32, #tpu.memory_space<vmem_shared>>)
      %add3A_2767 = arith.constant 8 : i32
      %add3A_2768 = arith.addi %mul3A_1850, %add3A_2767 : i32
      %add3A_2769 = arith.constant 3 : i32
      %add3A_2770 = arith.addi %add3A_2768, %add3A_2769 : i32
      %dma_wait3A_2771 = arith.constant 3 : i32
      %dma_wait3A_2772 = arith.constant 0 : i32
      %dma_wait3A_2773 = arith.constant 0 : i32
      %dma_wait3A_2774 = tpu.memref_slice %arg5[%dma_wait3A_2771, %dma_wait3A_2772, %dma_wait3A_2773] : memref<8x1x40xi32, #tpu.memory_space<vmem>> -> memref<1x1x40xi32, #tpu.memory_space<vmem>>
      %dma_wait3A_2775 = tpu.memref_squeeze %dma_wait3A_2774 : memref<1x1x40xi32, #tpu.memory_space<vmem>> -> memref<1x40xi32, #tpu.memory_space<vmem>>
      %dma_wait3A_2776 = arith.constant 0 : i32
      %dma_wait3A_2777 = arith.constant 0 : i32
      %dma_wait3A_2778 = tpu.memref_slice %arg3[%add3A, %add3A_2770, %dma_wait3A_2776, %dma_wait3A_2777] : memref<32x250x1x40xi32, #tpu.memory_space<hbm>> -> memref<1x1x1x40xi32, #tpu.memory_space<hbm>>
      %dma_wait3A_2779 = tpu.memref_squeeze %dma_wait3A_2778 : memref<1x1x1x40xi32, #tpu.memory_space<hbm>> -> memref<1x40xi32, #tpu.memory_space<hbm>>
      %dma_wait3A_2780 = arith.constant 0 : i32
      %dma_wait3A_2781 = arith.constant 0 : i32
      %dma_wait3A_2782 = tpu.memref_slice %arg5[%dma_wait3A_2771, %dma_wait3A_2780, %dma_wait3A_2781] : memref<8x1x40xi32, #tpu.memory_space<vmem>> -> memref<1x1x40xi32, #tpu.memory_space<vmem>>
      %dma_wait3A_2783 = tpu.memref_squeeze %dma_wait3A_2782 : memref<1x1x40xi32, #tpu.memory_space<vmem>> -> memref<1x40xi32, #tpu.memory_space<vmem>>
      %dma_wait3A_2784 = arith.constant 0 : i32
      %dma_wait3A_2785 = arith.constant 0 : i32
      %dma_wait3A_2786 = tpu.memref_slice %arg3[%add3A, %add3A_2770, %dma_wait3A_2784, %dma_wait3A_2785] : memref<32x250x1x40xi32, #tpu.memory_space<hbm>> -> memref<1x1x1x40xi32, #tpu.memory_space<hbm>>
      %dma_wait3A_2787 = tpu.memref_squeeze %dma_wait3A_2786 : memref<1x1x1x40xi32, #tpu.memory_space<hbm>> -> memref<1x40xi32, #tpu.memory_space<hbm>>
      tpu.wait_dma2 semaphore(%arg14 : memref<!tpu.dma_semaphore, #tpu.memory_space<semaphore_mem>>) src(%dma_wait3A_2787 : memref<1x40xi32, #tpu.memory_space<hbm>>) dst(%dma_wait3A_2783 : memref<1x40xi32, #tpu.memory_space<vmem>>)
      %get3A_2788 = arith.constant 3 : i32
      %get3A_2789 = arith.constant 0 : i32
      %get3A_2790 = arith.index_cast %get3A_2788 : i32 to index
      %get3A_2791 = arith.index_cast %get3A_2789 : i32 to index
      %get3A_2792 = arith.constant 0 : index
      %get3A_2793 = tpu.vector_load %arg5[%get3A_2790, %get3A_2791, %get3A_2792] {strides = array<i32>} : memref<8x1x40xi32, #tpu.memory_space<vmem>>, vector<1x1x16xi32>,
      %get3A_2794 = vector.shape_cast %get3A_2793 : vector<1x1x16xi32> to vector<16xi32>
      %shift_right_logical3A_2795 = arith.constant 14 : i32
      %shift_right_logical3A_2796 = vector.broadcast %shift_right_logical3A_2795 : i32 to vector<16xi32>
      %shift_right_logical3A_2797 = arith.shrui %get3A_2794, %shift_right_logical3A_2796 : vector<16xi32>
      %swap3A_2798 = arith.constant 3 : i32
      %swap3A_2799 = arith.index_cast %swap3A_2798 : i32 to index
      %swap3A_2800 = arith.constant 0 : index
      %swap3A_2801 = tpu.vector_load %arg6[%swap3A_2799, %swap3A_2800] {strides = array<i32>} : memref<8x40xi32, #tpu.memory_space<vmem>>, vector<1x16xi32>,
      %swap3A_2802 = vector.shape_cast %swap3A_2801 : vector<1x16xi32> to vector<16xi32>
      %swap3A_2803 = vector.shape_cast %shift_right_logical3A_2797 : vector<16xi32> to vector<1x16xi32>
      tpu.vector_store %arg6[%swap3A_2799, %swap3A_2800], %swap3A_2803 {strides = array<i32>} : memref<8x40xi32, #tpu.memory_space<vmem>>, vector<1x16xi32>,
      %and3A_2804 = arith.constant 16383 : i32
      %and3A_2805 = vector.broadcast %and3A_2804 : i32 to vector<16xi32>
      %and3A_2806 = arith.andi %get3A_2794, %and3A_2805 : vector<16xi32>
      %swap3A_2807 = arith.constant 3 : i32
      %swap3A_2808 = arith.index_cast %swap3A_2807 : i32 to index
      %swap3A_2809 = arith.constant 0 : index
      %swap3A_2810 = tpu.vector_load %arg7[%swap3A_2808, %swap3A_2809] {strides = array<i32>} : memref<8x40xi32, #tpu.memory_space<vmem>>, vector<1x16xi32>,
      %swap3A_2811 = vector.shape_cast %swap3A_2810 : vector<1x16xi32> to vector<16xi32>
      %swap3A_2812 = vector.shape_cast %and3A_2806 : vector<16xi32> to vector<1x16xi32>
      tpu.vector_store %arg7[%swap3A_2808, %swap3A_2809], %swap3A_2812 {strides = array<i32>} : memref<8x40xi32, #tpu.memory_space<vmem>>, vector<1x16xi32>,
      %get3A_2813 = arith.constant 3 : i32
      %get3A_2814 = arith.constant 0 : i32
      %get3A_2815 = arith.index_cast %get3A_2813 : i32 to index
      %get3A_2816 = arith.index_cast %get3A_2814 : i32 to index
      %get3A_2817 = arith.constant 16 : index
      %get3A_2818 = tpu.vector_load %arg5[%get3A_2815, %get3A_2816, %get3A_2817] {strides = array<i32>} : memref<8x1x40xi32, #tpu.memory_space<vmem>>, vector<1x1x16xi32>,
      %get3A_2819 = vector.shape_cast %get3A_2818 : vector<1x1x16xi32> to vector<16xi32>
      %shift_right_logical3A_2820 = arith.constant 14 : i32
      %shift_right_logical3A_2821 = vector.broadcast %shift_right_logical3A_2820 : i32 to vector<16xi32>
      %shift_right_logical3A_2822 = arith.shrui %get3A_2819, %shift_right_logical3A_2821 : vector<16xi32>
      %swap3A_2823 = arith.constant 3 : i32
      %swap3A_2824 = arith.index_cast %swap3A_2823 : i32 to index
      %swap3A_2825 = arith.constant 16 : index
      %swap3A_2826 = tpu.vector_load %arg6[%swap3A_2824, %swap3A_2825] {strides = array<i32>} : memref<8x40xi32, #tpu.memory_space<vmem>>, vector<1x16xi32>,
      %swap3A_2827 = vector.shape_cast %swap3A_2826 : vector<1x16xi32> to vector<16xi32>
      %swap3A_2828 = vector.shape_cast %shift_right_logical3A_2822 : vector<16xi32> to vector<1x16xi32>
      tpu.vector_store %arg6[%swap3A_2824, %swap3A_2825], %swap3A_2828 {strides = array<i32>} : memref<8x40xi32, #tpu.memory_space<vmem>>, vector<1x16xi32>,
      %and3A_2829 = arith.constant 16383 : i32
      %and3A_2830 = vector.broadcast %and3A_2829 : i32 to vector<16xi32>
      %and3A_2831 = arith.andi %get3A_2819, %and3A_2830 : vector<16xi32>
      %swap3A_2832 = arith.constant 3 : i32
      %swap3A_2833 = arith.index_cast %swap3A_2832 : i32 to index
      %swap3A_2834 = arith.constant 16 : index
      %swap3A_2835 = tpu.vector_load %arg7[%swap3A_2833, %swap3A_2834] {strides = array<i32>} : memref<8x40xi32, #tpu.memory_space<vmem>>, vector<1x16xi32>,
      %swap3A_2836 = vector.shape_cast %swap3A_2835 : vector<1x16xi32> to vector<16xi32>
      %swap3A_2837 = vector.shape_cast %and3A_2831 : vector<16xi32> to vector<1x16xi32>
      tpu.vector_store %arg7[%swap3A_2833, %swap3A_2834], %swap3A_2837 {strides = array<i32>} : memref<8x40xi32, #tpu.memory_space<vmem>>, vector<1x16xi32>,
      %get3A_2838 = arith.constant 3 : i32
      %get3A_2839 = arith.constant 0 : i32
      %get3A_2840 = arith.index_cast %get3A_2838 : i32 to index
      %get3A_2841 = arith.index_cast %get3A_2839 : i32 to index
      %get3A_2842 = arith.constant 24 : index
      %get3A_2843 = tpu.vector_load %arg5[%get3A_2840, %get3A_2841, %get3A_2842] {strides = array<i32>} : memref<8x1x40xi32, #tpu.memory_space<vmem>>, vector<1x1x16xi32>,
      %get3A_2844 = vector.shape_cast %get3A_2843 : vector<1x1x16xi32> to vector<16xi32>
      %shift_right_logical3A_2845 = arith.constant 14 : i32
      %shift_right_logical3A_2846 = vector.broadcast %shift_right_logical3A_2845 : i32 to vector<16xi32>
      %shift_right_logical3A_2847 = arith.shrui %get3A_2844, %shift_right_logical3A_2846 : vector<16xi32>
      %swap3A_2848 = arith.constant 3 : i32
      %swap3A_2849 = arith.index_cast %swap3A_2848 : i32 to index
      %swap3A_2850 = arith.constant 24 : index
      %swap3A_2851 = tpu.vector_load %arg6[%swap3A_2849, %swap3A_2850] {strides = array<i32>} : memref<8x40xi32, #tpu.memory_space<vmem>>, vector<1x16xi32>,
      %swap3A_2852 = vector.shape_cast %swap3A_2851 : vector<1x16xi32> to vector<16xi32>
      %swap3A_2853 = vector.shape_cast %shift_right_logical3A_2847 : vector<16xi32> to vector<1x16xi32>
      tpu.vector_store %arg6[%swap3A_2849, %swap3A_2850], %swap3A_2853 {strides = array<i32>} : memref<8x40xi32, #tpu.memory_space<vmem>>, vector<1x16xi32>,
      %and3A_2854 = arith.constant 16383 : i32
      %and3A_2855 = vector.broadcast %and3A_2854 : i32 to vector<16xi32>
      %and3A_2856 = arith.andi %get3A_2844, %and3A_2855 : vector<16xi32>
      %swap3A_2857 = arith.constant 3 : i32
      %swap3A_2858 = arith.index_cast %swap3A_2857 : i32 to index
      %swap3A_2859 = arith.constant 24 : index
      %swap3A_2860 = tpu.vector_load %arg7[%swap3A_2858, %swap3A_2859] {strides = array<i32>} : memref<8x40xi32, #tpu.memory_space<vmem>>, vector<1x16xi32>,
      %swap3A_2861 = vector.shape_cast %swap3A_2860 : vector<1x16xi32> to vector<16xi32>
      %swap3A_2862 = vector.shape_cast %and3A_2856 : vector<16xi32> to vector<1x16xi32>
      tpu.vector_store %arg7[%swap3A_2858, %swap3A_2859], %swap3A_2862 {strides = array<i32>} : memref<8x40xi32, #tpu.memory_space<vmem>>, vector<1x16xi32>,
      %add3A_2863 = arith.constant 8 : i32
      %add3A_2864 = arith.addi %mul3A_1850, %add3A_2863 : i32
      %add3A_2865 = arith.constant 3 : i32
      %add3A_2866 = arith.addi %add3A_2864, %add3A_2865 : i32
      %dma_start3A_2867 = arith.constant 3 : i32
      %dma_start3A_2868 = arith.constant 3 : i32
      %dma_start3A_2869 = arith.constant 0 : i32
      %dma_start3A_2870 = arith.constant 0 : i32
      %dma_start3A_2871 = tpu.memref_slice %arg8[%dma_start3A_2868, %dma_start3A_2869, %dma_start3A_2870] : memref<8x40x128xf32, #tpu.memory_space<vmem>> -> memref<1x20x128xf32, #tpu.memory_space<vmem>>
      %dma_start3A_2872 = tpu.memref_squeeze %dma_start3A_2871 : memref<1x20x128xf32, #tpu.memory_space<vmem>> -> memref<20x128xf32, #tpu.memory_space<vmem>>
      %dma_start3A_2873 = arith.constant 0 : i32
      %dma_start3A_2874 = tpu.memref_slice %arg6[%dma_start3A_2867, %dma_start3A_2873] : memref<8x40xi32, #tpu.memory_space<vmem>> -> memref<1x20xi32, #tpu.memory_space<vmem>>
      %dma_start3A_2875 = tpu.memref_squeeze %dma_start3A_2874 : memref<1x20xi32, #tpu.memory_space<vmem>> -> memref<20xi32, #tpu.memory_space<vmem>>
      %dma_start3A_2876 = arith.constant 0 : i32
      %dma_start3A_2877 = arith.constant 0 : i32
      %dma_start3A_2878 = tpu.memref_slice %arg2[%dma_start3A_2876, %dma_start3A_2877] : memref<80000x128xf32, #tpu.memory_space<hbm>> -> memref<80000x128xf32, #tpu.memory_space<hbm>>
      tpu.enqueue_indirect_dma source(%dma_start3A_2878 : memref<80000x128xf32, #tpu.memory_space<hbm>>) target(%dma_start3A_2872 : memref<20x128xf32, #tpu.memory_space<vmem>>) offsets(%dma_start3A_2875 : memref<20xi32, #tpu.memory_space<vmem>>) semaphore(%arg22 : memref<!tpu.dma_semaphore, #tpu.memory_space<semaphore_mem>>)
      %dma_start3A_2879 = arith.constant 3 : i32
      %dma_start3A_2880 = arith.constant 3 : i32
      %dma_start3A_2881 = arith.constant 20 : i32
      %dma_start3A_2882 = arith.constant 0 : i32
      %dma_start3A_2883 = tpu.memref_slice %arg8[%dma_start3A_2880, %dma_start3A_2881, %dma_start3A_2882] : memref<8x40x128xf32, #tpu.memory_space<vmem>> -> memref<1x20x128xf32, #tpu.memory_space<vmem>>
      %dma_start3A_2884 = tpu.memref_squeeze %dma_start3A_2883 : memref<1x20x128xf32, #tpu.memory_space<vmem>> -> memref<20x128xf32, #tpu.memory_space<vmem>>
      %dma_start3A_2885 = arith.constant 20 : i32
      %dma_start3A_2886 = tpu.memref_slice %arg6[%dma_start3A_2879, %dma_start3A_2885] : memref<8x40xi32, #tpu.memory_space<vmem>> -> memref<1x20xi32, #tpu.memory_space<vmem>>
      %dma_start3A_2887 = tpu.memref_squeeze %dma_start3A_2886 : memref<1x20xi32, #tpu.memory_space<vmem>> -> memref<20xi32, #tpu.memory_space<vmem>>
      %dma_start3A_2888 = arith.constant 0 : i32
      %dma_start3A_2889 = arith.constant 0 : i32
      %dma_start3A_2890 = tpu.memref_slice %arg2[%dma_start3A_2888, %dma_start3A_2889] : memref<80000x128xf32, #tpu.memory_space<hbm>> -> memref<80000x128xf32, #tpu.memory_space<hbm>>
      tpu.enqueue_indirect_dma source(%dma_start3A_2890 : memref<80000x128xf32, #tpu.memory_space<hbm>>) target(%dma_start3A_2884 : memref<20x128xf32, #tpu.memory_space<vmem>>) offsets(%dma_start3A_2887 : memref<20xi32, #tpu.memory_space<vmem>>) semaphore(%arg22 : memref<!tpu.dma_semaphore, #tpu.memory_space<semaphore_mem>>)
      %add3A_2891 = arith.constant 4 : i32
      %add3A_2892 = arith.addi %mul3A_1850, %add3A_2891 : i32
      %dma_wait3A_2893 = arith.constant 4 : i32
      %dma_wait3A_2894 = arith.constant 4 : i32
      %dma_wait3A_2895 = arith.constant 0 : i32
      %dma_wait3A_2896 = arith.constant 0 : i32
      %dma_wait3A_2897 = tpu.memref_slice %arg8[%dma_wait3A_2893, %dma_wait3A_2895, %dma_wait3A_2896] : memref<8x40x128xf32, #tpu.memory_space<vmem>> -> memref<1x40x128xf32, #tpu.memory_space<vmem>>
      %dma_wait3A_2898 = tpu.memref_squeeze %dma_wait3A_2897 : memref<1x40x128xf32, #tpu.memory_space<vmem>> -> memref<40x128xf32, #tpu.memory_space<vmem>>
      %dma_wait3A_2899 = arith.constant 0 : i32
      %dma_wait3A_2900 = tpu.memref_slice %arg7[%dma_wait3A_2894, %dma_wait3A_2899] : memref<8x40xi32, #tpu.memory_space<vmem>> -> memref<1x40xi32, #tpu.memory_space<vmem>>
      %dma_wait3A_2901 = tpu.memref_squeeze %dma_wait3A_2900 : memref<1x40xi32, #tpu.memory_space<vmem>> -> memref<40xi32, #tpu.memory_space<vmem>>
      %dma_wait3A_2902 = arith.constant 0 : i32
      %dma_wait3A_2903 = arith.constant 0 : i32
      %dma_wait3A_2904 = tpu.memref_slice %arg10[%dma_wait3A_2902, %dma_wait3A_2903] : memref<10112x128xf32, #tpu.memory_space<vmem_shared>> -> memref<10112x128xf32, #tpu.memory_space<vmem_shared>>
      tpu.wait_indirect_dma semaphore(%arg31 : memref<!tpu.dma_semaphore, #tpu.memory_space<semaphore_mem>>) src(%dma_wait3A_2898 : memref<40x128xf32, #tpu.memory_space<vmem>>) dst(%dma_wait3A_2904 : memref<10112x128xf32, #tpu.memory_space<vmem_shared>>)
      %add3A_2905 = arith.constant 8 : i32
      %add3A_2906 = arith.addi %mul3A_1850, %add3A_2905 : i32
      %add3A_2907 = arith.constant 4 : i32
      %add3A_2908 = arith.addi %add3A_2906, %add3A_2907 : i32
      %dma_wait3A_2909 = arith.constant 4 : i32
      %dma_wait3A_2910 = arith.constant 0 : i32
      %dma_wait3A_2911 = arith.constant 0 : i32
      %dma_wait3A_2912 = tpu.memref_slice %arg5[%dma_wait3A_2909, %dma_wait3A_2910, %dma_wait3A_2911] : memref<8x1x40xi32, #tpu.memory_space<vmem>> -> memref<1x1x40xi32, #tpu.memory_space<vmem>>
      %dma_wait3A_2913 = tpu.memref_squeeze %dma_wait3A_2912 : memref<1x1x40xi32, #tpu.memory_space<vmem>> -> memref<1x40xi32, #tpu.memory_space<vmem>>
      %dma_wait3A_2914 = arith.constant 0 : i32
      %dma_wait3A_2915 = arith.constant 0 : i32
      %dma_wait3A_2916 = tpu.memref_slice %arg3[%add3A, %add3A_2908, %dma_wait3A_2914, %dma_wait3A_2915] : memref<32x250x1x40xi32, #tpu.memory_space<hbm>> -> memref<1x1x1x40xi32, #tpu.memory_space<hbm>>
      %dma_wait3A_2917 = tpu.memref_squeeze %dma_wait3A_2916 : memref<1x1x1x40xi32, #tpu.memory_space<hbm>> -> memref<1x40xi32, #tpu.memory_space<hbm>>
      %dma_wait3A_2918 = arith.constant 0 : i32
      %dma_wait3A_2919 = arith.constant 0 : i32
      %dma_wait3A_2920 = tpu.memref_slice %arg5[%dma_wait3A_2909, %dma_wait3A_2918, %dma_wait3A_2919] : memref<8x1x40xi32, #tpu.memory_space<vmem>> -> memref<1x1x40xi32, #tpu.memory_space<vmem>>
      %dma_wait3A_2921 = tpu.memref_squeeze %dma_wait3A_2920 : memref<1x1x40xi32, #tpu.memory_space<vmem>> -> memref<1x40xi32, #tpu.memory_space<vmem>>
      %dma_wait3A_2922 = arith.constant 0 : i32
      %dma_wait3A_2923 = arith.constant 0 : i32
      %dma_wait3A_2924 = tpu.memref_slice %arg3[%add3A, %add3A_2908, %dma_wait3A_2922, %dma_wait3A_2923] : memref<32x250x1x40xi32, #tpu.memory_space<hbm>> -> memref<1x1x1x40xi32, #tpu.memory_space<hbm>>
      %dma_wait3A_2925 = tpu.memref_squeeze %dma_wait3A_2924 : memref<1x1x1x40xi32, #tpu.memory_space<hbm>> -> memref<1x40xi32, #tpu.memory_space<hbm>>
      tpu.wait_dma2 semaphore(%arg15 : memref<!tpu.dma_semaphore, #tpu.memory_space<semaphore_mem>>) src(%dma_wait3A_2925 : memref<1x40xi32, #tpu.memory_space<hbm>>) dst(%dma_wait3A_2921 : memref<1x40xi32, #tpu.memory_space<vmem>>)
      %get3A_2926 = arith.constant 4 : i32
      %get3A_2927 = arith.constant 0 : i32
      %get3A_2928 = arith.index_cast %get3A_2926 : i32 to index
      %get3A_2929 = arith.index_cast %get3A_2927 : i32 to index
      %get3A_2930 = arith.constant 0 : index
      %get3A_2931 = tpu.vector_load %arg5[%get3A_2928, %get3A_2929, %get3A_2930] {strides = array<i32>} : memref<8x1x40xi32, #tpu.memory_space<vmem>>, vector<1x1x16xi32>,
      %get3A_2932 = vector.shape_cast %get3A_2931 : vector<1x1x16xi32> to vector<16xi32>
      %shift_right_logical3A_2933 = arith.constant 14 : i32
      %shift_right_logical3A_2934 = vector.broadcast %shift_right_logical3A_2933 : i32 to vector<16xi32>
      %shift_right_logical3A_2935 = arith.shrui %get3A_2932, %shift_right_logical3A_2934 : vector<16xi32>
      %swap3A_2936 = arith.constant 4 : i32
      %swap3A_2937 = arith.index_cast %swap3A_2936 : i32 to index
      %swap3A_2938 = arith.constant 0 : index
      %swap3A_2939 = tpu.vector_load %arg6[%swap3A_2937, %swap3A_2938] {strides = array<i32>} : memref<8x40xi32, #tpu.memory_space<vmem>>, vector<1x16xi32>,
      %swap3A_2940 = vector.shape_cast %swap3A_2939 : vector<1x16xi32> to vector<16xi32>
      %swap3A_2941 = vector.shape_cast %shift_right_logical3A_2935 : vector<16xi32> to vector<1x16xi32>
      tpu.vector_store %arg6[%swap3A_2937, %swap3A_2938], %swap3A_2941 {strides = array<i32>} : memref<8x40xi32, #tpu.memory_space<vmem>>, vector<1x16xi32>,
      %and3A_2942 = arith.constant 16383 : i32
      %and3A_2943 = vector.broadcast %and3A_2942 : i32 to vector<16xi32>
      %and3A_2944 = arith.andi %get3A_2932, %and3A_2943 : vector<16xi32>
      %swap3A_2945 = arith.constant 4 : i32
      %swap3A_2946 = arith.index_cast %swap3A_2945 : i32 to index
      %swap3A_2947 = arith.constant 0 : index
      %swap3A_2948 = tpu.vector_load %arg7[%swap3A_2946, %swap3A_2947] {strides = array<i32>} : memref<8x40xi32, #tpu.memory_space<vmem>>, vector<1x16xi32>,
      %swap3A_2949 = vector.shape_cast %swap3A_2948 : vector<1x16xi32> to vector<16xi32>
      %swap3A_2950 = vector.shape_cast %and3A_2944 : vector<16xi32> to vector<1x16xi32>
      tpu.vector_store %arg7[%swap3A_2946, %swap3A_2947], %swap3A_2950 {strides = array<i32>} : memref<8x40xi32, #tpu.memory_space<vmem>>, vector<1x16xi32>,
      %get3A_2951 = arith.constant 4 : i32
      %get3A_2952 = arith.constant 0 : i32
      %get3A_2953 = arith.index_cast %get3A_2951 : i32 to index
      %get3A_2954 = arith.index_cast %get3A_2952 : i32 to index
      %get3A_2955 = arith.constant 16 : index
      %get3A_2956 = tpu.vector_load %arg5[%get3A_2953, %get3A_2954, %get3A_2955] {strides = array<i32>} : memref<8x1x40xi32, #tpu.memory_space<vmem>>, vector<1x1x16xi32>,
      %get3A_2957 = vector.shape_cast %get3A_2956 : vector<1x1x16xi32> to vector<16xi32>
      %shift_right_logical3A_2958 = arith.constant 14 : i32
      %shift_right_logical3A_2959 = vector.broadcast %shift_right_logical3A_2958 : i32 to vector<16xi32>
      %shift_right_logical3A_2960 = arith.shrui %get3A_2957, %shift_right_logical3A_2959 : vector<16xi32>
      %swap3A_2961 = arith.constant 4 : i32
      %swap3A_2962 = arith.index_cast %swap3A_2961 : i32 to index
      %swap3A_2963 = arith.constant 16 : index
      %swap3A_2964 = tpu.vector_load %arg6[%swap3A_2962, %swap3A_2963] {strides = array<i32>} : memref<8x40xi32, #tpu.memory_space<vmem>>, vector<1x16xi32>,
      %swap3A_2965 = vector.shape_cast %swap3A_2964 : vector<1x16xi32> to vector<16xi32>
      %swap3A_2966 = vector.shape_cast %shift_right_logical3A_2960 : vector<16xi32> to vector<1x16xi32>
      tpu.vector_store %arg6[%swap3A_2962, %swap3A_2963], %swap3A_2966 {strides = array<i32>} : memref<8x40xi32, #tpu.memory_space<vmem>>, vector<1x16xi32>,
      %and3A_2967 = arith.constant 16383 : i32
      %and3A_2968 = vector.broadcast %and3A_2967 : i32 to vector<16xi32>
      %and3A_2969 = arith.andi %get3A_2957, %and3A_2968 : vector<16xi32>
      %swap3A_2970 = arith.constant 4 : i32
      %swap3A_2971 = arith.index_cast %swap3A_2970 : i32 to index
      %swap3A_2972 = arith.constant 16 : index
      %swap3A_2973 = tpu.vector_load %arg7[%swap3A_2971, %swap3A_2972] {strides = array<i32>} : memref<8x40xi32, #tpu.memory_space<vmem>>, vector<1x16xi32>,
      %swap3A_2974 = vector.shape_cast %swap3A_2973 : vector<1x16xi32> to vector<16xi32>
      %swap3A_2975 = vector.shape_cast %and3A_2969 : vector<16xi32> to vector<1x16xi32>
      tpu.vector_store %arg7[%swap3A_2971, %swap3A_2972], %swap3A_2975 {strides = array<i32>} : memref<8x40xi32, #tpu.memory_space<vmem>>, vector<1x16xi32>,
      %get3A_2976 = arith.constant 4 : i32
      %get3A_2977 = arith.constant 0 : i32
      %get3A_2978 = arith.index_cast %get3A_2976 : i32 to index
      %get3A_2979 = arith.index_cast %get3A_2977 : i32 to index
      %get3A_2980 = arith.constant 24 : index
      %get3A_2981 = tpu.vector_load %arg5[%get3A_2978, %get3A_2979, %get3A_2980] {strides = array<i32>} : memref<8x1x40xi32, #tpu.memory_space<vmem>>, vector<1x1x16xi32>,
      %get3A_2982 = vector.shape_cast %get3A_2981 : vector<1x1x16xi32> to vector<16xi32>
      %shift_right_logical3A_2983 = arith.constant 14 : i32
      %shift_right_logical3A_2984 = vector.broadcast %shift_right_logical3A_2983 : i32 to vector<16xi32>
      %shift_right_logical3A_2985 = arith.shrui %get3A_2982, %shift_right_logical3A_2984 : vector<16xi32>
      %swap3A_2986 = arith.constant 4 : i32
      %swap3A_2987 = arith.index_cast %swap3A_2986 : i32 to index
      %swap3A_2988 = arith.constant 24 : index
      %swap3A_2989 = tpu.vector_load %arg6[%swap3A_2987, %swap3A_2988] {strides = array<i32>} : memref<8x40xi32, #tpu.memory_space<vmem>>, vector<1x16xi32>,
      %swap3A_2990 = vector.shape_cast %swap3A_2989 : vector<1x16xi32> to vector<16xi32>
      %swap3A_2991 = vector.shape_cast %shift_right_logical3A_2985 : vector<16xi32> to vector<1x16xi32>
      tpu.vector_store %arg6[%swap3A_2987, %swap3A_2988], %swap3A_2991 {strides = array<i32>} : memref<8x40xi32, #tpu.memory_space<vmem>>, vector<1x16xi32>,
      %and3A_2992 = arith.constant 16383 : i32
      %and3A_2993 = vector.broadcast %and3A_2992 : i32 to vector<16xi32>
      %and3A_2994 = arith.andi %get3A_2982, %and3A_2993 : vector<16xi32>
      %swap3A_2995 = arith.constant 4 : i32
      %swap3A_2996 = arith.index_cast %swap3A_2995 : i32 to index
      %swap3A_2997 = arith.constant 24 : index
      %swap3A_2998 = tpu.vector_load %arg7[%swap3A_2996, %swap3A_2997] {strides = array<i32>} : memref<8x40xi32, #tpu.memory_space<vmem>>, vector<1x16xi32>,
      %swap3A_2999 = vector.shape_cast %swap3A_2998 : vector<1x16xi32> to vector<16xi32>
      %swap3A_3000 = vector.shape_cast %and3A_2994 : vector<16xi32> to vector<1x16xi32>
      tpu.vector_store %arg7[%swap3A_2996, %swap3A_2997], %swap3A_3000 {strides = array<i32>} : memref<8x40xi32, #tpu.memory_space<vmem>>, vector<1x16xi32>,
      %add3A_3001 = arith.constant 8 : i32
      %add3A_3002 = arith.addi %mul3A_1850, %add3A_3001 : i32
      %add3A_3003 = arith.constant 4 : i32
      %add3A_3004 = arith.addi %add3A_3002, %add3A_3003 : i32
      %dma_start3A_3005 = arith.constant 4 : i32
      %dma_start3A_3006 = arith.constant 4 : i32
      %dma_start3A_3007 = arith.constant 0 : i32
      %dma_start3A_3008 = arith.constant 0 : i32
      %dma_start3A_3009 = tpu.memref_slice %arg8[%dma_start3A_3006, %dma_start3A_3007, %dma_start3A_3008] : memref<8x40x128xf32, #tpu.memory_space<vmem>> -> memref<1x20x128xf32, #tpu.memory_space<vmem>>
      %dma_start3A_3010 = tpu.memref_squeeze %dma_start3A_3009 : memref<1x20x128xf32, #tpu.memory_space<vmem>> -> memref<20x128xf32, #tpu.memory_space<vmem>>
      %dma_start3A_3011 = arith.constant 0 : i32
      %dma_start3A_3012 = tpu.memref_slice %arg6[%dma_start3A_3005, %dma_start3A_3011] : memref<8x40xi32, #tpu.memory_space<vmem>> -> memref<1x20xi32, #tpu.memory_space<vmem>>
      %dma_start3A_3013 = tpu.memref_squeeze %dma_start3A_3012 : memref<1x20xi32, #tpu.memory_space<vmem>> -> memref<20xi32, #tpu.memory_space<vmem>>
      %dma_start3A_3014 = arith.constant 0 : i32
      %dma_start3A_3015 = arith.constant 0 : i32
      %dma_start3A_3016 = tpu.memref_slice %arg2[%dma_start3A_3014, %dma_start3A_3015] : memref<80000x128xf32, #tpu.memory_space<hbm>> -> memref<80000x128xf32, #tpu.memory_space<hbm>>
      tpu.enqueue_indirect_dma source(%dma_start3A_3016 : memref<80000x128xf32, #tpu.memory_space<hbm>>) target(%dma_start3A_3010 : memref<20x128xf32, #tpu.memory_space<vmem>>) offsets(%dma_start3A_3013 : memref<20xi32, #tpu.memory_space<vmem>>) semaphore(%arg23 : memref<!tpu.dma_semaphore, #tpu.memory_space<semaphore_mem>>)
      %dma_start3A_3017 = arith.constant 4 : i32
      %dma_start3A_3018 = arith.constant 4 : i32
      %dma_start3A_3019 = arith.constant 20 : i32
      %dma_start3A_3020 = arith.constant 0 : i32
      %dma_start3A_3021 = tpu.memref_slice %arg8[%dma_start3A_3018, %dma_start3A_3019, %dma_start3A_3020] : memref<8x40x128xf32, #tpu.memory_space<vmem>> -> memref<1x20x128xf32, #tpu.memory_space<vmem>>
      %dma_start3A_3022 = tpu.memref_squeeze %dma_start3A_3021 : memref<1x20x128xf32, #tpu.memory_space<vmem>> -> memref<20x128xf32, #tpu.memory_space<vmem>>
      %dma_start3A_3023 = arith.constant 20 : i32
      %dma_start3A_3024 = tpu.memref_slice %arg6[%dma_start3A_3017, %dma_start3A_3023] : memref<8x40xi32, #tpu.memory_space<vmem>> -> memref<1x20xi32, #tpu.memory_space<vmem>>
      %dma_start3A_3025 = tpu.memref_squeeze %dma_start3A_3024 : memref<1x20xi32, #tpu.memory_space<vmem>> -> memref<20xi32, #tpu.memory_space<vmem>>
      %dma_start3A_3026 = arith.constant 0 : i32
      %dma_start3A_3027 = arith.constant 0 : i32
      %dma_start3A_3028 = tpu.memref_slice %arg2[%dma_start3A_3026, %dma_start3A_3027] : memref<80000x128xf32, #tpu.memory_space<hbm>> -> memref<80000x128xf32, #tpu.memory_space<hbm>>
      tpu.enqueue_indirect_dma source(%dma_start3A_3028 : memref<80000x128xf32, #tpu.memory_space<hbm>>) target(%dma_start3A_3022 : memref<20x128xf32, #tpu.memory_space<vmem>>) offsets(%dma_start3A_3025 : memref<20xi32, #tpu.memory_space<vmem>>) semaphore(%arg23 : memref<!tpu.dma_semaphore, #tpu.memory_space<semaphore_mem>>)
      %add3A_3029 = arith.constant 5 : i32
      %add3A_3030 = arith.addi %mul3A_1850, %add3A_3029 : i32
      %dma_wait3A_3031 = arith.constant 5 : i32
      %dma_wait3A_3032 = arith.constant 5 : i32
      %dma_wait3A_3033 = arith.constant 0 : i32
      %dma_wait3A_3034 = arith.constant 0 : i32
      %dma_wait3A_3035 = tpu.memref_slice %arg8[%dma_wait3A_3031, %dma_wait3A_3033, %dma_wait3A_3034] : memref<8x40x128xf32, #tpu.memory_space<vmem>> -> memref<1x40x128xf32, #tpu.memory_space<vmem>>
      %dma_wait3A_3036 = tpu.memref_squeeze %dma_wait3A_3035 : memref<1x40x128xf32, #tpu.memory_space<vmem>> -> memref<40x128xf32, #tpu.memory_space<vmem>>
      %dma_wait3A_3037 = arith.constant 0 : i32
      %dma_wait3A_3038 = tpu.memref_slice %arg7[%dma_wait3A_3032, %dma_wait3A_3037] : memref<8x40xi32, #tpu.memory_space<vmem>> -> memref<1x40xi32, #tpu.memory_space<vmem>>
      %dma_wait3A_3039 = tpu.memref_squeeze %dma_wait3A_3038 : memref<1x40xi32, #tpu.memory_space<vmem>> -> memref<40xi32, #tpu.memory_space<vmem>>
      %dma_wait3A_3040 = arith.constant 0 : i32
      %dma_wait3A_3041 = arith.constant 0 : i32
      %dma_wait3A_3042 = tpu.memref_slice %arg10[%dma_wait3A_3040, %dma_wait3A_3041] : memref<10112x128xf32, #tpu.memory_space<vmem_shared>> -> memref<10112x128xf32, #tpu.memory_space<vmem_shared>>
      tpu.wait_indirect_dma semaphore(%arg32 : memref<!tpu.dma_semaphore, #tpu.memory_space<semaphore_mem>>) src(%dma_wait3A_3036 : memref<40x128xf32, #tpu.memory_space<vmem>>) dst(%dma_wait3A_3042 : memref<10112x128xf32, #tpu.memory_space<vmem_shared>>)
      %add3A_3043 = arith.constant 8 : i32
      %add3A_3044 = arith.addi %mul3A_1850, %add3A_3043 : i32
      %add3A_3045 = arith.constant 5 : i32
      %add3A_3046 = arith.addi %add3A_3044, %add3A_3045 : i32
      %dma_wait3A_3047 = arith.constant 5 : i32
      %dma_wait3A_3048 = arith.constant 0 : i32
      %dma_wait3A_3049 = arith.constant 0 : i32
      %dma_wait3A_3050 = tpu.memref_slice %arg5[%dma_wait3A_3047, %dma_wait3A_3048, %dma_wait3A_3049] : memref<8x1x40xi32, #tpu.memory_space<vmem>> -> memref<1x1x40xi32, #tpu.memory_space<vmem>>
      %dma_wait3A_3051 = tpu.memref_squeeze %dma_wait3A_3050 : memref<1x1x40xi32, #tpu.memory_space<vmem>> -> memref<1x40xi32, #tpu.memory_space<vmem>>
      %dma_wait3A_3052 = arith.constant 0 : i32
      %dma_wait3A_3053 = arith.constant 0 : i32
      %dma_wait3A_3054 = tpu.memref_slice %arg3[%add3A, %add3A_3046, %dma_wait3A_3052, %dma_wait3A_3053] : memref<32x250x1x40xi32, #tpu.memory_space<hbm>> -> memref<1x1x1x40xi32, #tpu.memory_space<hbm>>
      %dma_wait3A_3055 = tpu.memref_squeeze %dma_wait3A_3054 : memref<1x1x1x40xi32, #tpu.memory_space<hbm>> -> memref<1x40xi32, #tpu.memory_space<hbm>>
      %dma_wait3A_3056 = arith.constant 0 : i32
      %dma_wait3A_3057 = arith.constant 0 : i32
      %dma_wait3A_3058 = tpu.memref_slice %arg5[%dma_wait3A_3047, %dma_wait3A_3056, %dma_wait3A_3057] : memref<8x1x40xi32, #tpu.memory_space<vmem>> -> memref<1x1x40xi32, #tpu.memory_space<vmem>>
      %dma_wait3A_3059 = tpu.memref_squeeze %dma_wait3A_3058 : memref<1x1x40xi32, #tpu.memory_space<vmem>> -> memref<1x40xi32, #tpu.memory_space<vmem>>
      %dma_wait3A_3060 = arith.constant 0 : i32
      %dma_wait3A_3061 = arith.constant 0 : i32
      %dma_wait3A_3062 = tpu.memref_slice %arg3[%add3A, %add3A_3046, %dma_wait3A_3060, %dma_wait3A_3061] : memref<32x250x1x40xi32, #tpu.memory_space<hbm>> -> memref<1x1x1x40xi32, #tpu.memory_space<hbm>>
      %dma_wait3A_3063 = tpu.memref_squeeze %dma_wait3A_3062 : memref<1x1x1x40xi32, #tpu.memory_space<hbm>> -> memref<1x40xi32, #tpu.memory_space<hbm>>
      tpu.wait_dma2 semaphore(%arg16 : memref<!tpu.dma_semaphore, #tpu.memory_space<semaphore_mem>>) src(%dma_wait3A_3063 : memref<1x40xi32, #tpu.memory_space<hbm>>) dst(%dma_wait3A_3059 : memref<1x40xi32, #tpu.memory_space<vmem>>)
      %get3A_3064 = arith.constant 5 : i32
      %get3A_3065 = arith.constant 0 : i32
      %get3A_3066 = arith.index_cast %get3A_3064 : i32 to index
      %get3A_3067 = arith.index_cast %get3A_3065 : i32 to index
      %get3A_3068 = arith.constant 0 : index
      %get3A_3069 = tpu.vector_load %arg5[%get3A_3066, %get3A_3067, %get3A_3068] {strides = array<i32>} : memref<8x1x40xi32, #tpu.memory_space<vmem>>, vector<1x1x16xi32>,
      %get3A_3070 = vector.shape_cast %get3A_3069 : vector<1x1x16xi32> to vector<16xi32>
      %shift_right_logical3A_3071 = arith.constant 14 : i32
      %shift_right_logical3A_3072 = vector.broadcast %shift_right_logical3A_3071 : i32 to vector<16xi32>
      %shift_right_logical3A_3073 = arith.shrui %get3A_3070, %shift_right_logical3A_3072 : vector<16xi32>
      %swap3A_3074 = arith.constant 5 : i32
      %swap3A_3075 = arith.index_cast %swap3A_3074 : i32 to index
      %swap3A_3076 = arith.constant 0 : index
      %swap3A_3077 = tpu.vector_load %arg6[%swap3A_3075, %swap3A_3076] {strides = array<i32>} : memref<8x40xi32, #tpu.memory_space<vmem>>, vector<1x16xi32>,
      %swap3A_3078 = vector.shape_cast %swap3A_3077 : vector<1x16xi32> to vector<16xi32>
      %swap3A_3079 = vector.shape_cast %shift_right_logical3A_3073 : vector<16xi32> to vector<1x16xi32>
      tpu.vector_store %arg6[%swap3A_3075, %swap3A_3076], %swap3A_3079 {strides = array<i32>} : memref<8x40xi32, #tpu.memory_space<vmem>>, vector<1x16xi32>,
      %and3A_3080 = arith.constant 16383 : i32
      %and3A_3081 = vector.broadcast %and3A_3080 : i32 to vector<16xi32>
      %and3A_3082 = arith.andi %get3A_3070, %and3A_3081 : vector<16xi32>
      %swap3A_3083 = arith.constant 5 : i32
      %swap3A_3084 = arith.index_cast %swap3A_3083 : i32 to index
      %swap3A_3085 = arith.constant 0 : index
      %swap3A_3086 = tpu.vector_load %arg7[%swap3A_3084, %swap3A_3085] {strides = array<i32>} : memref<8x40xi32, #tpu.memory_space<vmem>>, vector<1x16xi32>,
      %swap3A_3087 = vector.shape_cast %swap3A_3086 : vector<1x16xi32> to vector<16xi32>
      %swap3A_3088 = vector.shape_cast %and3A_3082 : vector<16xi32> to vector<1x16xi32>
      tpu.vector_store %arg7[%swap3A_3084, %swap3A_3085], %swap3A_3088 {strides = array<i32>} : memref<8x40xi32, #tpu.memory_space<vmem>>, vector<1x16xi32>,
      %get3A_3089 = arith.constant 5 : i32
      %get3A_3090 = arith.constant 0 : i32
      %get3A_3091 = arith.index_cast %get3A_3089 : i32 to index
      %get3A_3092 = arith.index_cast %get3A_3090 : i32 to index
      %get3A_3093 = arith.constant 16 : index
      %get3A_3094 = tpu.vector_load %arg5[%get3A_3091, %get3A_3092, %get3A_3093] {strides = array<i32>} : memref<8x1x40xi32, #tpu.memory_space<vmem>>, vector<1x1x16xi32>,
      %get3A_3095 = vector.shape_cast %get3A_3094 : vector<1x1x16xi32> to vector<16xi32>
      %shift_right_logical3A_3096 = arith.constant 14 : i32
      %shift_right_logical3A_3097 = vector.broadcast %shift_right_logical3A_3096 : i32 to vector<16xi32>
      %shift_right_logical3A_3098 = arith.shrui %get3A_3095, %shift_right_logical3A_3097 : vector<16xi32>
      %swap3A_3099 = arith.constant 5 : i32
      %swap3A_3100 = arith.index_cast %swap3A_3099 : i32 to index
      %swap3A_3101 = arith.constant 16 : index
      %swap3A_3102 = tpu.vector_load %arg6[%swap3A_3100, %swap3A_3101] {strides = array<i32>} : memref<8x40xi32, #tpu.memory_space<vmem>>, vector<1x16xi32>,
      %swap3A_3103 = vector.shape_cast %swap3A_3102 : vector<1x16xi32> to vector<16xi32>
      %swap3A_3104 = vector.shape_cast %shift_right_logical3A_3098 : vector<16xi32> to vector<1x16xi32>
      tpu.vector_store %arg6[%swap3A_3100, %swap3A_3101], %swap3A_3104 {strides = array<i32>} : memref<8x40xi32, #tpu.memory_space<vmem>>, vector<1x16xi32>,
      %and3A_3105 = arith.constant 16383 : i32
      %and3A_3106 = vector.broadcast %and3A_3105 : i32 to vector<16xi32>
      %and3A_3107 = arith.andi %get3A_3095, %and3A_3106 : vector<16xi32>
      %swap3A_3108 = arith.constant 5 : i32
      %swap3A_3109 = arith.index_cast %swap3A_3108 : i32 to index
      %swap3A_3110 = arith.constant 16 : index
      %swap3A_3111 = tpu.vector_load %arg7[%swap3A_3109, %swap3A_3110] {strides = array<i32>} : memref<8x40xi32, #tpu.memory_space<vmem>>, vector<1x16xi32>,
      %swap3A_3112 = vector.shape_cast %swap3A_3111 : vector<1x16xi32> to vector<16xi32>
      %swap3A_3113 = vector.shape_cast %and3A_3107 : vector<16xi32> to vector<1x16xi32>
      tpu.vector_store %arg7[%swap3A_3109, %swap3A_3110], %swap3A_3113 {strides = array<i32>} : memref<8x40xi32, #tpu.memory_space<vmem>>, vector<1x16xi32>,
      %get3A_3114 = arith.constant 5 : i32
      %get3A_3115 = arith.constant 0 : i32
      %get3A_3116 = arith.index_cast %get3A_3114 : i32 to index
      %get3A_3117 = arith.index_cast %get3A_3115 : i32 to index
      %get3A_3118 = arith.constant 24 : index
      %get3A_3119 = tpu.vector_load %arg5[%get3A_3116, %get3A_3117, %get3A_3118] {strides = array<i32>} : memref<8x1x40xi32, #tpu.memory_space<vmem>>, vector<1x1x16xi32>,
      %get3A_3120 = vector.shape_cast %get3A_3119 : vector<1x1x16xi32> to vector<16xi32>
      %shift_right_logical3A_3121 = arith.constant 14 : i32
      %shift_right_logical3A_3122 = vector.broadcast %shift_right_logical3A_3121 : i32 to vector<16xi32>
      %shift_right_logical3A_3123 = arith.shrui %get3A_3120, %shift_right_logical3A_3122 : vector<16xi32>
      %swap3A_3124 = arith.constant 5 : i32
      %swap3A_3125 = arith.index_cast %swap3A_3124 : i32 to index
      %swap3A_3126 = arith.constant 24 : index
      %swap3A_3127 = tpu.vector_load %arg6[%swap3A_3125, %swap3A_3126] {strides = array<i32>} : memref<8x40xi32, #tpu.memory_space<vmem>>, vector<1x16xi32>,
      %swap3A_3128 = vector.shape_cast %swap3A_3127 : vector<1x16xi32> to vector<16xi32>
      %swap3A_3129 = vector.shape_cast %shift_right_logical3A_3123 : vector<16xi32> to vector<1x16xi32>
      tpu.vector_store %arg6[%swap3A_3125, %swap3A_3126], %swap3A_3129 {strides = array<i32>} : memref<8x40xi32, #tpu.memory_space<vmem>>, vector<1x16xi32>,
      %and3A_3130 = arith.constant 16383 : i32
      %and3A_3131 = vector.broadcast %and3A_3130 : i32 to vector<16xi32>
      %and3A_3132 = arith.andi %get3A_3120, %and3A_3131 : vector<16xi32>
      %swap3A_3133 = arith.constant 5 : i32
      %swap3A_3134 = arith.index_cast %swap3A_3133 : i32 to index
      %swap3A_3135 = arith.constant 24 : index
      %swap3A_3136 = tpu.vector_load %arg7[%swap3A_3134, %swap3A_3135] {strides = array<i32>} : memref<8x40xi32, #tpu.memory_space<vmem>>, vector<1x16xi32>,
      %swap3A_3137 = vector.shape_cast %swap3A_3136 : vector<1x16xi32> to vector<16xi32>
      %swap3A_3138 = vector.shape_cast %and3A_3132 : vector<16xi32> to vector<1x16xi32>
      tpu.vector_store %arg7[%swap3A_3134, %swap3A_3135], %swap3A_3138 {strides = array<i32>} : memref<8x40xi32, #tpu.memory_space<vmem>>, vector<1x16xi32>,
      %add3A_3139 = arith.constant 8 : i32
      %add3A_3140 = arith.addi %mul3A_1850, %add3A_3139 : i32
      %add3A_3141 = arith.constant 5 : i32
      %add3A_3142 = arith.addi %add3A_3140, %add3A_3141 : i32
      %dma_start3A_3143 = arith.constant 5 : i32
      %dma_start3A_3144 = arith.constant 5 : i32
      %dma_start3A_3145 = arith.constant 0 : i32
      %dma_start3A_3146 = arith.constant 0 : i32
      %dma_start3A_3147 = tpu.memref_slice %arg8[%dma_start3A_3144, %dma_start3A_3145, %dma_start3A_3146] : memref<8x40x128xf32, #tpu.memory_space<vmem>> -> memref<1x20x128xf32, #tpu.memory_space<vmem>>
      %dma_start3A_3148 = tpu.memref_squeeze %dma_start3A_3147 : memref<1x20x128xf32, #tpu.memory_space<vmem>> -> memref<20x128xf32, #tpu.memory_space<vmem>>
      %dma_start3A_3149 = arith.constant 0 : i32
      %dma_start3A_3150 = tpu.memref_slice %arg6[%dma_start3A_3143, %dma_start3A_3149] : memref<8x40xi32, #tpu.memory_space<vmem>> -> memref<1x20xi32, #tpu.memory_space<vmem>>
      %dma_start3A_3151 = tpu.memref_squeeze %dma_start3A_3150 : memref<1x20xi32, #tpu.memory_space<vmem>> -> memref<20xi32, #tpu.memory_space<vmem>>
      %dma_start3A_3152 = arith.constant 0 : i32
      %dma_start3A_3153 = arith.constant 0 : i32
      %dma_start3A_3154 = tpu.memref_slice %arg2[%dma_start3A_3152, %dma_start3A_3153] : memref<80000x128xf32, #tpu.memory_space<hbm>> -> memref<80000x128xf32, #tpu.memory_space<hbm>>
      tpu.enqueue_indirect_dma source(%dma_start3A_3154 : memref<80000x128xf32, #tpu.memory_space<hbm>>) target(%dma_start3A_3148 : memref<20x128xf32, #tpu.memory_space<vmem>>) offsets(%dma_start3A_3151 : memref<20xi32, #tpu.memory_space<vmem>>) semaphore(%arg24 : memref<!tpu.dma_semaphore, #tpu.memory_space<semaphore_mem>>)
      %dma_start3A_3155 = arith.constant 5 : i32
      %dma_start3A_3156 = arith.constant 5 : i32
      %dma_start3A_3157 = arith.constant 20 : i32
      %dma_start3A_3158 = arith.constant 0 : i32
      %dma_start3A_3159 = tpu.memref_slice %arg8[%dma_start3A_3156, %dma_start3A_3157, %dma_start3A_3158] : memref<8x40x128xf32, #tpu.memory_space<vmem>> -> memref<1x20x128xf32, #tpu.memory_space<vmem>>
      %dma_start3A_3160 = tpu.memref_squeeze %dma_start3A_3159 : memref<1x20x128xf32, #tpu.memory_space<vmem>> -> memref<20x128xf32, #tpu.memory_space<vmem>>
      %dma_start3A_3161 = arith.constant 20 : i32
      %dma_start3A_3162 = tpu.memref_slice %arg6[%dma_start3A_3155, %dma_start3A_3161] : memref<8x40xi32, #tpu.memory_space<vmem>> -> memref<1x20xi32, #tpu.memory_space<vmem>>
      %dma_start3A_3163 = tpu.memref_squeeze %dma_start3A_3162 : memref<1x20xi32, #tpu.memory_space<vmem>> -> memref<20xi32, #tpu.memory_space<vmem>>
      %dma_start3A_3164 = arith.constant 0 : i32
      %dma_start3A_3165 = arith.constant 0 : i32
      %dma_start3A_3166 = tpu.memref_slice %arg2[%dma_start3A_3164, %dma_start3A_3165] : memref<80000x128xf32, #tpu.memory_space<hbm>> -> memref<80000x128xf32, #tpu.memory_space<hbm>>
      tpu.enqueue_indirect_dma source(%dma_start3A_3166 : memref<80000x128xf32, #tpu.memory_space<hbm>>) target(%dma_start3A_3160 : memref<20x128xf32, #tpu.memory_space<vmem>>) offsets(%dma_start3A_3163 : memref<20xi32, #tpu.memory_space<vmem>>) semaphore(%arg24 : memref<!tpu.dma_semaphore, #tpu.memory_space<semaphore_mem>>)
      %add3A_3167 = arith.constant 6 : i32
      %add3A_3168 = arith.addi %mul3A_1850, %add3A_3167 : i32
      %dma_wait3A_3169 = arith.constant 6 : i32
      %dma_wait3A_3170 = arith.constant 6 : i32
      %dma_wait3A_3171 = arith.constant 0 : i32
      %dma_wait3A_3172 = arith.constant 0 : i32
      %dma_wait3A_3173 = tpu.memref_slice %arg8[%dma_wait3A_3169, %dma_wait3A_3171, %dma_wait3A_3172] : memref<8x40x128xf32, #tpu.memory_space<vmem>> -> memref<1x40x128xf32, #tpu.memory_space<vmem>>
      %dma_wait3A_3174 = tpu.memref_squeeze %dma_wait3A_3173 : memref<1x40x128xf32, #tpu.memory_space<vmem>> -> memref<40x128xf32, #tpu.memory_space<vmem>>
      %dma_wait3A_3175 = arith.constant 0 : i32
      %dma_wait3A_3176 = tpu.memref_slice %arg7[%dma_wait3A_3170, %dma_wait3A_3175] : memref<8x40xi32, #tpu.memory_space<vmem>> -> memref<1x40xi32, #tpu.memory_space<vmem>>
      %dma_wait3A_3177 = tpu.memref_squeeze %dma_wait3A_3176 : memref<1x40xi32, #tpu.memory_space<vmem>> -> memref<40xi32, #tpu.memory_space<vmem>>
      %dma_wait3A_3178 = arith.constant 0 : i32
      %dma_wait3A_3179 = arith.constant 0 : i32
      %dma_wait3A_3180 = tpu.memref_slice %arg10[%dma_wait3A_3178, %dma_wait3A_3179] : memref<10112x128xf32, #tpu.memory_space<vmem_shared>> -> memref<10112x128xf32, #tpu.memory_space<vmem_shared>>
      tpu.wait_indirect_dma semaphore(%arg33 : memref<!tpu.dma_semaphore, #tpu.memory_space<semaphore_mem>>) src(%dma_wait3A_3174 : memref<40x128xf32, #tpu.memory_space<vmem>>) dst(%dma_wait3A_3180 : memref<10112x128xf32, #tpu.memory_space<vmem_shared>>)
      %add3A_3181 = arith.constant 8 : i32
      %add3A_3182 = arith.addi %mul3A_1850, %add3A_3181 : i32
      %add3A_3183 = arith.constant 6 : i32
      %add3A_3184 = arith.addi %add3A_3182, %add3A_3183 : i32
      %dma_wait3A_3185 = arith.constant 6 : i32
      %dma_wait3A_3186 = arith.constant 0 : i32
      %dma_wait3A_3187 = arith.constant 0 : i32
      %dma_wait3A_3188 = tpu.memref_slice %arg5[%dma_wait3A_3185, %dma_wait3A_3186, %dma_wait3A_3187] : memref<8x1x40xi32, #tpu.memory_space<vmem>> -> memref<1x1x40xi32, #tpu.memory_space<vmem>>
      %dma_wait3A_3189 = tpu.memref_squeeze %dma_wait3A_3188 : memref<1x1x40xi32, #tpu.memory_space<vmem>> -> memref<1x40xi32, #tpu.memory_space<vmem>>
      %dma_wait3A_3190 = arith.constant 0 : i32
      %dma_wait3A_3191 = arith.constant 0 : i32
      %dma_wait3A_3192 = tpu.memref_slice %arg3[%add3A, %add3A_3184, %dma_wait3A_3190, %dma_wait3A_3191] : memref<32x250x1x40xi32, #tpu.memory_space<hbm>> -> memref<1x1x1x40xi32, #tpu.memory_space<hbm>>
      %dma_wait3A_3193 = tpu.memref_squeeze %dma_wait3A_3192 : memref<1x1x1x40xi32, #tpu.memory_space<hbm>> -> memref<1x40xi32, #tpu.memory_space<hbm>>
      %dma_wait3A_3194 = arith.constant 0 : i32
      %dma_wait3A_3195 = arith.constant 0 : i32
      %dma_wait3A_3196 = tpu.memref_slice %arg5[%dma_wait3A_3185, %dma_wait3A_3194, %dma_wait3A_3195] : memref<8x1x40xi32, #tpu.memory_space<vmem>> -> memref<1x1x40xi32, #tpu.memory_space<vmem>>
      %dma_wait3A_3197 = tpu.memref_squeeze %dma_wait3A_3196 : memref<1x1x40xi32, #tpu.memory_space<vmem>> -> memref<1x40xi32, #tpu.memory_space<vmem>>
      %dma_wait3A_3198 = arith.constant 0 : i32
      %dma_wait3A_3199 = arith.constant 0 : i32
      %dma_wait3A_3200 = tpu.memref_slice %arg3[%add3A, %add3A_3184, %dma_wait3A_3198, %dma_wait3A_3199] : memref<32x250x1x40xi32, #tpu.memory_space<hbm>> -> memref<1x1x1x40xi32, #tpu.memory_space<hbm>>
      %dma_wait3A_3201 = tpu.memref_squeeze %dma_wait3A_3200 : memref<1x1x1x40xi32, #tpu.memory_space<hbm>> -> memref<1x40xi32, #tpu.memory_space<hbm>>
      tpu.wait_dma2 semaphore(%arg17 : memref<!tpu.dma_semaphore, #tpu.memory_space<semaphore_mem>>) src(%dma_wait3A_3201 : memref<1x40xi32, #tpu.memory_space<hbm>>) dst(%dma_wait3A_3197 : memref<1x40xi32, #tpu.memory_space<vmem>>)
      %get3A_3202 = arith.constant 6 : i32
      %get3A_3203 = arith.constant 0 : i32
      %get3A_3204 = arith.index_cast %get3A_3202 : i32 to index
      %get3A_3205 = arith.index_cast %get3A_3203 : i32 to index
      %get3A_3206 = arith.constant 0 : index
      %get3A_3207 = tpu.vector_load %arg5[%get3A_3204, %get3A_3205, %get3A_3206] {strides = array<i32>} : memref<8x1x40xi32, #tpu.memory_space<vmem>>, vector<1x1x16xi32>,
      %get3A_3208 = vector.shape_cast %get3A_3207 : vector<1x1x16xi32> to vector<16xi32>
      %shift_right_logical3A_3209 = arith.constant 14 : i32
      %shift_right_logical3A_3210 = vector.broadcast %shift_right_logical3A_3209 : i32 to vector<16xi32>
      %shift_right_logical3A_3211 = arith.shrui %get3A_3208, %shift_right_logical3A_3210 : vector<16xi32>
      %swap3A_3212 = arith.constant 6 : i32
      %swap3A_3213 = arith.index_cast %swap3A_3212 : i32 to index
      %swap3A_3214 = arith.constant 0 : index
      %swap3A_3215 = tpu.vector_load %arg6[%swap3A_3213, %swap3A_3214] {strides = array<i32>} : memref<8x40xi32, #tpu.memory_space<vmem>>, vector<1x16xi32>,
      %swap3A_3216 = vector.shape_cast %swap3A_3215 : vector<1x16xi32> to vector<16xi32>
      %swap3A_3217 = vector.shape_cast %shift_right_logical3A_3211 : vector<16xi32> to vector<1x16xi32>
      tpu.vector_store %arg6[%swap3A_3213, %swap3A_3214], %swap3A_3217 {strides = array<i32>} : memref<8x40xi32, #tpu.memory_space<vmem>>, vector<1x16xi32>,
      %and3A_3218 = arith.constant 16383 : i32
      %and3A_3219 = vector.broadcast %and3A_3218 : i32 to vector<16xi32>
      %and3A_3220 = arith.andi %get3A_3208, %and3A_3219 : vector<16xi32>
      %swap3A_3221 = arith.constant 6 : i32
      %swap3A_3222 = arith.index_cast %swap3A_3221 : i32 to index
      %swap3A_3223 = arith.constant 0 : index
      %swap3A_3224 = tpu.vector_load %arg7[%swap3A_3222, %swap3A_3223] {strides = array<i32>} : memref<8x40xi32, #tpu.memory_space<vmem>>, vector<1x16xi32>,
      %swap3A_3225 = vector.shape_cast %swap3A_3224 : vector<1x16xi32> to vector<16xi32>
      %swap3A_3226 = vector.shape_cast %and3A_3220 : vector<16xi32> to vector<1x16xi32>
      tpu.vector_store %arg7[%swap3A_3222, %swap3A_3223], %swap3A_3226 {strides = array<i32>} : memref<8x40xi32, #tpu.memory_space<vmem>>, vector<1x16xi32>,
      %get3A_3227 = arith.constant 6 : i32
      %get3A_3228 = arith.constant 0 : i32
      %get3A_3229 = arith.index_cast %get3A_3227 : i32 to index
      %get3A_3230 = arith.index_cast %get3A_3228 : i32 to index
      %get3A_3231 = arith.constant 16 : index
      %get3A_3232 = tpu.vector_load %arg5[%get3A_3229, %get3A_3230, %get3A_3231] {strides = array<i32>} : memref<8x1x40xi32, #tpu.memory_space<vmem>>, vector<1x1x16xi32>,
      %get3A_3233 = vector.shape_cast %get3A_3232 : vector<1x1x16xi32> to vector<16xi32>
      %shift_right_logical3A_3234 = arith.constant 14 : i32
      %shift_right_logical3A_3235 = vector.broadcast %shift_right_logical3A_3234 : i32 to vector<16xi32>
      %shift_right_logical3A_3236 = arith.shrui %get3A_3233, %shift_right_logical3A_3235 : vector<16xi32>
      %swap3A_3237 = arith.constant 6 : i32
      %swap3A_3238 = arith.index_cast %swap3A_3237 : i32 to index
      %swap3A_3239 = arith.constant 16 : index
      %swap3A_3240 = tpu.vector_load %arg6[%swap3A_3238, %swap3A_3239] {strides = array<i32>} : memref<8x40xi32, #tpu.memory_space<vmem>>, vector<1x16xi32>,
      %swap3A_3241 = vector.shape_cast %swap3A_3240 : vector<1x16xi32> to vector<16xi32>
      %swap3A_3242 = vector.shape_cast %shift_right_logical3A_3236 : vector<16xi32> to vector<1x16xi32>
      tpu.vector_store %arg6[%swap3A_3238, %swap3A_3239], %swap3A_3242 {strides = array<i32>} : memref<8x40xi32, #tpu.memory_space<vmem>>, vector<1x16xi32>,
      %and3A_3243 = arith.constant 16383 : i32
      %and3A_3244 = vector.broadcast %and3A_3243 : i32 to vector<16xi32>
      %and3A_3245 = arith.andi %get3A_3233, %and3A_3244 : vector<16xi32>
      %swap3A_3246 = arith.constant 6 : i32
      %swap3A_3247 = arith.index_cast %swap3A_3246 : i32 to index
      %swap3A_3248 = arith.constant 16 : index
      %swap3A_3249 = tpu.vector_load %arg7[%swap3A_3247, %swap3A_3248] {strides = array<i32>} : memref<8x40xi32, #tpu.memory_space<vmem>>, vector<1x16xi32>,
      %swap3A_3250 = vector.shape_cast %swap3A_3249 : vector<1x16xi32> to vector<16xi32>
      %swap3A_3251 = vector.shape_cast %and3A_3245 : vector<16xi32> to vector<1x16xi32>
      tpu.vector_store %arg7[%swap3A_3247, %swap3A_3248], %swap3A_3251 {strides = array<i32>} : memref<8x40xi32, #tpu.memory_space<vmem>>, vector<1x16xi32>,
      %get3A_3252 = arith.constant 6 : i32
      %get3A_3253 = arith.constant 0 : i32
      %get3A_3254 = arith.index_cast %get3A_3252 : i32 to index
      %get3A_3255 = arith.index_cast %get3A_3253 : i32 to index
      %get3A_3256 = arith.constant 24 : index
      %get3A_3257 = tpu.vector_load %arg5[%get3A_3254, %get3A_3255, %get3A_3256] {strides = array<i32>} : memref<8x1x40xi32, #tpu.memory_space<vmem>>, vector<1x1x16xi32>,
      %get3A_3258 = vector.shape_cast %get3A_3257 : vector<1x1x16xi32> to vector<16xi32>
      %shift_right_logical3A_3259 = arith.constant 14 : i32
      %shift_right_logical3A_3260 = vector.broadcast %shift_right_logical3A_3259 : i32 to vector<16xi32>
      %shift_right_logical3A_3261 = arith.shrui %get3A_3258, %shift_right_logical3A_3260 : vector<16xi32>
      %swap3A_3262 = arith.constant 6 : i32
      %swap3A_3263 = arith.index_cast %swap3A_3262 : i32 to index
      %swap3A_3264 = arith.constant 24 : index
      %swap3A_3265 = tpu.vector_load %arg6[%swap3A_3263, %swap3A_3264] {strides = array<i32>} : memref<8x40xi32, #tpu.memory_space<vmem>>, vector<1x16xi32>,
      %swap3A_3266 = vector.shape_cast %swap3A_3265 : vector<1x16xi32> to vector<16xi32>
      %swap3A_3267 = vector.shape_cast %shift_right_logical3A_3261 : vector<16xi32> to vector<1x16xi32>
      tpu.vector_store %arg6[%swap3A_3263, %swap3A_3264], %swap3A_3267 {strides = array<i32>} : memref<8x40xi32, #tpu.memory_space<vmem>>, vector<1x16xi32>,
      %and3A_3268 = arith.constant 16383 : i32
      %and3A_3269 = vector.broadcast %and3A_3268 : i32 to vector<16xi32>
      %and3A_3270 = arith.andi %get3A_3258, %and3A_3269 : vector<16xi32>
      %swap3A_3271 = arith.constant 6 : i32
      %swap3A_3272 = arith.index_cast %swap3A_3271 : i32 to index
      %swap3A_3273 = arith.constant 24 : index
      %swap3A_3274 = tpu.vector_load %arg7[%swap3A_3272, %swap3A_3273] {strides = array<i32>} : memref<8x40xi32, #tpu.memory_space<vmem>>, vector<1x16xi32>,
      %swap3A_3275 = vector.shape_cast %swap3A_3274 : vector<1x16xi32> to vector<16xi32>
      %swap3A_3276 = vector.shape_cast %and3A_3270 : vector<16xi32> to vector<1x16xi32>
      tpu.vector_store %arg7[%swap3A_3272, %swap3A_3273], %swap3A_3276 {strides = array<i32>} : memref<8x40xi32, #tpu.memory_space<vmem>>, vector<1x16xi32>,
      %add3A_3277 = arith.constant 8 : i32
      %add3A_3278 = arith.addi %mul3A_1850, %add3A_3277 : i32
      %add3A_3279 = arith.constant 6 : i32
      %add3A_3280 = arith.addi %add3A_3278, %add3A_3279 : i32
      %dma_start3A_3281 = arith.constant 6 : i32
      %dma_start3A_3282 = arith.constant 6 : i32
      %dma_start3A_3283 = arith.constant 0 : i32
      %dma_start3A_3284 = arith.constant 0 : i32
      %dma_start3A_3285 = tpu.memref_slice %arg8[%dma_start3A_3282, %dma_start3A_3283, %dma_start3A_3284] : memref<8x40x128xf32, #tpu.memory_space<vmem>> -> memref<1x20x128xf32, #tpu.memory_space<vmem>>
      %dma_start3A_3286 = tpu.memref_squeeze %dma_start3A_3285 : memref<1x20x128xf32, #tpu.memory_space<vmem>> -> memref<20x128xf32, #tpu.memory_space<vmem>>
      %dma_start3A_3287 = arith.constant 0 : i32
      %dma_start3A_3288 = tpu.memref_slice %arg6[%dma_start3A_3281, %dma_start3A_3287] : memref<8x40xi32, #tpu.memory_space<vmem>> -> memref<1x20xi32, #tpu.memory_space<vmem>>
      %dma_start3A_3289 = tpu.memref_squeeze %dma_start3A_3288 : memref<1x20xi32, #tpu.memory_space<vmem>> -> memref<20xi32, #tpu.memory_space<vmem>>
      %dma_start3A_3290 = arith.constant 0 : i32
      %dma_start3A_3291 = arith.constant 0 : i32
      %dma_start3A_3292 = tpu.memref_slice %arg2[%dma_start3A_3290, %dma_start3A_3291] : memref<80000x128xf32, #tpu.memory_space<hbm>> -> memref<80000x128xf32, #tpu.memory_space<hbm>>
      tpu.enqueue_indirect_dma source(%dma_start3A_3292 : memref<80000x128xf32, #tpu.memory_space<hbm>>) target(%dma_start3A_3286 : memref<20x128xf32, #tpu.memory_space<vmem>>) offsets(%dma_start3A_3289 : memref<20xi32, #tpu.memory_space<vmem>>) semaphore(%arg25 : memref<!tpu.dma_semaphore, #tpu.memory_space<semaphore_mem>>)
      %dma_start3A_3293 = arith.constant 6 : i32
      %dma_start3A_3294 = arith.constant 6 : i32
      %dma_start3A_3295 = arith.constant 20 : i32
      %dma_start3A_3296 = arith.constant 0 : i32
      %dma_start3A_3297 = tpu.memref_slice %arg8[%dma_start3A_3294, %dma_start3A_3295, %dma_start3A_3296] : memref<8x40x128xf32, #tpu.memory_space<vmem>> -> memref<1x20x128xf32, #tpu.memory_space<vmem>>
      %dma_start3A_3298 = tpu.memref_squeeze %dma_start3A_3297 : memref<1x20x128xf32, #tpu.memory_space<vmem>> -> memref<20x128xf32, #tpu.memory_space<vmem>>
      %dma_start3A_3299 = arith.constant 20 : i32
      %dma_start3A_3300 = tpu.memref_slice %arg6[%dma_start3A_3293, %dma_start3A_3299] : memref<8x40xi32, #tpu.memory_space<vmem>> -> memref<1x20xi32, #tpu.memory_space<vmem>>
      %dma_start3A_3301 = tpu.memref_squeeze %dma_start3A_3300 : memref<1x20xi32, #tpu.memory_space<vmem>> -> memref<20xi32, #tpu.memory_space<vmem>>
      %dma_start3A_3302 = arith.constant 0 : i32
      %dma_start3A_3303 = arith.constant 0 : i32
      %dma_start3A_3304 = tpu.memref_slice %arg2[%dma_start3A_3302, %dma_start3A_3303] : memref<80000x128xf32, #tpu.memory_space<hbm>> -> memref<80000x128xf32, #tpu.memory_space<hbm>>
      tpu.enqueue_indirect_dma source(%dma_start3A_3304 : memref<80000x128xf32, #tpu.memory_space<hbm>>) target(%dma_start3A_3298 : memref<20x128xf32, #tpu.memory_space<vmem>>) offsets(%dma_start3A_3301 : memref<20xi32, #tpu.memory_space<vmem>>) semaphore(%arg25 : memref<!tpu.dma_semaphore, #tpu.memory_space<semaphore_mem>>)
      %add3A_3305 = arith.constant 7 : i32
      %add3A_3306 = arith.addi %mul3A_1850, %add3A_3305 : i32
      %dma_wait3A_3307 = arith.constant 7 : i32
      %dma_wait3A_3308 = arith.constant 7 : i32
      %dma_wait3A_3309 = arith.constant 0 : i32
      %dma_wait3A_3310 = arith.constant 0 : i32
      %dma_wait3A_3311 = tpu.memref_slice %arg8[%dma_wait3A_3307, %dma_wait3A_3309, %dma_wait3A_3310] : memref<8x40x128xf32, #tpu.memory_space<vmem>> -> memref<1x40x128xf32, #tpu.memory_space<vmem>>
      %dma_wait3A_3312 = tpu.memref_squeeze %dma_wait3A_3311 : memref<1x40x128xf32, #tpu.memory_space<vmem>> -> memref<40x128xf32, #tpu.memory_space<vmem>>
      %dma_wait3A_3313 = arith.constant 0 : i32
      %dma_wait3A_3314 = tpu.memref_slice %arg7[%dma_wait3A_3308, %dma_wait3A_3313] : memref<8x40xi32, #tpu.memory_space<vmem>> -> memref<1x40xi32, #tpu.memory_space<vmem>>
      %dma_wait3A_3315 = tpu.memref_squeeze %dma_wait3A_3314 : memref<1x40xi32, #tpu.memory_space<vmem>> -> memref<40xi32, #tpu.memory_space<vmem>>
      %dma_wait3A_3316 = arith.constant 0 : i32
      %dma_wait3A_3317 = arith.constant 0 : i32
      %dma_wait3A_3318 = tpu.memref_slice %arg10[%dma_wait3A_3316, %dma_wait3A_3317] : memref<10112x128xf32, #tpu.memory_space<vmem_shared>> -> memref<10112x128xf32, #tpu.memory_space<vmem_shared>>
      tpu.wait_indirect_dma semaphore(%arg34 : memref<!tpu.dma_semaphore, #tpu.memory_space<semaphore_mem>>) src(%dma_wait3A_3312 : memref<40x128xf32, #tpu.memory_space<vmem>>) dst(%dma_wait3A_3318 : memref<10112x128xf32, #tpu.memory_space<vmem_shared>>)
      %add3A_3319 = arith.constant 8 : i32
      %add3A_3320 = arith.addi %mul3A_1850, %add3A_3319 : i32
      %add3A_3321 = arith.constant 7 : i32
      %add3A_3322 = arith.addi %add3A_3320, %add3A_3321 : i32
      %dma_wait3A_3323 = arith.constant 7 : i32
      %dma_wait3A_3324 = arith.constant 0 : i32
      %dma_wait3A_3325 = arith.constant 0 : i32
      %dma_wait3A_3326 = tpu.memref_slice %arg5[%dma_wait3A_3323, %dma_wait3A_3324, %dma_wait3A_3325] : memref<8x1x40xi32, #tpu.memory_space<vmem>> -> memref<1x1x40xi32, #tpu.memory_space<vmem>>
      %dma_wait3A_3327 = tpu.memref_squeeze %dma_wait3A_3326 : memref<1x1x40xi32, #tpu.memory_space<vmem>> -> memref<1x40xi32, #tpu.memory_space<vmem>>
      %dma_wait3A_3328 = arith.constant 0 : i32
      %dma_wait3A_3329 = arith.constant 0 : i32
      %dma_wait3A_3330 = tpu.memref_slice %arg3[%add3A, %add3A_3322, %dma_wait3A_3328, %dma_wait3A_3329] : memref<32x250x1x40xi32, #tpu.memory_space<hbm>> -> memref<1x1x1x40xi32, #tpu.memory_space<hbm>>
      %dma_wait3A_3331 = tpu.memref_squeeze %dma_wait3A_3330 : memref<1x1x1x40xi32, #tpu.memory_space<hbm>> -> memref<1x40xi32, #tpu.memory_space<hbm>>
      %dma_wait3A_3332 = arith.constant 0 : i32
      %dma_wait3A_3333 = arith.constant 0 : i32
      %dma_wait3A_3334 = tpu.memref_slice %arg5[%dma_wait3A_3323, %dma_wait3A_3332, %dma_wait3A_3333] : memref<8x1x40xi32, #tpu.memory_space<vmem>> -> memref<1x1x40xi32, #tpu.memory_space<vmem>>
      %dma_wait3A_3335 = tpu.memref_squeeze %dma_wait3A_3334 : memref<1x1x40xi32, #tpu.memory_space<vmem>> -> memref<1x40xi32, #tpu.memory_space<vmem>>
      %dma_wait3A_3336 = arith.constant 0 : i32
      %dma_wait3A_3337 = arith.constant 0 : i32
      %dma_wait3A_3338 = tpu.memref_slice %arg3[%add3A, %add3A_3322, %dma_wait3A_3336, %dma_wait3A_3337] : memref<32x250x1x40xi32, #tpu.memory_space<hbm>> -> memref<1x1x1x40xi32, #tpu.memory_space<hbm>>
      %dma_wait3A_3339 = tpu.memref_squeeze %dma_wait3A_3338 : memref<1x1x1x40xi32, #tpu.memory_space<hbm>> -> memref<1x40xi32, #tpu.memory_space<hbm>>
      tpu.wait_dma2 semaphore(%arg18 : memref<!tpu.dma_semaphore, #tpu.memory_space<semaphore_mem>>) src(%dma_wait3A_3339 : memref<1x40xi32, #tpu.memory_space<hbm>>) dst(%dma_wait3A_3335 : memref<1x40xi32, #tpu.memory_space<vmem>>)
      %get3A_3340 = arith.constant 7 : i32
      %get3A_3341 = arith.constant 0 : i32
      %get3A_3342 = arith.index_cast %get3A_3340 : i32 to index
      %get3A_3343 = arith.index_cast %get3A_3341 : i32 to index
      %get3A_3344 = arith.constant 0 : index
      %get3A_3345 = tpu.vector_load %arg5[%get3A_3342, %get3A_3343, %get3A_3344] {strides = array<i32>} : memref<8x1x40xi32, #tpu.memory_space<vmem>>, vector<1x1x16xi32>,
      %get3A_3346 = vector.shape_cast %get3A_3345 : vector<1x1x16xi32> to vector<16xi32>
      %shift_right_logical3A_3347 = arith.constant 14 : i32
      %shift_right_logical3A_3348 = vector.broadcast %shift_right_logical3A_3347 : i32 to vector<16xi32>
      %shift_right_logical3A_3349 = arith.shrui %get3A_3346, %shift_right_logical3A_3348 : vector<16xi32>
      %swap3A_3350 = arith.constant 7 : i32
      %swap3A_3351 = arith.index_cast %swap3A_3350 : i32 to index
      %swap3A_3352 = arith.constant 0 : index
      %swap3A_3353 = tpu.vector_load %arg6[%swap3A_3351, %swap3A_3352] {strides = array<i32>} : memref<8x40xi32, #tpu.memory_space<vmem>>, vector<1x16xi32>,
      %swap3A_3354 = vector.shape_cast %swap3A_3353 : vector<1x16xi32> to vector<16xi32>
      %swap3A_3355 = vector.shape_cast %shift_right_logical3A_3349 : vector<16xi32> to vector<1x16xi32>
      tpu.vector_store %arg6[%swap3A_3351, %swap3A_3352], %swap3A_3355 {strides = array<i32>} : memref<8x40xi32, #tpu.memory_space<vmem>>, vector<1x16xi32>,
      %and3A_3356 = arith.constant 16383 : i32
      %and3A_3357 = vector.broadcast %and3A_3356 : i32 to vector<16xi32>
      %and3A_3358 = arith.andi %get3A_3346, %and3A_3357 : vector<16xi32>
      %swap3A_3359 = arith.constant 7 : i32
      %swap3A_3360 = arith.index_cast %swap3A_3359 : i32 to index
      %swap3A_3361 = arith.constant 0 : index
      %swap3A_3362 = tpu.vector_load %arg7[%swap3A_3360, %swap3A_3361] {strides = array<i32>} : memref<8x40xi32, #tpu.memory_space<vmem>>, vector<1x16xi32>,
      %swap3A_3363 = vector.shape_cast %swap3A_3362 : vector<1x16xi32> to vector<16xi32>
      %swap3A_3364 = vector.shape_cast %and3A_3358 : vector<16xi32> to vector<1x16xi32>
      tpu.vector_store %arg7[%swap3A_3360, %swap3A_3361], %swap3A_3364 {strides = array<i32>} : memref<8x40xi32, #tpu.memory_space<vmem>>, vector<1x16xi32>,
      %get3A_3365 = arith.constant 7 : i32
      %get3A_3366 = arith.constant 0 : i32
      %get3A_3367 = arith.index_cast %get3A_3365 : i32 to index
      %get3A_3368 = arith.index_cast %get3A_3366 : i32 to index
      %get3A_3369 = arith.constant 16 : index
      %get3A_3370 = tpu.vector_load %arg5[%get3A_3367, %get3A_3368, %get3A_3369] {strides = array<i32>} : memref<8x1x40xi32, #tpu.memory_space<vmem>>, vector<1x1x16xi32>,
      %get3A_3371 = vector.shape_cast %get3A_3370 : vector<1x1x16xi32> to vector<16xi32>
      %shift_right_logical3A_3372 = arith.constant 14 : i32
      %shift_right_logical3A_3373 = vector.broadcast %shift_right_logical3A_3372 : i32 to vector<16xi32>
      %shift_right_logical3A_3374 = arith.shrui %get3A_3371, %shift_right_logical3A_3373 : vector<16xi32>
      %swap3A_3375 = arith.constant 7 : i32
      %swap3A_3376 = arith.index_cast %swap3A_3375 : i32 to index
      %swap3A_3377 = arith.constant 16 : index
      %swap3A_3378 = tpu.vector_load %arg6[%swap3A_3376, %swap3A_3377] {strides = array<i32>} : memref<8x40xi32, #tpu.memory_space<vmem>>, vector<1x16xi32>,
      %swap3A_3379 = vector.shape_cast %swap3A_3378 : vector<1x16xi32> to vector<16xi32>
      %swap3A_3380 = vector.shape_cast %shift_right_logical3A_3374 : vector<16xi32> to vector<1x16xi32>
      tpu.vector_store %arg6[%swap3A_3376, %swap3A_3377], %swap3A_3380 {strides = array<i32>} : memref<8x40xi32, #tpu.memory_space<vmem>>, vector<1x16xi32>,
      %and3A_3381 = arith.constant 16383 : i32
      %and3A_3382 = vector.broadcast %and3A_3381 : i32 to vector<16xi32>
      %and3A_3383 = arith.andi %get3A_3371, %and3A_3382 : vector<16xi32>
      %swap3A_3384 = arith.constant 7 : i32
      %swap3A_3385 = arith.index_cast %swap3A_3384 : i32 to index
      %swap3A_3386 = arith.constant 16 : index
      %swap3A_3387 = tpu.vector_load %arg7[%swap3A_3385, %swap3A_3386] {strides = array<i32>} : memref<8x40xi32, #tpu.memory_space<vmem>>, vector<1x16xi32>,
      %swap3A_3388 = vector.shape_cast %swap3A_3387 : vector<1x16xi32> to vector<16xi32>
      %swap3A_3389 = vector.shape_cast %and3A_3383 : vector<16xi32> to vector<1x16xi32>
      tpu.vector_store %arg7[%swap3A_3385, %swap3A_3386], %swap3A_3389 {strides = array<i32>} : memref<8x40xi32, #tpu.memory_space<vmem>>, vector<1x16xi32>,
      %get3A_3390 = arith.constant 7 : i32
      %get3A_3391 = arith.constant 0 : i32
      %get3A_3392 = arith.index_cast %get3A_3390 : i32 to index
      %get3A_3393 = arith.index_cast %get3A_3391 : i32 to index
      %get3A_3394 = arith.constant 24 : index
      %get3A_3395 = tpu.vector_load %arg5[%get3A_3392, %get3A_3393, %get3A_3394] {strides = array<i32>} : memref<8x1x40xi32, #tpu.memory_space<vmem>>, vector<1x1x16xi32>,
      %get3A_3396 = vector.shape_cast %get3A_3395 : vector<1x1x16xi32> to vector<16xi32>
      %shift_right_logical3A_3397 = arith.constant 14 : i32
      %shift_right_logical3A_3398 = vector.broadcast %shift_right_logical3A_3397 : i32 to vector<16xi32>
      %shift_right_logical3A_3399 = arith.shrui %get3A_3396, %shift_right_logical3A_3398 : vector<16xi32>
      %swap3A_3400 = arith.constant 7 : i32
      %swap3A_3401 = arith.index_cast %swap3A_3400 : i32 to index
      %swap3A_3402 = arith.constant 24 : index
      %swap3A_3403 = tpu.vector_load %arg6[%swap3A_3401, %swap3A_3402] {strides = array<i32>} : memref<8x40xi32, #tpu.memory_space<vmem>>, vector<1x16xi32>,
      %swap3A_3404 = vector.shape_cast %swap3A_3403 : vector<1x16xi32> to vector<16xi32>
      %swap3A_3405 = vector.shape_cast %shift_right_logical3A_3399 : vector<16xi32> to vector<1x16xi32>
      tpu.vector_store %arg6[%swap3A_3401, %swap3A_3402], %swap3A_3405 {strides = array<i32>} : memref<8x40xi32, #tpu.memory_space<vmem>>, vector<1x16xi32>,
      %and3A_3406 = arith.constant 16383 : i32
      %and3A_3407 = vector.broadcast %and3A_3406 : i32 to vector<16xi32>
      %and3A_3408 = arith.andi %get3A_3396, %and3A_3407 : vector<16xi32>
      %swap3A_3409 = arith.constant 7 : i32
      %swap3A_3410 = arith.index_cast %swap3A_3409 : i32 to index
      %swap3A_3411 = arith.constant 24 : index
      %swap3A_3412 = tpu.vector_load %arg7[%swap3A_3410, %swap3A_3411] {strides = array<i32>} : memref<8x40xi32, #tpu.memory_space<vmem>>, vector<1x16xi32>,
      %swap3A_3413 = vector.shape_cast %swap3A_3412 : vector<1x16xi32> to vector<16xi32>
      %swap3A_3414 = vector.shape_cast %and3A_3408 : vector<16xi32> to vector<1x16xi32>
      tpu.vector_store %arg7[%swap3A_3410, %swap3A_3411], %swap3A_3414 {strides = array<i32>} : memref<8x40xi32, #tpu.memory_space<vmem>>, vector<1x16xi32>,
      %add3A_3415 = arith.constant 8 : i32
      %add3A_3416 = arith.addi %mul3A_1850, %add3A_3415 : i32
      %add3A_3417 = arith.constant 7 : i32
      %add3A_3418 = arith.addi %add3A_3416, %add3A_3417 : i32
      %dma_start3A_3419 = arith.constant 7 : i32
      %dma_start3A_3420 = arith.constant 7 : i32
      %dma_start3A_3421 = arith.constant 0 : i32
      %dma_start3A_3422 = arith.constant 0 : i32
      %dma_start3A_3423 = tpu.memref_slice %arg8[%dma_start3A_3420, %dma_start3A_3421, %dma_start3A_3422] : memref<8x40x128xf32, #tpu.memory_space<vmem>> -> memref<1x20x128xf32, #tpu.memory_space<vmem>>
      %dma_start3A_3424 = tpu.memref_squeeze %dma_start3A_3423 : memref<1x20x128xf32, #tpu.memory_space<vmem>> -> memref<20x128xf32, #tpu.memory_space<vmem>>
      %dma_start3A_3425 = arith.constant 0 : i32
      %dma_start3A_3426 = tpu.memref_slice %arg6[%dma_start3A_3419, %dma_start3A_3425] : memref<8x40xi32, #tpu.memory_space<vmem>> -> memref<1x20xi32, #tpu.memory_space<vmem>>
      %dma_start3A_3427 = tpu.memref_squeeze %dma_start3A_3426 : memref<1x20xi32, #tpu.memory_space<vmem>> -> memref<20xi32, #tpu.memory_space<vmem>>
      %dma_start3A_3428 = arith.constant 0 : i32
      %dma_start3A_3429 = arith.constant 0 : i32
      %dma_start3A_3430 = tpu.memref_slice %arg2[%dma_start3A_3428, %dma_start3A_3429] : memref<80000x128xf32, #tpu.memory_space<hbm>> -> memref<80000x128xf32, #tpu.memory_space<hbm>>
      tpu.enqueue_indirect_dma source(%dma_start3A_3430 : memref<80000x128xf32, #tpu.memory_space<hbm>>) target(%dma_start3A_3424 : memref<20x128xf32, #tpu.memory_space<vmem>>) offsets(%dma_start3A_3427 : memref<20xi32, #tpu.memory_space<vmem>>) semaphore(%arg26 : memref<!tpu.dma_semaphore, #tpu.memory_space<semaphore_mem>>)
      %dma_start3A_3431 = arith.constant 7 : i32
      %dma_start3A_3432 = arith.constant 7 : i32
      %dma_start3A_3433 = arith.constant 20 : i32
      %dma_start3A_3434 = arith.constant 0 : i32
      %dma_start3A_3435 = tpu.memref_slice %arg8[%dma_start3A_3432, %dma_start3A_3433, %dma_start3A_3434] : memref<8x40x128xf32, #tpu.memory_space<vmem>> -> memref<1x20x128xf32, #tpu.memory_space<vmem>>
      %dma_start3A_3436 = tpu.memref_squeeze %dma_start3A_3435 : memref<1x20x128xf32, #tpu.memory_space<vmem>> -> memref<20x128xf32, #tpu.memory_space<vmem>>
      %dma_start3A_3437 = arith.constant 20 : i32
      %dma_start3A_3438 = tpu.memref_slice %arg6[%dma_start3A_3431, %dma_start3A_3437] : memref<8x40xi32, #tpu.memory_space<vmem>> -> memref<1x20xi32, #tpu.memory_space<vmem>>
      %dma_start3A_3439 = tpu.memref_squeeze %dma_start3A_3438 : memref<1x20xi32, #tpu.memory_space<vmem>> -> memref<20xi32, #tpu.memory_space<vmem>>
      %dma_start3A_3440 = arith.constant 0 : i32
      %dma_start3A_3441 = arith.constant 0 : i32
      %dma_start3A_3442 = tpu.memref_slice %arg2[%dma_start3A_3440, %dma_start3A_3441] : memref<80000x128xf32, #tpu.memory_space<hbm>> -> memref<80000x128xf32, #tpu.memory_space<hbm>>
      tpu.enqueue_indirect_dma source(%dma_start3A_3442 : memref<80000x128xf32, #tpu.memory_space<hbm>>) target(%dma_start3A_3436 : memref<20x128xf32, #tpu.memory_space<vmem>>) offsets(%dma_start3A_3439 : memref<20xi32, #tpu.memory_space<vmem>>) semaphore(%arg26 : memref<!tpu.dma_semaphore, #tpu.memory_space<semaphore_mem>>)
    }
    %scan3A_1092 = arith.constant 30 : i32
    %dma_wait3A_1093 = arith.constant 0 : i32
    %dma_wait3A_1094 = arith.constant 0 : i32
    %dma_wait3A_1095 = arith.constant 0 : i32
    %dma_wait3A_1096 = arith.constant 0 : i32
    %dma_wait3A_1097 = tpu.memref_slice %arg8[%dma_wait3A_1094, %dma_wait3A_1095, %dma_wait3A_1096] : memref<8x40x128xf32, #tpu.memory_space<vmem>> -> memref<1x20x128xf32, #tpu.memory_space<vmem>>
    %dma_wait3A_1098 = tpu.memref_squeeze %dma_wait3A_1097 : memref<1x20x128xf32, #tpu.memory_space<vmem>> -> memref<20x128xf32, #tpu.memory_space<vmem>>
    %dma_wait3A_1099 = arith.constant 0 : i32
    %dma_wait3A_1100 = tpu.memref_slice %arg6[%dma_wait3A_1093, %dma_wait3A_1099] : memref<8x40xi32, #tpu.memory_space<vmem>> -> memref<1x20xi32, #tpu.memory_space<vmem>>
    %dma_wait3A_1101 = tpu.memref_squeeze %dma_wait3A_1100 : memref<1x20xi32, #tpu.memory_space<vmem>> -> memref<20xi32, #tpu.memory_space<vmem>>
    %dma_wait3A_1102 = arith.constant 0 : i32
    %dma_wait3A_1103 = arith.constant 0 : i32
    %dma_wait3A_1104 = tpu.memref_slice %arg2[%dma_wait3A_1102, %dma_wait3A_1103] : memref<80000x128xf32, #tpu.memory_space<hbm>> -> memref<80000x128xf32, #tpu.memory_space<hbm>>
    tpu.wait_indirect_dma semaphore(%arg19 : memref<!tpu.dma_semaphore, #tpu.memory_space<semaphore_mem>>) src(%dma_wait3A_1104 : memref<80000x128xf32, #tpu.memory_space<hbm>>) dst(%dma_wait3A_1098 : memref<20x128xf32, #tpu.memory_space<vmem>>)
    %dma_wait3A_1105 = arith.constant 0 : i32
    %dma_wait3A_1106 = arith.constant 0 : i32
    %dma_wait3A_1107 = arith.constant 20 : i32
    %dma_wait3A_1108 = arith.constant 0 : i32
    %dma_wait3A_1109 = tpu.memref_slice %arg8[%dma_wait3A_1106, %dma_wait3A_1107, %dma_wait3A_1108] : memref<8x40x128xf32, #tpu.memory_space<vmem>> -> memref<1x20x128xf32, #tpu.memory_space<vmem>>
    %dma_wait3A_1110 = tpu.memref_squeeze %dma_wait3A_1109 : memref<1x20x128xf32, #tpu.memory_space<vmem>> -> memref<20x128xf32, #tpu.memory_space<vmem>>
    %dma_wait3A_1111 = arith.constant 20 : i32
    %dma_wait3A_1112 = tpu.memref_slice %arg6[%dma_wait3A_1105, %dma_wait3A_1111] : memref<8x40xi32, #tpu.memory_space<vmem>> -> memref<1x20xi32, #tpu.memory_space<vmem>>
    %dma_wait3A_1113 = tpu.memref_squeeze %dma_wait3A_1112 : memref<1x20xi32, #tpu.memory_space<vmem>> -> memref<20xi32, #tpu.memory_space<vmem>>
    %dma_wait3A_1114 = arith.constant 0 : i32
    %dma_wait3A_1115 = arith.constant 0 : i32
    %dma_wait3A_1116 = tpu.memref_slice %arg2[%dma_wait3A_1114, %dma_wait3A_1115] : memref<80000x128xf32, #tpu.memory_space<hbm>> -> memref<80000x128xf32, #tpu.memory_space<hbm>>
    tpu.wait_indirect_dma semaphore(%arg19 : memref<!tpu.dma_semaphore, #tpu.memory_space<semaphore_mem>>) src(%dma_wait3A_1116 : memref<80000x128xf32, #tpu.memory_space<hbm>>) dst(%dma_wait3A_1110 : memref<20x128xf32, #tpu.memory_space<vmem>>)
    %dma_start3A_1117 = arith.constant 0 : i32
    %dma_start3A_1118 = arith.constant 0 : i32
    %dma_start3A_1119 = arith.constant 0 : i32
    %dma_start3A_1120 = arith.constant 0 : i32
    %dma_start3A_1121 = tpu.memref_slice %arg8[%dma_start3A_1117, %dma_start3A_1119, %dma_start3A_1120] : memref<8x40x128xf32, #tpu.memory_space<vmem>> -> memref<1x40x128xf32, #tpu.memory_space<vmem>>
    %dma_start3A_1122 = tpu.memref_squeeze %dma_start3A_1121 : memref<1x40x128xf32, #tpu.memory_space<vmem>> -> memref<40x128xf32, #tpu.memory_space<vmem>>
    %dma_start3A_1123 = arith.constant 0 : i32
    %dma_start3A_1124 = tpu.memref_slice %arg7[%dma_start3A_1118, %dma_start3A_1123] : memref<8x40xi32, #tpu.memory_space<vmem>> -> memref<1x40xi32, #tpu.memory_space<vmem>>
    %dma_start3A_1125 = tpu.memref_squeeze %dma_start3A_1124 : memref<1x40xi32, #tpu.memory_space<vmem>> -> memref<40xi32, #tpu.memory_space<vmem>>
    %dma_start3A_1126 = arith.constant 0 : i32
    %dma_start3A_1127 = arith.constant 0 : i32
    %dma_start3A_1128 = tpu.memref_slice %arg10[%dma_start3A_1126, %dma_start3A_1127] : memref<10112x128xf32, #tpu.memory_space<vmem_shared>> -> memref<10112x128xf32, #tpu.memory_space<vmem_shared>>
    tpu.enqueue_indirect_dma source(%dma_start3A_1122 : memref<40x128xf32, #tpu.memory_space<vmem>>) target(%dma_start3A_1128 : memref<10112x128xf32, #tpu.memory_space<vmem_shared>>) offsets(%dma_start3A_1125 : memref<40xi32, #tpu.memory_space<vmem>>) semaphore(%arg27 : memref<!tpu.dma_semaphore, #tpu.memory_space<semaphore_mem>>) {add = true}
    %dma_start3A_1129 = arith.constant 248 : i32
    %dma_start3A_1130 = arith.constant 0 : i32
    %dma_start3A_1131 = arith.constant 0 : i32
    %dma_start3A_1132 = arith.constant 0 : i32
    %dma_start3A_1133 = tpu.memref_slice %arg5[%dma_start3A_1130, %dma_start3A_1131, %dma_start3A_1132] : memref<8x1x40xi32, #tpu.memory_space<vmem>> -> memref<1x1x40xi32, #tpu.memory_space<vmem>>
    %dma_start3A_1134 = tpu.memref_squeeze %dma_start3A_1133 : memref<1x1x40xi32, #tpu.memory_space<vmem>> -> memref<1x40xi32, #tpu.memory_space<vmem>>
    %dma_start3A_1135 = arith.constant 0 : i32
    %dma_start3A_1136 = arith.constant 0 : i32
    %dma_start3A_1137 = tpu.memref_slice %arg3[%add3A, %dma_start3A_1129, %dma_start3A_1135, %dma_start3A_1136] : memref<32x250x1x40xi32, #tpu.memory_space<hbm>> -> memref<1x1x1x40xi32, #tpu.memory_space<hbm>>
    %dma_start3A_1138 = tpu.memref_squeeze %dma_start3A_1137 : memref<1x1x1x40xi32, #tpu.memory_space<hbm>> -> memref<1x40xi32, #tpu.memory_space<hbm>>
    %dma_start3A_1139 = arith.constant 0 : i32
    %dma_start3A_1140 = arith.constant 0 : i32
    %dma_start3A_1141 = tpu.memref_slice %arg5[%dma_start3A_1130, %dma_start3A_1139, %dma_start3A_1140] : memref<8x1x40xi32, #tpu.memory_space<vmem>> -> memref<1x1x40xi32, #tpu.memory_space<vmem>>
    %dma_start3A_1142 = tpu.memref_squeeze %dma_start3A_1141 : memref<1x1x40xi32, #tpu.memory_space<vmem>> -> memref<1x40xi32, #tpu.memory_space<vmem>>
    %dma_start3A_1143 = arith.constant 0 : i32
    %dma_start3A_1144 = arith.constant 0 : i32
    %dma_start3A_1145 = tpu.memref_slice %arg3[%add3A, %dma_start3A_1129, %dma_start3A_1143, %dma_start3A_1144] : memref<32x250x1x40xi32, #tpu.memory_space<hbm>> -> memref<1x1x1x40xi32, #tpu.memory_space<hbm>>
    %dma_start3A_1146 = tpu.memref_squeeze %dma_start3A_1145 : memref<1x1x1x40xi32, #tpu.memory_space<hbm>> -> memref<1x40xi32, #tpu.memory_space<hbm>>
    tpu.enqueue_dma source(%dma_start3A_1146 : memref<1x40xi32, #tpu.memory_space<hbm>>) target(%dma_start3A_1142 : memref<1x40xi32, #tpu.memory_space<vmem>>) target_semaphore(%arg11 : memref<!tpu.dma_semaphore, #tpu.memory_space<semaphore_mem>>)
    %dma_wait3A_1147 = arith.constant 1 : i32
    %dma_wait3A_1148 = arith.constant 1 : i32
    %dma_wait3A_1149 = arith.constant 0 : i32
    %dma_wait3A_1150 = arith.constant 0 : i32
    %dma_wait3A_1151 = tpu.memref_slice %arg8[%dma_wait3A_1148, %dma_wait3A_1149, %dma_wait3A_1150] : memref<8x40x128xf32, #tpu.memory_space<vmem>> -> memref<1x20x128xf32, #tpu.memory_space<vmem>>
    %dma_wait3A_1152 = tpu.memref_squeeze %dma_wait3A_1151 : memref<1x20x128xf32, #tpu.memory_space<vmem>> -> memref<20x128xf32, #tpu.memory_space<vmem>>
    %dma_wait3A_1153 = arith.constant 0 : i32
    %dma_wait3A_1154 = tpu.memref_slice %arg6[%dma_wait3A_1147, %dma_wait3A_1153] : memref<8x40xi32, #tpu.memory_space<vmem>> -> memref<1x20xi32, #tpu.memory_space<vmem>>
    %dma_wait3A_1155 = tpu.memref_squeeze %dma_wait3A_1154 : memref<1x20xi32, #tpu.memory_space<vmem>> -> memref<20xi32, #tpu.memory_space<vmem>>
    %dma_wait3A_1156 = arith.constant 0 : i32
    %dma_wait3A_1157 = arith.constant 0 : i32
    %dma_wait3A_1158 = tpu.memref_slice %arg2[%dma_wait3A_1156, %dma_wait3A_1157] : memref<80000x128xf32, #tpu.memory_space<hbm>> -> memref<80000x128xf32, #tpu.memory_space<hbm>>
    tpu.wait_indirect_dma semaphore(%arg20 : memref<!tpu.dma_semaphore, #tpu.memory_space<semaphore_mem>>) src(%dma_wait3A_1158 : memref<80000x128xf32, #tpu.memory_space<hbm>>) dst(%dma_wait3A_1152 : memref<20x128xf32, #tpu.memory_space<vmem>>)
    %dma_wait3A_1159 = arith.constant 1 : i32
    %dma_wait3A_1160 = arith.constant 1 : i32
    %dma_wait3A_1161 = arith.constant 20 : i32
    %dma_wait3A_1162 = arith.constant 0 : i32
    %dma_wait3A_1163 = tpu.memref_slice %arg8[%dma_wait3A_1160, %dma_wait3A_1161, %dma_wait3A_1162] : memref<8x40x128xf32, #tpu.memory_space<vmem>> -> memref<1x20x128xf32, #tpu.memory_space<vmem>>
    %dma_wait3A_1164 = tpu.memref_squeeze %dma_wait3A_1163 : memref<1x20x128xf32, #tpu.memory_space<vmem>> -> memref<20x128xf32, #tpu.memory_space<vmem>>
    %dma_wait3A_1165 = arith.constant 20 : i32
    %dma_wait3A_1166 = tpu.memref_slice %arg6[%dma_wait3A_1159, %dma_wait3A_1165] : memref<8x40xi32, #tpu.memory_space<vmem>> -> memref<1x20xi32, #tpu.memory_space<vmem>>
    %dma_wait3A_1167 = tpu.memref_squeeze %dma_wait3A_1166 : memref<1x20xi32, #tpu.memory_space<vmem>> -> memref<20xi32, #tpu.memory_space<vmem>>
    %dma_wait3A_1168 = arith.constant 0 : i32
    %dma_wait3A_1169 = arith.constant 0 : i32
    %dma_wait3A_1170 = tpu.memref_slice %arg2[%dma_wait3A_1168, %dma_wait3A_1169] : memref<80000x128xf32, #tpu.memory_space<hbm>> -> memref<80000x128xf32, #tpu.memory_space<hbm>>
    tpu.wait_indirect_dma semaphore(%arg20 : memref<!tpu.dma_semaphore, #tpu.memory_space<semaphore_mem>>) src(%dma_wait3A_1170 : memref<80000x128xf32, #tpu.memory_space<hbm>>) dst(%dma_wait3A_1164 : memref<20x128xf32, #tpu.memory_space<vmem>>)
    %dma_start3A_1171 = arith.constant 1 : i32
    %dma_start3A_1172 = arith.constant 1 : i32
    %dma_start3A_1173 = arith.constant 0 : i32
    %dma_start3A_1174 = arith.constant 0 : i32
    %dma_start3A_1175 = tpu.memref_slice %arg8[%dma_start3A_1171, %dma_start3A_1173, %dma_start3A_1174] : memref<8x40x128xf32, #tpu.memory_space<vmem>> -> memref<1x40x128xf32, #tpu.memory_space<vmem>>
    %dma_start3A_1176 = tpu.memref_squeeze %dma_start3A_1175 : memref<1x40x128xf32, #tpu.memory_space<vmem>> -> memref<40x128xf32, #tpu.memory_space<vmem>>
    %dma_start3A_1177 = arith.constant 0 : i32
    %dma_start3A_1178 = tpu.memref_slice %arg7[%dma_start3A_1172, %dma_start3A_1177] : memref<8x40xi32, #tpu.memory_space<vmem>> -> memref<1x40xi32, #tpu.memory_space<vmem>>
    %dma_start3A_1179 = tpu.memref_squeeze %dma_start3A_1178 : memref<1x40xi32, #tpu.memory_space<vmem>> -> memref<40xi32, #tpu.memory_space<vmem>>
    %dma_start3A_1180 = arith.constant 0 : i32
    %dma_start3A_1181 = arith.constant 0 : i32
    %dma_start3A_1182 = tpu.memref_slice %arg10[%dma_start3A_1180, %dma_start3A_1181] : memref<10112x128xf32, #tpu.memory_space<vmem_shared>> -> memref<10112x128xf32, #tpu.memory_space<vmem_shared>>
    tpu.enqueue_indirect_dma source(%dma_start3A_1176 : memref<40x128xf32, #tpu.memory_space<vmem>>) target(%dma_start3A_1182 : memref<10112x128xf32, #tpu.memory_space<vmem_shared>>) offsets(%dma_start3A_1179 : memref<40xi32, #tpu.memory_space<vmem>>) semaphore(%arg28 : memref<!tpu.dma_semaphore, #tpu.memory_space<semaphore_mem>>) {add = true}
    %dma_start3A_1183 = arith.constant 249 : i32
    %dma_start3A_1184 = arith.constant 1 : i32
    %dma_start3A_1185 = arith.constant 0 : i32
    %dma_start3A_1186 = arith.constant 0 : i32
    %dma_start3A_1187 = tpu.memref_slice %arg5[%dma_start3A_1184, %dma_start3A_1185, %dma_start3A_1186] : memref<8x1x40xi32, #tpu.memory_space<vmem>> -> memref<1x1x40xi32, #tpu.memory_space<vmem>>
    %dma_start3A_1188 = tpu.memref_squeeze %dma_start3A_1187 : memref<1x1x40xi32, #tpu.memory_space<vmem>> -> memref<1x40xi32, #tpu.memory_space<vmem>>
    %dma_start3A_1189 = arith.constant 0 : i32
    %dma_start3A_1190 = arith.constant 0 : i32
    %dma_start3A_1191 = tpu.memref_slice %arg3[%add3A, %dma_start3A_1183, %dma_start3A_1189, %dma_start3A_1190] : memref<32x250x1x40xi32, #tpu.memory_space<hbm>> -> memref<1x1x1x40xi32, #tpu.memory_space<hbm>>
    %dma_start3A_1192 = tpu.memref_squeeze %dma_start3A_1191 : memref<1x1x1x40xi32, #tpu.memory_space<hbm>> -> memref<1x40xi32, #tpu.memory_space<hbm>>
    %dma_start3A_1193 = arith.constant 0 : i32
    %dma_start3A_1194 = arith.constant 0 : i32
    %dma_start3A_1195 = tpu.memref_slice %arg5[%dma_start3A_1184, %dma_start3A_1193, %dma_start3A_1194] : memref<8x1x40xi32, #tpu.memory_space<vmem>> -> memref<1x1x40xi32, #tpu.memory_space<vmem>>
    %dma_start3A_1196 = tpu.memref_squeeze %dma_start3A_1195 : memref<1x1x40xi32, #tpu.memory_space<vmem>> -> memref<1x40xi32, #tpu.memory_space<vmem>>
    %dma_start3A_1197 = arith.constant 0 : i32
    %dma_start3A_1198 = arith.constant 0 : i32
    %dma_start3A_1199 = tpu.memref_slice %arg3[%add3A, %dma_start3A_1183, %dma_start3A_1197, %dma_start3A_1198] : memref<32x250x1x40xi32, #tpu.memory_space<hbm>> -> memref<1x1x1x40xi32, #tpu.memory_space<hbm>>
    %dma_start3A_1200 = tpu.memref_squeeze %dma_start3A_1199 : memref<1x1x1x40xi32, #tpu.memory_space<hbm>> -> memref<1x40xi32, #tpu.memory_space<hbm>>
    tpu.enqueue_dma source(%dma_start3A_1200 : memref<1x40xi32, #tpu.memory_space<hbm>>) target(%dma_start3A_1196 : memref<1x40xi32, #tpu.memory_space<vmem>>) target_semaphore(%arg12 : memref<!tpu.dma_semaphore, #tpu.memory_space<semaphore_mem>>)
    %dma_wait3A_1201 = arith.constant 2 : i32
    %dma_wait3A_1202 = arith.constant 2 : i32
    %dma_wait3A_1203 = arith.constant 0 : i32
    %dma_wait3A_1204 = arith.constant 0 : i32
    %dma_wait3A_1205 = tpu.memref_slice %arg8[%dma_wait3A_1202, %dma_wait3A_1203, %dma_wait3A_1204] : memref<8x40x128xf32, #tpu.memory_space<vmem>> -> memref<1x20x128xf32, #tpu.memory_space<vmem>>
    %dma_wait3A_1206 = tpu.memref_squeeze %dma_wait3A_1205 : memref<1x20x128xf32, #tpu.memory_space<vmem>> -> memref<20x128xf32, #tpu.memory_space<vmem>>
    %dma_wait3A_1207 = arith.constant 0 : i32
    %dma_wait3A_1208 = tpu.memref_slice %arg6[%dma_wait3A_1201, %dma_wait3A_1207] : memref<8x40xi32, #tpu.memory_space<vmem>> -> memref<1x20xi32, #tpu.memory_space<vmem>>
    %dma_wait3A_1209 = tpu.memref_squeeze %dma_wait3A_1208 : memref<1x20xi32, #tpu.memory_space<vmem>> -> memref<20xi32, #tpu.memory_space<vmem>>
    %dma_wait3A_1210 = arith.constant 0 : i32
    %dma_wait3A_1211 = arith.constant 0 : i32
    %dma_wait3A_1212 = tpu.memref_slice %arg2[%dma_wait3A_1210, %dma_wait3A_1211] : memref<80000x128xf32, #tpu.memory_space<hbm>> -> memref<80000x128xf32, #tpu.memory_space<hbm>>
    tpu.wait_indirect_dma semaphore(%arg21 : memref<!tpu.dma_semaphore, #tpu.memory_space<semaphore_mem>>) src(%dma_wait3A_1212 : memref<80000x128xf32, #tpu.memory_space<hbm>>) dst(%dma_wait3A_1206 : memref<20x128xf32, #tpu.memory_space<vmem>>)
    %dma_wait3A_1213 = arith.constant 2 : i32
    %dma_wait3A_1214 = arith.constant 2 : i32
    %dma_wait3A_1215 = arith.constant 20 : i32
    %dma_wait3A_1216 = arith.constant 0 : i32
    %dma_wait3A_1217 = tpu.memref_slice %arg8[%dma_wait3A_1214, %dma_wait3A_1215, %dma_wait3A_1216] : memref<8x40x128xf32, #tpu.memory_space<vmem>> -> memref<1x20x128xf32, #tpu.memory_space<vmem>>
    %dma_wait3A_1218 = tpu.memref_squeeze %dma_wait3A_1217 : memref<1x20x128xf32, #tpu.memory_space<vmem>> -> memref<20x128xf32, #tpu.memory_space<vmem>>
    %dma_wait3A_1219 = arith.constant 20 : i32
    %dma_wait3A_1220 = tpu.memref_slice %arg6[%dma_wait3A_1213, %dma_wait3A_1219] : memref<8x40xi32, #tpu.memory_space<vmem>> -> memref<1x20xi32, #tpu.memory_space<vmem>>
    %dma_wait3A_1221 = tpu.memref_squeeze %dma_wait3A_1220 : memref<1x20xi32, #tpu.memory_space<vmem>> -> memref<20xi32, #tpu.memory_space<vmem>>
    %dma_wait3A_1222 = arith.constant 0 : i32
    %dma_wait3A_1223 = arith.constant 0 : i32
    %dma_wait3A_1224 = tpu.memref_slice %arg2[%dma_wait3A_1222, %dma_wait3A_1223] : memref<80000x128xf32, #tpu.memory_space<hbm>> -> memref<80000x128xf32, #tpu.memory_space<hbm>>
    tpu.wait_indirect_dma semaphore(%arg21 : memref<!tpu.dma_semaphore, #tpu.memory_space<semaphore_mem>>) src(%dma_wait3A_1224 : memref<80000x128xf32, #tpu.memory_space<hbm>>) dst(%dma_wait3A_1218 : memref<20x128xf32, #tpu.memory_space<vmem>>)
    %dma_start3A_1225 = arith.constant 2 : i32
    %dma_start3A_1226 = arith.constant 2 : i32
    %dma_start3A_1227 = arith.constant 0 : i32
    %dma_start3A_1228 = arith.constant 0 : i32
    %dma_start3A_1229 = tpu.memref_slice %arg8[%dma_start3A_1225, %dma_start3A_1227, %dma_start3A_1228] : memref<8x40x128xf32, #tpu.memory_space<vmem>> -> memref<1x40x128xf32, #tpu.memory_space<vmem>>
    %dma_start3A_1230 = tpu.memref_squeeze %dma_start3A_1229 : memref<1x40x128xf32, #tpu.memory_space<vmem>> -> memref<40x128xf32, #tpu.memory_space<vmem>>
    %dma_start3A_1231 = arith.constant 0 : i32
    %dma_start3A_1232 = tpu.memref_slice %arg7[%dma_start3A_1226, %dma_start3A_1231] : memref<8x40xi32, #tpu.memory_space<vmem>> -> memref<1x40xi32, #tpu.memory_space<vmem>>
    %dma_start3A_1233 = tpu.memref_squeeze %dma_start3A_1232 : memref<1x40xi32, #tpu.memory_space<vmem>> -> memref<40xi32, #tpu.memory_space<vmem>>
    %dma_start3A_1234 = arith.constant 0 : i32
    %dma_start3A_1235 = arith.constant 0 : i32
    %dma_start3A_1236 = tpu.memref_slice %arg10[%dma_start3A_1234, %dma_start3A_1235] : memref<10112x128xf32, #tpu.memory_space<vmem_shared>> -> memref<10112x128xf32, #tpu.memory_space<vmem_shared>>
    tpu.enqueue_indirect_dma source(%dma_start3A_1230 : memref<40x128xf32, #tpu.memory_space<vmem>>) target(%dma_start3A_1236 : memref<10112x128xf32, #tpu.memory_space<vmem_shared>>) offsets(%dma_start3A_1233 : memref<40xi32, #tpu.memory_space<vmem>>) semaphore(%arg29 : memref<!tpu.dma_semaphore, #tpu.memory_space<semaphore_mem>>) {add = true}
    %dma_wait3A_1237 = arith.constant 3 : i32
    %dma_wait3A_1238 = arith.constant 3 : i32
    %dma_wait3A_1239 = arith.constant 0 : i32
    %dma_wait3A_1240 = arith.constant 0 : i32
    %dma_wait3A_1241 = tpu.memref_slice %arg8[%dma_wait3A_1238, %dma_wait3A_1239, %dma_wait3A_1240] : memref<8x40x128xf32, #tpu.memory_space<vmem>> -> memref<1x20x128xf32, #tpu.memory_space<vmem>>
    %dma_wait3A_1242 = tpu.memref_squeeze %dma_wait3A_1241 : memref<1x20x128xf32, #tpu.memory_space<vmem>> -> memref<20x128xf32, #tpu.memory_space<vmem>>
    %dma_wait3A_1243 = arith.constant 0 : i32
    %dma_wait3A_1244 = tpu.memref_slice %arg6[%dma_wait3A_1237, %dma_wait3A_1243] : memref<8x40xi32, #tpu.memory_space<vmem>> -> memref<1x20xi32, #tpu.memory_space<vmem>>
    %dma_wait3A_1245 = tpu.memref_squeeze %dma_wait3A_1244 : memref<1x20xi32, #tpu.memory_space<vmem>> -> memref<20xi32, #tpu.memory_space<vmem>>
    %dma_wait3A_1246 = arith.constant 0 : i32
    %dma_wait3A_1247 = arith.constant 0 : i32
    %dma_wait3A_1248 = tpu.memref_slice %arg2[%dma_wait3A_1246, %dma_wait3A_1247] : memref<80000x128xf32, #tpu.memory_space<hbm>> -> memref<80000x128xf32, #tpu.memory_space<hbm>>
    tpu.wait_indirect_dma semaphore(%arg22 : memref<!tpu.dma_semaphore, #tpu.memory_space<semaphore_mem>>) src(%dma_wait3A_1248 : memref<80000x128xf32, #tpu.memory_space<hbm>>) dst(%dma_wait3A_1242 : memref<20x128xf32, #tpu.memory_space<vmem>>)
    %dma_wait3A_1249 = arith.constant 3 : i32
    %dma_wait3A_1250 = arith.constant 3 : i32
    %dma_wait3A_1251 = arith.constant 20 : i32
    %dma_wait3A_1252 = arith.constant 0 : i32
    %dma_wait3A_1253 = tpu.memref_slice %arg8[%dma_wait3A_1250, %dma_wait3A_1251, %dma_wait3A_1252] : memref<8x40x128xf32, #tpu.memory_space<vmem>> -> memref<1x20x128xf32, #tpu.memory_space<vmem>>
    %dma_wait3A_1254 = tpu.memref_squeeze %dma_wait3A_1253 : memref<1x20x128xf32, #tpu.memory_space<vmem>> -> memref<20x128xf32, #tpu.memory_space<vmem>>
    %dma_wait3A_1255 = arith.constant 20 : i32
    %dma_wait3A_1256 = tpu.memref_slice %arg6[%dma_wait3A_1249, %dma_wait3A_1255] : memref<8x40xi32, #tpu.memory_space<vmem>> -> memref<1x20xi32, #tpu.memory_space<vmem>>
    %dma_wait3A_1257 = tpu.memref_squeeze %dma_wait3A_1256 : memref<1x20xi32, #tpu.memory_space<vmem>> -> memref<20xi32, #tpu.memory_space<vmem>>
    %dma_wait3A_1258 = arith.constant 0 : i32
    %dma_wait3A_1259 = arith.constant 0 : i32
    %dma_wait3A_1260 = tpu.memref_slice %arg2[%dma_wait3A_1258, %dma_wait3A_1259] : memref<80000x128xf32, #tpu.memory_space<hbm>> -> memref<80000x128xf32, #tpu.memory_space<hbm>>
    tpu.wait_indirect_dma semaphore(%arg22 : memref<!tpu.dma_semaphore, #tpu.memory_space<semaphore_mem>>) src(%dma_wait3A_1260 : memref<80000x128xf32, #tpu.memory_space<hbm>>) dst(%dma_wait3A_1254 : memref<20x128xf32, #tpu.memory_space<vmem>>)
    %dma_start3A_1261 = arith.constant 3 : i32
    %dma_start3A_1262 = arith.constant 3 : i32
    %dma_start3A_1263 = arith.constant 0 : i32
    %dma_start3A_1264 = arith.constant 0 : i32
    %dma_start3A_1265 = tpu.memref_slice %arg8[%dma_start3A_1261, %dma_start3A_1263, %dma_start3A_1264] : memref<8x40x128xf32, #tpu.memory_space<vmem>> -> memref<1x40x128xf32, #tpu.memory_space<vmem>>
    %dma_start3A_1266 = tpu.memref_squeeze %dma_start3A_1265 : memref<1x40x128xf32, #tpu.memory_space<vmem>> -> memref<40x128xf32, #tpu.memory_space<vmem>>
    %dma_start3A_1267 = arith.constant 0 : i32
    %dma_start3A_1268 = tpu.memref_slice %arg7[%dma_start3A_1262, %dma_start3A_1267] : memref<8x40xi32, #tpu.memory_space<vmem>> -> memref<1x40xi32, #tpu.memory_space<vmem>>
    %dma_start3A_1269 = tpu.memref_squeeze %dma_start3A_1268 : memref<1x40xi32, #tpu.memory_space<vmem>> -> memref<40xi32, #tpu.memory_space<vmem>>
    %dma_start3A_1270 = arith.constant 0 : i32
    %dma_start3A_1271 = arith.constant 0 : i32
    %dma_start3A_1272 = tpu.memref_slice %arg10[%dma_start3A_1270, %dma_start3A_1271] : memref<10112x128xf32, #tpu.memory_space<vmem_shared>> -> memref<10112x128xf32, #tpu.memory_space<vmem_shared>>
    tpu.enqueue_indirect_dma source(%dma_start3A_1266 : memref<40x128xf32, #tpu.memory_space<vmem>>) target(%dma_start3A_1272 : memref<10112x128xf32, #tpu.memory_space<vmem_shared>>) offsets(%dma_start3A_1269 : memref<40xi32, #tpu.memory_space<vmem>>) semaphore(%arg30 : memref<!tpu.dma_semaphore, #tpu.memory_space<semaphore_mem>>) {add = true}
    %dma_wait3A_1273 = arith.constant 4 : i32
    %dma_wait3A_1274 = arith.constant 4 : i32
    %dma_wait3A_1275 = arith.constant 0 : i32
    %dma_wait3A_1276 = arith.constant 0 : i32
    %dma_wait3A_1277 = tpu.memref_slice %arg8[%dma_wait3A_1274, %dma_wait3A_1275, %dma_wait3A_1276] : memref<8x40x128xf32, #tpu.memory_space<vmem>> -> memref<1x20x128xf32, #tpu.memory_space<vmem>>
    %dma_wait3A_1278 = tpu.memref_squeeze %dma_wait3A_1277 : memref<1x20x128xf32, #tpu.memory_space<vmem>> -> memref<20x128xf32, #tpu.memory_space<vmem>>
    %dma_wait3A_1279 = arith.constant 0 : i32
    %dma_wait3A_1280 = tpu.memref_slice %arg6[%dma_wait3A_1273, %dma_wait3A_1279] : memref<8x40xi32, #tpu.memory_space<vmem>> -> memref<1x20xi32, #tpu.memory_space<vmem>>
    %dma_wait3A_1281 = tpu.memref_squeeze %dma_wait3A_1280 : memref<1x20xi32, #tpu.memory_space<vmem>> -> memref<20xi32, #tpu.memory_space<vmem>>
    %dma_wait3A_1282 = arith.constant 0 : i32
    %dma_wait3A_1283 = arith.constant 0 : i32
    %dma_wait3A_1284 = tpu.memref_slice %arg2[%dma_wait3A_1282, %dma_wait3A_1283] : memref<80000x128xf32, #tpu.memory_space<hbm>> -> memref<80000x128xf32, #tpu.memory_space<hbm>>
    tpu.wait_indirect_dma semaphore(%arg23 : memref<!tpu.dma_semaphore, #tpu.memory_space<semaphore_mem>>) src(%dma_wait3A_1284 : memref<80000x128xf32, #tpu.memory_space<hbm>>) dst(%dma_wait3A_1278 : memref<20x128xf32, #tpu.memory_space<vmem>>)
    %dma_wait3A_1285 = arith.constant 4 : i32
    %dma_wait3A_1286 = arith.constant 4 : i32
    %dma_wait3A_1287 = arith.constant 20 : i32
    %dma_wait3A_1288 = arith.constant 0 : i32
    %dma_wait3A_1289 = tpu.memref_slice %arg8[%dma_wait3A_1286, %dma_wait3A_1287, %dma_wait3A_1288] : memref<8x40x128xf32, #tpu.memory_space<vmem>> -> memref<1x20x128xf32, #tpu.memory_space<vmem>>
    %dma_wait3A_1290 = tpu.memref_squeeze %dma_wait3A_1289 : memref<1x20x128xf32, #tpu.memory_space<vmem>> -> memref<20x128xf32, #tpu.memory_space<vmem>>
    %dma_wait3A_1291 = arith.constant 20 : i32
    %dma_wait3A_1292 = tpu.memref_slice %arg6[%dma_wait3A_1285, %dma_wait3A_1291] : memref<8x40xi32, #tpu.memory_space<vmem>> -> memref<1x20xi32, #tpu.memory_space<vmem>>
    %dma_wait3A_1293 = tpu.memref_squeeze %dma_wait3A_1292 : memref<1x20xi32, #tpu.memory_space<vmem>> -> memref<20xi32, #tpu.memory_space<vmem>>
    %dma_wait3A_1294 = arith.constant 0 : i32
    %dma_wait3A_1295 = arith.constant 0 : i32
    %dma_wait3A_1296 = tpu.memref_slice %arg2[%dma_wait3A_1294, %dma_wait3A_1295] : memref<80000x128xf32, #tpu.memory_space<hbm>> -> memref<80000x128xf32, #tpu.memory_space<hbm>>
    tpu.wait_indirect_dma semaphore(%arg23 : memref<!tpu.dma_semaphore, #tpu.memory_space<semaphore_mem>>) src(%dma_wait3A_1296 : memref<80000x128xf32, #tpu.memory_space<hbm>>) dst(%dma_wait3A_1290 : memref<20x128xf32, #tpu.memory_space<vmem>>)
    %dma_start3A_1297 = arith.constant 4 : i32
    %dma_start3A_1298 = arith.constant 4 : i32
    %dma_start3A_1299 = arith.constant 0 : i32
    %dma_start3A_1300 = arith.constant 0 : i32
    %dma_start3A_1301 = tpu.memref_slice %arg8[%dma_start3A_1297, %dma_start3A_1299, %dma_start3A_1300] : memref<8x40x128xf32, #tpu.memory_space<vmem>> -> memref<1x40x128xf32, #tpu.memory_space<vmem>>
    %dma_start3A_1302 = tpu.memref_squeeze %dma_start3A_1301 : memref<1x40x128xf32, #tpu.memory_space<vmem>> -> memref<40x128xf32, #tpu.memory_space<vmem>>
    %dma_start3A_1303 = arith.constant 0 : i32
    %dma_start3A_1304 = tpu.memref_slice %arg7[%dma_start3A_1298, %dma_start3A_1303] : memref<8x40xi32, #tpu.memory_space<vmem>> -> memref<1x40xi32, #tpu.memory_space<vmem>>
    %dma_start3A_1305 = tpu.memref_squeeze %dma_start3A_1304 : memref<1x40xi32, #tpu.memory_space<vmem>> -> memref<40xi32, #tpu.memory_space<vmem>>
    %dma_start3A_1306 = arith.constant 0 : i32
    %dma_start3A_1307 = arith.constant 0 : i32
    %dma_start3A_1308 = tpu.memref_slice %arg10[%dma_start3A_1306, %dma_start3A_1307] : memref<10112x128xf32, #tpu.memory_space<vmem_shared>> -> memref<10112x128xf32, #tpu.memory_space<vmem_shared>>
    tpu.enqueue_indirect_dma source(%dma_start3A_1302 : memref<40x128xf32, #tpu.memory_space<vmem>>) target(%dma_start3A_1308 : memref<10112x128xf32, #tpu.memory_space<vmem_shared>>) offsets(%dma_start3A_1305 : memref<40xi32, #tpu.memory_space<vmem>>) semaphore(%arg31 : memref<!tpu.dma_semaphore, #tpu.memory_space<semaphore_mem>>) {add = true}
    %dma_wait3A_1309 = arith.constant 5 : i32
    %dma_wait3A_1310 = arith.constant 5 : i32
    %dma_wait3A_1311 = arith.constant 0 : i32
    %dma_wait3A_1312 = arith.constant 0 : i32
    %dma_wait3A_1313 = tpu.memref_slice %arg8[%dma_wait3A_1310, %dma_wait3A_1311, %dma_wait3A_1312] : memref<8x40x128xf32, #tpu.memory_space<vmem>> -> memref<1x20x128xf32, #tpu.memory_space<vmem>>
    %dma_wait3A_1314 = tpu.memref_squeeze %dma_wait3A_1313 : memref<1x20x128xf32, #tpu.memory_space<vmem>> -> memref<20x128xf32, #tpu.memory_space<vmem>>
    %dma_wait3A_1315 = arith.constant 0 : i32
    %dma_wait3A_1316 = tpu.memref_slice %arg6[%dma_wait3A_1309, %dma_wait3A_1315] : memref<8x40xi32, #tpu.memory_space<vmem>> -> memref<1x20xi32, #tpu.memory_space<vmem>>
    %dma_wait3A_1317 = tpu.memref_squeeze %dma_wait3A_1316 : memref<1x20xi32, #tpu.memory_space<vmem>> -> memref<20xi32, #tpu.memory_space<vmem>>
    %dma_wait3A_1318 = arith.constant 0 : i32
    %dma_wait3A_1319 = arith.constant 0 : i32
    %dma_wait3A_1320 = tpu.memref_slice %arg2[%dma_wait3A_1318, %dma_wait3A_1319] : memref<80000x128xf32, #tpu.memory_space<hbm>> -> memref<80000x128xf32, #tpu.memory_space<hbm>>
    tpu.wait_indirect_dma semaphore(%arg24 : memref<!tpu.dma_semaphore, #tpu.memory_space<semaphore_mem>>) src(%dma_wait3A_1320 : memref<80000x128xf32, #tpu.memory_space<hbm>>) dst(%dma_wait3A_1314 : memref<20x128xf32, #tpu.memory_space<vmem>>)
    %dma_wait3A_1321 = arith.constant 5 : i32
    %dma_wait3A_1322 = arith.constant 5 : i32
    %dma_wait3A_1323 = arith.constant 20 : i32
    %dma_wait3A_1324 = arith.constant 0 : i32
    %dma_wait3A_1325 = tpu.memref_slice %arg8[%dma_wait3A_1322, %dma_wait3A_1323, %dma_wait3A_1324] : memref<8x40x128xf32, #tpu.memory_space<vmem>> -> memref<1x20x128xf32, #tpu.memory_space<vmem>>
    %dma_wait3A_1326 = tpu.memref_squeeze %dma_wait3A_1325 : memref<1x20x128xf32, #tpu.memory_space<vmem>> -> memref<20x128xf32, #tpu.memory_space<vmem>>
    %dma_wait3A_1327 = arith.constant 20 : i32
    %dma_wait3A_1328 = tpu.memref_slice %arg6[%dma_wait3A_1321, %dma_wait3A_1327] : memref<8x40xi32, #tpu.memory_space<vmem>> -> memref<1x20xi32, #tpu.memory_space<vmem>>
    %dma_wait3A_1329 = tpu.memref_squeeze %dma_wait3A_1328 : memref<1x20xi32, #tpu.memory_space<vmem>> -> memref<20xi32, #tpu.memory_space<vmem>>
    %dma_wait3A_1330 = arith.constant 0 : i32
    %dma_wait3A_1331 = arith.constant 0 : i32
    %dma_wait3A_1332 = tpu.memref_slice %arg2[%dma_wait3A_1330, %dma_wait3A_1331] : memref<80000x128xf32, #tpu.memory_space<hbm>> -> memref<80000x128xf32, #tpu.memory_space<hbm>>
    tpu.wait_indirect_dma semaphore(%arg24 : memref<!tpu.dma_semaphore, #tpu.memory_space<semaphore_mem>>) src(%dma_wait3A_1332 : memref<80000x128xf32, #tpu.memory_space<hbm>>) dst(%dma_wait3A_1326 : memref<20x128xf32, #tpu.memory_space<vmem>>)
    %dma_start3A_1333 = arith.constant 5 : i32
    %dma_start3A_1334 = arith.constant 5 : i32
    %dma_start3A_1335 = arith.constant 0 : i32
    %dma_start3A_1336 = arith.constant 0 : i32
    %dma_start3A_1337 = tpu.memref_slice %arg8[%dma_start3A_1333, %dma_start3A_1335, %dma_start3A_1336] : memref<8x40x128xf32, #tpu.memory_space<vmem>> -> memref<1x40x128xf32, #tpu.memory_space<vmem>>
    %dma_start3A_1338 = tpu.memref_squeeze %dma_start3A_1337 : memref<1x40x128xf32, #tpu.memory_space<vmem>> -> memref<40x128xf32, #tpu.memory_space<vmem>>
    %dma_start3A_1339 = arith.constant 0 : i32
    %dma_start3A_1340 = tpu.memref_slice %arg7[%dma_start3A_1334, %dma_start3A_1339] : memref<8x40xi32, #tpu.memory_space<vmem>> -> memref<1x40xi32, #tpu.memory_space<vmem>>
    %dma_start3A_1341 = tpu.memref_squeeze %dma_start3A_1340 : memref<1x40xi32, #tpu.memory_space<vmem>> -> memref<40xi32, #tpu.memory_space<vmem>>
    %dma_start3A_1342 = arith.constant 0 : i32
    %dma_start3A_1343 = arith.constant 0 : i32
    %dma_start3A_1344 = tpu.memref_slice %arg10[%dma_start3A_1342, %dma_start3A_1343] : memref<10112x128xf32, #tpu.memory_space<vmem_shared>> -> memref<10112x128xf32, #tpu.memory_space<vmem_shared>>
    tpu.enqueue_indirect_dma source(%dma_start3A_1338 : memref<40x128xf32, #tpu.memory_space<vmem>>) target(%dma_start3A_1344 : memref<10112x128xf32, #tpu.memory_space<vmem_shared>>) offsets(%dma_start3A_1341 : memref<40xi32, #tpu.memory_space<vmem>>) semaphore(%arg32 : memref<!tpu.dma_semaphore, #tpu.memory_space<semaphore_mem>>) {add = true}
    %dma_wait3A_1345 = arith.constant 6 : i32
    %dma_wait3A_1346 = arith.constant 6 : i32
    %dma_wait3A_1347 = arith.constant 0 : i32
    %dma_wait3A_1348 = arith.constant 0 : i32
    %dma_wait3A_1349 = tpu.memref_slice %arg8[%dma_wait3A_1346, %dma_wait3A_1347, %dma_wait3A_1348] : memref<8x40x128xf32, #tpu.memory_space<vmem>> -> memref<1x20x128xf32, #tpu.memory_space<vmem>>
    %dma_wait3A_1350 = tpu.memref_squeeze %dma_wait3A_1349 : memref<1x20x128xf32, #tpu.memory_space<vmem>> -> memref<20x128xf32, #tpu.memory_space<vmem>>
    %dma_wait3A_1351 = arith.constant 0 : i32
    %dma_wait3A_1352 = tpu.memref_slice %arg6[%dma_wait3A_1345, %dma_wait3A_1351] : memref<8x40xi32, #tpu.memory_space<vmem>> -> memref<1x20xi32, #tpu.memory_space<vmem>>
    %dma_wait3A_1353 = tpu.memref_squeeze %dma_wait3A_1352 : memref<1x20xi32, #tpu.memory_space<vmem>> -> memref<20xi32, #tpu.memory_space<vmem>>
    %dma_wait3A_1354 = arith.constant 0 : i32
    %dma_wait3A_1355 = arith.constant 0 : i32
    %dma_wait3A_1356 = tpu.memref_slice %arg2[%dma_wait3A_1354, %dma_wait3A_1355] : memref<80000x128xf32, #tpu.memory_space<hbm>> -> memref<80000x128xf32, #tpu.memory_space<hbm>>
    tpu.wait_indirect_dma semaphore(%arg25 : memref<!tpu.dma_semaphore, #tpu.memory_space<semaphore_mem>>) src(%dma_wait3A_1356 : memref<80000x128xf32, #tpu.memory_space<hbm>>) dst(%dma_wait3A_1350 : memref<20x128xf32, #tpu.memory_space<vmem>>)
    %dma_wait3A_1357 = arith.constant 6 : i32
    %dma_wait3A_1358 = arith.constant 6 : i32
    %dma_wait3A_1359 = arith.constant 20 : i32
    %dma_wait3A_1360 = arith.constant 0 : i32
    %dma_wait3A_1361 = tpu.memref_slice %arg8[%dma_wait3A_1358, %dma_wait3A_1359, %dma_wait3A_1360] : memref<8x40x128xf32, #tpu.memory_space<vmem>> -> memref<1x20x128xf32, #tpu.memory_space<vmem>>
    %dma_wait3A_1362 = tpu.memref_squeeze %dma_wait3A_1361 : memref<1x20x128xf32, #tpu.memory_space<vmem>> -> memref<20x128xf32, #tpu.memory_space<vmem>>
    %dma_wait3A_1363 = arith.constant 20 : i32
    %dma_wait3A_1364 = tpu.memref_slice %arg6[%dma_wait3A_1357, %dma_wait3A_1363] : memref<8x40xi32, #tpu.memory_space<vmem>> -> memref<1x20xi32, #tpu.memory_space<vmem>>
    %dma_wait3A_1365 = tpu.memref_squeeze %dma_wait3A_1364 : memref<1x20xi32, #tpu.memory_space<vmem>> -> memref<20xi32, #tpu.memory_space<vmem>>
    %dma_wait3A_1366 = arith.constant 0 : i32
    %dma_wait3A_1367 = arith.constant 0 : i32
    %dma_wait3A_1368 = tpu.memref_slice %arg2[%dma_wait3A_1366, %dma_wait3A_1367] : memref<80000x128xf32, #tpu.memory_space<hbm>> -> memref<80000x128xf32, #tpu.memory_space<hbm>>
    tpu.wait_indirect_dma semaphore(%arg25 : memref<!tpu.dma_semaphore, #tpu.memory_space<semaphore_mem>>) src(%dma_wait3A_1368 : memref<80000x128xf32, #tpu.memory_space<hbm>>) dst(%dma_wait3A_1362 : memref<20x128xf32, #tpu.memory_space<vmem>>)
    %dma_start3A_1369 = arith.constant 6 : i32
    %dma_start3A_1370 = arith.constant 6 : i32
    %dma_start3A_1371 = arith.constant 0 : i32
    %dma_start3A_1372 = arith.constant 0 : i32
    %dma_start3A_1373 = tpu.memref_slice %arg8[%dma_start3A_1369, %dma_start3A_1371, %dma_start3A_1372] : memref<8x40x128xf32, #tpu.memory_space<vmem>> -> memref<1x40x128xf32, #tpu.memory_space<vmem>>
    %dma_start3A_1374 = tpu.memref_squeeze %dma_start3A_1373 : memref<1x40x128xf32, #tpu.memory_space<vmem>> -> memref<40x128xf32, #tpu.memory_space<vmem>>
    %dma_start3A_1375 = arith.constant 0 : i32
    %dma_start3A_1376 = tpu.memref_slice %arg7[%dma_start3A_1370, %dma_start3A_1375] : memref<8x40xi32, #tpu.memory_space<vmem>> -> memref<1x40xi32, #tpu.memory_space<vmem>>
    %dma_start3A_1377 = tpu.memref_squeeze %dma_start3A_1376 : memref<1x40xi32, #tpu.memory_space<vmem>> -> memref<40xi32, #tpu.memory_space<vmem>>
    %dma_start3A_1378 = arith.constant 0 : i32
    %dma_start3A_1379 = arith.constant 0 : i32
    %dma_start3A_1380 = tpu.memref_slice %arg10[%dma_start3A_1378, %dma_start3A_1379] : memref<10112x128xf32, #tpu.memory_space<vmem_shared>> -> memref<10112x128xf32, #tpu.memory_space<vmem_shared>>
    tpu.enqueue_indirect_dma source(%dma_start3A_1374 : memref<40x128xf32, #tpu.memory_space<vmem>>) target(%dma_start3A_1380 : memref<10112x128xf32, #tpu.memory_space<vmem_shared>>) offsets(%dma_start3A_1377 : memref<40xi32, #tpu.memory_space<vmem>>) semaphore(%arg33 : memref<!tpu.dma_semaphore, #tpu.memory_space<semaphore_mem>>) {add = true}
    %dma_wait3A_1381 = arith.constant 7 : i32
    %dma_wait3A_1382 = arith.constant 7 : i32
    %dma_wait3A_1383 = arith.constant 0 : i32
    %dma_wait3A_1384 = arith.constant 0 : i32
    %dma_wait3A_1385 = tpu.memref_slice %arg8[%dma_wait3A_1382, %dma_wait3A_1383, %dma_wait3A_1384] : memref<8x40x128xf32, #tpu.memory_space<vmem>> -> memref<1x20x128xf32, #tpu.memory_space<vmem>>
    %dma_wait3A_1386 = tpu.memref_squeeze %dma_wait3A_1385 : memref<1x20x128xf32, #tpu.memory_space<vmem>> -> memref<20x128xf32, #tpu.memory_space<vmem>>
    %dma_wait3A_1387 = arith.constant 0 : i32
    %dma_wait3A_1388 = tpu.memref_slice %arg6[%dma_wait3A_1381, %dma_wait3A_1387] : memref<8x40xi32, #tpu.memory_space<vmem>> -> memref<1x20xi32, #tpu.memory_space<vmem>>
    %dma_wait3A_1389 = tpu.memref_squeeze %dma_wait3A_1388 : memref<1x20xi32, #tpu.memory_space<vmem>> -> memref<20xi32, #tpu.memory_space<vmem>>
    %dma_wait3A_1390 = arith.constant 0 : i32
    %dma_wait3A_1391 = arith.constant 0 : i32
    %dma_wait3A_1392 = tpu.memref_slice %arg2[%dma_wait3A_1390, %dma_wait3A_1391] : memref<80000x128xf32, #tpu.memory_space<hbm>> -> memref<80000x128xf32, #tpu.memory_space<hbm>>
    tpu.wait_indirect_dma semaphore(%arg26 : memref<!tpu.dma_semaphore, #tpu.memory_space<semaphore_mem>>) src(%dma_wait3A_1392 : memref<80000x128xf32, #tpu.memory_space<hbm>>) dst(%dma_wait3A_1386 : memref<20x128xf32, #tpu.memory_space<vmem>>)
    %dma_wait3A_1393 = arith.constant 7 : i32
    %dma_wait3A_1394 = arith.constant 7 : i32
    %dma_wait3A_1395 = arith.constant 20 : i32
    %dma_wait3A_1396 = arith.constant 0 : i32
    %dma_wait3A_1397 = tpu.memref_slice %arg8[%dma_wait3A_1394, %dma_wait3A_1395, %dma_wait3A_1396] : memref<8x40x128xf32, #tpu.memory_space<vmem>> -> memref<1x20x128xf32, #tpu.memory_space<vmem>>
    %dma_wait3A_1398 = tpu.memref_squeeze %dma_wait3A_1397 : memref<1x20x128xf32, #tpu.memory_space<vmem>> -> memref<20x128xf32, #tpu.memory_space<vmem>>
    %dma_wait3A_1399 = arith.constant 20 : i32
    %dma_wait3A_1400 = tpu.memref_slice %arg6[%dma_wait3A_1393, %dma_wait3A_1399] : memref<8x40xi32, #tpu.memory_space<vmem>> -> memref<1x20xi32, #tpu.memory_space<vmem>>
    %dma_wait3A_1401 = tpu.memref_squeeze %dma_wait3A_1400 : memref<1x20xi32, #tpu.memory_space<vmem>> -> memref<20xi32, #tpu.memory_space<vmem>>
    %dma_wait3A_1402 = arith.constant 0 : i32
    %dma_wait3A_1403 = arith.constant 0 : i32
    %dma_wait3A_1404 = tpu.memref_slice %arg2[%dma_wait3A_1402, %dma_wait3A_1403] : memref<80000x128xf32, #tpu.memory_space<hbm>> -> memref<80000x128xf32, #tpu.memory_space<hbm>>
    tpu.wait_indirect_dma semaphore(%arg26 : memref<!tpu.dma_semaphore, #tpu.memory_space<semaphore_mem>>) src(%dma_wait3A_1404 : memref<80000x128xf32, #tpu.memory_space<hbm>>) dst(%dma_wait3A_1398 : memref<20x128xf32, #tpu.memory_space<vmem>>)
    %dma_start3A_1405 = arith.constant 7 : i32
    %dma_start3A_1406 = arith.constant 7 : i32
    %dma_start3A_1407 = arith.constant 0 : i32
    %dma_start3A_1408 = arith.constant 0 : i32
    %dma_start3A_1409 = tpu.memref_slice %arg8[%dma_start3A_1405, %dma_start3A_1407, %dma_start3A_1408] : memref<8x40x128xf32, #tpu.memory_space<vmem>> -> memref<1x40x128xf32, #tpu.memory_space<vmem>>
    %dma_start3A_1410 = tpu.memref_squeeze %dma_start3A_1409 : memref<1x40x128xf32, #tpu.memory_space<vmem>> -> memref<40x128xf32, #tpu.memory_space<vmem>>
    %dma_start3A_1411 = arith.constant 0 : i32
    %dma_start3A_1412 = tpu.memref_slice %arg7[%dma_start3A_1406, %dma_start3A_1411] : memref<8x40xi32, #tpu.memory_space<vmem>> -> memref<1x40xi32, #tpu.memory_space<vmem>>
    %dma_start3A_1413 = tpu.memref_squeeze %dma_start3A_1412 : memref<1x40xi32, #tpu.memory_space<vmem>> -> memref<40xi32, #tpu.memory_space<vmem>>
    %dma_start3A_1414 = arith.constant 0 : i32
    %dma_start3A_1415 = arith.constant 0 : i32
    %dma_start3A_1416 = tpu.memref_slice %arg10[%dma_start3A_1414, %dma_start3A_1415] : memref<10112x128xf32, #tpu.memory_space<vmem_shared>> -> memref<10112x128xf32, #tpu.memory_space<vmem_shared>>
    tpu.enqueue_indirect_dma source(%dma_start3A_1410 : memref<40x128xf32, #tpu.memory_space<vmem>>) target(%dma_start3A_1416 : memref<10112x128xf32, #tpu.memory_space<vmem_shared>>) offsets(%dma_start3A_1413 : memref<40xi32, #tpu.memory_space<vmem>>) semaphore(%arg34 : memref<!tpu.dma_semaphore, #tpu.memory_space<semaphore_mem>>) {add = true}
    %dma_wait3A_1417 = arith.constant 0 : i32
    %dma_wait3A_1418 = arith.constant 0 : i32
    %dma_wait3A_1419 = arith.constant 0 : i32
    %dma_wait3A_1420 = arith.constant 0 : i32
    %dma_wait3A_1421 = tpu.memref_slice %arg8[%dma_wait3A_1417, %dma_wait3A_1419, %dma_wait3A_1420] : memref<8x40x128xf32, #tpu.memory_space<vmem>> -> memref<1x40x128xf32, #tpu.memory_space<vmem>>
    %dma_wait3A_1422 = tpu.memref_squeeze %dma_wait3A_1421 : memref<1x40x128xf32, #tpu.memory_space<vmem>> -> memref<40x128xf32, #tpu.memory_space<vmem>>
    %dma_wait3A_1423 = arith.constant 0 : i32
    %dma_wait3A_1424 = tpu.memref_slice %arg7[%dma_wait3A_1418, %dma_wait3A_1423] : memref<8x40xi32, #tpu.memory_space<vmem>> -> memref<1x40xi32, #tpu.memory_space<vmem>>
    %dma_wait3A_1425 = tpu.memref_squeeze %dma_wait3A_1424 : memref<1x40xi32, #tpu.memory_space<vmem>> -> memref<40xi32, #tpu.memory_space<vmem>>
    %dma_wait3A_1426 = arith.constant 0 : i32
    %dma_wait3A_1427 = arith.constant 0 : i32
    %dma_wait3A_1428 = tpu.memref_slice %arg10[%dma_wait3A_1426, %dma_wait3A_1427] : memref<10112x128xf32, #tpu.memory_space<vmem_shared>> -> memref<10112x128xf32, #tpu.memory_space<vmem_shared>>
    tpu.wait_indirect_dma semaphore(%arg27 : memref<!tpu.dma_semaphore, #tpu.memory_space<semaphore_mem>>) src(%dma_wait3A_1422 : memref<40x128xf32, #tpu.memory_space<vmem>>) dst(%dma_wait3A_1428 : memref<10112x128xf32, #tpu.memory_space<vmem_shared>>)
    %dma_wait3A_1429 = arith.constant 248 : i32
    %dma_wait3A_1430 = arith.constant 0 : i32
    %dma_wait3A_1431 = arith.constant 0 : i32
    %dma_wait3A_1432 = arith.constant 0 : i32
    %dma_wait3A_1433 = tpu.memref_slice %arg5[%dma_wait3A_1430, %dma_wait3A_1431, %dma_wait3A_1432] : memref<8x1x40xi32, #tpu.memory_space<vmem>> -> memref<1x1x40xi32, #tpu.memory_space<vmem>>
    %dma_wait3A_1434 = tpu.memref_squeeze %dma_wait3A_1433 : memref<1x1x40xi32, #tpu.memory_space<vmem>> -> memref<1x40xi32, #tpu.memory_space<vmem>>
    %dma_wait3A_1435 = arith.constant 0 : i32
    %dma_wait3A_1436 = arith.constant 0 : i32
    %dma_wait3A_1437 = tpu.memref_slice %arg3[%add3A, %dma_wait3A_1429, %dma_wait3A_1435, %dma_wait3A_1436] : memref<32x250x1x40xi32, #tpu.memory_space<hbm>> -> memref<1x1x1x40xi32, #tpu.memory_space<hbm>>
    %dma_wait3A_1438 = tpu.memref_squeeze %dma_wait3A_1437 : memref<1x1x1x40xi32, #tpu.memory_space<hbm>> -> memref<1x40xi32, #tpu.memory_space<hbm>>
    %dma_wait3A_1439 = arith.constant 0 : i32
    %dma_wait3A_1440 = arith.constant 0 : i32
    %dma_wait3A_1441 = tpu.memref_slice %arg5[%dma_wait3A_1430, %dma_wait3A_1439, %dma_wait3A_1440] : memref<8x1x40xi32, #tpu.memory_space<vmem>> -> memref<1x1x40xi32, #tpu.memory_space<vmem>>
    %dma_wait3A_1442 = tpu.memref_squeeze %dma_wait3A_1441 : memref<1x1x40xi32, #tpu.memory_space<vmem>> -> memref<1x40xi32, #tpu.memory_space<vmem>>
    %dma_wait3A_1443 = arith.constant 0 : i32
    %dma_wait3A_1444 = arith.constant 0 : i32
    %dma_wait3A_1445 = tpu.memref_slice %arg3[%add3A, %dma_wait3A_1429, %dma_wait3A_1443, %dma_wait3A_1444] : memref<32x250x1x40xi32, #tpu.memory_space<hbm>> -> memref<1x1x1x40xi32, #tpu.memory_space<hbm>>
    %dma_wait3A_1446 = tpu.memref_squeeze %dma_wait3A_1445 : memref<1x1x1x40xi32, #tpu.memory_space<hbm>> -> memref<1x40xi32, #tpu.memory_space<hbm>>
    tpu.wait_dma2 semaphore(%arg11 : memref<!tpu.dma_semaphore, #tpu.memory_space<semaphore_mem>>) src(%dma_wait3A_1446 : memref<1x40xi32, #tpu.memory_space<hbm>>) dst(%dma_wait3A_1442 : memref<1x40xi32, #tpu.memory_space<vmem>>)
    %get3A_1447 = arith.constant 0 : i32
    %get3A_1448 = arith.constant 0 : i32
    %get3A_1449 = arith.index_cast %get3A_1447 : i32 to index
    %get3A_1450 = arith.index_cast %get3A_1448 : i32 to index
    %get3A_1451 = arith.constant 0 : index
    %get3A_1452 = tpu.vector_load %arg5[%get3A_1449, %get3A_1450, %get3A_1451] {strides = array<i32>} : memref<8x1x40xi32, #tpu.memory_space<vmem>>, vector<1x1x16xi32>,
    %get3A_1453 = vector.shape_cast %get3A_1452 : vector<1x1x16xi32> to vector<16xi32>
    %shift_right_logical3A_1454 = arith.constant 14 : i32
    %shift_right_logical3A_1455 = vector.broadcast %shift_right_logical3A_1454 : i32 to vector<16xi32>
    %shift_right_logical3A_1456 = arith.shrui %get3A_1453, %shift_right_logical3A_1455 : vector<16xi32>
    %swap3A_1457 = arith.constant 0 : i32
    %swap3A_1458 = arith.index_cast %swap3A_1457 : i32 to index
    %swap3A_1459 = arith.constant 0 : index
    %swap3A_1460 = tpu.vector_load %arg6[%swap3A_1458, %swap3A_1459] {strides = array<i32>} : memref<8x40xi32, #tpu.memory_space<vmem>>, vector<1x16xi32>,
    %swap3A_1461 = vector.shape_cast %swap3A_1460 : vector<1x16xi32> to vector<16xi32>
    %swap3A_1462 = vector.shape_cast %shift_right_logical3A_1456 : vector<16xi32> to vector<1x16xi32>
    tpu.vector_store %arg6[%swap3A_1458, %swap3A_1459], %swap3A_1462 {strides = array<i32>} : memref<8x40xi32, #tpu.memory_space<vmem>>, vector<1x16xi32>,
    %and3A_1463 = arith.constant 16383 : i32
    %and3A_1464 = vector.broadcast %and3A_1463 : i32 to vector<16xi32>
    %and3A_1465 = arith.andi %get3A_1453, %and3A_1464 : vector<16xi32>
    %swap3A_1466 = arith.constant 0 : i32
    %swap3A_1467 = arith.index_cast %swap3A_1466 : i32 to index
    %swap3A_1468 = arith.constant 0 : index
    %swap3A_1469 = tpu.vector_load %arg7[%swap3A_1467, %swap3A_1468] {strides = array<i32>} : memref<8x40xi32, #tpu.memory_space<vmem>>, vector<1x16xi32>,
    %swap3A_1470 = vector.shape_cast %swap3A_1469 : vector<1x16xi32> to vector<16xi32>
    %swap3A_1471 = vector.shape_cast %and3A_1465 : vector<16xi32> to vector<1x16xi32>
    tpu.vector_store %arg7[%swap3A_1467, %swap3A_1468], %swap3A_1471 {strides = array<i32>} : memref<8x40xi32, #tpu.memory_space<vmem>>, vector<1x16xi32>,
    %get3A_1472 = arith.constant 0 : i32
    %get3A_1473 = arith.constant 0 : i32
    %get3A_1474 = arith.index_cast %get3A_1472 : i32 to index
    %get3A_1475 = arith.index_cast %get3A_1473 : i32 to index
    %get3A_1476 = arith.constant 16 : index
    %get3A_1477 = tpu.vector_load %arg5[%get3A_1474, %get3A_1475, %get3A_1476] {strides = array<i32>} : memref<8x1x40xi32, #tpu.memory_space<vmem>>, vector<1x1x16xi32>,
    %get3A_1478 = vector.shape_cast %get3A_1477 : vector<1x1x16xi32> to vector<16xi32>
    %shift_right_logical3A_1479 = arith.constant 14 : i32
    %shift_right_logical3A_1480 = vector.broadcast %shift_right_logical3A_1479 : i32 to vector<16xi32>
    %shift_right_logical3A_1481 = arith.shrui %get3A_1478, %shift_right_logical3A_1480 : vector<16xi32>
    %swap3A_1482 = arith.constant 0 : i32
    %swap3A_1483 = arith.index_cast %swap3A_1482 : i32 to index
    %swap3A_1484 = arith.constant 16 : index
    %swap3A_1485 = tpu.vector_load %arg6[%swap3A_1483, %swap3A_1484] {strides = array<i32>} : memref<8x40xi32, #tpu.memory_space<vmem>>, vector<1x16xi32>,
    %swap3A_1486 = vector.shape_cast %swap3A_1485 : vector<1x16xi32> to vector<16xi32>
    %swap3A_1487 = vector.shape_cast %shift_right_logical3A_1481 : vector<16xi32> to vector<1x16xi32>
    tpu.vector_store %arg6[%swap3A_1483, %swap3A_1484], %swap3A_1487 {strides = array<i32>} : memref<8x40xi32, #tpu.memory_space<vmem>>, vector<1x16xi32>,
    %and3A_1488 = arith.constant 16383 : i32
    %and3A_1489 = vector.broadcast %and3A_1488 : i32 to vector<16xi32>
    %and3A_1490 = arith.andi %get3A_1478, %and3A_1489 : vector<16xi32>
    %swap3A_1491 = arith.constant 0 : i32
    %swap3A_1492 = arith.index_cast %swap3A_1491 : i32 to index
    %swap3A_1493 = arith.constant 16 : index
    %swap3A_1494 = tpu.vector_load %arg7[%swap3A_1492, %swap3A_1493] {strides = array<i32>} : memref<8x40xi32, #tpu.memory_space<vmem>>, vector<1x16xi32>,
    %swap3A_1495 = vector.shape_cast %swap3A_1494 : vector<1x16xi32> to vector<16xi32>
    %swap3A_1496 = vector.shape_cast %and3A_1490 : vector<16xi32> to vector<1x16xi32>
    tpu.vector_store %arg7[%swap3A_1492, %swap3A_1493], %swap3A_1496 {strides = array<i32>} : memref<8x40xi32, #tpu.memory_space<vmem>>, vector<1x16xi32>,
    %get3A_1497 = arith.constant 0 : i32
    %get3A_1498 = arith.constant 0 : i32
    %get3A_1499 = arith.index_cast %get3A_1497 : i32 to index
    %get3A_1500 = arith.index_cast %get3A_1498 : i32 to index
    %get3A_1501 = arith.constant 24 : index
    %get3A_1502 = tpu.vector_load %arg5[%get3A_1499, %get3A_1500, %get3A_1501] {strides = array<i32>} : memref<8x1x40xi32, #tpu.memory_space<vmem>>, vector<1x1x16xi32>,
    %get3A_1503 = vector.shape_cast %get3A_1502 : vector<1x1x16xi32> to vector<16xi32>
    %shift_right_logical3A_1504 = arith.constant 14 : i32
    %shift_right_logical3A_1505 = vector.broadcast %shift_right_logical3A_1504 : i32 to vector<16xi32>
    %shift_right_logical3A_1506 = arith.shrui %get3A_1503, %shift_right_logical3A_1505 : vector<16xi32>
    %swap3A_1507 = arith.constant 0 : i32
    %swap3A_1508 = arith.index_cast %swap3A_1507 : i32 to index
    %swap3A_1509 = arith.constant 24 : index
    %swap3A_1510 = tpu.vector_load %arg6[%swap3A_1508, %swap3A_1509] {strides = array<i32>} : memref<8x40xi32, #tpu.memory_space<vmem>>, vector<1x16xi32>,
    %swap3A_1511 = vector.shape_cast %swap3A_1510 : vector<1x16xi32> to vector<16xi32>
    %swap3A_1512 = vector.shape_cast %shift_right_logical3A_1506 : vector<16xi32> to vector<1x16xi32>
    tpu.vector_store %arg6[%swap3A_1508, %swap3A_1509], %swap3A_1512 {strides = array<i32>} : memref<8x40xi32, #tpu.memory_space<vmem>>, vector<1x16xi32>,
    %and3A_1513 = arith.constant 16383 : i32
    %and3A_1514 = vector.broadcast %and3A_1513 : i32 to vector<16xi32>
    %and3A_1515 = arith.andi %get3A_1503, %and3A_1514 : vector<16xi32>
    %swap3A_1516 = arith.constant 0 : i32
    %swap3A_1517 = arith.index_cast %swap3A_1516 : i32 to index
    %swap3A_1518 = arith.constant 24 : index
    %swap3A_1519 = tpu.vector_load %arg7[%swap3A_1517, %swap3A_1518] {strides = array<i32>} : memref<8x40xi32, #tpu.memory_space<vmem>>, vector<1x16xi32>,
    %swap3A_1520 = vector.shape_cast %swap3A_1519 : vector<1x16xi32> to vector<16xi32>
    %swap3A_1521 = vector.shape_cast %and3A_1515 : vector<16xi32> to vector<1x16xi32>
    tpu.vector_store %arg7[%swap3A_1517, %swap3A_1518], %swap3A_1521 {strides = array<i32>} : memref<8x40xi32, #tpu.memory_space<vmem>>, vector<1x16xi32>,
    %dma_start3A_1522 = arith.constant 0 : i32
    %dma_start3A_1523 = arith.constant 0 : i32
    %dma_start3A_1524 = arith.constant 0 : i32
    %dma_start3A_1525 = arith.constant 0 : i32
    %dma_start3A_1526 = tpu.memref_slice %arg8[%dma_start3A_1523, %dma_start3A_1524, %dma_start3A_1525] : memref<8x40x128xf32, #tpu.memory_space<vmem>> -> memref<1x20x128xf32, #tpu.memory_space<vmem>>
    %dma_start3A_1527 = tpu.memref_squeeze %dma_start3A_1526 : memref<1x20x128xf32, #tpu.memory_space<vmem>> -> memref<20x128xf32, #tpu.memory_space<vmem>>
    %dma_start3A_1528 = arith.constant 0 : i32
    %dma_start3A_1529 = tpu.memref_slice %arg6[%dma_start3A_1522, %dma_start3A_1528] : memref<8x40xi32, #tpu.memory_space<vmem>> -> memref<1x20xi32, #tpu.memory_space<vmem>>
    %dma_start3A_1530 = tpu.memref_squeeze %dma_start3A_1529 : memref<1x20xi32, #tpu.memory_space<vmem>> -> memref<20xi32, #tpu.memory_space<vmem>>
    %dma_start3A_1531 = arith.constant 0 : i32
    %dma_start3A_1532 = arith.constant 0 : i32
    %dma_start3A_1533 = tpu.memref_slice %arg2[%dma_start3A_1531, %dma_start3A_1532] : memref<80000x128xf32, #tpu.memory_space<hbm>> -> memref<80000x128xf32, #tpu.memory_space<hbm>>
    tpu.enqueue_indirect_dma source(%dma_start3A_1533 : memref<80000x128xf32, #tpu.memory_space<hbm>>) target(%dma_start3A_1527 : memref<20x128xf32, #tpu.memory_space<vmem>>) offsets(%dma_start3A_1530 : memref<20xi32, #tpu.memory_space<vmem>>) semaphore(%arg19 : memref<!tpu.dma_semaphore, #tpu.memory_space<semaphore_mem>>)
    %dma_start3A_1534 = arith.constant 0 : i32
    %dma_start3A_1535 = arith.constant 0 : i32
    %dma_start3A_1536 = arith.constant 20 : i32
    %dma_start3A_1537 = arith.constant 0 : i32
    %dma_start3A_1538 = tpu.memref_slice %arg8[%dma_start3A_1535, %dma_start3A_1536, %dma_start3A_1537] : memref<8x40x128xf32, #tpu.memory_space<vmem>> -> memref<1x20x128xf32, #tpu.memory_space<vmem>>
    %dma_start3A_1539 = tpu.memref_squeeze %dma_start3A_1538 : memref<1x20x128xf32, #tpu.memory_space<vmem>> -> memref<20x128xf32, #tpu.memory_space<vmem>>
    %dma_start3A_1540 = arith.constant 20 : i32
    %dma_start3A_1541 = tpu.memref_slice %arg6[%dma_start3A_1534, %dma_start3A_1540] : memref<8x40xi32, #tpu.memory_space<vmem>> -> memref<1x20xi32, #tpu.memory_space<vmem>>
    %dma_start3A_1542 = tpu.memref_squeeze %dma_start3A_1541 : memref<1x20xi32, #tpu.memory_space<vmem>> -> memref<20xi32, #tpu.memory_space<vmem>>
    %dma_start3A_1543 = arith.constant 0 : i32
    %dma_start3A_1544 = arith.constant 0 : i32
    %dma_start3A_1545 = tpu.memref_slice %arg2[%dma_start3A_1543, %dma_start3A_1544] : memref<80000x128xf32, #tpu.memory_space<hbm>> -> memref<80000x128xf32, #tpu.memory_space<hbm>>
    tpu.enqueue_indirect_dma source(%dma_start3A_1545 : memref<80000x128xf32, #tpu.memory_space<hbm>>) target(%dma_start3A_1539 : memref<20x128xf32, #tpu.memory_space<vmem>>) offsets(%dma_start3A_1542 : memref<20xi32, #tpu.memory_space<vmem>>) semaphore(%arg19 : memref<!tpu.dma_semaphore, #tpu.memory_space<semaphore_mem>>)
    %dma_wait3A_1546 = arith.constant 1 : i32
    %dma_wait3A_1547 = arith.constant 1 : i32
    %dma_wait3A_1548 = arith.constant 0 : i32
    %dma_wait3A_1549 = arith.constant 0 : i32
    %dma_wait3A_1550 = tpu.memref_slice %arg8[%dma_wait3A_1546, %dma_wait3A_1548, %dma_wait3A_1549] : memref<8x40x128xf32, #tpu.memory_space<vmem>> -> memref<1x40x128xf32, #tpu.memory_space<vmem>>
    %dma_wait3A_1551 = tpu.memref_squeeze %dma_wait3A_1550 : memref<1x40x128xf32, #tpu.memory_space<vmem>> -> memref<40x128xf32, #tpu.memory_space<vmem>>
    %dma_wait3A_1552 = arith.constant 0 : i32
    %dma_wait3A_1553 = tpu.memref_slice %arg7[%dma_wait3A_1547, %dma_wait3A_1552] : memref<8x40xi32, #tpu.memory_space<vmem>> -> memref<1x40xi32, #tpu.memory_space<vmem>>
    %dma_wait3A_1554 = tpu.memref_squeeze %dma_wait3A_1553 : memref<1x40xi32, #tpu.memory_space<vmem>> -> memref<40xi32, #tpu.memory_space<vmem>>
    %dma_wait3A_1555 = arith.constant 0 : i32
    %dma_wait3A_1556 = arith.constant 0 : i32
    %dma_wait3A_1557 = tpu.memref_slice %arg10[%dma_wait3A_1555, %dma_wait3A_1556] : memref<10112x128xf32, #tpu.memory_space<vmem_shared>> -> memref<10112x128xf32, #tpu.memory_space<vmem_shared>>
    tpu.wait_indirect_dma semaphore(%arg28 : memref<!tpu.dma_semaphore, #tpu.memory_space<semaphore_mem>>) src(%dma_wait3A_1551 : memref<40x128xf32, #tpu.memory_space<vmem>>) dst(%dma_wait3A_1557 : memref<10112x128xf32, #tpu.memory_space<vmem_shared>>)
    %dma_wait3A_1558 = arith.constant 249 : i32
    %dma_wait3A_1559 = arith.constant 1 : i32
    %dma_wait3A_1560 = arith.constant 0 : i32
    %dma_wait3A_1561 = arith.constant 0 : i32
    %dma_wait3A_1562 = tpu.memref_slice %arg5[%dma_wait3A_1559, %dma_wait3A_1560, %dma_wait3A_1561] : memref<8x1x40xi32, #tpu.memory_space<vmem>> -> memref<1x1x40xi32, #tpu.memory_space<vmem>>
    %dma_wait3A_1563 = tpu.memref_squeeze %dma_wait3A_1562 : memref<1x1x40xi32, #tpu.memory_space<vmem>> -> memref<1x40xi32, #tpu.memory_space<vmem>>
    %dma_wait3A_1564 = arith.constant 0 : i32
    %dma_wait3A_1565 = arith.constant 0 : i32
    %dma_wait3A_1566 = tpu.memref_slice %arg3[%add3A, %dma_wait3A_1558, %dma_wait3A_1564, %dma_wait3A_1565] : memref<32x250x1x40xi32, #tpu.memory_space<hbm>> -> memref<1x1x1x40xi32, #tpu.memory_space<hbm>>
    %dma_wait3A_1567 = tpu.memref_squeeze %dma_wait3A_1566 : memref<1x1x1x40xi32, #tpu.memory_space<hbm>> -> memref<1x40xi32, #tpu.memory_space<hbm>>
    %dma_wait3A_1568 = arith.constant 0 : i32
    %dma_wait3A_1569 = arith.constant 0 : i32
    %dma_wait3A_1570 = tpu.memref_slice %arg5[%dma_wait3A_1559, %dma_wait3A_1568, %dma_wait3A_1569] : memref<8x1x40xi32, #tpu.memory_space<vmem>> -> memref<1x1x40xi32, #tpu.memory_space<vmem>>
    %dma_wait3A_1571 = tpu.memref_squeeze %dma_wait3A_1570 : memref<1x1x40xi32, #tpu.memory_space<vmem>> -> memref<1x40xi32, #tpu.memory_space<vmem>>
    %dma_wait3A_1572 = arith.constant 0 : i32
    %dma_wait3A_1573 = arith.constant 0 : i32
    %dma_wait3A_1574 = tpu.memref_slice %arg3[%add3A, %dma_wait3A_1558, %dma_wait3A_1572, %dma_wait3A_1573] : memref<32x250x1x40xi32, #tpu.memory_space<hbm>> -> memref<1x1x1x40xi32, #tpu.memory_space<hbm>>
    %dma_wait3A_1575 = tpu.memref_squeeze %dma_wait3A_1574 : memref<1x1x1x40xi32, #tpu.memory_space<hbm>> -> memref<1x40xi32, #tpu.memory_space<hbm>>
    tpu.wait_dma2 semaphore(%arg12 : memref<!tpu.dma_semaphore, #tpu.memory_space<semaphore_mem>>) src(%dma_wait3A_1575 : memref<1x40xi32, #tpu.memory_space<hbm>>) dst(%dma_wait3A_1571 : memref<1x40xi32, #tpu.memory_space<vmem>>)
    %get3A_1576 = arith.constant 1 : i32
    %get3A_1577 = arith.constant 0 : i32
    %get3A_1578 = arith.index_cast %get3A_1576 : i32 to index
    %get3A_1579 = arith.index_cast %get3A_1577 : i32 to index
    %get3A_1580 = arith.constant 0 : index
    %get3A_1581 = tpu.vector_load %arg5[%get3A_1578, %get3A_1579, %get3A_1580] {strides = array<i32>} : memref<8x1x40xi32, #tpu.memory_space<vmem>>, vector<1x1x16xi32>,
    %get3A_1582 = vector.shape_cast %get3A_1581 : vector<1x1x16xi32> to vector<16xi32>
    %shift_right_logical3A_1583 = arith.constant 14 : i32
    %shift_right_logical3A_1584 = vector.broadcast %shift_right_logical3A_1583 : i32 to vector<16xi32>
    %shift_right_logical3A_1585 = arith.shrui %get3A_1582, %shift_right_logical3A_1584 : vector<16xi32>
    %swap3A_1586 = arith.constant 1 : i32
    %swap3A_1587 = arith.index_cast %swap3A_1586 : i32 to index
    %swap3A_1588 = arith.constant 0 : index
    %swap3A_1589 = tpu.vector_load %arg6[%swap3A_1587, %swap3A_1588] {strides = array<i32>} : memref<8x40xi32, #tpu.memory_space<vmem>>, vector<1x16xi32>,
    %swap3A_1590 = vector.shape_cast %swap3A_1589 : vector<1x16xi32> to vector<16xi32>
    %swap3A_1591 = vector.shape_cast %shift_right_logical3A_1585 : vector<16xi32> to vector<1x16xi32>
    tpu.vector_store %arg6[%swap3A_1587, %swap3A_1588], %swap3A_1591 {strides = array<i32>} : memref<8x40xi32, #tpu.memory_space<vmem>>, vector<1x16xi32>,
    %and3A_1592 = arith.constant 16383 : i32
    %and3A_1593 = vector.broadcast %and3A_1592 : i32 to vector<16xi32>
    %and3A_1594 = arith.andi %get3A_1582, %and3A_1593 : vector<16xi32>
    %swap3A_1595 = arith.constant 1 : i32
    %swap3A_1596 = arith.index_cast %swap3A_1595 : i32 to index
    %swap3A_1597 = arith.constant 0 : index
    %swap3A_1598 = tpu.vector_load %arg7[%swap3A_1596, %swap3A_1597] {strides = array<i32>} : memref<8x40xi32, #tpu.memory_space<vmem>>, vector<1x16xi32>,
    %swap3A_1599 = vector.shape_cast %swap3A_1598 : vector<1x16xi32> to vector<16xi32>
    %swap3A_1600 = vector.shape_cast %and3A_1594 : vector<16xi32> to vector<1x16xi32>
    tpu.vector_store %arg7[%swap3A_1596, %swap3A_1597], %swap3A_1600 {strides = array<i32>} : memref<8x40xi32, #tpu.memory_space<vmem>>, vector<1x16xi32>,
    %get3A_1601 = arith.constant 1 : i32
    %get3A_1602 = arith.constant 0 : i32
    %get3A_1603 = arith.index_cast %get3A_1601 : i32 to index
    %get3A_1604 = arith.index_cast %get3A_1602 : i32 to index
    %get3A_1605 = arith.constant 16 : index
    %get3A_1606 = tpu.vector_load %arg5[%get3A_1603, %get3A_1604, %get3A_1605] {strides = array<i32>} : memref<8x1x40xi32, #tpu.memory_space<vmem>>, vector<1x1x16xi32>,
    %get3A_1607 = vector.shape_cast %get3A_1606 : vector<1x1x16xi32> to vector<16xi32>
    %shift_right_logical3A_1608 = arith.constant 14 : i32
    %shift_right_logical3A_1609 = vector.broadcast %shift_right_logical3A_1608 : i32 to vector<16xi32>
    %shift_right_logical3A_1610 = arith.shrui %get3A_1607, %shift_right_logical3A_1609 : vector<16xi32>
    %swap3A_1611 = arith.constant 1 : i32
    %swap3A_1612 = arith.index_cast %swap3A_1611 : i32 to index
    %swap3A_1613 = arith.constant 16 : index
    %swap3A_1614 = tpu.vector_load %arg6[%swap3A_1612, %swap3A_1613] {strides = array<i32>} : memref<8x40xi32, #tpu.memory_space<vmem>>, vector<1x16xi32>,
    %swap3A_1615 = vector.shape_cast %swap3A_1614 : vector<1x16xi32> to vector<16xi32>
    %swap3A_1616 = vector.shape_cast %shift_right_logical3A_1610 : vector<16xi32> to vector<1x16xi32>
    tpu.vector_store %arg6[%swap3A_1612, %swap3A_1613], %swap3A_1616 {strides = array<i32>} : memref<8x40xi32, #tpu.memory_space<vmem>>, vector<1x16xi32>,
    %and3A_1617 = arith.constant 16383 : i32
    %and3A_1618 = vector.broadcast %and3A_1617 : i32 to vector<16xi32>
    %and3A_1619 = arith.andi %get3A_1607, %and3A_1618 : vector<16xi32>
    %swap3A_1620 = arith.constant 1 : i32
    %swap3A_1621 = arith.index_cast %swap3A_1620 : i32 to index
    %swap3A_1622 = arith.constant 16 : index
    %swap3A_1623 = tpu.vector_load %arg7[%swap3A_1621, %swap3A_1622] {strides = array<i32>} : memref<8x40xi32, #tpu.memory_space<vmem>>, vector<1x16xi32>,
    %swap3A_1624 = vector.shape_cast %swap3A_1623 : vector<1x16xi32> to vector<16xi32>
    %swap3A_1625 = vector.shape_cast %and3A_1619 : vector<16xi32> to vector<1x16xi32>
    tpu.vector_store %arg7[%swap3A_1621, %swap3A_1622], %swap3A_1625 {strides = array<i32>} : memref<8x40xi32, #tpu.memory_space<vmem>>, vector<1x16xi32>,
    %get3A_1626 = arith.constant 1 : i32
    %get3A_1627 = arith.constant 0 : i32
    %get3A_1628 = arith.index_cast %get3A_1626 : i32 to index
    %get3A_1629 = arith.index_cast %get3A_1627 : i32 to index
    %get3A_1630 = arith.constant 24 : index
    %get3A_1631 = tpu.vector_load %arg5[%get3A_1628, %get3A_1629, %get3A_1630] {strides = array<i32>} : memref<8x1x40xi32, #tpu.memory_space<vmem>>, vector<1x1x16xi32>,
    %get3A_1632 = vector.shape_cast %get3A_1631 : vector<1x1x16xi32> to vector<16xi32>
    %shift_right_logical3A_1633 = arith.constant 14 : i32
    %shift_right_logical3A_1634 = vector.broadcast %shift_right_logical3A_1633 : i32 to vector<16xi32>
    %shift_right_logical3A_1635 = arith.shrui %get3A_1632, %shift_right_logical3A_1634 : vector<16xi32>
    %swap3A_1636 = arith.constant 1 : i32
    %swap3A_1637 = arith.index_cast %swap3A_1636 : i32 to index
    %swap3A_1638 = arith.constant 24 : index
    %swap3A_1639 = tpu.vector_load %arg6[%swap3A_1637, %swap3A_1638] {strides = array<i32>} : memref<8x40xi32, #tpu.memory_space<vmem>>, vector<1x16xi32>,
    %swap3A_1640 = vector.shape_cast %swap3A_1639 : vector<1x16xi32> to vector<16xi32>
    %swap3A_1641 = vector.shape_cast %shift_right_logical3A_1635 : vector<16xi32> to vector<1x16xi32>
    tpu.vector_store %arg6[%swap3A_1637, %swap3A_1638], %swap3A_1641 {strides = array<i32>} : memref<8x40xi32, #tpu.memory_space<vmem>>, vector<1x16xi32>,
    %and3A_1642 = arith.constant 16383 : i32
    %and3A_1643 = vector.broadcast %and3A_1642 : i32 to vector<16xi32>
    %and3A_1644 = arith.andi %get3A_1632, %and3A_1643 : vector<16xi32>
    %swap3A_1645 = arith.constant 1 : i32
    %swap3A_1646 = arith.index_cast %swap3A_1645 : i32 to index
    %swap3A_1647 = arith.constant 24 : index
    %swap3A_1648 = tpu.vector_load %arg7[%swap3A_1646, %swap3A_1647] {strides = array<i32>} : memref<8x40xi32, #tpu.memory_space<vmem>>, vector<1x16xi32>,
    %swap3A_1649 = vector.shape_cast %swap3A_1648 : vector<1x16xi32> to vector<16xi32>
    %swap3A_1650 = vector.shape_cast %and3A_1644 : vector<16xi32> to vector<1x16xi32>
    tpu.vector_store %arg7[%swap3A_1646, %swap3A_1647], %swap3A_1650 {strides = array<i32>} : memref<8x40xi32, #tpu.memory_space<vmem>>, vector<1x16xi32>,
    %dma_start3A_1651 = arith.constant 1 : i32
    %dma_start3A_1652 = arith.constant 1 : i32
    %dma_start3A_1653 = arith.constant 0 : i32
    %dma_start3A_1654 = arith.constant 0 : i32
    %dma_start3A_1655 = tpu.memref_slice %arg8[%dma_start3A_1652, %dma_start3A_1653, %dma_start3A_1654] : memref<8x40x128xf32, #tpu.memory_space<vmem>> -> memref<1x20x128xf32, #tpu.memory_space<vmem>>
    %dma_start3A_1656 = tpu.memref_squeeze %dma_start3A_1655 : memref<1x20x128xf32, #tpu.memory_space<vmem>> -> memref<20x128xf32, #tpu.memory_space<vmem>>
    %dma_start3A_1657 = arith.constant 0 : i32
    %dma_start3A_1658 = tpu.memref_slice %arg6[%dma_start3A_1651, %dma_start3A_1657] : memref<8x40xi32, #tpu.memory_space<vmem>> -> memref<1x20xi32, #tpu.memory_space<vmem>>
    %dma_start3A_1659 = tpu.memref_squeeze %dma_start3A_1658 : memref<1x20xi32, #tpu.memory_space<vmem>> -> memref<20xi32, #tpu.memory_space<vmem>>
    %dma_start3A_1660 = arith.constant 0 : i32
    %dma_start3A_1661 = arith.constant 0 : i32
    %dma_start3A_1662 = tpu.memref_slice %arg2[%dma_start3A_1660, %dma_start3A_1661] : memref<80000x128xf32, #tpu.memory_space<hbm>> -> memref<80000x128xf32, #tpu.memory_space<hbm>>
    tpu.enqueue_indirect_dma source(%dma_start3A_1662 : memref<80000x128xf32, #tpu.memory_space<hbm>>) target(%dma_start3A_1656 : memref<20x128xf32, #tpu.memory_space<vmem>>) offsets(%dma_start3A_1659 : memref<20xi32, #tpu.memory_space<vmem>>) semaphore(%arg20 : memref<!tpu.dma_semaphore, #tpu.memory_space<semaphore_mem>>)
    %dma_start3A_1663 = arith.constant 1 : i32
    %dma_start3A_1664 = arith.constant 1 : i32
    %dma_start3A_1665 = arith.constant 20 : i32
    %dma_start3A_1666 = arith.constant 0 : i32
    %dma_start3A_1667 = tpu.memref_slice %arg8[%dma_start3A_1664, %dma_start3A_1665, %dma_start3A_1666] : memref<8x40x128xf32, #tpu.memory_space<vmem>> -> memref<1x20x128xf32, #tpu.memory_space<vmem>>
    %dma_start3A_1668 = tpu.memref_squeeze %dma_start3A_1667 : memref<1x20x128xf32, #tpu.memory_space<vmem>> -> memref<20x128xf32, #tpu.memory_space<vmem>>
    %dma_start3A_1669 = arith.constant 20 : i32
    %dma_start3A_1670 = tpu.memref_slice %arg6[%dma_start3A_1663, %dma_start3A_1669] : memref<8x40xi32, #tpu.memory_space<vmem>> -> memref<1x20xi32, #tpu.memory_space<vmem>>
    %dma_start3A_1671 = tpu.memref_squeeze %dma_start3A_1670 : memref<1x20xi32, #tpu.memory_space<vmem>> -> memref<20xi32, #tpu.memory_space<vmem>>
    %dma_start3A_1672 = arith.constant 0 : i32
    %dma_start3A_1673 = arith.constant 0 : i32
    %dma_start3A_1674 = tpu.memref_slice %arg2[%dma_start3A_1672, %dma_start3A_1673] : memref<80000x128xf32, #tpu.memory_space<hbm>> -> memref<80000x128xf32, #tpu.memory_space<hbm>>
    tpu.enqueue_indirect_dma source(%dma_start3A_1674 : memref<80000x128xf32, #tpu.memory_space<hbm>>) target(%dma_start3A_1668 : memref<20x128xf32, #tpu.memory_space<vmem>>) offsets(%dma_start3A_1671 : memref<20xi32, #tpu.memory_space<vmem>>) semaphore(%arg20 : memref<!tpu.dma_semaphore, #tpu.memory_space<semaphore_mem>>)
    %dma_wait3A_1675 = arith.constant 2 : i32
    %dma_wait3A_1676 = arith.constant 2 : i32
    %dma_wait3A_1677 = arith.constant 0 : i32
    %dma_wait3A_1678 = arith.constant 0 : i32
    %dma_wait3A_1679 = tpu.memref_slice %arg8[%dma_wait3A_1675, %dma_wait3A_1677, %dma_wait3A_1678] : memref<8x40x128xf32, #tpu.memory_space<vmem>> -> memref<1x40x128xf32, #tpu.memory_space<vmem>>
    %dma_wait3A_1680 = tpu.memref_squeeze %dma_wait3A_1679 : memref<1x40x128xf32, #tpu.memory_space<vmem>> -> memref<40x128xf32, #tpu.memory_space<vmem>>
    %dma_wait3A_1681 = arith.constant 0 : i32
    %dma_wait3A_1682 = tpu.memref_slice %arg7[%dma_wait3A_1676, %dma_wait3A_1681] : memref<8x40xi32, #tpu.memory_space<vmem>> -> memref<1x40xi32, #tpu.memory_space<vmem>>
    %dma_wait3A_1683 = tpu.memref_squeeze %dma_wait3A_1682 : memref<1x40xi32, #tpu.memory_space<vmem>> -> memref<40xi32, #tpu.memory_space<vmem>>
    %dma_wait3A_1684 = arith.constant 0 : i32
    %dma_wait3A_1685 = arith.constant 0 : i32
    %dma_wait3A_1686 = tpu.memref_slice %arg10[%dma_wait3A_1684, %dma_wait3A_1685] : memref<10112x128xf32, #tpu.memory_space<vmem_shared>> -> memref<10112x128xf32, #tpu.memory_space<vmem_shared>>
    tpu.wait_indirect_dma semaphore(%arg29 : memref<!tpu.dma_semaphore, #tpu.memory_space<semaphore_mem>>) src(%dma_wait3A_1680 : memref<40x128xf32, #tpu.memory_space<vmem>>) dst(%dma_wait3A_1686 : memref<10112x128xf32, #tpu.memory_space<vmem_shared>>)
    %dma_wait3A_1687 = arith.constant 3 : i32
    %dma_wait3A_1688 = arith.constant 3 : i32
    %dma_wait3A_1689 = arith.constant 0 : i32
    %dma_wait3A_1690 = arith.constant 0 : i32
    %dma_wait3A_1691 = tpu.memref_slice %arg8[%dma_wait3A_1687, %dma_wait3A_1689, %dma_wait3A_1690] : memref<8x40x128xf32, #tpu.memory_space<vmem>> -> memref<1x40x128xf32, #tpu.memory_space<vmem>>
    %dma_wait3A_1692 = tpu.memref_squeeze %dma_wait3A_1691 : memref<1x40x128xf32, #tpu.memory_space<vmem>> -> memref<40x128xf32, #tpu.memory_space<vmem>>
    %dma_wait3A_1693 = arith.constant 0 : i32
    %dma_wait3A_1694 = tpu.memref_slice %arg7[%dma_wait3A_1688, %dma_wait3A_1693] : memref<8x40xi32, #tpu.memory_space<vmem>> -> memref<1x40xi32, #tpu.memory_space<vmem>>
    %dma_wait3A_1695 = tpu.memref_squeeze %dma_wait3A_1694 : memref<1x40xi32, #tpu.memory_space<vmem>> -> memref<40xi32, #tpu.memory_space<vmem>>
    %dma_wait3A_1696 = arith.constant 0 : i32
    %dma_wait3A_1697 = arith.constant 0 : i32
    %dma_wait3A_1698 = tpu.memref_slice %arg10[%dma_wait3A_1696, %dma_wait3A_1697] : memref<10112x128xf32, #tpu.memory_space<vmem_shared>> -> memref<10112x128xf32, #tpu.memory_space<vmem_shared>>
    tpu.wait_indirect_dma semaphore(%arg30 : memref<!tpu.dma_semaphore, #tpu.memory_space<semaphore_mem>>) src(%dma_wait3A_1692 : memref<40x128xf32, #tpu.memory_space<vmem>>) dst(%dma_wait3A_1698 : memref<10112x128xf32, #tpu.memory_space<vmem_shared>>)
    %dma_wait3A_1699 = arith.constant 4 : i32
    %dma_wait3A_1700 = arith.constant 4 : i32
    %dma_wait3A_1701 = arith.constant 0 : i32
    %dma_wait3A_1702 = arith.constant 0 : i32
    %dma_wait3A_1703 = tpu.memref_slice %arg8[%dma_wait3A_1699, %dma_wait3A_1701, %dma_wait3A_1702] : memref<8x40x128xf32, #tpu.memory_space<vmem>> -> memref<1x40x128xf32, #tpu.memory_space<vmem>>
    %dma_wait3A_1704 = tpu.memref_squeeze %dma_wait3A_1703 : memref<1x40x128xf32, #tpu.memory_space<vmem>> -> memref<40x128xf32, #tpu.memory_space<vmem>>
    %dma_wait3A_1705 = arith.constant 0 : i32
    %dma_wait3A_1706 = tpu.memref_slice %arg7[%dma_wait3A_1700, %dma_wait3A_1705] : memref<8x40xi32, #tpu.memory_space<vmem>> -> memref<1x40xi32, #tpu.memory_space<vmem>>
    %dma_wait3A_1707 = tpu.memref_squeeze %dma_wait3A_1706 : memref<1x40xi32, #tpu.memory_space<vmem>> -> memref<40xi32, #tpu.memory_space<vmem>>
    %dma_wait3A_1708 = arith.constant 0 : i32
    %dma_wait3A_1709 = arith.constant 0 : i32
    %dma_wait3A_1710 = tpu.memref_slice %arg10[%dma_wait3A_1708, %dma_wait3A_1709] : memref<10112x128xf32, #tpu.memory_space<vmem_shared>> -> memref<10112x128xf32, #tpu.memory_space<vmem_shared>>
    tpu.wait_indirect_dma semaphore(%arg31 : memref<!tpu.dma_semaphore, #tpu.memory_space<semaphore_mem>>) src(%dma_wait3A_1704 : memref<40x128xf32, #tpu.memory_space<vmem>>) dst(%dma_wait3A_1710 : memref<10112x128xf32, #tpu.memory_space<vmem_shared>>)
    %dma_wait3A_1711 = arith.constant 5 : i32
    %dma_wait3A_1712 = arith.constant 5 : i32
    %dma_wait3A_1713 = arith.constant 0 : i32
    %dma_wait3A_1714 = arith.constant 0 : i32
    %dma_wait3A_1715 = tpu.memref_slice %arg8[%dma_wait3A_1711, %dma_wait3A_1713, %dma_wait3A_1714] : memref<8x40x128xf32, #tpu.memory_space<vmem>> -> memref<1x40x128xf32, #tpu.memory_space<vmem>>
    %dma_wait3A_1716 = tpu.memref_squeeze %dma_wait3A_1715 : memref<1x40x128xf32, #tpu.memory_space<vmem>> -> memref<40x128xf32, #tpu.memory_space<vmem>>
    %dma_wait3A_1717 = arith.constant 0 : i32
    %dma_wait3A_1718 = tpu.memref_slice %arg7[%dma_wait3A_1712, %dma_wait3A_1717] : memref<8x40xi32, #tpu.memory_space<vmem>> -> memref<1x40xi32, #tpu.memory_space<vmem>>
    %dma_wait3A_1719 = tpu.memref_squeeze %dma_wait3A_1718 : memref<1x40xi32, #tpu.memory_space<vmem>> -> memref<40xi32, #tpu.memory_space<vmem>>
    %dma_wait3A_1720 = arith.constant 0 : i32
    %dma_wait3A_1721 = arith.constant 0 : i32
    %dma_wait3A_1722 = tpu.memref_slice %arg10[%dma_wait3A_1720, %dma_wait3A_1721] : memref<10112x128xf32, #tpu.memory_space<vmem_shared>> -> memref<10112x128xf32, #tpu.memory_space<vmem_shared>>
    tpu.wait_indirect_dma semaphore(%arg32 : memref<!tpu.dma_semaphore, #tpu.memory_space<semaphore_mem>>) src(%dma_wait3A_1716 : memref<40x128xf32, #tpu.memory_space<vmem>>) dst(%dma_wait3A_1722 : memref<10112x128xf32, #tpu.memory_space<vmem_shared>>)
    %dma_wait3A_1723 = arith.constant 6 : i32
    %dma_wait3A_1724 = arith.constant 6 : i32
    %dma_wait3A_1725 = arith.constant 0 : i32
    %dma_wait3A_1726 = arith.constant 0 : i32
    %dma_wait3A_1727 = tpu.memref_slice %arg8[%dma_wait3A_1723, %dma_wait3A_1725, %dma_wait3A_1726] : memref<8x40x128xf32, #tpu.memory_space<vmem>> -> memref<1x40x128xf32, #tpu.memory_space<vmem>>
    %dma_wait3A_1728 = tpu.memref_squeeze %dma_wait3A_1727 : memref<1x40x128xf32, #tpu.memory_space<vmem>> -> memref<40x128xf32, #tpu.memory_space<vmem>>
    %dma_wait3A_1729 = arith.constant 0 : i32
    %dma_wait3A_1730 = tpu.memref_slice %arg7[%dma_wait3A_1724, %dma_wait3A_1729] : memref<8x40xi32, #tpu.memory_space<vmem>> -> memref<1x40xi32, #tpu.memory_space<vmem>>
    %dma_wait3A_1731 = tpu.memref_squeeze %dma_wait3A_1730 : memref<1x40xi32, #tpu.memory_space<vmem>> -> memref<40xi32, #tpu.memory_space<vmem>>
    %dma_wait3A_1732 = arith.constant 0 : i32
    %dma_wait3A_1733 = arith.constant 0 : i32
    %dma_wait3A_1734 = tpu.memref_slice %arg10[%dma_wait3A_1732, %dma_wait3A_1733] : memref<10112x128xf32, #tpu.memory_space<vmem_shared>> -> memref<10112x128xf32, #tpu.memory_space<vmem_shared>>
    tpu.wait_indirect_dma semaphore(%arg33 : memref<!tpu.dma_semaphore, #tpu.memory_space<semaphore_mem>>) src(%dma_wait3A_1728 : memref<40x128xf32, #tpu.memory_space<vmem>>) dst(%dma_wait3A_1734 : memref<10112x128xf32, #tpu.memory_space<vmem_shared>>)
    %dma_wait3A_1735 = arith.constant 7 : i32
    %dma_wait3A_1736 = arith.constant 7 : i32
    %dma_wait3A_1737 = arith.constant 0 : i32
    %dma_wait3A_1738 = arith.constant 0 : i32
    %dma_wait3A_1739 = tpu.memref_slice %arg8[%dma_wait3A_1735, %dma_wait3A_1737, %dma_wait3A_1738] : memref<8x40x128xf32, #tpu.memory_space<vmem>> -> memref<1x40x128xf32, #tpu.memory_space<vmem>>
    %dma_wait3A_1740 = tpu.memref_squeeze %dma_wait3A_1739 : memref<1x40x128xf32, #tpu.memory_space<vmem>> -> memref<40x128xf32, #tpu.memory_space<vmem>>
    %dma_wait3A_1741 = arith.constant 0 : i32
    %dma_wait3A_1742 = tpu.memref_slice %arg7[%dma_wait3A_1736, %dma_wait3A_1741] : memref<8x40xi32, #tpu.memory_space<vmem>> -> memref<1x40xi32, #tpu.memory_space<vmem>>
    %dma_wait3A_1743 = tpu.memref_squeeze %dma_wait3A_1742 : memref<1x40xi32, #tpu.memory_space<vmem>> -> memref<40xi32, #tpu.memory_space<vmem>>
    %dma_wait3A_1744 = arith.constant 0 : i32
    %dma_wait3A_1745 = arith.constant 0 : i32
    %dma_wait3A_1746 = tpu.memref_slice %arg10[%dma_wait3A_1744, %dma_wait3A_1745] : memref<10112x128xf32, #tpu.memory_space<vmem_shared>> -> memref<10112x128xf32, #tpu.memory_space<vmem_shared>>
    tpu.wait_indirect_dma semaphore(%arg34 : memref<!tpu.dma_semaphore, #tpu.memory_space<semaphore_mem>>) src(%dma_wait3A_1740 : memref<40x128xf32, #tpu.memory_space<vmem>>) dst(%dma_wait3A_1746 : memref<10112x128xf32, #tpu.memory_space<vmem_shared>>)
    %dma_wait3A_1747 = arith.constant 0 : i32
    %dma_wait3A_1748 = arith.constant 0 : i32
    %dma_wait3A_1749 = arith.constant 0 : i32
    %dma_wait3A_1750 = arith.constant 0 : i32
    %dma_wait3A_1751 = tpu.memref_slice %arg8[%dma_wait3A_1748, %dma_wait3A_1749, %dma_wait3A_1750] : memref<8x40x128xf32, #tpu.memory_space<vmem>> -> memref<1x20x128xf32, #tpu.memory_space<vmem>>
    %dma_wait3A_1752 = tpu.memref_squeeze %dma_wait3A_1751 : memref<1x20x128xf32, #tpu.memory_space<vmem>> -> memref<20x128xf32, #tpu.memory_space<vmem>>
    %dma_wait3A_1753 = arith.constant 0 : i32
    %dma_wait3A_1754 = tpu.memref_slice %arg6[%dma_wait3A_1747, %dma_wait3A_1753] : memref<8x40xi32, #tpu.memory_space<vmem>> -> memref<1x20xi32, #tpu.memory_space<vmem>>
    %dma_wait3A_1755 = tpu.memref_squeeze %dma_wait3A_1754 : memref<1x20xi32, #tpu.memory_space<vmem>> -> memref<20xi32, #tpu.memory_space<vmem>>
    %dma_wait3A_1756 = arith.constant 0 : i32
    %dma_wait3A_1757 = arith.constant 0 : i32
    %dma_wait3A_1758 = tpu.memref_slice %arg2[%dma_wait3A_1756, %dma_wait3A_1757] : memref<80000x128xf32, #tpu.memory_space<hbm>> -> memref<80000x128xf32, #tpu.memory_space<hbm>>
    tpu.wait_indirect_dma semaphore(%arg19 : memref<!tpu.dma_semaphore, #tpu.memory_space<semaphore_mem>>) src(%dma_wait3A_1758 : memref<80000x128xf32, #tpu.memory_space<hbm>>) dst(%dma_wait3A_1752 : memref<20x128xf32, #tpu.memory_space<vmem>>)
    %dma_wait3A_1759 = arith.constant 0 : i32
    %dma_wait3A_1760 = arith.constant 0 : i32
    %dma_wait3A_1761 = arith.constant 20 : i32
    %dma_wait3A_1762 = arith.constant 0 : i32
    %dma_wait3A_1763 = tpu.memref_slice %arg8[%dma_wait3A_1760, %dma_wait3A_1761, %dma_wait3A_1762] : memref<8x40x128xf32, #tpu.memory_space<vmem>> -> memref<1x20x128xf32, #tpu.memory_space<vmem>>
    %dma_wait3A_1764 = tpu.memref_squeeze %dma_wait3A_1763 : memref<1x20x128xf32, #tpu.memory_space<vmem>> -> memref<20x128xf32, #tpu.memory_space<vmem>>
    %dma_wait3A_1765 = arith.constant 20 : i32
    %dma_wait3A_1766 = tpu.memref_slice %arg6[%dma_wait3A_1759, %dma_wait3A_1765] : memref<8x40xi32, #tpu.memory_space<vmem>> -> memref<1x20xi32, #tpu.memory_space<vmem>>
    %dma_wait3A_1767 = tpu.memref_squeeze %dma_wait3A_1766 : memref<1x20xi32, #tpu.memory_space<vmem>> -> memref<20xi32, #tpu.memory_space<vmem>>
    %dma_wait3A_1768 = arith.constant 0 : i32
    %dma_wait3A_1769 = arith.constant 0 : i32
    %dma_wait3A_1770 = tpu.memref_slice %arg2[%dma_wait3A_1768, %dma_wait3A_1769] : memref<80000x128xf32, #tpu.memory_space<hbm>> -> memref<80000x128xf32, #tpu.memory_space<hbm>>
    tpu.wait_indirect_dma semaphore(%arg19 : memref<!tpu.dma_semaphore, #tpu.memory_space<semaphore_mem>>) src(%dma_wait3A_1770 : memref<80000x128xf32, #tpu.memory_space<hbm>>) dst(%dma_wait3A_1764 : memref<20x128xf32, #tpu.memory_space<vmem>>)
    %dma_start3A_1771 = arith.constant 0 : i32
    %dma_start3A_1772 = arith.constant 0 : i32
    %dma_start3A_1773 = arith.constant 0 : i32
    %dma_start3A_1774 = arith.constant 0 : i32
    %dma_start3A_1775 = tpu.memref_slice %arg8[%dma_start3A_1771, %dma_start3A_1773, %dma_start3A_1774] : memref<8x40x128xf32, #tpu.memory_space<vmem>> -> memref<1x40x128xf32, #tpu.memory_space<vmem>>
    %dma_start3A_1776 = tpu.memref_squeeze %dma_start3A_1775 : memref<1x40x128xf32, #tpu.memory_space<vmem>> -> memref<40x128xf32, #tpu.memory_space<vmem>>
    %dma_start3A_1777 = arith.constant 0 : i32
    %dma_start3A_1778 = tpu.memref_slice %arg7[%dma_start3A_1772, %dma_start3A_1777] : memref<8x40xi32, #tpu.memory_space<vmem>> -> memref<1x40xi32, #tpu.memory_space<vmem>>
    %dma_start3A_1779 = tpu.memref_squeeze %dma_start3A_1778 : memref<1x40xi32, #tpu.memory_space<vmem>> -> memref<40xi32, #tpu.memory_space<vmem>>
    %dma_start3A_1780 = arith.constant 0 : i32
    %dma_start3A_1781 = arith.constant 0 : i32
    %dma_start3A_1782 = tpu.memref_slice %arg10[%dma_start3A_1780, %dma_start3A_1781] : memref<10112x128xf32, #tpu.memory_space<vmem_shared>> -> memref<10112x128xf32, #tpu.memory_space<vmem_shared>>
    tpu.enqueue_indirect_dma source(%dma_start3A_1776 : memref<40x128xf32, #tpu.memory_space<vmem>>) target(%dma_start3A_1782 : memref<10112x128xf32, #tpu.memory_space<vmem_shared>>) offsets(%dma_start3A_1779 : memref<40xi32, #tpu.memory_space<vmem>>) semaphore(%arg27 : memref<!tpu.dma_semaphore, #tpu.memory_space<semaphore_mem>>) {add = true}
    %dma_wait3A_1783 = arith.constant 1 : i32
    %dma_wait3A_1784 = arith.constant 1 : i32
    %dma_wait3A_1785 = arith.constant 0 : i32
    %dma_wait3A_1786 = arith.constant 0 : i32
    %dma_wait3A_1787 = tpu.memref_slice %arg8[%dma_wait3A_1784, %dma_wait3A_1785, %dma_wait3A_1786] : memref<8x40x128xf32, #tpu.memory_space<vmem>> -> memref<1x20x128xf32, #tpu.memory_space<vmem>>
    %dma_wait3A_1788 = tpu.memref_squeeze %dma_wait3A_1787 : memref<1x20x128xf32, #tpu.memory_space<vmem>> -> memref<20x128xf32, #tpu.memory_space<vmem>>
    %dma_wait3A_1789 = arith.constant 0 : i32
    %dma_wait3A_1790 = tpu.memref_slice %arg6[%dma_wait3A_1783, %dma_wait3A_1789] : memref<8x40xi32, #tpu.memory_space<vmem>> -> memref<1x20xi32, #tpu.memory_space<vmem>>
    %dma_wait3A_1791 = tpu.memref_squeeze %dma_wait3A_1790 : memref<1x20xi32, #tpu.memory_space<vmem>> -> memref<20xi32, #tpu.memory_space<vmem>>
    %dma_wait3A_1792 = arith.constant 0 : i32
    %dma_wait3A_1793 = arith.constant 0 : i32
    %dma_wait3A_1794 = tpu.memref_slice %arg2[%dma_wait3A_1792, %dma_wait3A_1793] : memref<80000x128xf32, #tpu.memory_space<hbm>> -> memref<80000x128xf32, #tpu.memory_space<hbm>>
    tpu.wait_indirect_dma semaphore(%arg20 : memref<!tpu.dma_semaphore, #tpu.memory_space<semaphore_mem>>) src(%dma_wait3A_1794 : memref<80000x128xf32, #tpu.memory_space<hbm>>) dst(%dma_wait3A_1788 : memref<20x128xf32, #tpu.memory_space<vmem>>)
    %dma_wait3A_1795 = arith.constant 1 : i32
    %dma_wait3A_1796 = arith.constant 1 : i32
    %dma_wait3A_1797 = arith.constant 20 : i32
    %dma_wait3A_1798 = arith.constant 0 : i32
    %dma_wait3A_1799 = tpu.memref_slice %arg8[%dma_wait3A_1796, %dma_wait3A_1797, %dma_wait3A_1798] : memref<8x40x128xf32, #tpu.memory_space<vmem>> -> memref<1x20x128xf32, #tpu.memory_space<vmem>>
    %dma_wait3A_1800 = tpu.memref_squeeze %dma_wait3A_1799 : memref<1x20x128xf32, #tpu.memory_space<vmem>> -> memref<20x128xf32, #tpu.memory_space<vmem>>
    %dma_wait3A_1801 = arith.constant 20 : i32
    %dma_wait3A_1802 = tpu.memref_slice %arg6[%dma_wait3A_1795, %dma_wait3A_1801] : memref<8x40xi32, #tpu.memory_space<vmem>> -> memref<1x20xi32, #tpu.memory_space<vmem>>
    %dma_wait3A_1803 = tpu.memref_squeeze %dma_wait3A_1802 : memref<1x20xi32, #tpu.memory_space<vmem>> -> memref<20xi32, #tpu.memory_space<vmem>>
    %dma_wait3A_1804 = arith.constant 0 : i32
    %dma_wait3A_1805 = arith.constant 0 : i32
    %dma_wait3A_1806 = tpu.memref_slice %arg2[%dma_wait3A_1804, %dma_wait3A_1805] : memref<80000x128xf32, #tpu.memory_space<hbm>> -> memref<80000x128xf32, #tpu.memory_space<hbm>>
    tpu.wait_indirect_dma semaphore(%arg20 : memref<!tpu.dma_semaphore, #tpu.memory_space<semaphore_mem>>) src(%dma_wait3A_1806 : memref<80000x128xf32, #tpu.memory_space<hbm>>) dst(%dma_wait3A_1800 : memref<20x128xf32, #tpu.memory_space<vmem>>)
    %dma_start3A_1807 = arith.constant 1 : i32
    %dma_start3A_1808 = arith.constant 1 : i32
    %dma_start3A_1809 = arith.constant 0 : i32
    %dma_start3A_1810 = arith.constant 0 : i32
    %dma_start3A_1811 = tpu.memref_slice %arg8[%dma_start3A_1807, %dma_start3A_1809, %dma_start3A_1810] : memref<8x40x128xf32, #tpu.memory_space<vmem>> -> memref<1x40x128xf32, #tpu.memory_space<vmem>>
    %dma_start3A_1812 = tpu.memref_squeeze %dma_start3A_1811 : memref<1x40x128xf32, #tpu.memory_space<vmem>> -> memref<40x128xf32, #tpu.memory_space<vmem>>
    %dma_start3A_1813 = arith.constant 0 : i32
    %dma_start3A_1814 = tpu.memref_slice %arg7[%dma_start3A_1808, %dma_start3A_1813] : memref<8x40xi32, #tpu.memory_space<vmem>> -> memref<1x40xi32, #tpu.memory_space<vmem>>
    %dma_start3A_1815 = tpu.memref_squeeze %dma_start3A_1814 : memref<1x40xi32, #tpu.memory_space<vmem>> -> memref<40xi32, #tpu.memory_space<vmem>>
    %dma_start3A_1816 = arith.constant 0 : i32
    %dma_start3A_1817 = arith.constant 0 : i32
    %dma_start3A_1818 = tpu.memref_slice %arg10[%dma_start3A_1816, %dma_start3A_1817] : memref<10112x128xf32, #tpu.memory_space<vmem_shared>> -> memref<10112x128xf32, #tpu.memory_space<vmem_shared>>
    tpu.enqueue_indirect_dma source(%dma_start3A_1812 : memref<40x128xf32, #tpu.memory_space<vmem>>) target(%dma_start3A_1818 : memref<10112x128xf32, #tpu.memory_space<vmem_shared>>) offsets(%dma_start3A_1815 : memref<40xi32, #tpu.memory_space<vmem>>) semaphore(%arg28 : memref<!tpu.dma_semaphore, #tpu.memory_space<semaphore_mem>>) {add = true}
    %dma_wait3A_1819 = arith.constant 0 : i32
    %dma_wait3A_1820 = arith.constant 0 : i32
    %dma_wait3A_1821 = arith.constant 0 : i32
    %dma_wait3A_1822 = arith.constant 0 : i32
    %dma_wait3A_1823 = tpu.memref_slice %arg8[%dma_wait3A_1819, %dma_wait3A_1821, %dma_wait3A_1822] : memref<8x40x128xf32, #tpu.memory_space<vmem>> -> memref<1x40x128xf32, #tpu.memory_space<vmem>>
    %dma_wait3A_1824 = tpu.memref_squeeze %dma_wait3A_1823 : memref<1x40x128xf32, #tpu.memory_space<vmem>> -> memref<40x128xf32, #tpu.memory_space<vmem>>
    %dma_wait3A_1825 = arith.constant 0 : i32
    %dma_wait3A_1826 = tpu.memref_slice %arg7[%dma_wait3A_1820, %dma_wait3A_1825] : memref<8x40xi32, #tpu.memory_space<vmem>> -> memref<1x40xi32, #tpu.memory_space<vmem>>
    %dma_wait3A_1827 = tpu.memref_squeeze %dma_wait3A_1826 : memref<1x40xi32, #tpu.memory_space<vmem>> -> memref<40xi32, #tpu.memory_space<vmem>>
    %dma_wait3A_1828 = arith.constant 0 : i32
    %dma_wait3A_1829 = arith.constant 0 : i32
    %dma_wait3A_1830 = tpu.memref_slice %arg10[%dma_wait3A_1828, %dma_wait3A_1829] : memref<10112x128xf32, #tpu.memory_space<vmem_shared>> -> memref<10112x128xf32, #tpu.memory_space<vmem_shared>>
    tpu.wait_indirect_dma semaphore(%arg27 : memref<!tpu.dma_semaphore, #tpu.memory_space<semaphore_mem>>) src(%dma_wait3A_1824 : memref<40x128xf32, #tpu.memory_space<vmem>>) dst(%dma_wait3A_1830 : memref<10112x128xf32, #tpu.memory_space<vmem_shared>>)
    %dma_wait3A_1831 = arith.constant 1 : i32
    %dma_wait3A_1832 = arith.constant 1 : i32
    %dma_wait3A_1833 = arith.constant 0 : i32
    %dma_wait3A_1834 = arith.constant 0 : i32
    %dma_wait3A_1835 = tpu.memref_slice %arg8[%dma_wait3A_1831, %dma_wait3A_1833, %dma_wait3A_1834] : memref<8x40x128xf32, #tpu.memory_space<vmem>> -> memref<1x40x128xf32, #tpu.memory_space<vmem>>
    %dma_wait3A_1836 = tpu.memref_squeeze %dma_wait3A_1835 : memref<1x40x128xf32, #tpu.memory_space<vmem>> -> memref<40x128xf32, #tpu.memory_space<vmem>>
    %dma_wait3A_1837 = arith.constant 0 : i32
    %dma_wait3A_1838 = tpu.memref_slice %arg7[%dma_wait3A_1832, %dma_wait3A_1837] : memref<8x40xi32, #tpu.memory_space<vmem>> -> memref<1x40xi32, #tpu.memory_space<vmem>>
    %dma_wait3A_1839 = tpu.memref_squeeze %dma_wait3A_1838 : memref<1x40xi32, #tpu.memory_space<vmem>> -> memref<40xi32, #tpu.memory_space<vmem>>
    %dma_wait3A_1840 = arith.constant 0 : i32
    %dma_wait3A_1841 = arith.constant 0 : i32
    %dma_wait3A_1842 = tpu.memref_slice %arg10[%dma_wait3A_1840, %dma_wait3A_1841] : memref<10112x128xf32, #tpu.memory_space<vmem_shared>> -> memref<10112x128xf32, #tpu.memory_space<vmem_shared>>
    tpu.wait_indirect_dma semaphore(%arg28 : memref<!tpu.dma_semaphore, #tpu.memory_space<semaphore_mem>>) src(%dma_wait3A_1836 : memref<40x128xf32, #tpu.memory_space<vmem>>) dst(%dma_wait3A_1842 : memref<10112x128xf32, #tpu.memory_space<vmem_shared>>)
    %barrier3A_1843 = arith.constant 0 : index
    tpu.barrier barrier_id(%barrier3A_1843)
    %mul3A_1844 = arith.constant 632 : i32
    %mul3A_1845 = arith.muli %arg1, %mul3A_1844 : i32
    %mul3A_1846 = arith.constant 632 : i32
    %mul3A_1847 = arith.muli %arg1, %mul3A_1846 : i32
    "tpu.region"() ({
      %run_scoped3A = tpu.sem_alloc : memref<!tpu.dma_semaphore, #tpu.memory_space<semaphore_mem>>
      %dma_start3A_1848 = arith.constant 0 : i32
      %dma_start3A_1849 = tpu.memref_slice %arg4[%arg0, %mul3A_1847, %dma_start3A_1848] : memref<2x10112x128xf32, #tpu.memory_space<hbm>> -> memref<1x632x128xf32, #tpu.memory_space<hbm>>
      %dma_start3A_1850 = tpu.memref_squeeze %dma_start3A_1849 : memref<1x632x128xf32, #tpu.memory_space<hbm>> -> memref<632x128xf32, #tpu.memory_space<hbm>>
      %dma_start3A_1851 = arith.constant 0 : i32
      %dma_start3A_1852 = tpu.memref_slice %arg10[%mul3A_1845, %dma_start3A_1851] : memref<10112x128xf32, #tpu.memory_space<vmem_shared>> -> memref<632x128xf32, #tpu.memory_space<vmem_shared>>
      tpu.enqueue_dma source(%dma_start3A_1852 : memref<632x128xf32, #tpu.memory_space<vmem_shared>>) target(%dma_start3A_1850 : memref<632x128xf32, #tpu.memory_space<hbm>>) target_semaphore(%run_scoped3A : memref<!tpu.dma_semaphore, #tpu.memory_space<semaphore_mem>>)
      %dma_wait3A_1853 = arith.constant 0 : i32
      %dma_wait3A_1854 = tpu.memref_slice %arg4[%arg0, %mul3A_1847, %dma_wait3A_1853] : memref<2x10112x128xf32, #tpu.memory_space<hbm>> -> memref<1x632x128xf32, #tpu.memory_space<hbm>>
      %dma_wait3A_1855 = tpu.memref_squeeze %dma_wait3A_1854 : memref<1x632x128xf32, #tpu.memory_space<hbm>> -> memref<632x128xf32, #tpu.memory_space<hbm>>
      %dma_wait3A_1856 = arith.constant 0 : i32
      %dma_wait3A_1857 = tpu.memref_slice %arg10[%mul3A_1845, %dma_wait3A_1856] : memref<10112x128xf32, #tpu.memory_space<vmem_shared>> -> memref<632x128xf32, #tpu.memory_space<vmem_shared>>
      tpu.wait_dma2 semaphore(%run_scoped3A : memref<!tpu.dma_semaphore, #tpu.memory_space<semaphore_mem>>) src(%dma_wait3A_1857 : memref<632x128xf32, #tpu.memory_space<vmem_shared>>) dst(%dma_wait3A_1855 : memref<632x128xf32, #tpu.memory_space<hbm>>)
      tpu.yield
    }) : () -> ()
    return
  }
}

</mosaic_0001>

<sc_bundles>
// kernel: _sc_aggregate.3.cloned.1.call-start
scs
__scs_entry_jumppad:
0x0: {  	(pc) =	sbr.rel $0x88, $3  }
0x1: {  	(tag) =	ssettag $0x0;
	lr =	simm.s32 $0x1  }
0x2: {  	[smem:$0x3F9F] =	sst lr;
	_ =	strace $0xD0000000  }
0x3: {  	_ = 	snop  }
0x4: {  	_ = 	snop  }
0x5: {  	_ = 	snop  }
0x6: {  	_ = 	snop  }
0x7: {  	_ = 	snop  }
__scs_overlays_trampoline_lowered:
0x8: {  	[smem:$0x3FAE] =	sst s0  }
0x9: {  	[smem:$0x3FAF] =	sst s1  }
0xa: {  	[smem:$0x3FB0] =	sst s2  }
0xb: {  	[smem:$0x3FB1] =	sst s3  }
0xc: {  	[smem:$0x3FB2] =	sst s4  }
0xd: {  	[smem:$0x3FB3] =	sst s5  }
0xe: {  	[smem:$0x3FB4] =	sst s6  }
0xf: {  	[smem:$0x3FB5] =	sst s7  }
0x10: {  	[smem:$0x3FB6] =	sst s8  }
0x11: {  	[smem:$0x3FB7] =	sst s9;
	s0 =	simm.s32 @!p0 $0x0  }
0x12: {  	s1 =	sld [smem:$0x3F9D];
	s0 =	simm.s32 @p0 $0x1  }
0x13: {  	[smem:$0x3FB8] =	sst s0;
	s0 =	simm.s32 @!p1 $0x0  }
0x14: {  	s2 =	sld [smem:$0x3F9C];
	s0 =	simm.s32 @p1 $0x1  }
0x15: {  	[smem:$0x3FB9] =	sst s0;
	s0 =	simm.s32 @!p2 $0x0  }
0x16: {  	s3 =	sld [smem:$0x3FDB];
	s0 =	simm.s32 @p2 $0x1  }
0x17: {  	s4 =	simm.s32 $0x1BF5;
	[smem:$0x3FBB] =	sst s0  }
0x18: {  	s0 =	sld [smem:$0x3F9E];
	_ =	swait.ge [sflag:s4], $0x0  }
0x19: {  	s7 =	sld [smem:$0x3F9F]  }
0x1a: {  	s8 =	sadd.s32 $0xFFFFE003, lr  }
0x1b: {  	s9 =	sadd.s32 $0xFFFFFEF7, lr;
	s5 =	simm.s32 $0xFFFFFFFF;
	p2 =	slt.u32 s8, $0xFFFFF086  }
0x1c: {  	p1 =	slt.u32 s9, $0xF7A;
	s5 =	simm.s32 @!p2 $0x0  }
0x1d: {  	s5 =	simm.s32 @p1 $0x1;
	p0 =	seq.s32 s7, s2  }
0x1e: {  	s7 =	smul.u32 @!p0 $0xF7A, s2;
	p2 =	seq.s32 @!p0 s5, $0x0  }
0x1f: {  	s9 =	smul.u32 $0xF7A, s1;
	s8 =	simm.s32 @!p0 $0x1BF5;
	p2 =	por !p2, p0  }
0x20: {  	[sflag:s8] =	ssyncset.s32 @!p0 $0xFFFFF086;
	s6 =	sadd.s32 @!p0 s3, s7;
	s7 =	simm.s32 @!p0 $0x108  }
0x21: {  	s3 =	sadd.s32 s3, s9;
	s6 =	sadd.s32 @!p0 $0x88, s6;
	s7 =	simm.s32 @p2 $0x1082  }
0x22: {  	[simem:s7], [sflag:s8] =	dma.local @!p0 [hbm:s6], $0xF7A  }
0x23: {  	s9 =	sor.u32 $0xD0000000, s2;
	s6 =	simm.s32 $0x108;
	_ =	swait.ge @!p0 [sflag:s8], $0x0  }
0x24: {  	s3 =	sadd.s32 $0x88, s3;
	s6 =	simm.s32 @!p1 $0x1082;
	[sflag:s4] =	ssyncset.s32 $0xFFFFF086  }
0x25: {  	[simem:s6], [sflag:s4] =	dma.local [hbm:s3], $0xF7A  }
0x26: {  	[smem:$0x3F9F] =	sst s1;
	(tag) =	ssettag s2;
	_ =	strace s9  }
0x27: {  	s1 =	sld [smem:$0x3FAF]  }
0x28: {  	s2 =	sld [smem:$0x3FB0]  }
0x29: {  	s4 =	sld [smem:$0x3FB2]  }
0x2a: {  	p0 =	seq.s32 s5, $0x0;
	s5 =	sld [smem:$0x3FB3]  }
0x2b: {  	s6 =	sld [smem:$0x3FB4]  }
0x2c: {  	s7 =	sld [smem:$0x3FB5]  }
0x2d: {  	s3 =	simm.s32 $0x108;
	s8 =	sld [smem:$0x3FB6]  }
0x2e: {  	s3 =	simm.s32 @!p0 $0x1082;
	s9 =	sld [smem:$0x3FB7]  }
0x2f: {  	lr =	sadd.s32 s0, s3;
	s0 =	sld [smem:$0x3FAE]  }
0x30: {  	s3 =	sld [smem:$0x3FB1]  }
0x31: {  	[smem:$0x3FBA] =	sst s10  }
0x32: {  	s10 =	sld [smem:$0x3FB8];
	_ =	sdelay $0x3  }
0x33: {  	p0 =	seq.s32 s10, $0x1;
	s10 =	sld [smem:$0x3FBA];
	_ =	sdelay $0x3  }
0x34: {  	[smem:$0x3FBA] =	sst s10  }
0x35: {  	s10 =	sld [smem:$0x3FB9];
	_ =	sdelay $0x3  }
0x36: {  	p1 =	seq.s32 s10, $0x1;
	s10 =	sld [smem:$0x3FBA];
	_ =	sdelay $0x3  }
0x37: {  	[smem:$0x3FBA] =	sst s10  }
0x38: {  	s10 =	sld [smem:$0x3FBB]  }
0x39: {  	_ = 	snop;
	(pc) =	sbr.ind lr, $3  }
0x3a: {  	_ = 	snop  }
0x3b: {  	_ = 	snop  }
0x3c: {  	p2 =	seq.s32 s10, $0x1;
	s10 =	sld [smem:$0x3FBA]  }
0x3d: {  	_ =	shalt  }
0x3e: {  	_ =	shalt  }
0x3f: {  	_ =	shalt  }
0x40: {  	_ =	shalt  }
0x41: {  	_ =	shalt  }
0x42: {  	_ =	shalt  }
0x43: {  	_ =	shalt  }
0x44: {  	_ =	shalt  }
0x45: {  	_ =	shalt  }
0x46: {  	_ =	shalt  }
0x47: {  	_ =	shalt  }
0x48: {  	_ =	shalt  }
0x49: {  	_ =	shalt  }
0x4a: {  	_ =	shalt  }
0x4b: {  	_ =	shalt  }
0x4c: {  	_ =	shalt  }
0x4d: {  	_ =	shalt  }
0x4e: {  	_ =	shalt  }
0x4f: {  	_ =	shalt  }
0x50: {  	_ =	shalt  }
0x51: {  	_ =	shalt  }
0x52: {  	_ =	shalt  }
0x53: {  	_ =	shalt  }
0x54: {  	_ =	shalt  }
0x55: {  	_ =	shalt  }
0x56: {  	_ =	shalt  }
0x57: {  	_ =	shalt  }
0x58: {  	_ =	shalt  }
0x59: {  	_ =	shalt  }
0x5a: {  	_ =	shalt  }
0x5b: {  	_ =	shalt  }
0x5c: {  	_ =	shalt  }
0x5d: {  	_ =	shalt  }
0x5e: {  	_ =	shalt  }
0x5f: {  	_ =	shalt  }
0x60: {  	_ =	shalt  }
0x61: {  	_ =	shalt  }
0x62: {  	_ =	shalt  }
0x63: {  	_ =	shalt  }
0x64: {  	_ =	shalt  }
0x65: {  	_ =	shalt  }
0x66: {  	_ =	shalt  }
0x67: {  	_ =	shalt  }
0x68: {  	_ =	shalt  }
0x69: {  	_ =	shalt  }
0x6a: {  	_ =	shalt  }
0x6b: {  	_ =	shalt  }
0x6c: {  	_ =	shalt  }
0x6d: {  	_ =	shalt  }
0x6e: {  	_ =	shalt  }
0x6f: {  	_ =	shalt  }
0x70: {  	_ =	shalt  }
0x71: {  	_ =	shalt  }
0x72: {  	_ =	shalt  }
0x73: {  	_ =	shalt  }
0x74: {  	_ =	shalt  }
0x75: {  	_ =	shalt  }
0x76: {  	_ =	shalt  }
0x77: {  	_ =	shalt  }
0x78: {  	_ =	shalt  }
0x79: {  	_ =	shalt  }
0x7a: {  	_ =	shalt  }
0x7b: {  	_ =	shalt  }
0x7c: {  	_ =	shalt  }
0x7d: {  	_ =	shalt  }
0x7e: {  	_ =	shalt  }
0x7f: {  	_ =	shalt  }
0x80: {  	_ =	shalt  }
0x81: {  	_ =	shalt  }
0x82: {  	_ =	shalt  }
0x83: {  	_ =	shalt  }
0x84: {  	_ =	shalt  }
0x85: {  	_ =	shalt  }
0x86: {  	_ =	shalt  }
0x87: {  	_ =	shalt  }
.Lfunc_end0:
.L_simem_size_0:
called_computation_lowered:
.L_overlay_start_0:
0x88: {  	s2 =	sld [smem:$0x3FD9]  }
0x89: {  	s3 =	sld [smem:$0x3FFE];
	_ =	sdelay $0x1  }
0x8a: {  	s1 =	srdreg.scid  }
0x8b: {  	s0 =	sand.u32 $0x1, s1  }
0x8c: {  	s17 =	sshll.u32 s0, $0xA;
	s2 =	sadd.s32 s3, s2  }
0x8d: {  	s2 =	sadd.s32 s2, s17  }
0x8e: {  	[smem:$0x3FC6] =	sst s2  }
0x8f: {  	_ = 	snop  }
0x90: {  	s2 =	sld [smem:$0x3FC9]  }
0x91: {  	s18 =	sld [smem:$0x3FD0];
	(tm) =	ssettm $0x1  }
0x92: {  	s4 =	sld [smem:$0x3FFB];
	_ =	sdelay $0x3  }
0x93: {  	_ =	strace s4  }
0x94: {  	s4 =	sld [smem:$0x3FFC];
	_ =	sdelay $0x3  }
0x95: {  	_ =	strace s4  }
0x96: {  	s4 =	sld [smem:$0x3FFD];
	_ =	sdelay $0x3  }
0x97: {  	_ =	strace s4  }
0x98: {  	_ =	strace $0x8FFFFFFF  }
0x99: {  	s19 =	sld [smem:$0x3FDB];
	_ =	sdelay $0x1  }
0x9a: {  	s5 =	simm.s32 $_scs_section_size  }
0x9b: {  	s6 =	simm.s32 $_size__tile_overlayer_lowered;
	s7 =	simm.s32 $_tile_overlayer_lowered  }
0x9c: {  	s22 =	simm.s32 $0x1BFF;
	s21 =	sshll.u32 s7, $0x1;
	s4 =	sadd.s32 s5, s19  }
0x9d: {  	s8 =	simm.s32 $0x0;
	s20 =	sshll.u32 s6, $0x1;
	s6 =	sadd.s32 s21, s4  }
0x9e: {  	[timem:s8], [sflag:s22] =	dma.local [hbm:s6], s20  }
0x9f: {  	_ =	swait.ge [sflag:s22], s20  }
0xa0: {  	s5 =	ssub.s32 $0x0, s20;
	[sflag:s22] =	ssyncset.done $0x0  }
0xa1: {  	[sflag:s22] =	ssyncadd.s32 s5;
	_ =	sdelay $0x1  }
0xa2: {  	s23 =	simm.s32 $0x1B8B  }
0xa3: {  	_ =	swait.ge [sflag:s23], $0x1  }
0xa4: {  	[sflag:s23] =	ssyncset.done $0x0  }
0xa5: {  	s25 =	simm.s32 $0x1B8E;
	s24 =	sld [smem:$0x3FFE];
	[sflag:s23] =	ssyncadd.s32 $0xFFFFFFFF  }
0xa6: {  	s26 =	simm.s32 $execute0_lowered;
	[smem:$0x3FD2] =	sst s25  }
0xa7: {  	s6 =	sshll.u32 s26, $0x1;
	_ =	strace $0x80000046;
	[dreg:$0x1] =	wrdreg $0xFFFFFFFF  }
0xa8: {  	s28 =	simm.s32 $_size_execute0_lowered;
	s4 =	sadd.s32 s4, s6;
	[dreg:$0x0] =	wrdreg $0x0  }
0xa9: {  	s6 =	sshll.u32 s28, $0x1;
	[dreg:$0x2] =	wrdreg s4  }
0xaa: {  	[dreg:$0x3] =	wrdreg s6  }
0xab: {  	[dreg:$0x4] =	wrdreg $0xC0  }
0xac: {  	_ =	task [dreg:s8], $0x5FFFF  }
0xad: {  	[dreg:$0x1] =	wrdreg $0xFFFFFFFF  }
0xae: {  	[dreg:$0x0] =	wrdreg $0x60  }
0xaf: {  	[dreg:$0x2] =	wrdreg s2  }
0xb0: {  	[dreg:$0x3] =	wrdreg s24  }
0xb1: {  	[dreg:$0x4] =	wrdreg s18  }
0xb2: {  	[dreg:$0x5] =	wrdreg $0xB0000  }
0xb3: {  	[dreg:$0x6] =	wrdreg $0x9  }
0xb4: {  	_ =	task.clear_ibuf [dreg:s8], $0x7FFFF;
	_ =	strace $0x90000046  }
0xb5: {  	s29 =	simm.s32 $0x9;
	_ =	strace $0x80000048  }
0xb6: {  	_ =	swait.ge [sflag:s29], $0x1  }
0xb7: {  	[sflag:s29] =	ssyncadd.s32 $0xFFFFFFFF  }
0xb8: {  	_ =	strace $0x90000048  }
0xb9: {  	_ =	sfence  }
0xba: {  	s30 =	sld [smem:$0x0];
	_ =	sdelay $0x2  }
0xbb: {  	s31 =	sshll.u32 s1, $0xD;
	s1 =	sshrl.u32 s1, $0x2  }
0xbc: {  	s3 =	sand.u32 $0x4000, s31;
	s1 =	sadd.s32 s1, s30  }
0xbd: {  	s0 =	sor.u32 s3, s0;
	s1 =	sshll.u32 s1, $0x11  }
0xbe: {  	s0 =	sor.u32 s1, s0  }
0xbf: {  	s0 =	sadd.s32 $0x8F2B, s0  }
0xc0: {  	[sflag:s0] =	ssyncadd.remote.s32 $0x1  }
0xc1: {  	_ =	sfence.sel $0xFFFF  }
0xc2: {  	[dreg:$0x0] =	wrdreg $0xFFFFFFFF;
	(pc) =	sbr.abs _section_cstart, $3  }
0xc3: {  	[dreg:$0x1] =	wrdreg $0xFFFFFFFF  }
0xc4: {  	_ =	task.clear_ibuf [dreg:s8], $0x2FFFF;
	_ =	strace $0x9FFFFFFF  }
0xc5: {  	(tm) =	ssettm $0x7FFFFFFF  }
tec
execute0_lowered:
.L_overlay_start_1:
0x0: {  	(tag) =	ssettag $0x1  }
0x1: {  	s0 =	rddreg [dreg:$0x0]  }
0x2: {  	s1 =	rddreg [dreg:$0x1];
	s9 =	stileid.u32  }
0x3: {  	s2 =	srdreg.scid;
	s8 =	smul.u32 $0x4F000, s9  }
0x4: {  	s5 =	rddreg [dreg:$0x2];
	s2 =	sand.u32 $0x1, s2;
	s21 =	smul.u32 $0x7D00, s9  }
0x5: {  	s3 =	rddreg [dreg:$0x3];
	s4 =	simm.s32 $0x0;
	s18 =	smul.u32 $0x7D000, s2  }
0x6: {  	s6 =	sshll.u32 s2, $0x4;
	s7 =	ssub.s32 $0x2, s2;
	s2 =	smul.u32 $0x13C000, s2  }
0x7: {  	[smem:$0x7FF] =	sst s4;
	s6 =	sor.u32 s9, s6;
	s9 =	smul.u32 $0x13C00, s9  }
0x8: {  	s11 =	sadd.s32 $0x400, s1;
	s16 =	sshrl.u32 s7, $0x1;
	s6 =	smul.u32 $0x7D00, s6  }
0x9: {  	_ =	strace $0x80000047;
	[dreg:$0xc] =	wrdreg s11;
	s1 =	ssub.s32 s7, s16  }
0xa: {  	s2 =	sadd.s32 s9, s2;
	s1 =	smax.u32 s1, $0x1;
	s6 =	sshrl.u32 s6, $0x3  }
0xb: {  	s2 =	sshrl.u32 s2, $0x3;
	[dreg:$0x18] =	wrdreg s1;
	s10 =	sadd.s32 s11, s6  }
0xc: {  	s28 =	simm.s32 $0x80;
	s2 =	sadd.s32 s5, s2;
	[dreg:$0xd] =	wrdreg s10  }
0xd: {  	s30 =	simm.s32 $0x100;
	s6 =	sadd.s32 $0x10, s10;
	[dreg:$0x17] =	wrdreg s2  }
0xe: {  	s31 =	simm.s32 $0x14;
	s19 =	sadd.s32 $0x20, s10;
	[dreg:$0xe] =	wrdreg s6  }
0xf: {  	s29 =	simm.s32 $0xB;
	s20 =	sadd.s32 $0x30, s10;
	[dreg:$0xf] =	wrdreg s19  }
0x10: {  	s17 =	sshrl.u32 s8, $0x2;
	s12 =	sadd.s32 $0x40, s10;
	[dreg:$0x10] =	wrdreg s20  }
0x11: {  	s7 =	sadd.s32 s17, s3;
	s22 =	sadd.s32 $0x50, s10;
	[dreg:$0x11] =	wrdreg s12  }
0x12: {  	s1 =	simm.s32 $0x9;
	s23 =	sadd.s32 $0x60, s10;
	[dreg:$0x12] =	wrdreg s22  }
0x13: {  	s5 =	simm.s32 $0xF;
	s24 =	sadd.s32 $0x70, s10;
	[dreg:$0x13] =	wrdreg s23  }
0x14: {  	s25 =	sadd.s32 $0xF80, s10;
	s10 =	sadd.s32 $0xF90, s10;
	[dreg:$0x14] =	wrdreg s24  }
0x15: {  	s2 =	simm.s32 $0x0;
	s6 =	sadd.s32 s21, s18;
	[dreg:$0x15] =	wrdreg s25  }
0x16: {  	[dreg:$0x16] =	wrdreg s10;
	s10 =	simm.s32 $0x2;
	s26 =	sadd.s32 $0x780, s6  }
0x17: {  	s12 =	sadd.s32 $0x700, s6;
	s14 =	sadd.s32 $0x680, s6;
	s15 =	sadd.s32 $0x600, s6  }
0x18: {  	s19 =	sadd.s32 $0x580, s6;
	s21 =	sadd.s32 $0x500, s6;
	s22 =	sadd.s32 $0x480, s6  }
0x19: {  	s8 =	sshrl.u32 s26, $0x3;
	s13 =	sshrl.u32 s12, $0x3;
	s9 =	sshrl.u32 s14, $0x3  }
0x1a: {  	s17 =	sshrl.u32 s15, $0x3;
	s20 =	sshrl.u32 s19, $0x3;
	s24 =	sshrl.u32 s22, $0x3  }
0x1b: {  	s26 =	sadd.s32 $0x400, s6;
	s14 =	simm.s32 $0x28;
	s8 =	sadd.s32 s8, s11  }
0x1c: {  	s16 =	sadd.s32 s9, s11;
	s18 =	sadd.s32 s17, s11;
	[dreg:$0x19] =	wrdreg s26  }
0x1d: {  	s9 =	sshrl.u32 s21, $0x3;
	s25 =	sadd.s32 s24, s11;
	[dreg:$0x5] =	wrdreg s8  }
0x1e: {  	s21 =	simm.s32 $0x19;
	s26 =	simm.s32 $0xE;
	[dreg:$0x7] =	wrdreg s16  }
0x1f: {  	s17 =	simm.s32 $0x10;
	s24 =	simm.s32 $0x7;
	[dreg:$0x8] =	wrdreg s18  }
0x20: {  	s8 =	sadd.s32 s13, s11;
	s23 =	sadd.s32 s9, s11;
	[dreg:$0xb] =	wrdreg s25  }
0x21: {  	s13 =	simm.s32 $0xC;
	s25 =	simm.s32 $0x9800;
	[dreg:$0x6] =	wrdreg s8  }
0x22: {  	s8 =	sadd.s32 s20, s11;
	[dreg:$0xa] =	wrdreg s23;
	s20 =	simm.s32 $0xAC00  }
0x23: {  	v0 =	vimm.f32 $0.0e+00;
	s23 =	simm.s32 $0xA;
	[dreg:$0x9] =	wrdreg s8;
	s8 =	simm.s32 $0xD  }
.LBB2_1:
0x24: {  	[tilespmem:$0xAC00] =	vst v0  }
0x25: {  	[tilespmem:$0xAC10] =	vst v0  }
0x26: {  	[tilespmem:$0xAC20] =	vst v0  }
0x27: {  	[tilespmem:$0xAC30] =	vst v0  }
0x28: {  	[tilespmem:$0xAC40] =	vst v0  }
0x29: {  	[tilespmem:$0xAC50] =	vst v0  }
0x2a: {  	[tilespmem:$0xAC60] =	vst v0  }
0x2b: {  	[tilespmem:$0xAC70] =	vst v0  }
0x2c: {  	[tilespmem:$0xAC80] =	vst v0  }
0x2d: {  	[tilespmem:$0xAC90] =	vst v0  }
0x2e: {  	[tilespmem:$0xACA0] =	vst v0  }
0x2f: {  	[tilespmem:$0xACB0] =	vst v0  }
0x30: {  	[tilespmem:$0xACC0] =	vst v0  }
0x31: {  	[tilespmem:$0xACD0] =	vst v0  }
0x32: {  	[tilespmem:$0xACE0] =	vst v0  }
0x33: {  	[tilespmem:$0xACF0] =	vst v0  }
0x34: {  	[tilespmem:$0xAD00] =	vst v0  }
0x35: {  	[tilespmem:$0xAD10] =	vst v0  }
0x36: {  	[tilespmem:$0xAD20] =	vst v0  }
0x37: {  	[tilespmem:$0xAD30] =	vst v0  }
0x38: {  	[tilespmem:$0xAD40] =	vst v0  }
0x39: {  	[tilespmem:$0xAD50] =	vst v0  }
0x3a: {  	[tilespmem:$0xAD60] =	vst v0  }
0x3b: {  	[tilespmem:$0xAD70] =	vst v0  }
0x3c: {  	[tilespmem:$0xAD80] =	vst v0  }
0x3d: {  	[tilespmem:$0xAD90] =	vst v0  }
0x3e: {  	[tilespmem:$0xADA0] =	vst v0  }
0x3f: {  	[tilespmem:$0xADB0] =	vst v0  }
0x40: {  	[tilespmem:$0xADC0] =	vst v0  }
0x41: {  	[tilespmem:$0xADD0] =	vst v0  }
0x42: {  	[tilespmem:$0xADE0] =	vst v0  }
0x43: {  	[tilespmem:$0xADF0] =	vst v0  }
0x44: {  	[tilespmem:$0xAE00] =	vst v0  }
0x45: {  	[tilespmem:$0xAE10] =	vst v0  }
0x46: {  	[tilespmem:$0xAE20] =	vst v0  }
0x47: {  	[tilespmem:$0xAE30] =	vst v0  }
0x48: {  	[tilespmem:$0xAE40] =	vst v0  }
0x49: {  	[tilespmem:$0xAE50] =	vst v0  }
0x4a: {  	[tilespmem:$0xAE60] =	vst v0  }
0x4b: {  	[tilespmem:$0xAE70] =	vst v0  }
0x4c: {  	[tilespmem:$0xAE80] =	vst v0  }
0x4d: {  	[tilespmem:$0xAE90] =	vst v0  }
0x4e: {  	[tilespmem:$0xAEA0] =	vst v0  }
0x4f: {  	[tilespmem:$0xAEB0] =	vst v0  }
0x50: {  	[tilespmem:$0xAEC0] =	vst v0  }
0x51: {  	[tilespmem:$0xAED0] =	vst v0  }
0x52: {  	[tilespmem:$0xAEE0] =	vst v0  }
0x53: {  	[tilespmem:$0xAEF0] =	vst v0  }
0x54: {  	[tilespmem:$0xAF00] =	vst v0  }
0x55: {  	[tilespmem:$0xAF10] =	vst v0  }
0x56: {  	[tilespmem:$0xAF20] =	vst v0  }
0x57: {  	[tilespmem:$0xAF30] =	vst v0  }
0x58: {  	[tilespmem:$0xAF40] =	vst v0  }
0x59: {  	[tilespmem:$0xAF50] =	vst v0  }
0x5a: {  	[tilespmem:$0xAF60] =	vst v0  }
0x5b: {  	[tilespmem:$0xAF70] =	vst v0  }
0x5c: {  	[tilespmem:$0xAF80] =	vst v0  }
0x5d: {  	[tilespmem:$0xAF90] =	vst v0  }
0x5e: {  	[tilespmem:$0xAFA0] =	vst v0  }
0x5f: {  	[tilespmem:$0xAFB0] =	vst v0  }
0x60: {  	[tilespmem:$0xAFC0] =	vst v0  }
0x61: {  	[tilespmem:$0xAFD0] =	vst v0  }
0x62: {  	[tilespmem:$0xAFE0] =	vst v0  }
0x63: {  	[dreg:$0x1a] =	wrdreg s2;
	[tilespmem:$0xAFF0] =	vst v0;
	s6 =	sadd.s32 $0x0, s7  }
0x64: {  	[spmem:s6] =	stream.linear.scatter [tilespmem:s20], [sflag:$0x19], $0x400, $0x38;
	[tilespmem:$0x1EC00] =	vst v63  }
0x65: {  	s6 =	simm.s32 $0x1000;
	_ =	swait.ge [sflag:s21], $0x400  }
.LBB2_2:
0x66: {  	s15 =	sshra.s32 s6, $0x2;
	[sflag:s21] =	ssyncset.done $0x0;
	p0 =	sne.s32 s6, $0x4E000  }
.Ltmp0:
0x67: {  	s15 =	sadd.s32 s15, s7;
	[sflag:s21] =	ssyncadd.s32 $0xFFFFFC00;
	(pc) =	sbr.rel @p0 .LBB2_2-.Ltmp0, $3  }
0x68: {  	[spmem:s15] =	stream.linear.scatter [tilespmem:s20], [sflag:$0x19], $0x400, $0x38;
	[tilespmem:$0x1EC00] =	vst v63  }
0x69: {  	s6 =	sadd.s32 $0x1000, s6;
	_ =	sdelay $0x1  }
0x6a: {  	_ =	swait.ge [sflag:s21], $0x400  }
0x6b: {  	[sflag:s21] =	ssyncset.done $0x0  }
0x6c: {  	[sflag:s21] =	ssyncadd.s32 $0xFFFFFC00  }
0x6d: {  	[bflag:$0x0] =	sbarrier.arrive $0xFFFF  }
0x6e: {  	s15 =	simm.s32 $0x0;
	s6 =	rddreg [dreg:$0xd]  }
0x6f: {  	[tilespmem:s15], [sflag:$0x1] =	stream.linear.gather [hbm4b:s6+s15], $0x80, $0x38;
	[tilespmem:$0x1EC00] =	vst v63  }
0x70: {  	s12 =	rddreg [dreg:$0xe]  }
0x71: {  	[tilespmem:s28], [sflag:$0x2] =	stream.linear.gather [hbm4b:s12+s15], $0x80, $0x38;
	[tilespmem:$0x1EC00] =	vst v63  }
0x72: {  	s16 =	rddreg [dreg:$0xf]  }
0x73: {  	[tilespmem:s30], [sflag:$0x3] =	stream.linear.gather [hbm4b:s16+s15], $0x80, $0x38;
	[tilespmem:$0x1EC00] =	vst v63  }
0x74: {  	s2 =	simm.s32 $0x180;
	s18 =	rddreg [dreg:$0x10]  }
0x75: {  	[tilespmem:s2], [sflag:$0x4] =	stream.linear.gather [hbm4b:s18+s15], $0x80, $0x38;
	[tilespmem:$0x1EC00] =	vst v63  }
0x76: {  	s22 =	simm.s32 $0x200;
	s19 =	rddreg [dreg:$0x11]  }
0x77: {  	[tilespmem:s22], [sflag:$0x5] =	stream.linear.gather [hbm4b:s19+s15], $0x80, $0x38;
	[tilespmem:$0x1EC00] =	vst v63  }
0x78: {  	s28 =	rddreg [dreg:$0x12];
	s30 =	simm.s32 $0x280  }
0x79: {  	[tilespmem:s30], [sflag:$0x6] =	stream.linear.gather [hbm4b:s28+s15], $0x80, $0x38;
	[tilespmem:$0x1EC00] =	vst v63  }
0x7a: {  	s11 =	simm.s32 $0x300;
	s9 =	rddreg [dreg:$0x13]  }
0x7b: {  	[tilespmem:s11], [sflag:$0x7] =	stream.linear.gather [hbm4b:s9+s15], $0x80, $0x38;
	[tilespmem:$0x1EC00] =	vst v63  }
0x7c: {  	s12 =	rddreg [dreg:$0x14];
	s16 =	simm.s32 $0x380;
	s18 =	simm.s32 $0x1  }
0x7d: {  	[tilespmem:s16], [sflag:$0x8] =	stream.linear.gather [hbm4b:s12+s15], $0x80, $0x38;
	[tilespmem:$0x1EC00] =	vst v63  }
0x7e: {  	_ =	swait.ge [sflag:s18], $0x80  }
0x7f: {  	[sflag:s18] =	ssyncset.done $0x0  }
0x80: {  	[sflag:s18] =	ssyncadd.s32 $0xFFFFFF80  }
0x81: {  	v1 =	vld [tilespmem:$0x0];
	_ =	sdelay $0x1  }
0x82: {  	v2 =	vld [tilespmem:$0x10];
	_ =	sdelay $0x1  }
0x83: {  	v3 =	vld [tilespmem:$0x18]  }
0x84: {  	v4 =	vshrl.u32 v1, $0xE  }
0x85: {  	v1 =	vand.u32 $0x3FFF, v1;
	[tilespmem:$0x400] =	vst v4  }
0x86: {  	[tilespmem:$0x800] =	vst v1;
	v1 =	vshrl.u32 v2, $0xE  }
0x87: {  	[tilespmem:$0x410] =	vst v1;
	v1 =	vand.u32 $0x3FFF, v2  }
0x88: {  	[tilespmem:$0x810] =	vst v1;
	v1 =	vshrl.u32 v3, $0xE  }
0x89: {  	[tilespmem:$0x418] =	vst v1;
	v1 =	vand.u32 $0x3FFF, v3  }
0x8a: {  	s19 =	simm.s32 $0x400;
	s22 =	simm.s32 $0xC00;
	[tilespmem:$0x818] =	vst v1  }
0x8b: {  	[tilespmem:s22], [sflag:$0x9] =	stream.indirect.gather [hbm4b:s0+s31], $0x80, s19, s31, $0xb8;
	[tilespmem:$0x1EC00] =	vst v63  }
0x8c: {  	s28 =	simm.s32 $0x414;
	s30 =	simm.s32 $0x1600  }
0x8d: {  	[tilespmem:s30], [sflag:$0x9] =	stream.indirect.gather [hbm4b:s0+s31], $0x80, s28, s31, $0xb8;
	[tilespmem:$0x1EC00] =	vst v63  }
0x8e: {  	_ =	swait.ge [sflag:s10], $0x80  }
0x8f: {  	[sflag:s10] =	ssyncset.done $0x0  }
0x90: {  	[sflag:s10] =	ssyncadd.s32 $0xFFFFFF80  }
0x91: {  	v1 =	vld [tilespmem:$0x80];
	_ =	sdelay $0x1  }
0x92: {  	v2 =	vld [tilespmem:$0x90];
	_ =	sdelay $0x1  }
0x93: {  	v3 =	vld [tilespmem:$0x98]  }
0x94: {  	v57 =	vshrl.u32 v1, $0xE  }
0x95: {  	v1 =	vand.u32 $0x3FFF, v1;
	[tilespmem:$0x480] =	vst v57  }
0x96: {  	[tilespmem:$0x880] =	vst v1;
	v1 =	vshrl.u32 v2, $0xE  }
0x97: {  	[tilespmem:$0x490] =	vst v1;
	v1 =	vand.u32 $0x3FFF, v2  }
0x98: {  	[tilespmem:$0x890] =	vst v1;
	v1 =	vshrl.u32 v3, $0xE  }
0x99: {  	[tilespmem:$0x498] =	vst v1;
	v1 =	vand.u32 $0x3FFF, v3  }
0x9a: {  	s9 =	simm.s32 $0x480;
	s10 =	simm.s32 $0x2000;
	[tilespmem:$0x898] =	vst v1  }
0x9b: {  	[tilespmem:s10], [sflag:$0xA] =	stream.indirect.gather [hbm4b:s0+s31], $0x80, s9, s31, $0xb8;
	[tilespmem:$0x1EC00] =	vst v63  }
0x9c: {  	s11 =	simm.s32 $0x494;
	s12 =	simm.s32 $0x2A00;
	s16 =	simm.s32 $0x3  }
0x9d: {  	[tilespmem:s12], [sflag:$0xA] =	stream.indirect.gather [hbm4b:s0+s31], $0x80, s11, s31, $0xb8;
	[tilespmem:$0x1EC00] =	vst v63  }
0x9e: {  	_ =	swait.ge [sflag:s16], $0x80  }
0x9f: {  	[sflag:s16] =	ssyncset.done $0x0  }
0xa0: {  	[sflag:s16] =	ssyncadd.s32 $0xFFFFFF80  }
0xa1: {  	v1 =	vld [tilespmem:$0x100];
	_ =	sdelay $0x1  }
0xa2: {  	v2 =	vld [tilespmem:$0x110];
	_ =	sdelay $0x1  }
0xa3: {  	v3 =	vld [tilespmem:$0x118]  }
0xa4: {  	v58 =	vshrl.u32 v1, $0xE  }
0xa5: {  	v1 =	vand.u32 $0x3FFF, v1;
	[tilespmem:$0x500] =	vst v58  }
0xa6: {  	[tilespmem:$0x900] =	vst v1;
	v1 =	vshrl.u32 v2, $0xE  }
0xa7: {  	[tilespmem:$0x510] =	vst v1;
	v1 =	vand.u32 $0x3FFF, v2  }
0xa8: {  	[tilespmem:$0x910] =	vst v1;
	v1 =	vshrl.u32 v3, $0xE  }
0xa9: {  	[tilespmem:$0x518] =	vst v1;
	v1 =	vand.u32 $0x3FFF, v3  }
0xaa: {  	s18 =	simm.s32 $0x500;
	s19 =	simm.s32 $0x3400;
	[tilespmem:$0x918] =	vst v1  }
0xab: {  	[tilespmem:s19], [sflag:$0xB] =	stream.indirect.gather [hbm4b:s0+s31], $0x80, s18, s31, $0xb8;
	[tilespmem:$0x1EC00] =	vst v63  }
0xac: {  	s22 =	simm.s32 $0x514;
	s28 =	simm.s32 $0x3E00;
	s30 =	simm.s32 $0x4  }
0xad: {  	[tilespmem:s28], [sflag:$0xB] =	stream.indirect.gather [hbm4b:s0+s31], $0x80, s22, s31, $0xb8;
	[tilespmem:$0x1EC00] =	vst v63  }
0xae: {  	_ =	swait.ge [sflag:s30], $0x80  }
0xaf: {  	[sflag:s30] =	ssyncset.done $0x0  }
0xb0: {  	[sflag:s30] =	ssyncadd.s32 $0xFFFFFF80  }
0xb1: {  	v1 =	vld [tilespmem:$0x180];
	_ =	sdelay $0x1  }
0xb2: {  	v2 =	vld [tilespmem:$0x190];
	_ =	sdelay $0x1  }
0xb3: {  	v3 =	vld [tilespmem:$0x198]  }
0xb4: {  	v59 =	vshrl.u32 v1, $0xE  }
0xb5: {  	v1 =	vand.u32 $0x3FFF, v1;
	[tilespmem:$0x580] =	vst v59  }
0xb6: {  	[tilespmem:$0x980] =	vst v1;
	v1 =	vshrl.u32 v2, $0xE  }
0xb7: {  	[tilespmem:$0x590] =	vst v1;
	v1 =	vand.u32 $0x3FFF, v2  }
0xb8: {  	[tilespmem:$0x990] =	vst v1;
	v1 =	vshrl.u32 v3, $0xE  }
0xb9: {  	[tilespmem:$0x598] =	vst v1;
	v1 =	vand.u32 $0x3FFF, v3  }
0xba: {  	s2 =	simm.s32 $0x580;
	s9 =	simm.s32 $0x4800;
	[tilespmem:$0x998] =	vst v1  }
0xbb: {  	[tilespmem:s9], [sflag:$0xC] =	stream.indirect.gather [hbm4b:s0+s31], $0x80, s2, s31, $0xb8;
	[tilespmem:$0x1EC00] =	vst v63  }
0xbc: {  	s10 =	simm.s32 $0x594;
	s11 =	simm.s32 $0x5200;
	s12 =	simm.s32 $0x5  }
0xbd: {  	[tilespmem:s11], [sflag:$0xC] =	stream.indirect.gather [hbm4b:s0+s31], $0x80, s10, s31, $0xb8;
	[tilespmem:$0x1EC00] =	vst v63  }
0xbe: {  	_ =	swait.ge [sflag:s12], $0x80  }
0xbf: {  	[sflag:s12] =	ssyncset.done $0x0  }
0xc0: {  	[sflag:s12] =	ssyncadd.s32 $0xFFFFFF80  }
0xc1: {  	v1 =	vld [tilespmem:$0x200];
	_ =	sdelay $0x1  }
0xc2: {  	v2 =	vld [tilespmem:$0x210];
	_ =	sdelay $0x1  }
0xc3: {  	v3 =	vld [tilespmem:$0x218]  }
0xc4: {  	v60 =	vshrl.u32 v1, $0xE  }
0xc5: {  	v1 =	vand.u32 $0x3FFF, v1;
	[tilespmem:$0x600] =	vst v60  }
0xc6: {  	[tilespmem:$0xA00] =	vst v1;
	v1 =	vshrl.u32 v2, $0xE  }
0xc7: {  	[tilespmem:$0x610] =	vst v1;
	v1 =	vand.u32 $0x3FFF, v2  }
0xc8: {  	[tilespmem:$0xA10] =	vst v1;
	v1 =	vshrl.u32 v3, $0xE  }
0xc9: {  	[tilespmem:$0x618] =	vst v1;
	v1 =	vand.u32 $0x3FFF, v3  }
0xca: {  	s16 =	simm.s32 $0x600;
	s18 =	simm.s32 $0x5C00;
	[tilespmem:$0xA18] =	vst v1  }
0xcb: {  	[tilespmem:s18], [sflag:$0xD] =	stream.indirect.gather [hbm4b:s0+s31], $0x80, s16, s31, $0xb8;
	[tilespmem:$0x1EC00] =	vst v63  }
0xcc: {  	s19 =	simm.s32 $0x614;
	s22 =	simm.s32 $0x6600  }
0xcd: {  	[tilespmem:s22], [sflag:$0xD] =	stream.indirect.gather [hbm4b:s0+s31], $0x80, s19, s31, $0xb8;
	[tilespmem:$0x1EC00] =	vst v63  }
0xce: {  	s19 =	simm.s32 $0x6  }
0xcf: {  	_ =	swait.ge [sflag:s19], $0x80  }
0xd0: {  	[sflag:s19] =	ssyncset.done $0x0  }
0xd1: {  	[sflag:s19] =	ssyncadd.s32 $0xFFFFFF80  }
0xd2: {  	v1 =	vld [tilespmem:$0x280];
	_ =	sdelay $0x1  }
0xd3: {  	v2 =	vld [tilespmem:$0x290];
	_ =	sdelay $0x1  }
0xd4: {  	v3 =	vld [tilespmem:$0x298]  }
0xd5: {  	v61 =	vshrl.u32 v1, $0xE  }
0xd6: {  	v1 =	vand.u32 $0x3FFF, v1;
	[tilespmem:$0x680] =	vst v61  }
0xd7: {  	[tilespmem:$0xA80] =	vst v1;
	v1 =	vshrl.u32 v2, $0xE  }
0xd8: {  	[tilespmem:$0x690] =	vst v1;
	v1 =	vand.u32 $0x3FFF, v2  }
0xd9: {  	[tilespmem:$0xA90] =	vst v1;
	v1 =	vshrl.u32 v3, $0xE  }
0xda: {  	[tilespmem:$0x698] =	vst v1;
	v1 =	vand.u32 $0x3FFF, v3  }
0xdb: {  	s28 =	simm.s32 $0x680;
	s30 =	simm.s32 $0x7000;
	[tilespmem:$0xA98] =	vst v1  }
0xdc: {  	[tilespmem:s30], [sflag:$0xE] =	stream.indirect.gather [hbm4b:s0+s31], $0x80, s28, s31, $0xb8;
	[tilespmem:$0x1EC00] =	vst v63  }
0xdd: {  	s6 =	simm.s32 $0x694;
	s9 =	simm.s32 $0x7A00  }
0xde: {  	[tilespmem:s9], [sflag:$0xE] =	stream.indirect.gather [hbm4b:s0+s31], $0x80, s6, s31, $0xb8;
	[tilespmem:$0x1EC00] =	vst v63  }
0xdf: {  	_ =	swait.ge [sflag:s24], $0x80  }
0xe0: {  	[sflag:s24] =	ssyncset.done $0x0  }
0xe1: {  	[sflag:s24] =	ssyncadd.s32 $0xFFFFFF80  }
0xe2: {  	v1 =	vld [tilespmem:$0x300];
	_ =	sdelay $0x1  }
0xe3: {  	v2 =	vld [tilespmem:$0x310];
	_ =	sdelay $0x1  }
0xe4: {  	v3 =	vld [tilespmem:$0x318]  }
0xe5: {  	v62 =	vshrl.u32 v1, $0xE  }
0xe6: {  	v1 =	vand.u32 $0x3FFF, v1;
	[tilespmem:$0x700] =	vst v62  }
0xe7: {  	[tilespmem:$0xB00] =	vst v1;
	v1 =	vshrl.u32 v2, $0xE  }
0xe8: {  	[tilespmem:$0x710] =	vst v1;
	v1 =	vand.u32 $0x3FFF, v2  }
0xe9: {  	[tilespmem:$0xB10] =	vst v1;
	v1 =	vshrl.u32 v3, $0xE  }
0xea: {  	[tilespmem:$0x718] =	vst v1;
	v1 =	vand.u32 $0x3FFF, v3  }
0xeb: {  	s10 =	simm.s32 $0x700;
	s11 =	simm.s32 $0x8400;
	[tilespmem:$0xB18] =	vst v1  }
0xec: {  	[tilespmem:s11], [sflag:$0xF] =	stream.indirect.gather [hbm4b:s0+s31], $0x80, s10, s31, $0xb8;
	[tilespmem:$0x1EC00] =	vst v63  }
0xed: {  	s12 =	simm.s32 $0x714;
	s16 =	simm.s32 $0x8E00;
	s10 =	simm.s32 $0x8  }
0xee: {  	[tilespmem:s16], [sflag:$0xF] =	stream.indirect.gather [hbm4b:s0+s31], $0x80, s12, s31, $0xb8;
	[tilespmem:$0x1EC00] =	vst v63  }
0xef: {  	_ =	swait.ge [sflag:s10], $0x80  }
0xf0: {  	[sflag:s10] =	ssyncset.done $0x0  }
0xf1: {  	[sflag:s10] =	ssyncadd.s32 $0xFFFFFF80  }
0xf2: {  	v1 =	vld [tilespmem:$0x380];
	_ =	sdelay $0x1  }
0xf3: {  	v2 =	vld [tilespmem:$0x390];
	_ =	sdelay $0x1  }
0xf4: {  	v3 =	vld [tilespmem:$0x398]  }
0xf5: {  	v63 =	vshrl.u32 v1, $0xE  }
0xf6: {  	v1 =	vand.u32 $0x3FFF, v1;
	[tilespmem:$0x780] =	vst v63  }
0xf7: {  	[tilespmem:$0xB80] =	vst v1;
	v1 =	vshrl.u32 v2, $0xE  }
0xf8: {  	[tilespmem:$0x790] =	vst v1;
	v1 =	vand.u32 $0x3FFF, v2  }
0xf9: {  	[tilespmem:$0xB90] =	vst v1;
	v1 =	vshrl.u32 v3, $0xE  }
0xfa: {  	[tilespmem:$0x798] =	vst v1;
	v1 =	vand.u32 $0x3FFF, v3  }
0xfb: {  	s18 =	simm.s32 $0x780;
	s22 =	simm.s32 $0x9800;
	[tilespmem:$0xB98] =	vst v1  }
0xfc: {  	[tilespmem:s22], [sflag:$0x10] =	stream.indirect.gather [hbm4b:s0+s31], $0x80, s18, s31, $0xb8;
	[tilespmem:$0x1EC00] =	vst v63  }
0xfd: {  	s28 =	simm.s32 $0x794;
	s30 =	simm.s32 $0xA200;
	s6 =	rddreg [dreg:$0x19]  }
0xfe: {  	[tilespmem:s30], [sflag:$0x10] =	stream.indirect.gather [hbm4b:s0+s31], $0x80, s28, s31, $0xb8;
	[tilespmem:$0x1EC00] =	vst v63  }
.LBB2_4:
0xff: {  	_ =	swait.ge [sflag:s1], $0xA00  }
0x100: {  	[sflag:s1] =	ssyncset.done $0x0  }
0x101: {  	[sflag:s1] =	ssyncadd.s32 $0xFFFFF600  }
0x102: {  	_ =	swait.ge [sflag:s1], $0xA00  }
0x103: {  	s12 =	simm.s32 $0xC00;
	s11 =	simm.s32 $0x800;
	[sflag:s1] =	ssyncset.done $0x0  }
0x104: {  	s28 =	sshrl.u32 s6, $0x3;
	s2 =	rddreg [dreg:$0xc];
	[sflag:s1] =	ssyncadd.s32 $0xFFFFF600  }
0x105: {  	[spmem:s3] =	stream.indirect.scatter.add.f32 [tilespmem:s12], [sflag:$0x11], $0x80, s11, s14, $0xb8;
	[tilespmem:$0x1EC00] =	vst v63  }
0x106: {  	s28 =	sadd.s32 s2, s28  }
0x107: {  	[tilespmem:s4], [sflag:$0x1] =	stream.linear.gather [hbm4b:s28+s4], $0x80, $0x38;
	[tilespmem:$0x1EC00] =	vst v63  }
0x108: {  	_ =	swait.ge [sflag:s23], $0xA00  }
0x109: {  	[sflag:s23] =	ssyncset.done $0x0  }
0x10a: {  	[sflag:s23] =	ssyncadd.s32 $0xFFFFF600  }
0x10b: {  	_ =	swait.ge [sflag:s23], $0xA00  }
0x10c: {  	s22 =	simm.s32 $0x2000;
	[sflag:s23] =	ssyncset.done $0x0  }
0x10d: {  	s16 =	simm.s32 $0x880;
	s28 =	rddreg [dreg:$0xb];
	[sflag:s23] =	ssyncadd.s32 $0xFFFFF600  }
0x10e: {  	[spmem:s3] =	stream.indirect.scatter.add.f32 [tilespmem:s22], [sflag:$0x12], $0x80, s16, s14, $0xb8;
	[tilespmem:$0x1EC00] =	vst v63  }
0x10f: {  	s18 =	simm.s32 $0x80;
	s28 =	sadd.s32 s15, s28  }
0x110: {  	[tilespmem:s18], [sflag:$0x2] =	stream.linear.gather [hbm4b:s28+s4], $0x80, $0x38;
	[tilespmem:$0x1EC00] =	vst v63  }
0x111: {  	_ =	swait.ge [sflag:s29], $0xA00  }
0x112: {  	[sflag:s29] =	ssyncset.done $0x0  }
0x113: {  	[sflag:s29] =	ssyncadd.s32 $0xFFFFF600  }
0x114: {  	_ =	swait.ge [sflag:s29], $0xA00  }
0x115: {  	s30 =	simm.s32 $0x3400;
	[sflag:s29] =	ssyncset.done $0x0  }
0x116: {  	s9 =	simm.s32 $0x900;
	s28 =	rddreg [dreg:$0xa];
	[sflag:s29] =	ssyncadd.s32 $0xFFFFF600  }
0x117: {  	[spmem:s3] =	stream.indirect.scatter.add.f32 [tilespmem:s30], [sflag:$0x13], $0x80, s9, s14, $0xb8;
	[tilespmem:$0x1EC00] =	vst v63  }
0x118: {  	s11 =	simm.s32 $0x100;
	s28 =	sadd.s32 s15, s28  }
0x119: {  	[tilespmem:s11], [sflag:$0x3] =	stream.linear.gather [hbm4b:s28+s4], $0x80, $0x38;
	[tilespmem:$0x1EC00] =	vst v63  }
0x11a: {  	_ =	swait.ge [sflag:s13], $0xA00  }
0x11b: {  	[sflag:s13] =	ssyncset.done $0x0  }
0x11c: {  	[sflag:s13] =	ssyncadd.s32 $0xFFFFF600  }
0x11d: {  	_ =	swait.ge [sflag:s13], $0xA00  }
0x11e: {  	s16 =	simm.s32 $0x980;
	[sflag:s13] =	ssyncset.done $0x0  }
0x11f: {  	s18 =	simm.s32 $0x4800;
	s28 =	rddreg [dreg:$0x9];
	[sflag:s13] =	ssyncadd.s32 $0xFFFFF600  }
0x120: {  	[spmem:s3] =	stream.indirect.scatter.add.f32 [tilespmem:s18], [sflag:$0x14], $0x80, s16, s14, $0xb8;
	[tilespmem:$0x1EC00] =	vst v63  }
0x121: {  	s2 =	simm.s32 $0x180;
	s28 =	sadd.s32 s15, s28  }
0x122: {  	[tilespmem:s2], [sflag:$0x4] =	stream.linear.gather [hbm4b:s28+s4], $0x80, $0x38;
	[tilespmem:$0x1EC00] =	vst v63  }
0x123: {  	_ =	swait.ge [sflag:s8], $0xA00  }
0x124: {  	[sflag:s8] =	ssyncset.done $0x0  }
0x125: {  	[sflag:s8] =	ssyncadd.s32 $0xFFFFF600  }
0x126: {  	_ =	swait.ge [sflag:s8], $0xA00  }
0x127: {  	s9 =	simm.s32 $0xA00;
	[sflag:s8] =	ssyncset.done $0x0  }
0x128: {  	s2 =	simm.s32 $0x5C00;
	s28 =	rddreg [dreg:$0x8];
	[sflag:s8] =	ssyncadd.s32 $0xFFFFF600  }
0x129: {  	[spmem:s3] =	stream.indirect.scatter.add.f32 [tilespmem:s2], [sflag:$0x15], $0x80, s9, s14, $0xb8;
	[tilespmem:$0x1EC00] =	vst v63  }
0x12a: {  	s28 =	sadd.s32 s15, s28;
	s9 =	simm.s32 $0x200  }
0x12b: {  	[tilespmem:s9], [sflag:$0x5] =	stream.linear.gather [hbm4b:s28+s4], $0x80, $0x38;
	[tilespmem:$0x1EC00] =	vst v63  }
0x12c: {  	_ =	swait.ge [sflag:s26], $0xA00  }
0x12d: {  	[sflag:s26] =	ssyncset.done $0x0  }
0x12e: {  	[sflag:s26] =	ssyncadd.s32 $0xFFFFF600  }
0x12f: {  	_ =	swait.ge [sflag:s26], $0xA00  }
0x130: {  	s11 =	simm.s32 $0xA80;
	[sflag:s26] =	ssyncset.done $0x0  }
0x131: {  	s16 =	simm.s32 $0x7000;
	s28 =	rddreg [dreg:$0x7];
	[sflag:s26] =	ssyncadd.s32 $0xFFFFF600  }
0x132: {  	[spmem:s3] =	stream.indirect.scatter.add.f32 [tilespmem:s16], [sflag:$0x16], $0x80, s11, s14, $0xb8;
	[tilespmem:$0x1EC00] =	vst v63  }
0x133: {  	s9 =	simm.s32 $0x280;
	s28 =	sadd.s32 s15, s28  }
0x134: {  	[tilespmem:s9], [sflag:$0x6] =	stream.linear.gather [hbm4b:s28+s4], $0x80, $0x38;
	[tilespmem:$0x1EC00] =	vst v63  }
0x135: {  	_ =	swait.ge [sflag:s5], $0xA00  }
0x136: {  	[sflag:s5] =	ssyncset.done $0x0  }
0x137: {  	[sflag:s5] =	ssyncadd.s32 $0xFFFFF600  }
0x138: {  	_ =	swait.ge [sflag:s5], $0xA00  }
0x139: {  	s11 =	simm.s32 $0xB00;
	[sflag:s5] =	ssyncset.done $0x0  }
0x13a: {  	s9 =	simm.s32 $0x8400;
	s28 =	rddreg [dreg:$0x6];
	[sflag:s5] =	ssyncadd.s32 $0xFFFFF600  }
0x13b: {  	[spmem:s3] =	stream.indirect.scatter.add.f32 [tilespmem:s9], [sflag:$0x17], $0x80, s11, s14, $0xb8;
	[tilespmem:$0x1EC00] =	vst v63  }
0x13c: {  	s28 =	sadd.s32 s15, s28;
	s11 =	simm.s32 $0x300  }
0x13d: {  	[tilespmem:s11], [sflag:$0x7] =	stream.linear.gather [hbm4b:s28+s4], $0x80, $0x38;
	[tilespmem:$0x1EC00] =	vst v63  }
0x13e: {  	_ =	swait.ge [sflag:s17], $0xA00  }
0x13f: {  	[sflag:s17] =	ssyncset.done $0x0  }
0x140: {  	[sflag:s17] =	ssyncadd.s32 $0xFFFFF600  }
0x141: {  	_ =	swait.ge [sflag:s17], $0xA00  }
0x142: {  	[sflag:s17] =	ssyncset.done $0x0  }
0x143: {  	s11 =	simm.s32 $0xB80;
	s28 =	rddreg [dreg:$0x5];
	[sflag:s17] =	ssyncadd.s32 $0xFFFFF600  }
0x144: {  	[spmem:s3] =	stream.indirect.scatter.add.f32 [tilespmem:s25], [sflag:$0x18], $0x80, s11, s14, $0xb8;
	[tilespmem:$0x1EC00] =	vst v63  }
0x145: {  	s28 =	sadd.s32 s15, s28;
	s11 =	simm.s32 $0x380  }
0x146: {  	[tilespmem:s11], [sflag:$0x8] =	stream.linear.gather [hbm4b:s28+s4], $0x80, $0x38;
	[tilespmem:$0x1EC00] =	vst v63  }
0x147: {  	s11 =	simm.s32 $0x11  }
0x148: {  	_ =	swait.ge [sflag:s11], $0x1400  }
0x149: {  	[sflag:s11] =	ssyncset.done $0x0  }
0x14a: {  	s28 =	simm.s32 $0x1;
	[sflag:s11] =	ssyncadd.s32 $0xFFFFEC00  }
0x14b: {  	_ =	swait.ge [sflag:s28], $0x80  }
0x14c: {  	[sflag:s28] =	ssyncset.done $0x0  }
0x14d: {  	[sflag:s28] =	ssyncadd.s32 $0xFFFFFF80  }
0x14e: {  	v1 =	vld [tilespmem:$0x0];
	_ =	sdelay $0x1  }
0x14f: {  	v2 =	vld [tilespmem:$0x10];
	_ =	sdelay $0x1  }
0x150: {  	v3 =	vld [tilespmem:$0x18]  }
0x151: {  	v4 =	vshrl.u32 v1, $0xE  }
0x152: {  	v1 =	vand.u32 $0x3FFF, v1;
	[tilespmem:$0x400] =	vst v4  }
0x153: {  	[tilespmem:$0x800] =	vst v1;
	v1 =	vshrl.u32 v2, $0xE  }
0x154: {  	[tilespmem:$0x410] =	vst v1;
	v1 =	vand.u32 $0x3FFF, v2  }
0x155: {  	[tilespmem:$0x810] =	vst v1;
	v1 =	vshrl.u32 v3, $0xE  }
0x156: {  	[tilespmem:$0x418] =	vst v1;
	v1 =	vand.u32 $0x3FFF, v3  }
0x157: {  	s11 =	simm.s32 $0x400;
	[tilespmem:$0x818] =	vst v1  }
0x158: {  	[tilespmem:s12], [sflag:$0x9] =	stream.indirect.gather [hbm4b:s0+s31], $0x80, s11, s31, $0xb8;
	[tilespmem:$0x1EC00] =	vst v63  }
0x159: {  	s11 =	simm.s32 $0x414;
	s12 =	simm.s32 $0x1600  }
0x15a: {  	[tilespmem:s12], [sflag:$0x9] =	stream.indirect.gather [hbm4b:s0+s31], $0x80, s11, s31, $0xb8;
	[tilespmem:$0x1EC00] =	vst v63  }
0x15b: {  	s12 =	simm.s32 $0x12  }
0x15c: {  	_ =	swait.ge [sflag:s12], $0x1400  }
0x15d: {  	[sflag:s12] =	ssyncset.done $0x0  }
0x15e: {  	[sflag:s12] =	ssyncadd.s32 $0xFFFFEC00;
	s12 =	simm.s32 $0x2  }
0x15f: {  	_ =	swait.ge [sflag:s12], $0x80  }
0x160: {  	[sflag:s12] =	ssyncset.done $0x0  }
0x161: {  	[sflag:s12] =	ssyncadd.s32 $0xFFFFFF80  }
0x162: {  	v1 =	vld [tilespmem:$0x80];
	_ =	sdelay $0x1  }
0x163: {  	v2 =	vld [tilespmem:$0x90];
	_ =	sdelay $0x1  }
0x164: {  	v3 =	vld [tilespmem:$0x98]  }
0x165: {  	v57 =	vshrl.u32 v1, $0xE  }
0x166: {  	v1 =	vand.u32 $0x3FFF, v1;
	[tilespmem:$0x480] =	vst v57  }
0x167: {  	[tilespmem:$0x880] =	vst v1;
	v1 =	vshrl.u32 v2, $0xE  }
0x168: {  	[tilespmem:$0x490] =	vst v1;
	v1 =	vand.u32 $0x3FFF, v2  }
0x169: {  	[tilespmem:$0x890] =	vst v1;
	v1 =	vshrl.u32 v3, $0xE  }
0x16a: {  	[tilespmem:$0x498] =	vst v1;
	v1 =	vand.u32 $0x3FFF, v3  }
0x16b: {  	s11 =	simm.s32 $0x480;
	[tilespmem:$0x898] =	vst v1  }
0x16c: {  	[tilespmem:s22], [sflag:$0xA] =	stream.indirect.gather [hbm4b:s0+s31], $0x80, s11, s31, $0xb8;
	[tilespmem:$0x1EC00] =	vst v63  }
0x16d: {  	s22 =	simm.s32 $0x494;
	s11 =	simm.s32 $0x2A00  }
0x16e: {  	[tilespmem:s11], [sflag:$0xA] =	stream.indirect.gather [hbm4b:s0+s31], $0x80, s22, s31, $0xb8;
	[tilespmem:$0x1EC00] =	vst v63  }
0x16f: {  	s22 =	simm.s32 $0x13  }
0x170: {  	_ =	swait.ge [sflag:s22], $0x1400  }
0x171: {  	[sflag:s22] =	ssyncset.done $0x0  }
0x172: {  	s12 =	simm.s32 $0x3;
	[sflag:s22] =	ssyncadd.s32 $0xFFFFEC00  }
0x173: {  	_ =	swait.ge [sflag:s12], $0x80  }
0x174: {  	[sflag:s12] =	ssyncset.done $0x0  }
0x175: {  	[sflag:s12] =	ssyncadd.s32 $0xFFFFFF80  }
0x176: {  	v1 =	vld [tilespmem:$0x100];
	_ =	sdelay $0x1  }
0x177: {  	v2 =	vld [tilespmem:$0x110];
	_ =	sdelay $0x1  }
0x178: {  	v3 =	vld [tilespmem:$0x118]  }
0x179: {  	v58 =	vshrl.u32 v1, $0xE  }
0x17a: {  	v1 =	vand.u32 $0x3FFF, v1;
	[tilespmem:$0x500] =	vst v58  }
0x17b: {  	[tilespmem:$0x900] =	vst v1;
	v1 =	vshrl.u32 v2, $0xE  }
0x17c: {  	[tilespmem:$0x510] =	vst v1;
	v1 =	vand.u32 $0x3FFF, v2  }
0x17d: {  	[tilespmem:$0x910] =	vst v1;
	v1 =	vshrl.u32 v3, $0xE  }
0x17e: {  	[tilespmem:$0x518] =	vst v1;
	v1 =	vand.u32 $0x3FFF, v3  }
0x17f: {  	s22 =	simm.s32 $0x500;
	[tilespmem:$0x918] =	vst v1  }
0x180: {  	[tilespmem:s30], [sflag:$0xB] =	stream.indirect.gather [hbm4b:s0+s31], $0x80, s22, s31, $0xb8;
	[tilespmem:$0x1EC00] =	vst v63  }
0x181: {  	s12 =	simm.s32 $0x514;
	s22 =	simm.s32 $0x3E00  }
0x182: {  	[tilespmem:s22], [sflag:$0xB] =	stream.indirect.gather [hbm4b:s0+s31], $0x80, s12, s31, $0xb8;
	[tilespmem:$0x1EC00] =	vst v63  }
0x183: {  	_ =	swait.ge [sflag:s31], $0x1400  }
0x184: {  	[sflag:s31] =	ssyncset.done $0x0  }
0x185: {  	s22 =	simm.s32 $0x4;
	[sflag:s31] =	ssyncadd.s32 $0xFFFFEC00  }
0x186: {  	_ =	swait.ge [sflag:s22], $0x80  }
0x187: {  	[sflag:s22] =	ssyncset.done $0x0  }
0x188: {  	[sflag:s22] =	ssyncadd.s32 $0xFFFFFF80  }
0x189: {  	v1 =	vld [tilespmem:$0x180];
	_ =	sdelay $0x1  }
0x18a: {  	v2 =	vld [tilespmem:$0x190];
	_ =	sdelay $0x1  }
0x18b: {  	v3 =	vld [tilespmem:$0x198]  }
0x18c: {  	v59 =	vshrl.u32 v1, $0xE  }
0x18d: {  	v1 =	vand.u32 $0x3FFF, v1;
	[tilespmem:$0x580] =	vst v59  }
0x18e: {  	[tilespmem:$0x980] =	vst v1;
	v1 =	vshrl.u32 v2, $0xE  }
0x18f: {  	[tilespmem:$0x590] =	vst v1;
	v1 =	vand.u32 $0x3FFF, v2  }
0x190: {  	[tilespmem:$0x990] =	vst v1;
	v1 =	vshrl.u32 v3, $0xE  }
0x191: {  	[tilespmem:$0x598] =	vst v1;
	v1 =	vand.u32 $0x3FFF, v3  }
0x192: {  	s22 =	simm.s32 $0x580;
	[tilespmem:$0x998] =	vst v1  }
0x193: {  	[tilespmem:s18], [sflag:$0xC] =	stream.indirect.gather [hbm4b:s0+s31], $0x80, s22, s31, $0xb8;
	[tilespmem:$0x1EC00] =	vst v63  }
0x194: {  	s18 =	simm.s32 $0x594;
	s22 =	simm.s32 $0x5200  }
0x195: {  	[tilespmem:s22], [sflag:$0xC] =	stream.indirect.gather [hbm4b:s0+s31], $0x80, s18, s31, $0xb8;
	[tilespmem:$0x1EC00] =	vst v63  }
0x196: {  	s22 =	simm.s32 $0x15  }
0x197: {  	_ =	swait.ge [sflag:s22], $0x1400  }
0x198: {  	[sflag:s22] =	ssyncset.done $0x0  }
0x199: {  	s18 =	simm.s32 $0x5;
	[sflag:s22] =	ssyncadd.s32 $0xFFFFEC00  }
0x19a: {  	_ =	swait.ge [sflag:s18], $0x80  }
0x19b: {  	[sflag:s18] =	ssyncset.done $0x0  }
0x19c: {  	[sflag:s18] =	ssyncadd.s32 $0xFFFFFF80  }
0x19d: {  	v1 =	vld [tilespmem:$0x200];
	_ =	sdelay $0x1  }
0x19e: {  	v2 =	vld [tilespmem:$0x210];
	_ =	sdelay $0x1  }
0x19f: {  	v3 =	vld [tilespmem:$0x218]  }
0x1a0: {  	v60 =	vshrl.u32 v1, $0xE  }
0x1a1: {  	v1 =	vand.u32 $0x3FFF, v1;
	[tilespmem:$0x600] =	vst v60  }
0x1a2: {  	[tilespmem:$0xA00] =	vst v1;
	v1 =	vshrl.u32 v2, $0xE  }
0x1a3: {  	[tilespmem:$0x610] =	vst v1;
	v1 =	vand.u32 $0x3FFF, v2  }
0x1a4: {  	[tilespmem:$0xA10] =	vst v1;
	v1 =	vshrl.u32 v3, $0xE  }
0x1a5: {  	[tilespmem:$0x618] =	vst v1;
	v1 =	vand.u32 $0x3FFF, v3  }
0x1a6: {  	s22 =	simm.s32 $0x600;
	[tilespmem:$0xA18] =	vst v1  }
0x1a7: {  	[tilespmem:s2], [sflag:$0xD] =	stream.indirect.gather [hbm4b:s0+s31], $0x80, s22, s31, $0xb8;
	[tilespmem:$0x1EC00] =	vst v63  }
0x1a8: {  	s12 =	simm.s32 $0x614;
	s22 =	simm.s32 $0x6600;
	s2 =	simm.s32 $0x16  }
0x1a9: {  	[tilespmem:s22], [sflag:$0xD] =	stream.indirect.gather [hbm4b:s0+s31], $0x80, s12, s31, $0xb8;
	[tilespmem:$0x1EC00] =	vst v63  }
0x1aa: {  	_ =	swait.ge [sflag:s2], $0x1400  }
0x1ab: {  	[sflag:s2] =	ssyncset.done $0x0  }
0x1ac: {  	[sflag:s2] =	ssyncadd.s32 $0xFFFFEC00  }
0x1ad: {  	_ =	swait.ge [sflag:s19], $0x80  }
0x1ae: {  	[sflag:s19] =	ssyncset.done $0x0  }
0x1af: {  	[sflag:s19] =	ssyncadd.s32 $0xFFFFFF80  }
0x1b0: {  	v1 =	vld [tilespmem:$0x280];
	_ =	sdelay $0x1  }
0x1b1: {  	v2 =	vld [tilespmem:$0x290];
	_ =	sdelay $0x1  }
0x1b2: {  	v3 =	vld [tilespmem:$0x298]  }
0x1b3: {  	v61 =	vshrl.u32 v1, $0xE  }
0x1b4: {  	v1 =	vand.u32 $0x3FFF, v1;
	[tilespmem:$0x680] =	vst v61  }
0x1b5: {  	[tilespmem:$0xA80] =	vst v1;
	v1 =	vshrl.u32 v2, $0xE  }
0x1b6: {  	[tilespmem:$0x690] =	vst v1;
	v1 =	vand.u32 $0x3FFF, v2  }
0x1b7: {  	[tilespmem:$0xA90] =	vst v1;
	v1 =	vshrl.u32 v3, $0xE  }
0x1b8: {  	[tilespmem:$0x698] =	vst v1;
	v1 =	vand.u32 $0x3FFF, v3  }
0x1b9: {  	s22 =	simm.s32 $0x680;
	[tilespmem:$0xA98] =	vst v1  }
0x1ba: {  	[tilespmem:s16], [sflag:$0xE] =	stream.indirect.gather [hbm4b:s0+s31], $0x80, s22, s31, $0xb8;
	[tilespmem:$0x1EC00] =	vst v63  }
0x1bb: {  	s16 =	simm.s32 $0x694;
	s22 =	simm.s32 $0x7A00  }
0x1bc: {  	[tilespmem:s22], [sflag:$0xE] =	stream.indirect.gather [hbm4b:s0+s31], $0x80, s16, s31, $0xb8;
	[tilespmem:$0x1EC00] =	vst v63  }
0x1bd: {  	s16 =	simm.s32 $0x17  }
0x1be: {  	_ =	swait.ge [sflag:s16], $0x1400  }
0x1bf: {  	[sflag:s16] =	ssyncset.done $0x0  }
0x1c0: {  	[sflag:s16] =	ssyncadd.s32 $0xFFFFEC00  }
0x1c1: {  	_ =	swait.ge [sflag:s24], $0x80  }
0x1c2: {  	[sflag:s24] =	ssyncset.done $0x0  }
0x1c3: {  	[sflag:s24] =	ssyncadd.s32 $0xFFFFFF80  }
0x1c4: {  	v1 =	vld [tilespmem:$0x300];
	_ =	sdelay $0x1  }
0x1c5: {  	v2 =	vld [tilespmem:$0x310];
	_ =	sdelay $0x1  }
0x1c6: {  	v3 =	vld [tilespmem:$0x318]  }
0x1c7: {  	v62 =	vshrl.u32 v1, $0xE  }
0x1c8: {  	v1 =	vand.u32 $0x3FFF, v1;
	[tilespmem:$0x700] =	vst v62  }
0x1c9: {  	[tilespmem:$0xB00] =	vst v1;
	v1 =	vshrl.u32 v2, $0xE  }
0x1ca: {  	[tilespmem:$0x710] =	vst v1;
	v1 =	vand.u32 $0x3FFF, v2  }
0x1cb: {  	[tilespmem:$0xB10] =	vst v1;
	v1 =	vshrl.u32 v3, $0xE  }
0x1cc: {  	[tilespmem:$0x718] =	vst v1;
	v1 =	vand.u32 $0x3FFF, v3  }
0x1cd: {  	s22 =	simm.s32 $0x700;
	[tilespmem:$0xB18] =	vst v1  }
0x1ce: {  	[tilespmem:s9], [sflag:$0xF] =	stream.indirect.gather [hbm4b:s0+s31], $0x80, s22, s31, $0xb8;
	[tilespmem:$0x1EC00] =	vst v63  }
0x1cf: {  	s12 =	simm.s32 $0x714;
	s22 =	simm.s32 $0x8E00;
	s9 =	simm.s32 $0x18  }
0x1d0: {  	[tilespmem:s22], [sflag:$0xF] =	stream.indirect.gather [hbm4b:s0+s31], $0x80, s12, s31, $0xb8;
	[tilespmem:$0x1EC00] =	vst v63  }
0x1d1: {  	_ =	swait.ge [sflag:s9], $0x1400  }
0x1d2: {  	[sflag:s9] =	ssyncset.done $0x0  }
0x1d3: {  	[sflag:s9] =	ssyncadd.s32 $0xFFFFEC00  }
0x1d4: {  	_ =	swait.ge [sflag:s10], $0x80  }
0x1d5: {  	[sflag:s10] =	ssyncset.done $0x0  }
0x1d6: {  	[sflag:s10] =	ssyncadd.s32 $0xFFFFFF80  }
0x1d7: {  	v1 =	vld [tilespmem:$0x380];
	_ =	sdelay $0x1  }
0x1d8: {  	v2 =	vld [tilespmem:$0x390];
	_ =	sdelay $0x1  }
0x1d9: {  	v3 =	vld [tilespmem:$0x398]  }
0x1da: {  	v63 =	vshrl.u32 v1, $0xE  }
0x1db: {  	v1 =	vand.u32 $0x3FFF, v1;
	[tilespmem:$0x780] =	vst v63  }
0x1dc: {  	[tilespmem:$0xB80] =	vst v1;
	v1 =	vshrl.u32 v2, $0xE  }
0x1dd: {  	p0 =	sne.s32 s15, $0xE80;
	[tilespmem:$0x790] =	vst v1;
	v1 =	vand.u32 $0x3FFF, v2  }
0x1de: {  	s6 =	sadd.s32 $0x400, s6;
	s15 =	sadd.s32 $0x80, s15;
	s11 =	simm.s32 $0x3400;
	[tilespmem:$0xB90] =	vst v1;
	v1 =	vshrl.u32 v3, $0xE  }
.Ltmp1:
0x1df: {  	s30 =	simm.s32 $0x4800;
	s18 =	simm.s32 $0x5C00;
	[tilespmem:$0x798] =	vst v1;
	v1 =	vand.u32 $0x3FFF, v3;
	(pc) =	sbr.rel @p0 .LBB2_4-.Ltmp1, $4  }
0x1e0: {  	s2 =	simm.s32 $0x7000;
	s16 =	simm.s32 $0x8400;
	s22 =	simm.s32 $0x780;
	[tilespmem:$0xB98] =	vst v1  }
0x1e1: {  	[tilespmem:s25], [sflag:$0x10] =	stream.indirect.gather [hbm4b:s0+s31], $0x80, s22, s31, $0xb8;
	[tilespmem:$0x1EC00] =	vst v63  }
0x1e2: {  	s12 =	simm.s32 $0x9800;
	s9 =	simm.s32 $0x794;
	s22 =	simm.s32 $0xA200  }
0x1e3: {  	[tilespmem:s22], [sflag:$0x10] =	stream.indirect.gather [hbm4b:s0+s31], $0x80, s9, s31, $0xb8;
	[tilespmem:$0x1EC00] =	vst v63  }
0x1e4: {  	_ =	swait.ge [sflag:s1], $0xA00  }
0x1e5: {  	[sflag:s1] =	ssyncset.done $0x0  }
0x1e6: {  	[sflag:s1] =	ssyncadd.s32 $0xFFFFF600  }
0x1e7: {  	_ =	swait.ge [sflag:s1], $0xA00  }
0x1e8: {  	[sflag:s1] =	ssyncset.done $0x0  }
0x1e9: {  	s9 =	simm.s32 $0xC00;
	s22 =	simm.s32 $0x800;
	[sflag:s1] =	ssyncadd.s32 $0xFFFFF600  }
0x1ea: {  	[spmem:s3] =	stream.indirect.scatter.add.f32 [tilespmem:s9], [sflag:$0x11], $0x80, s22, s14, $0xb8;
	[tilespmem:$0x1EC00] =	vst v63  }
0x1eb: {  	s6 =	rddreg [dreg:$0x15]  }
0x1ec: {  	[tilespmem:s4], [sflag:$0x1] =	stream.linear.gather [hbm4b:s6+s4], $0x80, $0x38;
	[tilespmem:$0x1EC00] =	vst v63  }
0x1ed: {  	_ =	swait.ge [sflag:s23], $0xA00  }
0x1ee: {  	[sflag:s23] =	ssyncset.done $0x0  }
0x1ef: {  	[sflag:s23] =	ssyncadd.s32 $0xFFFFF600  }
0x1f0: {  	_ =	swait.ge [sflag:s23], $0xA00  }
0x1f1: {  	[sflag:s23] =	ssyncset.done $0x0  }
0x1f2: {  	s10 =	simm.s32 $0x2000;
	s19 =	simm.s32 $0x880;
	[sflag:s23] =	ssyncadd.s32 $0xFFFFF600  }
0x1f3: {  	[spmem:s3] =	stream.indirect.scatter.add.f32 [tilespmem:s10], [sflag:$0x12], $0x80, s19, s14, $0xb8;
	[tilespmem:$0x1EC00] =	vst v63  }
0x1f4: {  	s15 =	simm.s32 $0x80;
	s6 =	rddreg [dreg:$0x16]  }
0x1f5: {  	[tilespmem:s15], [sflag:$0x2] =	stream.linear.gather [hbm4b:s6+s4], $0x80, $0x38;
	[tilespmem:$0x1EC00] =	vst v63  }
0x1f6: {  	_ =	swait.ge [sflag:s29], $0xA00  }
0x1f7: {  	[sflag:s29] =	ssyncset.done $0x0  }
0x1f8: {  	[sflag:s29] =	ssyncadd.s32 $0xFFFFF600  }
0x1f9: {  	_ =	swait.ge [sflag:s29], $0xA00  }
0x1fa: {  	[sflag:s29] =	ssyncset.done $0x0  }
0x1fb: {  	s15 =	simm.s32 $0x900;
	[sflag:s29] =	ssyncadd.s32 $0xFFFFF600  }
0x1fc: {  	[spmem:s3] =	stream.indirect.scatter.add.f32 [tilespmem:s11], [sflag:$0x13], $0x80, s15, s14, $0xb8;
	[tilespmem:$0x1EC00] =	vst v63  }
0x1fd: {  	_ =	swait.ge [sflag:s13], $0xA00  }
0x1fe: {  	[sflag:s13] =	ssyncset.done $0x0  }
0x1ff: {  	[sflag:s13] =	ssyncadd.s32 $0xFFFFF600  }
0x200: {  	_ =	swait.ge [sflag:s13], $0xA00  }
0x201: {  	[sflag:s13] =	ssyncset.done $0x0  }
0x202: {  	s11 =	simm.s32 $0x980;
	[sflag:s13] =	ssyncadd.s32 $0xFFFFF600  }
0x203: {  	[spmem:s3] =	stream.indirect.scatter.add.f32 [tilespmem:s30], [sflag:$0x14], $0x80, s11, s14, $0xb8;
	[tilespmem:$0x1EC00] =	vst v63  }
0x204: {  	_ =	swait.ge [sflag:s8], $0xA00  }
0x205: {  	[sflag:s8] =	ssyncset.done $0x0  }
0x206: {  	[sflag:s8] =	ssyncadd.s32 $0xFFFFF600  }
0x207: {  	_ =	swait.ge [sflag:s8], $0xA00  }
0x208: {  	[sflag:s8] =	ssyncset.done $0x0  }
0x209: {  	s15 =	simm.s32 $0xA00;
	[sflag:s8] =	ssyncadd.s32 $0xFFFFF600  }
0x20a: {  	[spmem:s3] =	stream.indirect.scatter.add.f32 [tilespmem:s18], [sflag:$0x15], $0x80, s15, s14, $0xb8;
	[tilespmem:$0x1EC00] =	vst v63  }
0x20b: {  	_ =	swait.ge [sflag:s26], $0xA00  }
0x20c: {  	[sflag:s26] =	ssyncset.done $0x0  }
0x20d: {  	[sflag:s26] =	ssyncadd.s32 $0xFFFFF600  }
0x20e: {  	_ =	swait.ge [sflag:s26], $0xA00  }
0x20f: {  	[sflag:s26] =	ssyncset.done $0x0  }
0x210: {  	s18 =	simm.s32 $0xA80;
	[sflag:s26] =	ssyncadd.s32 $0xFFFFF600  }
0x211: {  	[spmem:s3] =	stream.indirect.scatter.add.f32 [tilespmem:s2], [sflag:$0x16], $0x80, s18, s14, $0xb8;
	[tilespmem:$0x1EC00] =	vst v63  }
0x212: {  	_ =	swait.ge [sflag:s5], $0xA00  }
0x213: {  	[sflag:s5] =	ssyncset.done $0x0  }
0x214: {  	[sflag:s5] =	ssyncadd.s32 $0xFFFFF600  }
0x215: {  	_ =	swait.ge [sflag:s5], $0xA00  }
0x216: {  	[sflag:s5] =	ssyncset.done $0x0  }
0x217: {  	s11 =	simm.s32 $0xB00;
	[sflag:s5] =	ssyncadd.s32 $0xFFFFF600  }
0x218: {  	[spmem:s3] =	stream.indirect.scatter.add.f32 [tilespmem:s16], [sflag:$0x17], $0x80, s11, s14, $0xb8;
	[tilespmem:$0x1EC00] =	vst v63  }
0x219: {  	_ =	swait.ge [sflag:s17], $0xA00  }
0x21a: {  	[sflag:s17] =	ssyncset.done $0x0  }
0x21b: {  	[sflag:s17] =	ssyncadd.s32 $0xFFFFF600  }
0x21c: {  	_ =	swait.ge [sflag:s17], $0xA00  }
0x21d: {  	[sflag:s17] =	ssyncset.done $0x0  }
0x21e: {  	s15 =	simm.s32 $0xB80;
	[sflag:s17] =	ssyncadd.s32 $0xFFFFF600  }
0x21f: {  	[spmem:s3] =	stream.indirect.scatter.add.f32 [tilespmem:s12], [sflag:$0x18], $0x80, s15, s14, $0xb8;
	[tilespmem:$0x1EC00] =	vst v63  }
0x220: {  	s15 =	simm.s32 $0x11  }
0x221: {  	_ =	swait.ge [sflag:s15], $0x1400  }
0x222: {  	[sflag:s15] =	ssyncset.done $0x0  }
0x223: {  	[sflag:s15] =	ssyncadd.s32 $0xFFFFEC00  }
0x224: {  	_ =	swait.ge [sflag:s28], $0x80  }
0x225: {  	[sflag:s28] =	ssyncset.done $0x0  }
0x226: {  	[sflag:s28] =	ssyncadd.s32 $0xFFFFFF80  }
0x227: {  	v1 =	vld [tilespmem:$0x0];
	_ =	sdelay $0x1  }
0x228: {  	v2 =	vld [tilespmem:$0x10];
	_ =	sdelay $0x1  }
0x229: {  	v3 =	vld [tilespmem:$0x18]  }
0x22a: {  	v4 =	vshrl.u32 v1, $0xE  }
0x22b: {  	v1 =	vand.u32 $0x3FFF, v1;
	[tilespmem:$0x400] =	vst v4  }
0x22c: {  	[tilespmem:$0x800] =	vst v1;
	v1 =	vshrl.u32 v2, $0xE  }
0x22d: {  	[tilespmem:$0x410] =	vst v1;
	v1 =	vand.u32 $0x3FFF, v2  }
0x22e: {  	[tilespmem:$0x810] =	vst v1;
	v1 =	vshrl.u32 v3, $0xE  }
0x22f: {  	[tilespmem:$0x418] =	vst v1;
	v1 =	vand.u32 $0x3FFF, v3  }
0x230: {  	s16 =	simm.s32 $0x400;
	[tilespmem:$0x818] =	vst v1  }
0x231: {  	[tilespmem:s9], [sflag:$0x9] =	stream.indirect.gather [hbm4b:s0+s31], $0x80, s16, s31, $0xb8;
	[tilespmem:$0x1EC00] =	vst v63  }
0x232: {  	s18 =	simm.s32 $0x414;
	s2 =	simm.s32 $0x1600;
	s11 =	simm.s32 $0x12  }
0x233: {  	[tilespmem:s2], [sflag:$0x9] =	stream.indirect.gather [hbm4b:s0+s31], $0x80, s18, s31, $0xb8;
	[tilespmem:$0x1EC00] =	vst v63  }
0x234: {  	_ =	swait.ge [sflag:s11], $0x1400  }
0x235: {  	[sflag:s11] =	ssyncset.done $0x0  }
0x236: {  	s12 =	simm.s32 $0x2;
	[sflag:s11] =	ssyncadd.s32 $0xFFFFEC00  }
0x237: {  	_ =	swait.ge [sflag:s12], $0x80  }
0x238: {  	[sflag:s12] =	ssyncset.done $0x0  }
0x239: {  	[sflag:s12] =	ssyncadd.s32 $0xFFFFFF80  }
0x23a: {  	v1 =	vld [tilespmem:$0x80];
	_ =	sdelay $0x1  }
0x23b: {  	v2 =	vld [tilespmem:$0x90];
	_ =	sdelay $0x1  }
0x23c: {  	v3 =	vld [tilespmem:$0x98]  }
0x23d: {  	v63 =	vshrl.u32 v1, $0xE  }
0x23e: {  	v1 =	vand.u32 $0x3FFF, v1;
	[tilespmem:$0x480] =	vst v63  }
0x23f: {  	[tilespmem:$0x880] =	vst v1;
	v1 =	vshrl.u32 v2, $0xE  }
0x240: {  	[tilespmem:$0x490] =	vst v1;
	v1 =	vand.u32 $0x3FFF, v2  }
0x241: {  	[tilespmem:$0x890] =	vst v1;
	v1 =	vshrl.u32 v3, $0xE  }
0x242: {  	[tilespmem:$0x498] =	vst v1;
	v1 =	vand.u32 $0x3FFF, v3  }
0x243: {  	s16 =	simm.s32 $0x480;
	[tilespmem:$0x898] =	vst v1  }
0x244: {  	[tilespmem:s10], [sflag:$0xA] =	stream.indirect.gather [hbm4b:s0+s31], $0x80, s16, s31, $0xb8;
	[tilespmem:$0x1EC00] =	vst v63  }
0x245: {  	s18 =	simm.s32 $0x494;
	s2 =	simm.s32 $0x2A00;
	s12 =	simm.s32 $0x13  }
0x246: {  	[tilespmem:s2], [sflag:$0xA] =	stream.indirect.gather [hbm4b:s0+s31], $0x80, s18, s31, $0xb8;
	[tilespmem:$0x1EC00] =	vst v63  }
0x247: {  	_ =	swait.ge [sflag:s12], $0x1400  }
0x248: {  	[sflag:s12] =	ssyncset.done $0x0  }
0x249: {  	[sflag:s12] =	ssyncadd.s32 $0xFFFFEC00  }
0x24a: {  	_ =	swait.ge [sflag:s31], $0x1400  }
0x24b: {  	[sflag:s31] =	ssyncset.done $0x0  }
0x24c: {  	s16 =	simm.s32 $0x15;
	[sflag:s31] =	ssyncadd.s32 $0xFFFFEC00  }
0x24d: {  	_ =	swait.ge [sflag:s16], $0x1400  }
0x24e: {  	[sflag:s16] =	ssyncset.done $0x0  }
0x24f: {  	s18 =	simm.s32 $0x16;
	[sflag:s16] =	ssyncadd.s32 $0xFFFFEC00  }
0x250: {  	_ =	swait.ge [sflag:s18], $0x1400  }
0x251: {  	[sflag:s18] =	ssyncset.done $0x0  }
0x252: {  	s6 =	simm.s32 $0x17;
	[sflag:s18] =	ssyncadd.s32 $0xFFFFEC00  }
0x253: {  	_ =	swait.ge [sflag:s6], $0x1400  }
0x254: {  	[sflag:s6] =	ssyncset.done $0x0  }
0x255: {  	s12 =	simm.s32 $0x18;
	[sflag:s6] =	ssyncadd.s32 $0xFFFFEC00  }
0x256: {  	_ =	swait.ge [sflag:s12], $0x1400  }
0x257: {  	[sflag:s12] =	ssyncset.done $0x0  }
0x258: {  	[sflag:s12] =	ssyncadd.s32 $0xFFFFEC00  }
0x259: {  	_ =	swait.ge [sflag:s1], $0xA00  }
0x25a: {  	[sflag:s1] =	ssyncset.done $0x0  }
0x25b: {  	[sflag:s1] =	ssyncadd.s32 $0xFFFFF600  }
0x25c: {  	_ =	swait.ge [sflag:s1], $0xA00  }
0x25d: {  	[sflag:s1] =	ssyncset.done $0x0  }
0x25e: {  	[sflag:s1] =	ssyncadd.s32 $0xFFFFF600  }
0x25f: {  	[spmem:s3] =	stream.indirect.scatter.add.f32 [tilespmem:s9], [sflag:$0x11], $0x80, s22, s14, $0xb8;
	[tilespmem:$0x1EC00] =	vst v63  }
0x260: {  	_ =	swait.ge [sflag:s23], $0xA00  }
0x261: {  	[sflag:s23] =	ssyncset.done $0x0  }
0x262: {  	[sflag:s23] =	ssyncadd.s32 $0xFFFFF600  }
0x263: {  	_ =	swait.ge [sflag:s23], $0xA00  }
0x264: {  	[sflag:s23] =	ssyncset.done $0x0  }
0x265: {  	[sflag:s23] =	ssyncadd.s32 $0xFFFFF600  }
0x266: {  	[spmem:s3] =	stream.indirect.scatter.add.f32 [tilespmem:s10], [sflag:$0x12], $0x80, s19, s14, $0xb8;
	[tilespmem:$0x1EC00] =	vst v63  }
0x267: {  	_ =	swait.ge [sflag:s15], $0x1400  }
0x268: {  	[sflag:s15] =	ssyncset.done $0x0  }
0x269: {  	[sflag:s15] =	ssyncadd.s32 $0xFFFFEC00  }
0x26a: {  	_ =	swait.ge [sflag:s11], $0x1400  }
0x26b: {  	[sflag:s11] =	ssyncset.done $0x0  }
0x26c: {  	s16 =	stileid.u32;
	[sflag:s11] =	ssyncadd.s32 $0xFFFFEC00  }
0x26d: {  	s6 =	sshll.u32 s16, $0x6;
	[bflag:$0x0] =	sbarrier.arrive $0xFFFF  }
0x26e: {  	s18 =	sshrl.u32 s7, $0x3;
	s6 =	sor.u32 $0x1C19, s6;
	s28 =	rddreg [dreg:$0x17]  }
0x26f: {  	[hbm:s28], [sflag:s6] =	dma.local [spmem:s18], $0x2780  }
0x270: {  	_ =	swait.ge [sflag:s21], $0x2780  }
0x271: {  	s19 =	rddreg [dreg:$0x1a]  }
0x272: {  	s22 =	rddreg [dreg:$0x18];
	s2 =	sadd.s32 $0x1, s19  }
0x273: {  	p0 =	sne.s32 s2, s22  }
.Ltmp2:
0x274: {  	_ = 	snop;
	(pc) =	sbr.rel @p0 .LBB2_1-.Ltmp2, $3  }
0x275: {  	_ =	sdelay $0x1  }
0x276: {  	s30 =	simm.s32 $0x100;
	[sflag:s21] =	ssyncset.done $0x0  }
0x277: {  	s10 =	simm.s32 $0x2;
	s28 =	simm.s32 $0x80;
	[sflag:s21] =	ssyncadd.s32 $0xFFFFD880  }
0x278: {  	_ =	sfence.sel $0x180000  }
0x279: {  	[bflag:$0x0] =	sbarrier.arrive $0xFFFF  }
0x27a: {  	_ =	strace $0x90000047  }
0x27b: {  	s0 =	stileid.u32;
	[bflag:$0x2] =	sbarrier.arrive $0xFFFF  }
0x27c: {  	p0 =	sne.s32 s0, $0x0;
	s0 =	rddreg [dreg:$0x4]  }
0x27d: {  	s0 =	sadd.s32 @!p0 $0x100000, s0  }
0x27e: {  	[sflag:s0] =	ssyncadd.tile.s32 @!p0 $0x1;
	_ =	shalt  }
.Lfunc_end2:
_tile_overlayer_lowered:
.L_overlay_start_2:
0x27f: {  	(tag) =	ssettag $0x2  }
0x280: {  	s0 =	rddreg [dreg:$0x0];
	s2 =	stileid.u32  }
0x281: {  	s1 =	rddreg [dreg:$0x1];
	p0 =	sne.s32 s2, $0x0  }
0x282: {  	s3 =	rddreg [dreg:$0x2];
	[bflag:$0x3] =	sbarrier.arrive $0xFFFF;
	s2 =	simm.s32 @!p0 $0x1C19  }
0x283: {  	[timem:s3], [sflag:s2] =	dma.local @!p0 [hbm:s0], s1  }
0x284: {  	s0 =	simm.s32 @!p0 $0x19  }
0x285: {  	_ =	swait.ge @!p0 [sflag:s0], s1  }
0x286: {  	s1 =	ssub.s32 @!p0 $0x0, s1;
	[sflag:s0] =	ssyncset.done @!p0 $0x0  }
0x287: {  	[sflag:s0] =	ssyncadd.s32 @!p0 s1  }
0x288: {  	[bflag:$0x3] =	sbarrier.arrive $0xFFFF  }
0x289: {  	_ =	shalt  }

</sc_bundles>
